<compile_context>
chip_gen: v7x
topology: tpu7x:2x2x1
jax: 0.10.2.dev20260603
libtpu: 0.0.44.dev20260713+nightly
codegen_flags: <defaults>
</compile_context>

<pallas_src>
import functools

import jax
import jax.numpy as jnp
from jax import lax
from jax.experimental import pallas as pl
from jax.experimental.pallas import tpu as pltpu
from jax.experimental.pallas import tpu_sc as plsc

_N = 10000
_E = 160000
_DIN = 256
_HID = 128
_HEADS = 8
_DH = 16
_OUT = 4

_NS = 16
_B = 128
_NB_TOTAL = _E // _B
_BASE_NB = _NB_TOTAL // _NS
_EXTRA = _NB_TOTAL - _BASE_NB * _NS
_RPT = _N // _NS


def _pre_body(x_ref, w_ref, b_ref, wa_ref, xp_ref, a_ref):
    xp = jnp.dot(x_ref[...], w_ref[...], preferred_element_type=jnp.float32)
    xp = xp + b_ref[...]
    xp_ref[...] = xp
    a_ref[...] = jnp.dot(xp, wa_ref[...], preferred_element_type=jnp.float32)


def _pre(x, W, b2, Wa):
    RB = 2000
    return pl.pallas_call(
        _pre_body,
        grid=(_N // RB,),
        in_specs=[
            pl.BlockSpec((RB, _DIN), lambda i: (i, 0)),
            pl.BlockSpec((_DIN, _HID), lambda i: (0, 0)),
            pl.BlockSpec((1, _HID), lambda i: (0, 0)),
            pl.BlockSpec((_HID, 64), lambda i: (0, 0)),
        ],
        out_specs=[
            pl.BlockSpec((RB, _HID), lambda i: (i, 0)),
            pl.BlockSpec((RB, 64), lambda i: (i, 0)),
        ],
        out_shape=[
            jax.ShapeDtypeStruct((_N, _HID), jnp.float32),
            jax.ShapeDtypeStruct((_N, 64), jnp.float32),
        ],
    )(x, W, b2, Wa)


_mesh = plsc.VectorSubcoreMesh(core_axis_name="c", subcore_axis_name="s")

_GDN = lax.GatherDimensionNumbers(
    offset_dims=(), collapsed_slice_dims=(0,), start_index_map=(0,))


def _lane_bcast(v, h):
    idx = jnp.full((16, 1), h, jnp.int32)
    return lax.gather(v, idx, _GDN, (1,),
                      mode=lax.GatherScatterMode.PROMISE_IN_BOUNDS)


@functools.partial(
    pl.kernel,
    out_type=jax.ShapeDtypeStruct((2, _N, _HID), jnp.float32),
    mesh=_mesh,
    scratch_types=[
        pltpu.VMEM_SHARED((_N, 16), jnp.float32),
        pltpu.VMEM_SHARED((_N, _HID), jnp.float32),
        pltpu.VMEM((_B,), jnp.int32),
        pltpu.VMEM((_B,), jnp.int32),
        pltpu.VMEM((_B, 16), jnp.float32),
        pltpu.VMEM((_B, 16), jnp.float32),
        pltpu.VMEM((_B, 16), jnp.float32),
        pltpu.VMEM((_B, _HID), jnp.float32),
    ],
    compiler_params=pltpu.CompilerParams(use_tc_tiling_on_sc=False),
)
def _sc_kernel(xp, as0, ad0, as1, ad1, src0, dst0, src1, dst1, out_hbm,
               denom_sh, out_sh, sidx, didx, ga, gb, gd, xg):
    s = lax.axis_index("s")
    c = lax.axis_index("c")
    lanes = lax.iota(jnp.int32, 16)
    msk = lanes < _HEADS
    zf = jnp.zeros((16,), jnp.float32)

    def _zero_row(e, _):
        gd[e] = zf
        for h in range(_HID // 16):
            xg[e, pl.ds(h * 16, 16)] = zf
        return 0

    lax.fori_loop(0, _B, _zero_row, 0)

    r0 = s * _RPT
    for i in range(4):
        pltpu.sync_copy(xg, out_sh.at[pl.ds(r0 + i * _B, _B)])
        pltpu.sync_copy(gd, denom_sh.at[pl.ds(r0 + i * _B, _B)])
    pltpu.sync_copy(xg.at[pl.ds(0, _RPT - 4 * _B)],
                    out_sh.at[pl.ds(r0 + 4 * _B, _RPT - 4 * _B)])
    pltpu.sync_copy(gd.at[pl.ds(0, _RPT - 4 * _B)],
                    denom_sh.at[pl.ds(r0 + 4 * _B, _RPT - 4 * _B)])
    plsc.subcore_barrier()

    def _run_mp(asr, adr, src, dst, slot):
        def step1(ab):
            base = ab * _B
            pltpu.sync_copy(src.at[pl.ds(base, _B)], sidx)
            pltpu.sync_copy(dst.at[pl.ds(base, _B)], didx)
            pltpu.sync_copy(asr.at[sidx], ga)
            pltpu.sync_copy(adr.at[didx], gb)

            def ebody(i, _):
                for q in range(2):
                    e = 2 * i + q
                    av = ga[e] + gb[e]
                    av = jnp.where(av > 0, av, 0.2 * av)
                    ex = jnp.exp(av)
                    gd[e] = jnp.where(msk, ex, 0.0)
                return 0

            lax.fori_loop(0, _B // 2, ebody, 0)
            pltpu.sync_copy(gd, denom_sh.at[didx], add=True)

        def step2(ab):
            base = ab * _B
            pltpu.sync_copy(src.at[pl.ds(base, _B)], sidx)
            pltpu.sync_copy(dst.at[pl.ds(base, _B)], didx)
            pltpu.sync_copy(asr.at[sidx], ga)
            pltpu.sync_copy(adr.at[didx], gb)
            pltpu.sync_copy(denom_sh.at[didx], gd)
            pltpu.sync_copy(xp.at[sidx], xg)

            def ebody(i, _):
                for q in range(2):
                    e = 2 * i + q
                    av = ga[e] + gb[e]
                    av = jnp.where(av > 0, av, 0.2 * av)
                    ex = jnp.exp(av)
                    den = gd[e]
                    coef = jnp.where(msk, ex / den, 0.0)
                    for h in range(_HEADS):
                        cv = _lane_bcast(coef, h)
                        xv = xg[e, pl.ds(h * _DH, _DH)]
                        xg[e, pl.ds(h * _DH, _DH)] = xv * cv
                return 0

            lax.fori_loop(0, _B // 2, ebody, 0)
            pltpu.sync_copy(xg, out_sh.at[didx], add=True)

        def body1(k, _):
            step1(s * _BASE_NB + k)
            return 0

        lax.fori_loop(0, _BASE_NB, body1, 0)

        @pl.when(s < _EXTRA)
        def _():
            step1(_NS * _BASE_NB + s)

        plsc.subcore_barrier()

        def body2(k, _):
            step2(s * _BASE_NB + k)
            return 0

        lax.fori_loop(0, _BASE_NB, body2, 0)

        @pl.when(s < _EXTRA)
        def _():
            step2(_NS * _BASE_NB + s)

        plsc.subcore_barrier()

        r0w = 8 * (s * 78 + jnp.minimum(s, 2))
        pltpu.sync_copy(out_sh.at[pl.ds(r0w, 624)],
                        out_hbm.at[slot, pl.ds(r0w, 624)])

        @pl.when(s < 2)
        def _():
            pltpu.sync_copy(out_sh.at[pl.ds(r0w + 624, 8)],
                            out_hbm.at[slot, pl.ds(r0w + 624, 8)])

    @pl.when(c == 0)
    def _():
        _run_mp(as0, ad0, src0, dst0, 0)

    @pl.when(c == 1)
    def _():
        _run_mp(as1, ad1, src1, dst1, 1)


def _score_body(o_ref, kw_ref, kb_ref, q_ref, s_ref):
    m = pl.program_id(0)
    j = pl.program_id(1)
    r = jnp.maximum(o_ref[0], 0.0)
    kk = jnp.tanh(
        jnp.dot(r, kw_ref[...], preferred_element_type=jnp.float32)
        + kb_ref[...])
    part = jnp.sum(kk * q_ref[...])

    @pl.when(j == 0)
    def _():
        s_ref[m, 0] = 0.0

    s_ref[m, 0] += part


def _scores(o, kW, kb2, q2):
    RB = 2000
    return pl.pallas_call(
        _score_body,
        grid=(2, _N // RB),
        in_specs=[
            pl.BlockSpec((1, RB, _HID), lambda m, j: (m, j, 0)),
            pl.BlockSpec((_HID, _HID), lambda m, j: (0, 0)),
            pl.BlockSpec((1, _HID), lambda m, j: (0, 0)),
            pl.BlockSpec((1, _HID), lambda m, j: (0, 0)),
        ],
        out_specs=pl.BlockSpec((2, 1), lambda m, j: (0, 0),
                               memory_space=pltpu.SMEM),
        out_shape=jax.ShapeDtypeStruct((2, 1), jnp.float32),
    )(o, kW, kb2, q2)


def _fin_body(o_ref, a_ref, lw_ref, lb_ref, out_ref):
    a0 = a_ref[0]
    a1 = a_ref[1]
    r0 = jnp.maximum(o_ref[0], 0.0)
    r1 = jnp.maximum(o_ref[1], 0.0)
    m = a0 * r0 + a1 * r1
    out_ref[...] = (
        jnp.dot(m, lw_ref[...], preferred_element_type=jnp.float32)
        + lb_ref[...])


def _final(o, attn, lWp, lbp):
    RB = 2000
    return pl.pallas_call(
        _fin_body,
        grid=(_N // RB,),
        in_specs=[
            pl.BlockSpec((2, RB, _HID), lambda j: (0, j, 0)),
            pl.BlockSpec(memory_space=pltpu.SMEM),
            pl.BlockSpec((_HID, _HID), lambda j: (0, 0)),
            pl.BlockSpec((1, _HID), lambda j: (0, 0)),
        ],
        out_specs=pl.BlockSpec((RB, _HID), lambda j: (j, 0)),
        out_shape=jax.ShapeDtypeStruct((_N, _HID), jnp.float32),
    )(o, attn, lWp, lbp)


def _mk_att_mat(att):
    eye = jnp.eye(_HEADS, dtype=jnp.float32)
    return (att[:, :, None] * eye[:, None, :]).reshape(_HID, _HEADS)


def kernel(x_movie, edge_index_mp0, edge_index_mp1, W_proj, b_proj,
           att_src0, att_dst0, att_src1, att_dst1,
           k_lin_W, k_lin_b, q, lin_W, lin_b):
    z8 = jnp.zeros((_HID, _HEADS), jnp.float32)
    Wa = jnp.concatenate(
        [_mk_att_mat(att_src0), z8, _mk_att_mat(att_dst0), z8,
         _mk_att_mat(att_src1), z8, _mk_att_mat(att_dst1), z8], axis=1)

    xp, A = _pre(x_movie, W_proj, b_proj.reshape(1, _HID), Wa)
    as0 = A[:, 0:16]
    ad0 = A[:, 16:32]
    as1 = A[:, 32:48]
    ad1 = A[:, 48:64]
    o = _sc_kernel(xp, as0, ad0, as1, ad1,
                   edge_index_mp0[0], edge_index_mp0[1],
                   edge_index_mp1[0], edge_index_mp1[1])

    scores = _scores(o, k_lin_W, k_lin_b.reshape(1, _HID),
                     q.reshape(1, _HID))
    attn = jax.nn.softmax(scores[:, 0] / _N)

    lWp = jnp.zeros((_HID, _HID), jnp.float32).at[:, :_OUT].set(lin_W)
    lbp = jnp.zeros((1, _HID), jnp.float32).at[0, :_OUT].set(lin_b)
    outp = _final(o, attn, lWp, lbp)
    return outp[:, :_OUT]

# --- scband reference (transcript-rebuilt; emitter-appended) ---
"""Pipeline reference for scband-han-3942779978424 (READ-ONLY COPY).

The authoritative reference and input builder live on the scoring server;
editing this copy changes nothing except your own understanding.
"""

import jax, jax.numpy as jnp
import numpy as np

N = 10000
E = 160000
D_IN = 256
HID = 128
HEADS = 8
DH = HID // HEADS
OUT = 4


def setup_inputs(seed: int = 0) -> dict:
    key = jax.random.key(seed)
    ks = jax.random.split(key, 16)
    x_movie = jax.random.normal(ks[0], (N, D_IN), dtype=jnp.float32)
    edge_index_mp0 = jax.random.randint(ks[1], (2, E), 0, N, dtype=jnp.int32)
    edge_index_mp1 = jax.random.randint(ks[2], (2, E), 0, N, dtype=jnp.int32)
    # HANConv parameters (movie node-type projection + per-metapath attention + semantic attention)
    W_proj = jax.random.normal(ks[3], (D_IN, HID), dtype=jnp.float32) * (1.0 / np.sqrt(D_IN))
    b_proj = jnp.zeros((HID,), dtype=jnp.float32)
    att_src0 = jax.random.normal(ks[4], (HEADS, DH), dtype=jnp.float32) * 0.1
    att_dst0 = jax.random.normal(ks[5], (HEADS, DH), dtype=jnp.float32) * 0.1
    att_src1 = jax.random.normal(ks[6], (HEADS, DH), dtype=jnp.float32) * 0.1
    att_dst1 = jax.random.normal(ks[7], (HEADS, DH), dtype=jnp.float32) * 0.1
    k_lin_W = jax.random.normal(ks[8], (HID, HID), dtype=jnp.float32) * (1.0 / np.sqrt(HID))
    k_lin_b = jnp.zeros((HID,), dtype=jnp.float32)
    q = jax.random.normal(ks[9], (HID,), dtype=jnp.float32) * 0.1
    lin_W = jax.random.normal(ks[10], (HID, OUT), dtype=jnp.float32) * (1.0 / np.sqrt(HID))
    lin_b = jnp.zeros((OUT,), dtype=jnp.float32)
    return {
        'x_movie': x_movie,
        'edge_index_mp0': edge_index_mp0,
        'edge_index_mp1': edge_index_mp1,
        'W_proj': W_proj, 'b_proj': b_proj,
        'att_src0': att_src0, 'att_dst0': att_dst0,
        'att_src1': att_src1, 'att_dst1': att_dst1,
        'k_lin_W': k_lin_W, 'k_lin_b': k_lin_b, 'q': q,
        'lin_W': lin_W, 'lin_b': lin_b,
    }


def _edge_attn(x_hd, edge_index, att_src, att_dst):
    # x_hd: [N, HEADS, DH]; GAT-style attention for one metapath edge type
    src = edge_index[0]
    dst = edge_index[1]
    a_src = jnp.sum(x_hd * att_src[None, :, :], axis=-1)  # [N, HEADS]
    a_dst = jnp.sum(x_hd * att_dst[None, :, :], axis=-1)  # [N, HEADS]
    alpha = a_src[src] + a_dst[dst]  # [E, HEADS]
    alpha = jax.nn.leaky_relu(alpha, negative_slope=0.2)
    amax = jax.ops.segment_max(alpha, dst, num_segments=N)
    amax = jax.lax.stop_gradient(amax)
    ex = jnp.exp(alpha - amax[dst])
    denom = jax.ops.segment_sum(ex, dst, num_segments=N)
    coef = ex / denom[dst]  # softmax over incoming edges per dst node
    msg = x_hd[src] * coef[:, :, None]  # [E, HEADS, DH]
    out = jax.ops.segment_sum(msg, dst, num_segments=N)  # [N, HEADS, DH]
    return jax.nn.relu(out.reshape(N, HID))


def reference(x_movie, edge_index_mp0, edge_index_mp1, W_proj, b_proj,
              att_src0, att_dst0, att_src1, att_dst1,
              k_lin_W, k_lin_b, q, lin_W, lin_b):
    # Node-type projection for 'movie'
    x_proj = x_movie @ W_proj + b_proj  # [N, HID]
    x_hd = x_proj.reshape(N, HEADS, DH)
    # Per-metapath GAT attention
    o0 = _edge_attn(x_hd, edge_index_mp0, att_src0, att_dst0)
    o1 = _edge_attn(x_hd, edge_index_mp1, att_src1, att_dst1)
    # Semantic attention across metapaths (PyG HANConv group())
    outs = jnp.stack([o0, o1], axis=0)  # [2, N, HID]
    kk = jnp.tanh(outs @ k_lin_W + k_lin_b)  # [2, N, HID]
    score = jnp.sum(q[None, :] * kk.mean(axis=1), axis=-1)  # [2]
    attn = jax.nn.softmax(score, axis=0)
    out = jnp.sum(attn[:, None, None] * outs, axis=0)  # [N, HID]
    # Final classifier
    return out @ lin_W + lin_b  # [N, 4]

if __name__ == "__main__":
    import jax
    _d = setup_inputs()
    print(jax.jit(kernel)(*tuple(_d.values())))

</pallas_src>

<mosaic_0001>
#map = affine_map<(d0, d1) -> (0, 0)>
#map1 = affine_map<(d0, d1) -> (0)>
#map2 = affine_map<(d0, d1) -> (0, 0, 0)>
module attributes {stable_mosaic.version = 14 : i64} {
  func.func @_sc_kernel(%arg0: i32, %arg1: i32, %arg2: memref<10000x128xf32, #tpu.memory_space<hbm>>, %arg3: memref<10000x16xf32, #tpu.memory_space<hbm>>, %arg4: memref<10000x16xf32, #tpu.memory_space<hbm>>, %arg5: memref<10000x16xf32, #tpu.memory_space<hbm>>, %arg6: memref<10000x16xf32, #tpu.memory_space<hbm>>, %arg7: memref<160000xi32, #tpu.memory_space<hbm>>, %arg8: memref<160000xi32, #tpu.memory_space<hbm>>, %arg9: memref<160000xi32, #tpu.memory_space<hbm>>, %arg10: memref<160000xi32, #tpu.memory_space<hbm>>, %arg11: memref<2x10000x128xf32, #tpu.memory_space<hbm>>, %arg12: memref<10000x16xf32, #tpu.memory_space<vmem_shared>>, %arg13: memref<10000x128xf32, #tpu.memory_space<vmem_shared>>, %arg14: memref<128xi32, #tpu.memory_space<vmem>>, %arg15: memref<128xi32, #tpu.memory_space<vmem>>, %arg16: memref<128x16xf32, #tpu.memory_space<vmem>>, %arg17: memref<128x16xf32, #tpu.memory_space<vmem>>, %arg18: memref<128x16xf32, #tpu.memory_space<vmem>>, %arg19: memref<128x128xf32, #tpu.memory_space<vmem>>) attributes {dimension_semantics = [#tpu.dimension_semantics<core_parallel>, #tpu.dimension_semantics<subcore_parallel>], iteration_bounds = array<i64: 2, 16>, scalar_prefetch = 0 : i64, scratch_operands = 8 : i64, tpu.core_type = #tpu.core_type<sc_vector_subcore>, window_params = [{transform_indices = #map}, {transform_indices = #map}, {transform_indices = #map}, {transform_indices = #map}, {transform_indices = #map}, {transform_indices = #map1}, {transform_indices = #map1}, {transform_indices = #map1}, {transform_indices = #map1}, {transform_indices = #map2}]} {
    %iota3A = tpu.iota {dimensions = array<i32: 0>} : vector<16xi32>
    %lt3A = arith.constant 8 : i32
    %lt3A_0 = vector.broadcast %lt3A : i32 to vector<16xi32>
    %lt3A_1 = arith.cmpi slt, %iota3A, %lt3A_0 : vector<16xi32>
    %broadcast_in_dim3A = arith.constant 0.000000e+00 : f32
    %broadcast_in_dim3A_2 = vector.broadcast %broadcast_in_dim3A : f32 to vector<16xf32>
    %scan3A = arith.constant 0 : i32
    %scan3A_3 = arith.constant 0 : i32
    %scan3A_4 = arith.constant 128 : i32
    %scan3A_5 = arith.addi %scan3A_3, %scan3A_4 : i32
    %scan3A_6 = arith.constant 1 : i32
    %scan3A_7 = scf.for %scan3A_36 = %scan3A_3 to %scan3A_5 step %scan3A_6 iter_args(%scan3A_37 = %scan3A) -> (i32)  : i32 {
      %swap3A = arith.index_cast %scan3A_36 : i32 to index
      %swap3A_38 = arith.constant 0 : index
      %swap3A_39 = tpu.vector_load %arg18[%swap3A, %swap3A_38] {strides = array<i32>} : memref<128x16xf32, #tpu.memory_space<vmem>>, vector<1x16xf32>,
      %swap3A_40 = vector.shape_cast %swap3A_39 : vector<1x16xf32> to vector<16xf32>
      %swap3A_41 = vector.shape_cast %broadcast_in_dim3A_2 : vector<16xf32> to vector<1x16xf32>
      tpu.vector_store %arg18[%swap3A, %swap3A_38], %swap3A_41 {strides = array<i32>} : memref<128x16xf32, #tpu.memory_space<vmem>>, vector<1x16xf32>,
      %swap3A_42 = arith.index_cast %scan3A_36 : i32 to index
      %swap3A_43 = arith.constant 0 : index
      %swap3A_44 = tpu.vector_load %arg19[%swap3A_42, %swap3A_43] {strides = array<i32>} : memref<128x128xf32, #tpu.memory_space<vmem>>, vector<1x16xf32>,
      %swap3A_45 = vector.shape_cast %swap3A_44 : vector<1x16xf32> to vector<16xf32>
      %swap3A_46 = vector.shape_cast %broadcast_in_dim3A_2 : vector<16xf32> to vector<1x16xf32>
      tpu.vector_store %arg19[%swap3A_42, %swap3A_43], %swap3A_46 {strides = array<i32>} : memref<128x128xf32, #tpu.memory_space<vmem>>, vector<1x16xf32>,
      %swap3A_47 = arith.index_cast %scan3A_36 : i32 to index
      %swap3A_48 = arith.constant 16 : index
      %swap3A_49 = tpu.vector_load %arg19[%swap3A_47, %swap3A_48] {strides = array<i32>} : memref<128x128xf32, #tpu.memory_space<vmem>>, vector<1x16xf32>,
      %swap3A_50 = vector.shape_cast %swap3A_49 : vector<1x16xf32> to vector<16xf32>
      %swap3A_51 = vector.shape_cast %broadcast_in_dim3A_2 : vector<16xf32> to vector<1x16xf32>
      tpu.vector_store %arg19[%swap3A_47, %swap3A_48], %swap3A_51 {strides = array<i32>} : memref<128x128xf32, #tpu.memory_space<vmem>>, vector<1x16xf32>,
      %swap3A_52 = arith.index_cast %scan3A_36 : i32 to index
      %swap3A_53 = arith.constant 32 : index
      %swap3A_54 = tpu.vector_load %arg19[%swap3A_52, %swap3A_53] {strides = array<i32>} : memref<128x128xf32, #tpu.memory_space<vmem>>, vector<1x16xf32>,
      %swap3A_55 = vector.shape_cast %swap3A_54 : vector<1x16xf32> to vector<16xf32>
      %swap3A_56 = vector.shape_cast %broadcast_in_dim3A_2 : vector<16xf32> to vector<1x16xf32>
      tpu.vector_store %arg19[%swap3A_52, %swap3A_53], %swap3A_56 {strides = array<i32>} : memref<128x128xf32, #tpu.memory_space<vmem>>, vector<1x16xf32>,
      %swap3A_57 = arith.index_cast %scan3A_36 : i32 to index
      %swap3A_58 = arith.constant 48 : index
      %swap3A_59 = tpu.vector_load %arg19[%swap3A_57, %swap3A_58] {strides = array<i32>} : memref<128x128xf32, #tpu.memory_space<vmem>>, vector<1x16xf32>,
      %swap3A_60 = vector.shape_cast %swap3A_59 : vector<1x16xf32> to vector<16xf32>
      %swap3A_61 = vector.shape_cast %broadcast_in_dim3A_2 : vector<16xf32> to vector<1x16xf32>
      tpu.vector_store %arg19[%swap3A_57, %swap3A_58], %swap3A_61 {strides = array<i32>} : memref<128x128xf32, #tpu.memory_space<vmem>>, vector<1x16xf32>,
      %swap3A_62 = arith.index_cast %scan3A_36 : i32 to index
      %swap3A_63 = arith.constant 64 : index
      %swap3A_64 = tpu.vector_load %arg19[%swap3A_62, %swap3A_63] {strides = array<i32>} : memref<128x128xf32, #tpu.memory_space<vmem>>, vector<1x16xf32>,
      %swap3A_65 = vector.shape_cast %swap3A_64 : vector<1x16xf32> to vector<16xf32>
      %swap3A_66 = vector.shape_cast %broadcast_in_dim3A_2 : vector<16xf32> to vector<1x16xf32>
      tpu.vector_store %arg19[%swap3A_62, %swap3A_63], %swap3A_66 {strides = array<i32>} : memref<128x128xf32, #tpu.memory_space<vmem>>, vector<1x16xf32>,
      %swap3A_67 = arith.index_cast %scan3A_36 : i32 to index
      %swap3A_68 = arith.constant 80 : index
      %swap3A_69 = tpu.vector_load %arg19[%swap3A_67, %swap3A_68] {strides = array<i32>} : memref<128x128xf32, #tpu.memory_space<vmem>>, vector<1x16xf32>,
      %swap3A_70 = vector.shape_cast %swap3A_69 : vector<1x16xf32> to vector<16xf32>
      %swap3A_71 = vector.shape_cast %broadcast_in_dim3A_2 : vector<16xf32> to vector<1x16xf32>
      tpu.vector_store %arg19[%swap3A_67, %swap3A_68], %swap3A_71 {strides = array<i32>} : memref<128x128xf32, #tpu.memory_space<vmem>>, vector<1x16xf32>,
      %swap3A_72 = arith.index_cast %scan3A_36 : i32 to index
      %swap3A_73 = arith.constant 96 : index
      %swap3A_74 = tpu.vector_load %arg19[%swap3A_72, %swap3A_73] {strides = array<i32>} : memref<128x128xf32, #tpu.memory_space<vmem>>, vector<1x16xf32>,
      %swap3A_75 = vector.shape_cast %swap3A_74 : vector<1x16xf32> to vector<16xf32>
      %swap3A_76 = vector.shape_cast %broadcast_in_dim3A_2 : vector<16xf32> to vector<1x16xf32>
      tpu.vector_store %arg19[%swap3A_72, %swap3A_73], %swap3A_76 {strides = array<i32>} : memref<128x128xf32, #tpu.memory_space<vmem>>, vector<1x16xf32>,
      %swap3A_77 = arith.index_cast %scan3A_36 : i32 to index
      %swap3A_78 = arith.constant 112 : index
      %swap3A_79 = tpu.vector_load %arg19[%swap3A_77, %swap3A_78] {strides = array<i32>} : memref<128x128xf32, #tpu.memory_space<vmem>>, vector<1x16xf32>,
      %swap3A_80 = vector.shape_cast %swap3A_79 : vector<1x16xf32> to vector<16xf32>
      %swap3A_81 = vector.shape_cast %broadcast_in_dim3A_2 : vector<16xf32> to vector<1x16xf32>
      tpu.vector_store %arg19[%swap3A_77, %swap3A_78], %swap3A_81 {strides = array<i32>} : memref<128x128xf32, #tpu.memory_space<vmem>>, vector<1x16xf32>,
      %scan3A_82 = arith.constant 0 : i32
      scf.yield %scan3A_82 : i32
    }
    %scan3A_8 = arith.constant 128 : i32
    %mul3A = arith.constant 625 : i32
    %mul3A_9 = arith.muli %arg1, %mul3A : i32
    %add3A = arith.constant 0 : i32
    %add3A_10 = arith.addi %mul3A_9, %add3A : i32
    "tpu.region"() ({
      %run_scoped3A = tpu.sem_alloc : memref<!tpu.dma_semaphore, #tpu.memory_space<semaphore_mem>>
      %dma_start3A = arith.constant 0 : i32
      %dma_start3A_36 = tpu.memref_slice %arg13[%add3A_10, %dma_start3A] : memref<10000x128xf32, #tpu.memory_space<vmem_shared>> -> memref<128x128xf32, #tpu.memory_space<vmem_shared>>
      %dma_start3A_37 = arith.constant 0 : i32
      %dma_start3A_38 = tpu.memref_slice %arg13[%add3A_10, %dma_start3A_37] : memref<10000x128xf32, #tpu.memory_space<vmem_shared>> -> memref<128x128xf32, #tpu.memory_space<vmem_shared>>
      tpu.enqueue_dma source(%arg19 : memref<128x128xf32, #tpu.memory_space<vmem>>) target(%dma_start3A_38 : memref<128x128xf32, #tpu.memory_space<vmem_shared>>) target_semaphore(%run_scoped3A : memref<!tpu.dma_semaphore, #tpu.memory_space<semaphore_mem>>)
      %dma_wait3A = arith.constant 0 : i32
      %dma_wait3A_39 = tpu.memref_slice %arg13[%add3A_10, %dma_wait3A] : memref<10000x128xf32, #tpu.memory_space<vmem_shared>> -> memref<128x128xf32, #tpu.memory_space<vmem_shared>>
      %dma_wait3A_40 = arith.constant 0 : i32
      %dma_wait3A_41 = tpu.memref_slice %arg13[%add3A_10, %dma_wait3A_40] : memref<10000x128xf32, #tpu.memory_space<vmem_shared>> -> memref<128x128xf32, #tpu.memory_space<vmem_shared>>
      tpu.wait_dma2 semaphore(%run_scoped3A : memref<!tpu.dma_semaphore, #tpu.memory_space<semaphore_mem>>) src(%arg19 : memref<128x128xf32, #tpu.memory_space<vmem>>) dst(%dma_wait3A_41 : memref<128x128xf32, #tpu.memory_space<vmem_shared>>)
      tpu.yield
    }) : () -> ()
    %add3A_11 = arith.constant 0 : i32
    %add3A_12 = arith.addi %mul3A_9, %add3A_11 : i32
    "tpu.region"() ({
      %run_scoped3A = tpu.sem_alloc : memref<!tpu.dma_semaphore, #tpu.memory_space<semaphore_mem>>
      %dma_start3A = arith.constant 0 : i32
      %dma_start3A_36 = tpu.memref_slice %arg12[%add3A_12, %dma_start3A] : memref<10000x16xf32, #tpu.memory_space<vmem_shared>> -> memref<128x16xf32, #tpu.memory_space<vmem_shared>>
      %dma_start3A_37 = arith.constant 0 : i32
      %dma_start3A_38 = tpu.memref_slice %arg12[%add3A_12, %dma_start3A_37] : memref<10000x16xf32, #tpu.memory_space<vmem_shared>> -> memref<128x16xf32, #tpu.memory_space<vmem_shared>>
      tpu.enqueue_dma source(%arg18 : memref<128x16xf32, #tpu.memory_space<vmem>>) target(%dma_start3A_38 : memref<128x16xf32, #tpu.memory_space<vmem_shared>>) target_semaphore(%run_scoped3A : memref<!tpu.dma_semaphore, #tpu.memory_space<semaphore_mem>>)
      %dma_wait3A = arith.constant 0 : i32
      %dma_wait3A_39 = tpu.memref_slice %arg12[%add3A_12, %dma_wait3A] : memref<10000x16xf32, #tpu.memory_space<vmem_shared>> -> memref<128x16xf32, #tpu.memory_space<vmem_shared>>
      %dma_wait3A_40 = arith.constant 0 : i32
      %dma_wait3A_41 = tpu.memref_slice %arg12[%add3A_12, %dma_wait3A_40] : memref<10000x16xf32, #tpu.memory_space<vmem_shared>> -> memref<128x16xf32, #tpu.memory_space<vmem_shared>>
      tpu.wait_dma2 semaphore(%run_scoped3A : memref<!tpu.dma_semaphore, #tpu.memory_space<semaphore_mem>>) src(%arg18 : memref<128x16xf32, #tpu.memory_space<vmem>>) dst(%dma_wait3A_41 : memref<128x16xf32, #tpu.memory_space<vmem_shared>>)
      tpu.yield
    }) : () -> ()
    %add3A_13 = arith.constant 128 : i32
    %add3A_14 = arith.addi %mul3A_9, %add3A_13 : i32
    "tpu.region"() ({
      %run_scoped3A = tpu.sem_alloc : memref<!tpu.dma_semaphore, #tpu.memory_space<semaphore_mem>>
      %dma_start3A = arith.constant 0 : i32
      %dma_start3A_36 = tpu.memref_slice %arg13[%add3A_14, %dma_start3A] : memref<10000x128xf32, #tpu.memory_space<vmem_shared>> -> memref<128x128xf32, #tpu.memory_space<vmem_shared>>
      %dma_start3A_37 = arith.constant 0 : i32
      %dma_start3A_38 = tpu.memref_slice %arg13[%add3A_14, %dma_start3A_37] : memref<10000x128xf32, #tpu.memory_space<vmem_shared>> -> memref<128x128xf32, #tpu.memory_space<vmem_shared>>
      tpu.enqueue_dma source(%arg19 : memref<128x128xf32, #tpu.memory_space<vmem>>) target(%dma_start3A_38 : memref<128x128xf32, #tpu.memory_space<vmem_shared>>) target_semaphore(%run_scoped3A : memref<!tpu.dma_semaphore, #tpu.memory_space<semaphore_mem>>)
      %dma_wait3A = arith.constant 0 : i32
      %dma_wait3A_39 = tpu.memref_slice %arg13[%add3A_14, %dma_wait3A] : memref<10000x128xf32, #tpu.memory_space<vmem_shared>> -> memref<128x128xf32, #tpu.memory_space<vmem_shared>>
      %dma_wait3A_40 = arith.constant 0 : i32
      %dma_wait3A_41 = tpu.memref_slice %arg13[%add3A_14, %dma_wait3A_40] : memref<10000x128xf32, #tpu.memory_space<vmem_shared>> -> memref<128x128xf32, #tpu.memory_space<vmem_shared>>
      tpu.wait_dma2 semaphore(%run_scoped3A : memref<!tpu.dma_semaphore, #tpu.memory_space<semaphore_mem>>) src(%arg19 : memref<128x128xf32, #tpu.memory_space<vmem>>) dst(%dma_wait3A_41 : memref<128x128xf32, #tpu.memory_space<vmem_shared>>)
      tpu.yield
    }) : () -> ()
    %add3A_15 = arith.constant 128 : i32
    %add3A_16 = arith.addi %mul3A_9, %add3A_15 : i32
    "tpu.region"() ({
      %run_scoped3A = tpu.sem_alloc : memref<!tpu.dma_semaphore, #tpu.memory_space<semaphore_mem>>
      %dma_start3A = arith.constant 0 : i32
      %dma_start3A_36 = tpu.memref_slice %arg12[%add3A_16, %dma_start3A] : memref<10000x16xf32, #tpu.memory_space<vmem_shared>> -> memref<128x16xf32, #tpu.memory_space<vmem_shared>>
      %dma_start3A_37 = arith.constant 0 : i32
      %dma_start3A_38 = tpu.memref_slice %arg12[%add3A_16, %dma_start3A_37] : memref<10000x16xf32, #tpu.memory_space<vmem_shared>> -> memref<128x16xf32, #tpu.memory_space<vmem_shared>>
      tpu.enqueue_dma source(%arg18 : memref<128x16xf32, #tpu.memory_space<vmem>>) target(%dma_start3A_38 : memref<128x16xf32, #tpu.memory_space<vmem_shared>>) target_semaphore(%run_scoped3A : memref<!tpu.dma_semaphore, #tpu.memory_space<semaphore_mem>>)
      %dma_wait3A = arith.constant 0 : i32
      %dma_wait3A_39 = tpu.memref_slice %arg12[%add3A_16, %dma_wait3A] : memref<10000x16xf32, #tpu.memory_space<vmem_shared>> -> memref<128x16xf32, #tpu.memory_space<vmem_shared>>
      %dma_wait3A_40 = arith.constant 0 : i32
      %dma_wait3A_41 = tpu.memref_slice %arg12[%add3A_16, %dma_wait3A_40] : memref<10000x16xf32, #tpu.memory_space<vmem_shared>> -> memref<128x16xf32, #tpu.memory_space<vmem_shared>>
      tpu.wait_dma2 semaphore(%run_scoped3A : memref<!tpu.dma_semaphore, #tpu.memory_space<semaphore_mem>>) src(%arg18 : memref<128x16xf32, #tpu.memory_space<vmem>>) dst(%dma_wait3A_41 : memref<128x16xf32, #tpu.memory_space<vmem_shared>>)
      tpu.yield
    }) : () -> ()
    %add3A_17 = arith.constant 256 : i32
    %add3A_18 = arith.addi %mul3A_9, %add3A_17 : i32
    "tpu.region"() ({
      %run_scoped3A = tpu.sem_alloc : memref<!tpu.dma_semaphore, #tpu.memory_space<semaphore_mem>>
      %dma_start3A = arith.constant 0 : i32
      %dma_start3A_36 = tpu.memref_slice %arg13[%add3A_18, %dma_start3A] : memref<10000x128xf32, #tpu.memory_space<vmem_shared>> -> memref<128x128xf32, #tpu.memory_space<vmem_shared>>
      %dma_start3A_37 = arith.constant 0 : i32
      %dma_start3A_38 = tpu.memref_slice %arg13[%add3A_18, %dma_start3A_37] : memref<10000x128xf32, #tpu.memory_space<vmem_shared>> -> memref<128x128xf32, #tpu.memory_space<vmem_shared>>
      tpu.enqueue_dma source(%arg19 : memref<128x128xf32, #tpu.memory_space<vmem>>) target(%dma_start3A_38 : memref<128x128xf32, #tpu.memory_space<vmem_shared>>) target_semaphore(%run_scoped3A : memref<!tpu.dma_semaphore, #tpu.memory_space<semaphore_mem>>)
      %dma_wait3A = arith.constant 0 : i32
      %dma_wait3A_39 = tpu.memref_slice %arg13[%add3A_18, %dma_wait3A] : memref<10000x128xf32, #tpu.memory_space<vmem_shared>> -> memref<128x128xf32, #tpu.memory_space<vmem_shared>>
      %dma_wait3A_40 = arith.constant 0 : i32
      %dma_wait3A_41 = tpu.memref_slice %arg13[%add3A_18, %dma_wait3A_40] : memref<10000x128xf32, #tpu.memory_space<vmem_shared>> -> memref<128x128xf32, #tpu.memory_space<vmem_shared>>
      tpu.wait_dma2 semaphore(%run_scoped3A : memref<!tpu.dma_semaphore, #tpu.memory_space<semaphore_mem>>) src(%arg19 : memref<128x128xf32, #tpu.memory_space<vmem>>) dst(%dma_wait3A_41 : memref<128x128xf32, #tpu.memory_space<vmem_shared>>)
      tpu.yield
    }) : () -> ()
    %add3A_19 = arith.constant 256 : i32
    %add3A_20 = arith.addi %mul3A_9, %add3A_19 : i32
    "tpu.region"() ({
      %run_scoped3A = tpu.sem_alloc : memref<!tpu.dma_semaphore, #tpu.memory_space<semaphore_mem>>
      %dma_start3A = arith.constant 0 : i32
      %dma_start3A_36 = tpu.memref_slice %arg12[%add3A_20, %dma_start3A] : memref<10000x16xf32, #tpu.memory_space<vmem_shared>> -> memref<128x16xf32, #tpu.memory_space<vmem_shared>>
      %dma_start3A_37 = arith.constant 0 : i32
      %dma_start3A_38 = tpu.memref_slice %arg12[%add3A_20, %dma_start3A_37] : memref<10000x16xf32, #tpu.memory_space<vmem_shared>> -> memref<128x16xf32, #tpu.memory_space<vmem_shared>>
      tpu.enqueue_dma source(%arg18 : memref<128x16xf32, #tpu.memory_space<vmem>>) target(%dma_start3A_38 : memref<128x16xf32, #tpu.memory_space<vmem_shared>>) target_semaphore(%run_scoped3A : memref<!tpu.dma_semaphore, #tpu.memory_space<semaphore_mem>>)
      %dma_wait3A = arith.constant 0 : i32
      %dma_wait3A_39 = tpu.memref_slice %arg12[%add3A_20, %dma_wait3A] : memref<10000x16xf32, #tpu.memory_space<vmem_shared>> -> memref<128x16xf32, #tpu.memory_space<vmem_shared>>
      %dma_wait3A_40 = arith.constant 0 : i32
      %dma_wait3A_41 = tpu.memref_slice %arg12[%add3A_20, %dma_wait3A_40] : memref<10000x16xf32, #tpu.memory_space<vmem_shared>> -> memref<128x16xf32, #tpu.memory_space<vmem_shared>>
      tpu.wait_dma2 semaphore(%run_scoped3A : memref<!tpu.dma_semaphore, #tpu.memory_space<semaphore_mem>>) src(%arg18 : memref<128x16xf32, #tpu.memory_space<vmem>>) dst(%dma_wait3A_41 : memref<128x16xf32, #tpu.memory_space<vmem_shared>>)
      tpu.yield
    }) : () -> ()
    %add3A_21 = arith.constant 384 : i32
    %add3A_22 = arith.addi %mul3A_9, %add3A_21 : i32
    "tpu.region"() ({
      %run_scoped3A = tpu.sem_alloc : memref<!tpu.dma_semaphore, #tpu.memory_space<semaphore_mem>>
      %dma_start3A = arith.constant 0 : i32
      %dma_start3A_36 = tpu.memref_slice %arg13[%add3A_22, %dma_start3A] : memref<10000x128xf32, #tpu.memory_space<vmem_shared>> -> memref<128x128xf32, #tpu.memory_space<vmem_shared>>
      %dma_start3A_37 = arith.constant 0 : i32
      %dma_start3A_38 = tpu.memref_slice %arg13[%add3A_22, %dma_start3A_37] : memref<10000x128xf32, #tpu.memory_space<vmem_shared>> -> memref<128x128xf32, #tpu.memory_space<vmem_shared>>
      tpu.enqueue_dma source(%arg19 : memref<128x128xf32, #tpu.memory_space<vmem>>) target(%dma_start3A_38 : memref<128x128xf32, #tpu.memory_space<vmem_shared>>) target_semaphore(%run_scoped3A : memref<!tpu.dma_semaphore, #tpu.memory_space<semaphore_mem>>)
      %dma_wait3A = arith.constant 0 : i32
      %dma_wait3A_39 = tpu.memref_slice %arg13[%add3A_22, %dma_wait3A] : memref<10000x128xf32, #tpu.memory_space<vmem_shared>> -> memref<128x128xf32, #tpu.memory_space<vmem_shared>>
      %dma_wait3A_40 = arith.constant 0 : i32
      %dma_wait3A_41 = tpu.memref_slice %arg13[%add3A_22, %dma_wait3A_40] : memref<10000x128xf32, #tpu.memory_space<vmem_shared>> -> memref<128x128xf32, #tpu.memory_space<vmem_shared>>
      tpu.wait_dma2 semaphore(%run_scoped3A : memref<!tpu.dma_semaphore, #tpu.memory_space<semaphore_mem>>) src(%arg19 : memref<128x128xf32, #tpu.memory_space<vmem>>) dst(%dma_wait3A_41 : memref<128x128xf32, #tpu.memory_space<vmem_shared>>)
      tpu.yield
    }) : () -> ()
    %add3A_23 = arith.constant 384 : i32
    %add3A_24 = arith.addi %mul3A_9, %add3A_23 : i32
    "tpu.region"() ({
      %run_scoped3A = tpu.sem_alloc : memref<!tpu.dma_semaphore, #tpu.memory_space<semaphore_mem>>
      %dma_start3A = arith.constant 0 : i32
      %dma_start3A_36 = tpu.memref_slice %arg12[%add3A_24, %dma_start3A] : memref<10000x16xf32, #tpu.memory_space<vmem_shared>> -> memref<128x16xf32, #tpu.memory_space<vmem_shared>>
      %dma_start3A_37 = arith.constant 0 : i32
      %dma_start3A_38 = tpu.memref_slice %arg12[%add3A_24, %dma_start3A_37] : memref<10000x16xf32, #tpu.memory_space<vmem_shared>> -> memref<128x16xf32, #tpu.memory_space<vmem_shared>>
      tpu.enqueue_dma source(%arg18 : memref<128x16xf32, #tpu.memory_space<vmem>>) target(%dma_start3A_38 : memref<128x16xf32, #tpu.memory_space<vmem_shared>>) target_semaphore(%run_scoped3A : memref<!tpu.dma_semaphore, #tpu.memory_space<semaphore_mem>>)
      %dma_wait3A = arith.constant 0 : i32
      %dma_wait3A_39 = tpu.memref_slice %arg12[%add3A_24, %dma_wait3A] : memref<10000x16xf32, #tpu.memory_space<vmem_shared>> -> memref<128x16xf32, #tpu.memory_space<vmem_shared>>
      %dma_wait3A_40 = arith.constant 0 : i32
      %dma_wait3A_41 = tpu.memref_slice %arg12[%add3A_24, %dma_wait3A_40] : memref<10000x16xf32, #tpu.memory_space<vmem_shared>> -> memref<128x16xf32, #tpu.memory_space<vmem_shared>>
      tpu.wait_dma2 semaphore(%run_scoped3A : memref<!tpu.dma_semaphore, #tpu.memory_space<semaphore_mem>>) src(%arg18 : memref<128x16xf32, #tpu.memory_space<vmem>>) dst(%dma_wait3A_41 : memref<128x16xf32, #tpu.memory_space<vmem_shared>>)
      tpu.yield
    }) : () -> ()
    %add3A_25 = arith.constant 512 : i32
    %add3A_26 = arith.addi %mul3A_9, %add3A_25 : i32
    "tpu.region"() ({
      %run_scoped3A = tpu.sem_alloc : memref<!tpu.dma_semaphore, #tpu.memory_space<semaphore_mem>>
      %dma_start3A = arith.constant 0 : i32
      %dma_start3A_36 = arith.constant 0 : i32
      %dma_start3A_37 = tpu.memref_slice %arg19[%dma_start3A, %dma_start3A_36] : memref<128x128xf32, #tpu.memory_space<vmem>> -> memref<113x128xf32, #tpu.memory_space<vmem>>
      %dma_start3A_38 = arith.constant 0 : i32
      %dma_start3A_39 = tpu.memref_slice %arg13[%add3A_26, %dma_start3A_38] : memref<10000x128xf32, #tpu.memory_space<vmem_shared>> -> memref<113x128xf32, #tpu.memory_space<vmem_shared>>
      %dma_start3A_40 = arith.constant 0 : i32
      %dma_start3A_41 = tpu.memref_slice %arg13[%add3A_26, %dma_start3A_40] : memref<10000x128xf32, #tpu.memory_space<vmem_shared>> -> memref<113x128xf32, #tpu.memory_space<vmem_shared>>
      %dma_start3A_42 = arith.constant 0 : i32
      %dma_start3A_43 = arith.constant 0 : i32
      %dma_start3A_44 = tpu.memref_slice %arg19[%dma_start3A_42, %dma_start3A_43] : memref<128x128xf32, #tpu.memory_space<vmem>> -> memref<113x128xf32, #tpu.memory_space<vmem>>
      tpu.enqueue_dma source(%dma_start3A_44 : memref<113x128xf32, #tpu.memory_space<vmem>>) target(%dma_start3A_41 : memref<113x128xf32, #tpu.memory_space<vmem_shared>>) target_semaphore(%run_scoped3A : memref<!tpu.dma_semaphore, #tpu.memory_space<semaphore_mem>>)
      %dma_wait3A = arith.constant 0 : i32
      %dma_wait3A_45 = arith.constant 0 : i32
      %dma_wait3A_46 = tpu.memref_slice %arg19[%dma_wait3A, %dma_wait3A_45] : memref<128x128xf32, #tpu.memory_space<vmem>> -> memref<113x128xf32, #tpu.memory_space<vmem>>
      %dma_wait3A_47 = arith.constant 0 : i32
      %dma_wait3A_48 = tpu.memref_slice %arg13[%add3A_26, %dma_wait3A_47] : memref<10000x128xf32, #tpu.memory_space<vmem_shared>> -> memref<113x128xf32, #tpu.memory_space<vmem_shared>>
      %dma_wait3A_49 = arith.constant 0 : i32
      %dma_wait3A_50 = tpu.memref_slice %arg13[%add3A_26, %dma_wait3A_49] : memref<10000x128xf32, #tpu.memory_space<vmem_shared>> -> memref<113x128xf32, #tpu.memory_space<vmem_shared>>
      %dma_wait3A_51 = arith.constant 0 : i32
      %dma_wait3A_52 = arith.constant 0 : i32
      %dma_wait3A_53 = tpu.memref_slice %arg19[%dma_wait3A_51, %dma_wait3A_52] : memref<128x128xf32, #tpu.memory_space<vmem>> -> memref<113x128xf32, #tpu.memory_space<vmem>>
      tpu.wait_dma2 semaphore(%run_scoped3A : memref<!tpu.dma_semaphore, #tpu.memory_space<semaphore_mem>>) src(%dma_wait3A_53 : memref<113x128xf32, #tpu.memory_space<vmem>>) dst(%dma_wait3A_50 : memref<113x128xf32, #tpu.memory_space<vmem_shared>>)
      tpu.yield
    }) : () -> ()
    %add3A_27 = arith.constant 512 : i32
    %add3A_28 = arith.addi %mul3A_9, %add3A_27 : i32
    "tpu.region"() ({
      %run_scoped3A = tpu.sem_alloc : memref<!tpu.dma_semaphore, #tpu.memory_space<semaphore_mem>>
      %dma_start3A = arith.constant 0 : i32
      %dma_start3A_36 = arith.constant 0 : i32
      %dma_start3A_37 = tpu.memref_slice %arg18[%dma_start3A, %dma_start3A_36] : memref<128x16xf32, #tpu.memory_space<vmem>> -> memref<113x16xf32, #tpu.memory_space<vmem>>
      %dma_start3A_38 = arith.constant 0 : i32
      %dma_start3A_39 = tpu.memref_slice %arg12[%add3A_28, %dma_start3A_38] : memref<10000x16xf32, #tpu.memory_space<vmem_shared>> -> memref<113x16xf32, #tpu.memory_space<vmem_shared>>
      %dma_start3A_40 = arith.constant 0 : i32
      %dma_start3A_41 = tpu.memref_slice %arg12[%add3A_28, %dma_start3A_40] : memref<10000x16xf32, #tpu.memory_space<vmem_shared>> -> memref<113x16xf32, #tpu.memory_space<vmem_shared>>
      %dma_start3A_42 = arith.constant 0 : i32
      %dma_start3A_43 = arith.constant 0 : i32
      %dma_start3A_44 = tpu.memref_slice %arg18[%dma_start3A_42, %dma_start3A_43] : memref<128x16xf32, #tpu.memory_space<vmem>> -> memref<113x16xf32, #tpu.memory_space<vmem>>
      tpu.enqueue_dma source(%dma_start3A_44 : memref<113x16xf32, #tpu.memory_space<vmem>>) target(%dma_start3A_41 : memref<113x16xf32, #tpu.memory_space<vmem_shared>>) target_semaphore(%run_scoped3A : memref<!tpu.dma_semaphore, #tpu.memory_space<semaphore_mem>>)
      %dma_wait3A = arith.constant 0 : i32
      %dma_wait3A_45 = arith.constant 0 : i32
      %dma_wait3A_46 = tpu.memref_slice %arg18[%dma_wait3A, %dma_wait3A_45] : memref<128x16xf32, #tpu.memory_space<vmem>> -> memref<113x16xf32, #tpu.memory_space<vmem>>
      %dma_wait3A_47 = arith.constant 0 : i32
      %dma_wait3A_48 = tpu.memref_slice %arg12[%add3A_28, %dma_wait3A_47] : memref<10000x16xf32, #tpu.memory_space<vmem_shared>> -> memref<113x16xf32, #tpu.memory_space<vmem_shared>>
      %dma_wait3A_49 = arith.constant 0 : i32
      %dma_wait3A_50 = tpu.memref_slice %arg12[%add3A_28, %dma_wait3A_49] : memref<10000x16xf32, #tpu.memory_space<vmem_shared>> -> memref<113x16xf32, #tpu.memory_space<vmem_shared>>
      %dma_wait3A_51 = arith.constant 0 : i32
      %dma_wait3A_52 = arith.constant 0 : i32
      %dma_wait3A_53 = tpu.memref_slice %arg18[%dma_wait3A_51, %dma_wait3A_52] : memref<128x16xf32, #tpu.memory_space<vmem>> -> memref<113x16xf32, #tpu.memory_space<vmem>>
      tpu.wait_dma2 semaphore(%run_scoped3A : memref<!tpu.dma_semaphore, #tpu.memory_space<semaphore_mem>>) src(%dma_wait3A_53 : memref<113x16xf32, #tpu.memory_space<vmem>>) dst(%dma_wait3A_50 : memref<113x16xf32, #tpu.memory_space<vmem_shared>>)
      tpu.yield
    }) : () -> ()
    %barrier3A = arith.constant 0 : index
    tpu.barrier barrier_id(%barrier3A)
    %eq3A = arith.constant 0 : i32
    %eq3A_29 = arith.cmpi eq, %arg0, %eq3A : i32
    %convert_element_type3A = arith.extui %eq3A_29 : i1 to i32
    %cond3A = arith.constant 0 : i32
    %cond3A_30 = arith.cmpi ne, %convert_element_type3A, %cond3A : i32
    scf.if %cond3A_30 {
      %scan3A_36 = arith.constant 0 : i32
      %scan3A_37 = arith.constant 0 : i32
      %scan3A_38 = arith.constant 78 : i32
      %scan3A_39 = arith.addi %scan3A_37, %scan3A_38 : i32
      %scan3A_40 = arith.constant 1 : i32
      %scan3A_41 = scf.for %scan3A_73 = %scan3A_37 to %scan3A_39 step %scan3A_40 iter_args(%scan3A_74 = %scan3A_36) -> (i32)  : i32 {
        %mul3A_75 = arith.constant 78 : i32
        %mul3A_76 = arith.muli %arg1, %mul3A_75 : i32
        %add3A_77 = arith.addi %mul3A_76, %scan3A_73 : i32
        %mul3A_78 = arith.constant 128 : i32
        %mul3A_79 = arith.muli %add3A_77, %mul3A_78 : i32
        "tpu.region"() ({
          %run_scoped3A_88 = tpu.sem_alloc : memref<!tpu.dma_semaphore, #tpu.memory_space<semaphore_mem>>
          %dma_start3A = tpu.memref_slice %arg7[%mul3A_79] : memref<160000xi32, #tpu.memory_space<hbm>> -> memref<128xi32, #tpu.memory_space<hbm>>
          %dma_start3A_89 = tpu.memref_slice %arg7[%mul3A_79] : memref<160000xi32, #tpu.memory_space<hbm>> -> memref<128xi32, #tpu.memory_space<hbm>>
          tpu.enqueue_dma source(%dma_start3A_89 : memref<128xi32, #tpu.memory_space<hbm>>) target(%arg14 : memref<128xi32, #tpu.memory_space<vmem>>) target_semaphore(%run_scoped3A_88 : memref<!tpu.dma_semaphore, #tpu.memory_space<semaphore_mem>>)
          %dma_wait3A = tpu.memref_slice %arg7[%mul3A_79] : memref<160000xi32, #tpu.memory_space<hbm>> -> memref<128xi32, #tpu.memory_space<hbm>>
          %dma_wait3A_90 = tpu.memref_slice %arg7[%mul3A_79] : memref<160000xi32, #tpu.memory_space<hbm>> -> memref<128xi32, #tpu.memory_space<hbm>>
          tpu.wait_dma2 semaphore(%run_scoped3A_88 : memref<!tpu.dma_semaphore, #tpu.memory_space<semaphore_mem>>) src(%dma_wait3A_90 : memref<128xi32, #tpu.memory_space<hbm>>) dst(%arg14 : memref<128xi32, #tpu.memory_space<vmem>>)
          tpu.yield
        }) : () -> ()
        "tpu.region"() ({
          %run_scoped3A_88 = tpu.sem_alloc : memref<!tpu.dma_semaphore, #tpu.memory_space<semaphore_mem>>
          %dma_start3A = tpu.memref_slice %arg8[%mul3A_79] : memref<160000xi32, #tpu.memory_space<hbm>> -> memref<128xi32, #tpu.memory_space<hbm>>
          %dma_start3A_89 = tpu.memref_slice %arg8[%mul3A_79] : memref<160000xi32, #tpu.memory_space<hbm>> -> memref<128xi32, #tpu.memory_space<hbm>>
          tpu.enqueue_dma source(%dma_start3A_89 : memref<128xi32, #tpu.memory_space<hbm>>) target(%arg15 : memref<128xi32, #tpu.memory_space<vmem>>) target_semaphore(%run_scoped3A_88 : memref<!tpu.dma_semaphore, #tpu.memory_space<semaphore_mem>>)
          %dma_wait3A = tpu.memref_slice %arg8[%mul3A_79] : memref<160000xi32, #tpu.memory_space<hbm>> -> memref<128xi32, #tpu.memory_space<hbm>>
          %dma_wait3A_90 = tpu.memref_slice %arg8[%mul3A_79] : memref<160000xi32, #tpu.memory_space<hbm>> -> memref<128xi32, #tpu.memory_space<hbm>>
          tpu.wait_dma2 semaphore(%run_scoped3A_88 : memref<!tpu.dma_semaphore, #tpu.memory_space<semaphore_mem>>) src(%dma_wait3A_90 : memref<128xi32, #tpu.memory_space<hbm>>) dst(%arg15 : memref<128xi32, #tpu.memory_space<vmem>>)
          tpu.yield
        }) : () -> ()
        "tpu.region"() ({
          %run_scoped3A_88 = tpu.sem_alloc : memref<!tpu.dma_semaphore, #tpu.memory_space<semaphore_mem>>
          %dma_start3A = arith.constant 0 : i32
          %dma_start3A_89 = arith.constant 0 : i32
          %dma_start3A_90 = tpu.memref_slice %arg3[%dma_start3A, %dma_start3A_89] : memref<10000x16xf32, #tpu.memory_space<hbm>> -> memref<10000x16xf32, #tpu.memory_space<hbm>>
          tpu.enqueue_indirect_dma source(%dma_start3A_90 : memref<10000x16xf32, #tpu.memory_space<hbm>>) target(%arg16 : memref<128x16xf32, #tpu.memory_space<vmem>>) offsets(%arg14 : memref<128xi32, #tpu.memory_space<vmem>>) semaphore(%run_scoped3A_88 : memref<!tpu.dma_semaphore, #tpu.memory_space<semaphore_mem>>)
          %dma_wait3A = arith.constant 0 : i32
          %dma_wait3A_91 = arith.constant 0 : i32
          %dma_wait3A_92 = tpu.memref_slice %arg3[%dma_wait3A, %dma_wait3A_91] : memref<10000x16xf32, #tpu.memory_space<hbm>> -> memref<10000x16xf32, #tpu.memory_space<hbm>>
          tpu.wait_indirect_dma semaphore(%run_scoped3A_88 : memref<!tpu.dma_semaphore, #tpu.memory_space<semaphore_mem>>) src(%dma_wait3A_92 : memref<10000x16xf32, #tpu.memory_space<hbm>>) dst(%arg16 : memref<128x16xf32, #tpu.memory_space<vmem>>)
          tpu.yield
        }) : () -> ()
        "tpu.region"() ({
          %run_scoped3A_88 = tpu.sem_alloc : memref<!tpu.dma_semaphore, #tpu.memory_space<semaphore_mem>>
          %dma_start3A = arith.constant 0 : i32
          %dma_start3A_89 = arith.constant 0 : i32
          %dma_start3A_90 = tpu.memref_slice %arg4[%dma_start3A, %dma_start3A_89] : memref<10000x16xf32, #tpu.memory_space<hbm>> -> memref<10000x16xf32, #tpu.memory_space<hbm>>
          tpu.enqueue_indirect_dma source(%dma_start3A_90 : memref<10000x16xf32, #tpu.memory_space<hbm>>) target(%arg17 : memref<128x16xf32, #tpu.memory_space<vmem>>) offsets(%arg15 : memref<128xi32, #tpu.memory_space<vmem>>) semaphore(%run_scoped3A_88 : memref<!tpu.dma_semaphore, #tpu.memory_space<semaphore_mem>>)
          %dma_wait3A = arith.constant 0 : i32
          %dma_wait3A_91 = arith.constant 0 : i32
          %dma_wait3A_92 = tpu.memref_slice %arg4[%dma_wait3A, %dma_wait3A_91] : memref<10000x16xf32, #tpu.memory_space<hbm>> -> memref<10000x16xf32, #tpu.memory_space<hbm>>
          tpu.wait_indirect_dma semaphore(%run_scoped3A_88 : memref<!tpu.dma_semaphore, #tpu.memory_space<semaphore_mem>>) src(%dma_wait3A_92 : memref<10000x16xf32, #tpu.memory_space<hbm>>) dst(%arg17 : memref<128x16xf32, #tpu.memory_space<vmem>>)
          tpu.yield
        }) : () -> ()
        %scan3A_80 = arith.constant 0 : i32
        %scan3A_81 = arith.constant 0 : i32
        %scan3A_82 = arith.constant 64 : i32
        %scan3A_83 = arith.addi %scan3A_81, %scan3A_82 : i32
        %scan3A_84 = arith.constant 1 : i32
        %scan3A_85 = scf.for %scan3A_88 = %scan3A_81 to %scan3A_83 step %scan3A_84 iter_args(%scan3A_89 = %scan3A_80) -> (i32)  : i32 {
          %mul3A_90 = arith.constant 2 : i32
          %mul3A_91 = arith.muli %mul3A_90, %scan3A_88 : i32
          %add3A_92 = arith.constant 0 : i32
          %add3A_93 = arith.addi %mul3A_91, %add3A_92 : i32
          %get3A = arith.index_cast %add3A_93 : i32 to index
          %get3A_94 = arith.constant 0 : index
          %get3A_95 = tpu.vector_load %arg16[%get3A, %get3A_94] {strides = array<i32>} : memref<128x16xf32, #tpu.memory_space<vmem>>, vector<1x16xf32>,
          %get3A_96 = vector.shape_cast %get3A_95 : vector<1x16xf32> to vector<16xf32>
          %get3A_97 = arith.index_cast %add3A_93 : i32 to index
          %get3A_98 = arith.constant 0 : index
          %get3A_99 = tpu.vector_load %arg17[%get3A_97, %get3A_98] {strides = array<i32>} : memref<128x16xf32, #tpu.memory_space<vmem>>, vector<1x16xf32>,
          %get3A_100 = vector.shape_cast %get3A_99 : vector<1x16xf32> to vector<16xf32>
          %add3A_101 = arith.addf %get3A_96, %get3A_100 : vector<16xf32>
          %gt3A = arith.constant 0.000000e+00 : f32
          %gt3A_102 = vector.broadcast %gt3A : f32 to vector<16xf32>
          %gt3A_103 = arith.cmpf ogt, %add3A_101, %gt3A_102 : vector<16xf32>
          %mul3A_104 = arith.constant 2.000000e-01 : f32
          %mul3A_105 = vector.broadcast %mul3A_104 : f32 to vector<16xf32>
          %mul3A_106 = arith.mulf %mul3A_105, %add3A_101 : vector<16xf32>
          %select_n3A = arith.select %gt3A_103, %add3A_101, %mul3A_106 : vector<16xi1>, vector<16xf32>
          %exp3A = math.exp %select_n3A : vector<16xf32>
          %jit3A = arith.constant 0.000000e+00 : f32
          %broadcast_in_dim3A_107 = vector.broadcast %jit3A : f32 to vector<16xf32>
          %select_n3A_108 = arith.select %lt3A_1, %exp3A, %broadcast_in_dim3A_107 : vector<16xi1>, vector<16xf32>
          %swap3A = arith.index_cast %add3A_93 : i32 to index
          %swap3A_109 = arith.constant 0 : index
          %swap3A_110 = tpu.vector_load %arg18[%swap3A, %swap3A_109] {strides = array<i32>} : memref<128x16xf32, #tpu.memory_space<vmem>>, vector<1x16xf32>,
          %swap3A_111 = vector.shape_cast %swap3A_110 : vector<1x16xf32> to vector<16xf32>
          %swap3A_112 = vector.shape_cast %select_n3A_108 : vector<16xf32> to vector<1x16xf32>
          tpu.vector_store %arg18[%swap3A, %swap3A_109], %swap3A_112 {strides = array<i32>} : memref<128x16xf32, #tpu.memory_space<vmem>>, vector<1x16xf32>,
          %mul3A_113 = arith.constant 2 : i32
          %mul3A_114 = arith.muli %mul3A_113, %scan3A_88 : i32
          %add3A_115 = arith.constant 1 : i32
          %add3A_116 = arith.addi %mul3A_114, %add3A_115 : i32
          %get3A_117 = arith.index_cast %add3A_116 : i32 to index
          %get3A_118 = arith.constant 0 : index
          %get3A_119 = tpu.vector_load %arg16[%get3A_117, %get3A_118] {strides = array<i32>} : memref<128x16xf32, #tpu.memory_space<vmem>>, vector<1x16xf32>,
          %get3A_120 = vector.shape_cast %get3A_119 : vector<1x16xf32> to vector<16xf32>
          %get3A_121 = arith.index_cast %add3A_116 : i32 to index
          %get3A_122 = arith.constant 0 : index
          %get3A_123 = tpu.vector_load %arg17[%get3A_121, %get3A_122] {strides = array<i32>} : memref<128x16xf32, #tpu.memory_space<vmem>>, vector<1x16xf32>,
          %get3A_124 = vector.shape_cast %get3A_123 : vector<1x16xf32> to vector<16xf32>
          %add3A_125 = arith.addf %get3A_120, %get3A_124 : vector<16xf32>
          %gt3A_126 = arith.constant 0.000000e+00 : f32
          %gt3A_127 = vector.broadcast %gt3A_126 : f32 to vector<16xf32>
          %gt3A_128 = arith.cmpf ogt, %add3A_125, %gt3A_127 : vector<16xf32>
          %mul3A_129 = arith.constant 2.000000e-01 : f32
          %mul3A_130 = vector.broadcast %mul3A_129 : f32 to vector<16xf32>
          %mul3A_131 = arith.mulf %mul3A_130, %add3A_125 : vector<16xf32>
          %select_n3A_132 = arith.select %gt3A_128, %add3A_125, %mul3A_131 : vector<16xi1>, vector<16xf32>
          %exp3A_133 = math.exp %select_n3A_132 : vector<16xf32>
          %jit3A_134 = arith.constant 0.000000e+00 : f32
          %broadcast_in_dim3A_135 = vector.broadcast %jit3A_134 : f32 to vector<16xf32>
          %select_n3A_136 = arith.select %lt3A_1, %exp3A_133, %broadcast_in_dim3A_135 : vector<16xi1>, vector<16xf32>
          %swap3A_137 = arith.index_cast %add3A_116 : i32 to index
          %swap3A_138 = arith.constant 0 : index
          %swap3A_139 = tpu.vector_load %arg18[%swap3A_137, %swap3A_138] {strides = array<i32>} : memref<128x16xf32, #tpu.memory_space<vmem>>, vector<1x16xf32>,
          %swap3A_140 = vector.shape_cast %swap3A_139 : vector<1x16xf32> to vector<16xf32>
          %swap3A_141 = vector.shape_cast %select_n3A_136 : vector<16xf32> to vector<1x16xf32>
          tpu.vector_store %arg18[%swap3A_137, %swap3A_138], %swap3A_141 {strides = array<i32>} : memref<128x16xf32, #tpu.memory_space<vmem>>, vector<1x16xf32>,
          %scan3A_142 = arith.constant 0 : i32
          scf.yield %scan3A_142 : i32
        }
        %scan3A_86 = arith.constant 64 : i32
        "tpu.region"() ({
          %run_scoped3A_88 = tpu.sem_alloc : memref<!tpu.dma_semaphore, #tpu.memory_space<semaphore_mem>>
          %dma_start3A = arith.constant 0 : i32
          %dma_start3A_89 = arith.constant 0 : i32
          %dma_start3A_90 = tpu.memref_slice %arg12[%dma_start3A, %dma_start3A_89] : memref<10000x16xf32, #tpu.memory_space<vmem_shared>> -> memref<10000x16xf32, #tpu.memory_space<vmem_shared>>
          tpu.enqueue_indirect_dma source(%arg18 : memref<128x16xf32, #tpu.memory_space<vmem>>) target(%dma_start3A_90 : memref<10000x16xf32, #tpu.memory_space<vmem_shared>>) offsets(%arg15 : memref<128xi32, #tpu.memory_space<vmem>>) semaphore(%run_scoped3A_88 : memref<!tpu.dma_semaphore, #tpu.memory_space<semaphore_mem>>) {add = true}
          %dma_wait3A = arith.constant 0 : i32
          %dma_wait3A_91 = arith.constant 0 : i32
          %dma_wait3A_92 = tpu.memref_slice %arg12[%dma_wait3A, %dma_wait3A_91] : memref<10000x16xf32, #tpu.memory_space<vmem_shared>> -> memref<10000x16xf32, #tpu.memory_space<vmem_shared>>
          tpu.wait_indirect_dma semaphore(%run_scoped3A_88 : memref<!tpu.dma_semaphore, #tpu.memory_space<semaphore_mem>>) src(%arg18 : memref<128x16xf32, #tpu.memory_space<vmem>>) dst(%dma_wait3A_92 : memref<10000x16xf32, #tpu.memory_space<vmem_shared>>)
          tpu.yield
        }) : () -> ()
        %scan3A_87 = arith.constant 0 : i32
        scf.yield %scan3A_87 : i32
      }
      %scan3A_42 = arith.constant 78 : i32
      %lt3A_43 = arith.constant 2 : i32
      %lt3A_44 = arith.cmpi slt, %arg1, %lt3A_43 : i32
      %convert_element_type3A_45 = arith.extui %lt3A_44 : i1 to i32
      %cond3A_46 = arith.constant 0 : i32
      %cond3A_47 = arith.cmpi ne, %convert_element_type3A_45, %cond3A_46 : i32
      scf.if %cond3A_47 {
        %add3A_73 = arith.constant 1248 : i32
        %add3A_74 = arith.addi %add3A_73, %arg1 : i32
        %mul3A_75 = arith.constant 128 : i32
        %mul3A_76 = arith.muli %add3A_74, %mul3A_75 : i32
        "tpu.region"() ({
          %run_scoped3A_84 = tpu.sem_alloc : memref<!tpu.dma_semaphore, #tpu.memory_space<semaphore_mem>>
          %dma_start3A = tpu.memref_slice %arg7[%mul3A_76] : memref<160000xi32, #tpu.memory_space<hbm>> -> memref<128xi32, #tpu.memory_space<hbm>>
          %dma_start3A_85 = tpu.memref_slice %arg7[%mul3A_76] : memref<160000xi32, #tpu.memory_space<hbm>> -> memref<128xi32, #tpu.memory_space<hbm>>
          tpu.enqueue_dma source(%dma_start3A_85 : memref<128xi32, #tpu.memory_space<hbm>>) target(%arg14 : memref<128xi32, #tpu.memory_space<vmem>>) target_semaphore(%run_scoped3A_84 : memref<!tpu.dma_semaphore, #tpu.memory_space<semaphore_mem>>)
          %dma_wait3A = tpu.memref_slice %arg7[%mul3A_76] : memref<160000xi32, #tpu.memory_space<hbm>> -> memref<128xi32, #tpu.memory_space<hbm>>
          %dma_wait3A_86 = tpu.memref_slice %arg7[%mul3A_76] : memref<160000xi32, #tpu.memory_space<hbm>> -> memref<128xi32, #tpu.memory_space<hbm>>
          tpu.wait_dma2 semaphore(%run_scoped3A_84 : memref<!tpu.dma_semaphore, #tpu.memory_space<semaphore_mem>>) src(%dma_wait3A_86 : memref<128xi32, #tpu.memory_space<hbm>>) dst(%arg14 : memref<128xi32, #tpu.memory_space<vmem>>)
          tpu.yield
        }) : () -> ()
        "tpu.region"() ({
          %run_scoped3A_84 = tpu.sem_alloc : memref<!tpu.dma_semaphore, #tpu.memory_space<semaphore_mem>>
          %dma_start3A = tpu.memref_slice %arg8[%mul3A_76] : memref<160000xi32, #tpu.memory_space<hbm>> -> memref<128xi32, #tpu.memory_space<hbm>>
          %dma_start3A_85 = tpu.memref_slice %arg8[%mul3A_76] : memref<160000xi32, #tpu.memory_space<hbm>> -> memref<128xi32, #tpu.memory_space<hbm>>
          tpu.enqueue_dma source(%dma_start3A_85 : memref<128xi32, #tpu.memory_space<hbm>>) target(%arg15 : memref<128xi32, #tpu.memory_space<vmem>>) target_semaphore(%run_scoped3A_84 : memref<!tpu.dma_semaphore, #tpu.memory_space<semaphore_mem>>)
          %dma_wait3A = tpu.memref_slice %arg8[%mul3A_76] : memref<160000xi32, #tpu.memory_space<hbm>> -> memref<128xi32, #tpu.memory_space<hbm>>
          %dma_wait3A_86 = tpu.memref_slice %arg8[%mul3A_76] : memref<160000xi32, #tpu.memory_space<hbm>> -> memref<128xi32, #tpu.memory_space<hbm>>
          tpu.wait_dma2 semaphore(%run_scoped3A_84 : memref<!tpu.dma_semaphore, #tpu.memory_space<semaphore_mem>>) src(%dma_wait3A_86 : memref<128xi32, #tpu.memory_space<hbm>>) dst(%arg15 : memref<128xi32, #tpu.memory_space<vmem>>)
          tpu.yield
        }) : () -> ()
        "tpu.region"() ({
          %run_scoped3A_84 = tpu.sem_alloc : memref<!tpu.dma_semaphore, #tpu.memory_space<semaphore_mem>>
          %dma_start3A = arith.constant 0 : i32
          %dma_start3A_85 = arith.constant 0 : i32
          %dma_start3A_86 = tpu.memref_slice %arg3[%dma_start3A, %dma_start3A_85] : memref<10000x16xf32, #tpu.memory_space<hbm>> -> memref<10000x16xf32, #tpu.memory_space<hbm>>
          tpu.enqueue_indirect_dma source(%dma_start3A_86 : memref<10000x16xf32, #tpu.memory_space<hbm>>) target(%arg16 : memref<128x16xf32, #tpu.memory_space<vmem>>) offsets(%arg14 : memref<128xi32, #tpu.memory_space<vmem>>) semaphore(%run_scoped3A_84 : memref<!tpu.dma_semaphore, #tpu.memory_space<semaphore_mem>>)
          %dma_wait3A = arith.constant 0 : i32
          %dma_wait3A_87 = arith.constant 0 : i32
          %dma_wait3A_88 = tpu.memref_slice %arg3[%dma_wait3A, %dma_wait3A_87] : memref<10000x16xf32, #tpu.memory_space<hbm>> -> memref<10000x16xf32, #tpu.memory_space<hbm>>
          tpu.wait_indirect_dma semaphore(%run_scoped3A_84 : memref<!tpu.dma_semaphore, #tpu.memory_space<semaphore_mem>>) src(%dma_wait3A_88 : memref<10000x16xf32, #tpu.memory_space<hbm>>) dst(%arg16 : memref<128x16xf32, #tpu.memory_space<vmem>>)
          tpu.yield
        }) : () -> ()
        "tpu.region"() ({
          %run_scoped3A_84 = tpu.sem_alloc : memref<!tpu.dma_semaphore, #tpu.memory_space<semaphore_mem>>
          %dma_start3A = arith.constant 0 : i32
          %dma_start3A_85 = arith.constant 0 : i32
          %dma_start3A_86 = tpu.memref_slice %arg4[%dma_start3A, %dma_start3A_85] : memref<10000x16xf32, #tpu.memory_space<hbm>> -> memref<10000x16xf32, #tpu.memory_space<hbm>>
          tpu.enqueue_indirect_dma source(%dma_start3A_86 : memref<10000x16xf32, #tpu.memory_space<hbm>>) target(%arg17 : memref<128x16xf32, #tpu.memory_space<vmem>>) offsets(%arg15 : memref<128xi32, #tpu.memory_space<vmem>>) semaphore(%run_scoped3A_84 : memref<!tpu.dma_semaphore, #tpu.memory_space<semaphore_mem>>)
          %dma_wait3A = arith.constant 0 : i32
          %dma_wait3A_87 = arith.constant 0 : i32
          %dma_wait3A_88 = tpu.memref_slice %arg4[%dma_wait3A, %dma_wait3A_87] : memref<10000x16xf32, #tpu.memory_space<hbm>> -> memref<10000x16xf32, #tpu.memory_space<hbm>>
          tpu.wait_indirect_dma semaphore(%run_scoped3A_84 : memref<!tpu.dma_semaphore, #tpu.memory_space<semaphore_mem>>) src(%dma_wait3A_88 : memref<10000x16xf32, #tpu.memory_space<hbm>>) dst(%arg17 : memref<128x16xf32, #tpu.memory_space<vmem>>)
          tpu.yield
        }) : () -> ()
        %scan3A_77 = arith.constant 0 : i32
        %scan3A_78 = arith.constant 0 : i32
        %scan3A_79 = arith.constant 64 : i32
        %scan3A_80 = arith.addi %scan3A_78, %scan3A_79 : i32
        %scan3A_81 = arith.constant 1 : i32
        %scan3A_82 = scf.for %scan3A_84 = %scan3A_78 to %scan3A_80 step %scan3A_81 iter_args(%scan3A_85 = %scan3A_77) -> (i32)  : i32 {
          %mul3A_86 = arith.constant 2 : i32
          %mul3A_87 = arith.muli %mul3A_86, %scan3A_84 : i32
          %add3A_88 = arith.constant 0 : i32
          %add3A_89 = arith.addi %mul3A_87, %add3A_88 : i32
          %get3A = arith.index_cast %add3A_89 : i32 to index
          %get3A_90 = arith.constant 0 : index
          %get3A_91 = tpu.vector_load %arg16[%get3A, %get3A_90] {strides = array<i32>} : memref<128x16xf32, #tpu.memory_space<vmem>>, vector<1x16xf32>,
          %get3A_92 = vector.shape_cast %get3A_91 : vector<1x16xf32> to vector<16xf32>
          %get3A_93 = arith.index_cast %add3A_89 : i32 to index
          %get3A_94 = arith.constant 0 : index
          %get3A_95 = tpu.vector_load %arg17[%get3A_93, %get3A_94] {strides = array<i32>} : memref<128x16xf32, #tpu.memory_space<vmem>>, vector<1x16xf32>,
          %get3A_96 = vector.shape_cast %get3A_95 : vector<1x16xf32> to vector<16xf32>
          %add3A_97 = arith.addf %get3A_92, %get3A_96 : vector<16xf32>
          %gt3A = arith.constant 0.000000e+00 : f32
          %gt3A_98 = vector.broadcast %gt3A : f32 to vector<16xf32>
          %gt3A_99 = arith.cmpf ogt, %add3A_97, %gt3A_98 : vector<16xf32>
          %mul3A_100 = arith.constant 2.000000e-01 : f32
          %mul3A_101 = vector.broadcast %mul3A_100 : f32 to vector<16xf32>
          %mul3A_102 = arith.mulf %mul3A_101, %add3A_97 : vector<16xf32>
          %select_n3A = arith.select %gt3A_99, %add3A_97, %mul3A_102 : vector<16xi1>, vector<16xf32>
          %exp3A = math.exp %select_n3A : vector<16xf32>
          %jit3A = arith.constant 0.000000e+00 : f32
          %broadcast_in_dim3A_103 = vector.broadcast %jit3A : f32 to vector<16xf32>
          %select_n3A_104 = arith.select %lt3A_1, %exp3A, %broadcast_in_dim3A_103 : vector<16xi1>, vector<16xf32>
          %swap3A = arith.index_cast %add3A_89 : i32 to index
          %swap3A_105 = arith.constant 0 : index
          %swap3A_106 = tpu.vector_load %arg18[%swap3A, %swap3A_105] {strides = array<i32>} : memref<128x16xf32, #tpu.memory_space<vmem>>, vector<1x16xf32>,
          %swap3A_107 = vector.shape_cast %swap3A_106 : vector<1x16xf32> to vector<16xf32>
          %swap3A_108 = vector.shape_cast %select_n3A_104 : vector<16xf32> to vector<1x16xf32>
          tpu.vector_store %arg18[%swap3A, %swap3A_105], %swap3A_108 {strides = array<i32>} : memref<128x16xf32, #tpu.memory_space<vmem>>, vector<1x16xf32>,
          %mul3A_109 = arith.constant 2 : i32
          %mul3A_110 = arith.muli %mul3A_109, %scan3A_84 : i32
          %add3A_111 = arith.constant 1 : i32
          %add3A_112 = arith.addi %mul3A_110, %add3A_111 : i32
          %get3A_113 = arith.index_cast %add3A_112 : i32 to index
          %get3A_114 = arith.constant 0 : index
          %get3A_115 = tpu.vector_load %arg16[%get3A_113, %get3A_114] {strides = array<i32>} : memref<128x16xf32, #tpu.memory_space<vmem>>, vector<1x16xf32>,
          %get3A_116 = vector.shape_cast %get3A_115 : vector<1x16xf32> to vector<16xf32>
          %get3A_117 = arith.index_cast %add3A_112 : i32 to index
          %get3A_118 = arith.constant 0 : index
          %get3A_119 = tpu.vector_load %arg17[%get3A_117, %get3A_118] {strides = array<i32>} : memref<128x16xf32, #tpu.memory_space<vmem>>, vector<1x16xf32>,
          %get3A_120 = vector.shape_cast %get3A_119 : vector<1x16xf32> to vector<16xf32>
          %add3A_121 = arith.addf %get3A_116, %get3A_120 : vector<16xf32>
          %gt3A_122 = arith.constant 0.000000e+00 : f32
          %gt3A_123 = vector.broadcast %gt3A_122 : f32 to vector<16xf32>
          %gt3A_124 = arith.cmpf ogt, %add3A_121, %gt3A_123 : vector<16xf32>
          %mul3A_125 = arith.constant 2.000000e-01 : f32
          %mul3A_126 = vector.broadcast %mul3A_125 : f32 to vector<16xf32>
          %mul3A_127 = arith.mulf %mul3A_126, %add3A_121 : vector<16xf32>
          %select_n3A_128 = arith.select %gt3A_124, %add3A_121, %mul3A_127 : vector<16xi1>, vector<16xf32>
          %exp3A_129 = math.exp %select_n3A_128 : vector<16xf32>
          %jit3A_130 = arith.constant 0.000000e+00 : f32
          %broadcast_in_dim3A_131 = vector.broadcast %jit3A_130 : f32 to vector<16xf32>
          %select_n3A_132 = arith.select %lt3A_1, %exp3A_129, %broadcast_in_dim3A_131 : vector<16xi1>, vector<16xf32>
          %swap3A_133 = arith.index_cast %add3A_112 : i32 to index
          %swap3A_134 = arith.constant 0 : index
          %swap3A_135 = tpu.vector_load %arg18[%swap3A_133, %swap3A_134] {strides = array<i32>} : memref<128x16xf32, #tpu.memory_space<vmem>>, vector<1x16xf32>,
          %swap3A_136 = vector.shape_cast %swap3A_135 : vector<1x16xf32> to vector<16xf32>
          %swap3A_137 = vector.shape_cast %select_n3A_132 : vector<16xf32> to vector<1x16xf32>
          tpu.vector_store %arg18[%swap3A_133, %swap3A_134], %swap3A_137 {strides = array<i32>} : memref<128x16xf32, #tpu.memory_space<vmem>>, vector<1x16xf32>,
          %scan3A_138 = arith.constant 0 : i32
          scf.yield %scan3A_138 : i32
        }
        %scan3A_83 = arith.constant 64 : i32
        "tpu.region"() ({
          %run_scoped3A_84 = tpu.sem_alloc : memref<!tpu.dma_semaphore, #tpu.memory_space<semaphore_mem>>
          %dma_start3A = arith.constant 0 : i32
          %dma_start3A_85 = arith.constant 0 : i32
          %dma_start3A_86 = tpu.memref_slice %arg12[%dma_start3A, %dma_start3A_85] : memref<10000x16xf32, #tpu.memory_space<vmem_shared>> -> memref<10000x16xf32, #tpu.memory_space<vmem_shared>>
          tpu.enqueue_indirect_dma source(%arg18 : memref<128x16xf32, #tpu.memory_space<vmem>>) target(%dma_start3A_86 : memref<10000x16xf32, #tpu.memory_space<vmem_shared>>) offsets(%arg15 : memref<128xi32, #tpu.memory_space<vmem>>) semaphore(%run_scoped3A_84 : memref<!tpu.dma_semaphore, #tpu.memory_space<semaphore_mem>>) {add = true}
          %dma_wait3A = arith.constant 0 : i32
          %dma_wait3A_87 = arith.constant 0 : i32
          %dma_wait3A_88 = tpu.memref_slice %arg12[%dma_wait3A, %dma_wait3A_87] : memref<10000x16xf32, #tpu.memory_space<vmem_shared>> -> memref<10000x16xf32, #tpu.memory_space<vmem_shared>>
          tpu.wait_indirect_dma semaphore(%run_scoped3A_84 : memref<!tpu.dma_semaphore, #tpu.memory_space<semaphore_mem>>) src(%arg18 : memref<128x16xf32, #tpu.memory_space<vmem>>) dst(%dma_wait3A_88 : memref<10000x16xf32, #tpu.memory_space<vmem_shared>>)
          tpu.yield
        }) : () -> ()
      } else {
      }
      %barrier3A_48 = arith.constant 0 : index
      tpu.barrier barrier_id(%barrier3A_48)
      %scan3A_49 = arith.constant 0 : i32
      %scan3A_50 = arith.constant 0 : i32
      %scan3A_51 = arith.constant 78 : i32
      %scan3A_52 = arith.addi %scan3A_50, %scan3A_51 : i32
      %scan3A_53 = arith.constant 1 : i32
      %scan3A_54 = scf.for %scan3A_73 = %scan3A_50 to %scan3A_52 step %scan3A_53 iter_args(%scan3A_74 = %scan3A_49) -> (i32)  : i32 {
        %mul3A_75 = arith.constant 78 : i32
        %mul3A_76 = arith.muli %arg1, %mul3A_75 : i32
        %add3A_77 = arith.addi %mul3A_76, %scan3A_73 : i32
        %mul3A_78 = arith.constant 128 : i32
        %mul3A_79 = arith.muli %add3A_77, %mul3A_78 : i32
        "tpu.region"() ({
          %run_scoped3A_88 = tpu.sem_alloc : memref<!tpu.dma_semaphore, #tpu.memory_space<semaphore_mem>>
          %dma_start3A = tpu.memref_slice %arg7[%mul3A_79] : memref<160000xi32, #tpu.memory_space<hbm>> -> memref<128xi32, #tpu.memory_space<hbm>>
          %dma_start3A_89 = tpu.memref_slice %arg7[%mul3A_79] : memref<160000xi32, #tpu.memory_space<hbm>> -> memref<128xi32, #tpu.memory_space<hbm>>
          tpu.enqueue_dma source(%dma_start3A_89 : memref<128xi32, #tpu.memory_space<hbm>>) target(%arg14 : memref<128xi32, #tpu.memory_space<vmem>>) target_semaphore(%run_scoped3A_88 : memref<!tpu.dma_semaphore, #tpu.memory_space<semaphore_mem>>)
          %dma_wait3A = tpu.memref_slice %arg7[%mul3A_79] : memref<160000xi32, #tpu.memory_space<hbm>> -> memref<128xi32, #tpu.memory_space<hbm>>
          %dma_wait3A_90 = tpu.memref_slice %arg7[%mul3A_79] : memref<160000xi32, #tpu.memory_space<hbm>> -> memref<128xi32, #tpu.memory_space<hbm>>
          tpu.wait_dma2 semaphore(%run_scoped3A_88 : memref<!tpu.dma_semaphore, #tpu.memory_space<semaphore_mem>>) src(%dma_wait3A_90 : memref<128xi32, #tpu.memory_space<hbm>>) dst(%arg14 : memref<128xi32, #tpu.memory_space<vmem>>)
          tpu.yield
        }) : () -> ()
        "tpu.region"() ({
          %run_scoped3A_88 = tpu.sem_alloc : memref<!tpu.dma_semaphore, #tpu.memory_space<semaphore_mem>>
          %dma_start3A = tpu.memref_slice %arg8[%mul3A_79] : memref<160000xi32, #tpu.memory_space<hbm>> -> memref<128xi32, #tpu.memory_space<hbm>>
          %dma_start3A_89 = tpu.memref_slice %arg8[%mul3A_79] : memref<160000xi32, #tpu.memory_space<hbm>> -> memref<128xi32, #tpu.memory_space<hbm>>
          tpu.enqueue_dma source(%dma_start3A_89 : memref<128xi32, #tpu.memory_space<hbm>>) target(%arg15 : memref<128xi32, #tpu.memory_space<vmem>>) target_semaphore(%run_scoped3A_88 : memref<!tpu.dma_semaphore, #tpu.memory_space<semaphore_mem>>)
          %dma_wait3A = tpu.memref_slice %arg8[%mul3A_79] : memref<160000xi32, #tpu.memory_space<hbm>> -> memref<128xi32, #tpu.memory_space<hbm>>
          %dma_wait3A_90 = tpu.memref_slice %arg8[%mul3A_79] : memref<160000xi32, #tpu.memory_space<hbm>> -> memref<128xi32, #tpu.memory_space<hbm>>
          tpu.wait_dma2 semaphore(%run_scoped3A_88 : memref<!tpu.dma_semaphore, #tpu.memory_space<semaphore_mem>>) src(%dma_wait3A_90 : memref<128xi32, #tpu.memory_space<hbm>>) dst(%arg15 : memref<128xi32, #tpu.memory_space<vmem>>)
          tpu.yield
        }) : () -> ()
        "tpu.region"() ({
          %run_scoped3A_88 = tpu.sem_alloc : memref<!tpu.dma_semaphore, #tpu.memory_space<semaphore_mem>>
          %dma_start3A = arith.constant 0 : i32
          %dma_start3A_89 = arith.constant 0 : i32
          %dma_start3A_90 = tpu.memref_slice %arg3[%dma_start3A, %dma_start3A_89] : memref<10000x16xf32, #tpu.memory_space<hbm>> -> memref<10000x16xf32, #tpu.memory_space<hbm>>
          tpu.enqueue_indirect_dma source(%dma_start3A_90 : memref<10000x16xf32, #tpu.memory_space<hbm>>) target(%arg16 : memref<128x16xf32, #tpu.memory_space<vmem>>) offsets(%arg14 : memref<128xi32, #tpu.memory_space<vmem>>) semaphore(%run_scoped3A_88 : memref<!tpu.dma_semaphore, #tpu.memory_space<semaphore_mem>>)
          %dma_wait3A = arith.constant 0 : i32
          %dma_wait3A_91 = arith.constant 0 : i32
          %dma_wait3A_92 = tpu.memref_slice %arg3[%dma_wait3A, %dma_wait3A_91] : memref<10000x16xf32, #tpu.memory_space<hbm>> -> memref<10000x16xf32, #tpu.memory_space<hbm>>
          tpu.wait_indirect_dma semaphore(%run_scoped3A_88 : memref<!tpu.dma_semaphore, #tpu.memory_space<semaphore_mem>>) src(%dma_wait3A_92 : memref<10000x16xf32, #tpu.memory_space<hbm>>) dst(%arg16 : memref<128x16xf32, #tpu.memory_space<vmem>>)
          tpu.yield
        }) : () -> ()
        "tpu.region"() ({
          %run_scoped3A_88 = tpu.sem_alloc : memref<!tpu.dma_semaphore, #tpu.memory_space<semaphore_mem>>
          %dma_start3A = arith.constant 0 : i32
          %dma_start3A_89 = arith.constant 0 : i32
          %dma_start3A_90 = tpu.memref_slice %arg4[%dma_start3A, %dma_start3A_89] : memref<10000x16xf32, #tpu.memory_space<hbm>> -> memref<10000x16xf32, #tpu.memory_space<hbm>>
          tpu.enqueue_indirect_dma source(%dma_start3A_90 : memref<10000x16xf32, #tpu.memory_space<hbm>>) target(%arg17 : memref<128x16xf32, #tpu.memory_space<vmem>>) offsets(%arg15 : memref<128xi32, #tpu.memory_space<vmem>>) semaphore(%run_scoped3A_88 : memref<!tpu.dma_semaphore, #tpu.memory_space<semaphore_mem>>)
          %dma_wait3A = arith.constant 0 : i32
          %dma_wait3A_91 = arith.constant 0 : i32
          %dma_wait3A_92 = tpu.memref_slice %arg4[%dma_wait3A, %dma_wait3A_91] : memref<10000x16xf32, #tpu.memory_space<hbm>> -> memref<10000x16xf32, #tpu.memory_space<hbm>>
          tpu.wait_indirect_dma semaphore(%run_scoped3A_88 : memref<!tpu.dma_semaphore, #tpu.memory_space<semaphore_mem>>) src(%dma_wait3A_92 : memref<10000x16xf32, #tpu.memory_space<hbm>>) dst(%arg17 : memref<128x16xf32, #tpu.memory_space<vmem>>)
          tpu.yield
        }) : () -> ()
        "tpu.region"() ({
          %run_scoped3A_88 = tpu.sem_alloc : memref<!tpu.dma_semaphore, #tpu.memory_space<semaphore_mem>>
          %dma_start3A = arith.constant 0 : i32
          %dma_start3A_89 = arith.constant 0 : i32
          %dma_start3A_90 = tpu.memref_slice %arg12[%dma_start3A, %dma_start3A_89] : memref<10000x16xf32, #tpu.memory_space<vmem_shared>> -> memref<10000x16xf32, #tpu.memory_space<vmem_shared>>
          tpu.enqueue_indirect_dma source(%dma_start3A_90 : memref<10000x16xf32, #tpu.memory_space<vmem_shared>>) target(%arg18 : memref<128x16xf32, #tpu.memory_space<vmem>>) offsets(%arg15 : memref<128xi32, #tpu.memory_space<vmem>>) semaphore(%run_scoped3A_88 : memref<!tpu.dma_semaphore, #tpu.memory_space<semaphore_mem>>)
          %dma_wait3A = arith.constant 0 : i32
          %dma_wait3A_91 = arith.constant 0 : i32
          %dma_wait3A_92 = tpu.memref_slice %arg12[%dma_wait3A, %dma_wait3A_91] : memref<10000x16xf32, #tpu.memory_space<vmem_shared>> -> memref<10000x16xf32, #tpu.memory_space<vmem_shared>>
          tpu.wait_indirect_dma semaphore(%run_scoped3A_88 : memref<!tpu.dma_semaphore, #tpu.memory_space<semaphore_mem>>) src(%dma_wait3A_92 : memref<10000x16xf32, #tpu.memory_space<vmem_shared>>) dst(%arg18 : memref<128x16xf32, #tpu.memory_space<vmem>>)
          tpu.yield
        }) : () -> ()
        "tpu.region"() ({
          %run_scoped3A_88 = tpu.sem_alloc : memref<!tpu.dma_semaphore, #tpu.memory_space<semaphore_mem>>
          %dma_start3A = arith.constant 0 : i32
          %dma_start3A_89 = arith.constant 0 : i32
          %dma_start3A_90 = tpu.memref_slice %arg2[%dma_start3A, %dma_start3A_89] : memref<10000x128xf32, #tpu.memory_space<hbm>> -> memref<10000x128xf32, #tpu.memory_space<hbm>>
          tpu.enqueue_indirect_dma source(%dma_start3A_90 : memref<10000x128xf32, #tpu.memory_space<hbm>>) target(%arg19 : memref<128x128xf32, #tpu.memory_space<vmem>>) offsets(%arg14 : memref<128xi32, #tpu.memory_space<vmem>>) semaphore(%run_scoped3A_88 : memref<!tpu.dma_semaphore, #tpu.memory_space<semaphore_mem>>)
          %dma_wait3A = arith.constant 0 : i32
          %dma_wait3A_91 = arith.constant 0 : i32
          %dma_wait3A_92 = tpu.memref_slice %arg2[%dma_wait3A, %dma_wait3A_91] : memref<10000x128xf32, #tpu.memory_space<hbm>> -> memref<10000x128xf32, #tpu.memory_space<hbm>>
          tpu.wait_indirect_dma semaphore(%run_scoped3A_88 : memref<!tpu.dma_semaphore, #tpu.memory_space<semaphore_mem>>) src(%dma_wait3A_92 : memref<10000x128xf32, #tpu.memory_space<hbm>>) dst(%arg19 : memref<128x128xf32, #tpu.memory_space<vmem>>)
          tpu.yield
        }) : () -> ()
        %scan3A_80 = arith.constant 0 : i32
        %scan3A_81 = arith.constant 0 : i32
        %scan3A_82 = arith.constant 64 : i32
        %scan3A_83 = arith.addi %scan3A_81, %scan3A_82 : i32
        %scan3A_84 = arith.constant 1 : i32
        %scan3A_85 = scf.for %scan3A_88 = %scan3A_81 to %scan3A_83 step %scan3A_84 iter_args(%scan3A_89 = %scan3A_80) -> (i32)  : i32 {
          %mul3A_90 = arith.constant 2 : i32
          %mul3A_91 = arith.muli %mul3A_90, %scan3A_88 : i32
          %add3A_92 = arith.constant 0 : i32
          %add3A_93 = arith.addi %mul3A_91, %add3A_92 : i32
          %get3A = arith.index_cast %add3A_93 : i32 to index
          %get3A_94 = arith.constant 0 : index
          %get3A_95 = tpu.vector_load %arg16[%get3A, %get3A_94] {strides = array<i32>} : memref<128x16xf32, #tpu.memory_space<vmem>>, vector<1x16xf32>,
          %get3A_96 = vector.shape_cast %get3A_95 : vector<1x16xf32> to vector<16xf32>
          %get3A_97 = arith.index_cast %add3A_93 : i32 to index
          %get3A_98 = arith.constant 0 : index
          %get3A_99 = tpu.vector_load %arg17[%get3A_97, %get3A_98] {strides = array<i32>} : memref<128x16xf32, #tpu.memory_space<vmem>>, vector<1x16xf32>,
          %get3A_100 = vector.shape_cast %get3A_99 : vector<1x16xf32> to vector<16xf32>
          %add3A_101 = arith.addf %get3A_96, %get3A_100 : vector<16xf32>
          %gt3A = arith.constant 0.000000e+00 : f32
          %gt3A_102 = vector.broadcast %gt3A : f32 to vector<16xf32>
          %gt3A_103 = arith.cmpf ogt, %add3A_101, %gt3A_102 : vector<16xf32>
          %mul3A_104 = arith.constant 2.000000e-01 : f32
          %mul3A_105 = vector.broadcast %mul3A_104 : f32 to vector<16xf32>
          %mul3A_106 = arith.mulf %mul3A_105, %add3A_101 : vector<16xf32>
          %select_n3A = arith.select %gt3A_103, %add3A_101, %mul3A_106 : vector<16xi1>, vector<16xf32>
          %exp3A = math.exp %select_n3A : vector<16xf32>
          %get3A_107 = arith.index_cast %add3A_93 : i32 to index
          %get3A_108 = arith.constant 0 : index
          %get3A_109 = tpu.vector_load %arg18[%get3A_107, %get3A_108] {strides = array<i32>} : memref<128x16xf32, #tpu.memory_space<vmem>>, vector<1x16xf32>,
          %get3A_110 = vector.shape_cast %get3A_109 : vector<1x16xf32> to vector<16xf32>
          %div3A = arith.divf %exp3A, %get3A_110 : vector<16xf32>
          %jit3A = arith.constant 0.000000e+00 : f32
          %broadcast_in_dim3A_111 = vector.broadcast %jit3A : f32 to vector<16xf32>
          %select_n3A_112 = arith.select %lt3A_1, %div3A, %broadcast_in_dim3A_111 : vector<16xi1>, vector<16xf32>
          %broadcast_in_dim3A_113 = arith.constant 0 : i32
          %broadcast_in_dim3A_114 = vector.broadcast %broadcast_in_dim3A_113 : i32 to vector<16x1xi32>
          %gather3A = vector.shape_cast %broadcast_in_dim3A_114 : vector<16x1xi32> to vector<16xi32>
          %gather3A_115 = tpu.dynamic_gather %select_n3A_112[%gather3A] in [0] : vector<16xf32>, vector<16xi32> -> vector<16xf32>
          %get3A_116 = arith.index_cast %add3A_93 : i32 to index
          %get3A_117 = arith.constant 0 : index
          %get3A_118 = tpu.vector_load %arg19[%get3A_116, %get3A_117] {strides = array<i32>} : memref<128x128xf32, #tpu.memory_space<vmem>>, vector<1x16xf32>,
          %get3A_119 = vector.shape_cast %get3A_118 : vector<1x16xf32> to vector<16xf32>
          %mul3A_120 = arith.mulf %get3A_119, %gather3A_115 : vector<16xf32>
          %swap3A = arith.index_cast %add3A_93 : i32 to index
          %swap3A_121 = arith.constant 0 : index
          %swap3A_122 = tpu.vector_load %arg19[%swap3A, %swap3A_121] {strides = array<i32>} : memref<128x128xf32, #tpu.memory_space<vmem>>, vector<1x16xf32>,
          %swap3A_123 = vector.shape_cast %swap3A_122 : vector<1x16xf32> to vector<16xf32>
          %swap3A_124 = vector.shape_cast %mul3A_120 : vector<16xf32> to vector<1x16xf32>
          tpu.vector_store %arg19[%swap3A, %swap3A_121], %swap3A_124 {strides = array<i32>} : memref<128x128xf32, #tpu.memory_space<vmem>>, vector<1x16xf32>,
          %broadcast_in_dim3A_125 = arith.constant 1 : i32
          %broadcast_in_dim3A_126 = vector.broadcast %broadcast_in_dim3A_125 : i32 to vector<16x1xi32>
          %gather3A_127 = vector.shape_cast %broadcast_in_dim3A_126 : vector<16x1xi32> to vector<16xi32>
          %gather3A_128 = tpu.dynamic_gather %select_n3A_112[%gather3A_127] in [0] : vector<16xf32>, vector<16xi32> -> vector<16xf32>
          %get3A_129 = arith.index_cast %add3A_93 : i32 to index
          %get3A_130 = arith.constant 16 : index
          %get3A_131 = tpu.vector_load %arg19[%get3A_129, %get3A_130] {strides = array<i32>} : memref<128x128xf32, #tpu.memory_space<vmem>>, vector<1x16xf32>,
          %get3A_132 = vector.shape_cast %get3A_131 : vector<1x16xf32> to vector<16xf32>
          %mul3A_133 = arith.mulf %get3A_132, %gather3A_128 : vector<16xf32>
          %swap3A_134 = arith.index_cast %add3A_93 : i32 to index
          %swap3A_135 = arith.constant 16 : index
          %swap3A_136 = tpu.vector_load %arg19[%swap3A_134, %swap3A_135] {strides = array<i32>} : memref<128x128xf32, #tpu.memory_space<vmem>>, vector<1x16xf32>,
          %swap3A_137 = vector.shape_cast %swap3A_136 : vector<1x16xf32> to vector<16xf32>
          %swap3A_138 = vector.shape_cast %mul3A_133 : vector<16xf32> to vector<1x16xf32>
          tpu.vector_store %arg19[%swap3A_134, %swap3A_135], %swap3A_138 {strides = array<i32>} : memref<128x128xf32, #tpu.memory_space<vmem>>, vector<1x16xf32>,
          %broadcast_in_dim3A_139 = arith.constant 2 : i32
          %broadcast_in_dim3A_140 = vector.broadcast %broadcast_in_dim3A_139 : i32 to vector<16x1xi32>
          %gather3A_141 = vector.shape_cast %broadcast_in_dim3A_140 : vector<16x1xi32> to vector<16xi32>
          %gather3A_142 = tpu.dynamic_gather %select_n3A_112[%gather3A_141] in [0] : vector<16xf32>, vector<16xi32> -> vector<16xf32>
          %get3A_143 = arith.index_cast %add3A_93 : i32 to index
          %get3A_144 = arith.constant 32 : index
          %get3A_145 = tpu.vector_load %arg19[%get3A_143, %get3A_144] {strides = array<i32>} : memref<128x128xf32, #tpu.memory_space<vmem>>, vector<1x16xf32>,
          %get3A_146 = vector.shape_cast %get3A_145 : vector<1x16xf32> to vector<16xf32>
          %mul3A_147 = arith.mulf %get3A_146, %gather3A_142 : vector<16xf32>
          %swap3A_148 = arith.index_cast %add3A_93 : i32 to index
          %swap3A_149 = arith.constant 32 : index
          %swap3A_150 = tpu.vector_load %arg19[%swap3A_148, %swap3A_149] {strides = array<i32>} : memref<128x128xf32, #tpu.memory_space<vmem>>, vector<1x16xf32>,
          %swap3A_151 = vector.shape_cast %swap3A_150 : vector<1x16xf32> to vector<16xf32>
          %swap3A_152 = vector.shape_cast %mul3A_147 : vector<16xf32> to vector<1x16xf32>
          tpu.vector_store %arg19[%swap3A_148, %swap3A_149], %swap3A_152 {strides = array<i32>} : memref<128x128xf32, #tpu.memory_space<vmem>>, vector<1x16xf32>,
          %broadcast_in_dim3A_153 = arith.constant 3 : i32
          %broadcast_in_dim3A_154 = vector.broadcast %broadcast_in_dim3A_153 : i32 to vector<16x1xi32>
          %gather3A_155 = vector.shape_cast %broadcast_in_dim3A_154 : vector<16x1xi32> to vector<16xi32>
          %gather3A_156 = tpu.dynamic_gather %select_n3A_112[%gather3A_155] in [0] : vector<16xf32>, vector<16xi32> -> vector<16xf32>
          %get3A_157 = arith.index_cast %add3A_93 : i32 to index
          %get3A_158 = arith.constant 48 : index
          %get3A_159 = tpu.vector_load %arg19[%get3A_157, %get3A_158] {strides = array<i32>} : memref<128x128xf32, #tpu.memory_space<vmem>>, vector<1x16xf32>,
          %get3A_160 = vector.shape_cast %get3A_159 : vector<1x16xf32> to vector<16xf32>
          %mul3A_161 = arith.mulf %get3A_160, %gather3A_156 : vector<16xf32>
          %swap3A_162 = arith.index_cast %add3A_93 : i32 to index
          %swap3A_163 = arith.constant 48 : index
          %swap3A_164 = tpu.vector_load %arg19[%swap3A_162, %swap3A_163] {strides = array<i32>} : memref<128x128xf32, #tpu.memory_space<vmem>>, vector<1x16xf32>,
          %swap3A_165 = vector.shape_cast %swap3A_164 : vector<1x16xf32> to vector<16xf32>
          %swap3A_166 = vector.shape_cast %mul3A_161 : vector<16xf32> to vector<1x16xf32>
          tpu.vector_store %arg19[%swap3A_162, %swap3A_163], %swap3A_166 {strides = array<i32>} : memref<128x128xf32, #tpu.memory_space<vmem>>, vector<1x16xf32>,
          %broadcast_in_dim3A_167 = arith.constant 4 : i32
          %broadcast_in_dim3A_168 = vector.broadcast %broadcast_in_dim3A_167 : i32 to vector<16x1xi32>
          %gather3A_169 = vector.shape_cast %broadcast_in_dim3A_168 : vector<16x1xi32> to vector<16xi32>
          %gather3A_170 = tpu.dynamic_gather %select_n3A_112[%gather3A_169] in [0] : vector<16xf32>, vector<16xi32> -> vector<16xf32>
          %get3A_171 = arith.index_cast %add3A_93 : i32 to index
          %get3A_172 = arith.constant 64 : index
          %get3A_173 = tpu.vector_load %arg19[%get3A_171, %get3A_172] {strides = array<i32>} : memref<128x128xf32, #tpu.memory_space<vmem>>, vector<1x16xf32>,
          %get3A_174 = vector.shape_cast %get3A_173 : vector<1x16xf32> to vector<16xf32>
          %mul3A_175 = arith.mulf %get3A_174, %gather3A_170 : vector<16xf32>
          %swap3A_176 = arith.index_cast %add3A_93 : i32 to index
          %swap3A_177 = arith.constant 64 : index
          %swap3A_178 = tpu.vector_load %arg19[%swap3A_176, %swap3A_177] {strides = array<i32>} : memref<128x128xf32, #tpu.memory_space<vmem>>, vector<1x16xf32>,
          %swap3A_179 = vector.shape_cast %swap3A_178 : vector<1x16xf32> to vector<16xf32>
          %swap3A_180 = vector.shape_cast %mul3A_175 : vector<16xf32> to vector<1x16xf32>
          tpu.vector_store %arg19[%swap3A_176, %swap3A_177], %swap3A_180 {strides = array<i32>} : memref<128x128xf32, #tpu.memory_space<vmem>>, vector<1x16xf32>,
          %broadcast_in_dim3A_181 = arith.constant 5 : i32
          %broadcast_in_dim3A_182 = vector.broadcast %broadcast_in_dim3A_181 : i32 to vector<16x1xi32>
          %gather3A_183 = vector.shape_cast %broadcast_in_dim3A_182 : vector<16x1xi32> to vector<16xi32>
          %gather3A_184 = tpu.dynamic_gather %select_n3A_112[%gather3A_183] in [0] : vector<16xf32>, vector<16xi32> -> vector<16xf32>
          %get3A_185 = arith.index_cast %add3A_93 : i32 to index
          %get3A_186 = arith.constant 80 : index
          %get3A_187 = tpu.vector_load %arg19[%get3A_185, %get3A_186] {strides = array<i32>} : memref<128x128xf32, #tpu.memory_space<vmem>>, vector<1x16xf32>,
          %get3A_188 = vector.shape_cast %get3A_187 : vector<1x16xf32> to vector<16xf32>
          %mul3A_189 = arith.mulf %get3A_188, %gather3A_184 : vector<16xf32>
          %swap3A_190 = arith.index_cast %add3A_93 : i32 to index
          %swap3A_191 = arith.constant 80 : index
          %swap3A_192 = tpu.vector_load %arg19[%swap3A_190, %swap3A_191] {strides = array<i32>} : memref<128x128xf32, #tpu.memory_space<vmem>>, vector<1x16xf32>,
          %swap3A_193 = vector.shape_cast %swap3A_192 : vector<1x16xf32> to vector<16xf32>
          %swap3A_194 = vector.shape_cast %mul3A_189 : vector<16xf32> to vector<1x16xf32>
          tpu.vector_store %arg19[%swap3A_190, %swap3A_191], %swap3A_194 {strides = array<i32>} : memref<128x128xf32, #tpu.memory_space<vmem>>, vector<1x16xf32>,
          %broadcast_in_dim3A_195 = arith.constant 6 : i32
          %broadcast_in_dim3A_196 = vector.broadcast %broadcast_in_dim3A_195 : i32 to vector<16x1xi32>
          %gather3A_197 = vector.shape_cast %broadcast_in_dim3A_196 : vector<16x1xi32> to vector<16xi32>
          %gather3A_198 = tpu.dynamic_gather %select_n3A_112[%gather3A_197] in [0] : vector<16xf32>, vector<16xi32> -> vector<16xf32>
          %get3A_199 = arith.index_cast %add3A_93 : i32 to index
          %get3A_200 = arith.constant 96 : index
          %get3A_201 = tpu.vector_load %arg19[%get3A_199, %get3A_200] {strides = array<i32>} : memref<128x128xf32, #tpu.memory_space<vmem>>, vector<1x16xf32>,
          %get3A_202 = vector.shape_cast %get3A_201 : vector<1x16xf32> to vector<16xf32>
          %mul3A_203 = arith.mulf %get3A_202, %gather3A_198 : vector<16xf32>
          %swap3A_204 = arith.index_cast %add3A_93 : i32 to index
          %swap3A_205 = arith.constant 96 : index
          %swap3A_206 = tpu.vector_load %arg19[%swap3A_204, %swap3A_205] {strides = array<i32>} : memref<128x128xf32, #tpu.memory_space<vmem>>, vector<1x16xf32>,
          %swap3A_207 = vector.shape_cast %swap3A_206 : vector<1x16xf32> to vector<16xf32>
          %swap3A_208 = vector.shape_cast %mul3A_203 : vector<16xf32> to vector<1x16xf32>
          tpu.vector_store %arg19[%swap3A_204, %swap3A_205], %swap3A_208 {strides = array<i32>} : memref<128x128xf32, #tpu.memory_space<vmem>>, vector<1x16xf32>,
          %broadcast_in_dim3A_209 = arith.constant 7 : i32
          %broadcast_in_dim3A_210 = vector.broadcast %broadcast_in_dim3A_209 : i32 to vector<16x1xi32>
          %gather3A_211 = vector.shape_cast %broadcast_in_dim3A_210 : vector<16x1xi32> to vector<16xi32>
          %gather3A_212 = tpu.dynamic_gather %select_n3A_112[%gather3A_211] in [0] : vector<16xf32>, vector<16xi32> -> vector<16xf32>
          %get3A_213 = arith.index_cast %add3A_93 : i32 to index
          %get3A_214 = arith.constant 112 : index
          %get3A_215 = tpu.vector_load %arg19[%get3A_213, %get3A_214] {strides = array<i32>} : memref<128x128xf32, #tpu.memory_space<vmem>>, vector<1x16xf32>,
          %get3A_216 = vector.shape_cast %get3A_215 : vector<1x16xf32> to vector<16xf32>
          %mul3A_217 = arith.mulf %get3A_216, %gather3A_212 : vector<16xf32>
          %swap3A_218 = arith.index_cast %add3A_93 : i32 to index
          %swap3A_219 = arith.constant 112 : index
          %swap3A_220 = tpu.vector_load %arg19[%swap3A_218, %swap3A_219] {strides = array<i32>} : memref<128x128xf32, #tpu.memory_space<vmem>>, vector<1x16xf32>,
          %swap3A_221 = vector.shape_cast %swap3A_220 : vector<1x16xf32> to vector<16xf32>
          %swap3A_222 = vector.shape_cast %mul3A_217 : vector<16xf32> to vector<1x16xf32>
          tpu.vector_store %arg19[%swap3A_218, %swap3A_219], %swap3A_222 {strides = array<i32>} : memref<128x128xf32, #tpu.memory_space<vmem>>, vector<1x16xf32>,
          %mul3A_223 = arith.constant 2 : i32
          %mul3A_224 = arith.muli %mul3A_223, %scan3A_88 : i32
          %add3A_225 = arith.constant 1 : i32
          %add3A_226 = arith.addi %mul3A_224, %add3A_225 : i32
          %get3A_227 = arith.index_cast %add3A_226 : i32 to index
          %get3A_228 = arith.constant 0 : index
          %get3A_229 = tpu.vector_load %arg16[%get3A_227, %get3A_228] {strides = array<i32>} : memref<128x16xf32, #tpu.memory_space<vmem>>, vector<1x16xf32>,
          %get3A_230 = vector.shape_cast %get3A_229 : vector<1x16xf32> to vector<16xf32>
          %get3A_231 = arith.index_cast %add3A_226 : i32 to index
          %get3A_232 = arith.constant 0 : index
          %get3A_233 = tpu.vector_load %arg17[%get3A_231, %get3A_232] {strides = array<i32>} : memref<128x16xf32, #tpu.memory_space<vmem>>, vector<1x16xf32>,
          %get3A_234 = vector.shape_cast %get3A_233 : vector<1x16xf32> to vector<16xf32>
          %add3A_235 = arith.addf %get3A_230, %get3A_234 : vector<16xf32>
          %gt3A_236 = arith.constant 0.000000e+00 : f32
          %gt3A_237 = vector.broadcast %gt3A_236 : f32 to vector<16xf32>
          %gt3A_238 = arith.cmpf ogt, %add3A_235, %gt3A_237 : vector<16xf32>
          %mul3A_239 = arith.constant 2.000000e-01 : f32
          %mul3A_240 = vector.broadcast %mul3A_239 : f32 to vector<16xf32>
          %mul3A_241 = arith.mulf %mul3A_240, %add3A_235 : vector<16xf32>
          %select_n3A_242 = arith.select %gt3A_238, %add3A_235, %mul3A_241 : vector<16xi1>, vector<16xf32>
          %exp3A_243 = math.exp %select_n3A_242 : vector<16xf32>
          %get3A_244 = arith.index_cast %add3A_226 : i32 to index
          %get3A_245 = arith.constant 0 : index
          %get3A_246 = tpu.vector_load %arg18[%get3A_244, %get3A_245] {strides = array<i32>} : memref<128x16xf32, #tpu.memory_space<vmem>>, vector<1x16xf32>,
          %get3A_247 = vector.shape_cast %get3A_246 : vector<1x16xf32> to vector<16xf32>
          %div3A_248 = arith.divf %exp3A_243, %get3A_247 : vector<16xf32>
          %jit3A_249 = arith.constant 0.000000e+00 : f32
          %broadcast_in_dim3A_250 = vector.broadcast %jit3A_249 : f32 to vector<16xf32>
          %select_n3A_251 = arith.select %lt3A_1, %div3A_248, %broadcast_in_dim3A_250 : vector<16xi1>, vector<16xf32>
          %broadcast_in_dim3A_252 = arith.constant 0 : i32
          %broadcast_in_dim3A_253 = vector.broadcast %broadcast_in_dim3A_252 : i32 to vector<16x1xi32>
          %gather3A_254 = vector.shape_cast %broadcast_in_dim3A_253 : vector<16x1xi32> to vector<16xi32>
          %gather3A_255 = tpu.dynamic_gather %select_n3A_251[%gather3A_254] in [0] : vector<16xf32>, vector<16xi32> -> vector<16xf32>
          %get3A_256 = arith.index_cast %add3A_226 : i32 to index
          %get3A_257 = arith.constant 0 : index
          %get3A_258 = tpu.vector_load %arg19[%get3A_256, %get3A_257] {strides = array<i32>} : memref<128x128xf32, #tpu.memory_space<vmem>>, vector<1x16xf32>,
          %get3A_259 = vector.shape_cast %get3A_258 : vector<1x16xf32> to vector<16xf32>
          %mul3A_260 = arith.mulf %get3A_259, %gather3A_255 : vector<16xf32>
          %swap3A_261 = arith.index_cast %add3A_226 : i32 to index
          %swap3A_262 = arith.constant 0 : index
          %swap3A_263 = tpu.vector_load %arg19[%swap3A_261, %swap3A_262] {strides = array<i32>} : memref<128x128xf32, #tpu.memory_space<vmem>>, vector<1x16xf32>,
          %swap3A_264 = vector.shape_cast %swap3A_263 : vector<1x16xf32> to vector<16xf32>
          %swap3A_265 = vector.shape_cast %mul3A_260 : vector<16xf32> to vector<1x16xf32>
          tpu.vector_store %arg19[%swap3A_261, %swap3A_262], %swap3A_265 {strides = array<i32>} : memref<128x128xf32, #tpu.memory_space<vmem>>, vector<1x16xf32>,
          %broadcast_in_dim3A_266 = arith.constant 1 : i32
          %broadcast_in_dim3A_267 = vector.broadcast %broadcast_in_dim3A_266 : i32 to vector<16x1xi32>
          %gather3A_268 = vector.shape_cast %broadcast_in_dim3A_267 : vector<16x1xi32> to vector<16xi32>
          %gather3A_269 = tpu.dynamic_gather %select_n3A_251[%gather3A_268] in [0] : vector<16xf32>, vector<16xi32> -> vector<16xf32>
          %get3A_270 = arith.index_cast %add3A_226 : i32 to index
          %get3A_271 = arith.constant 16 : index
          %get3A_272 = tpu.vector_load %arg19[%get3A_270, %get3A_271] {strides = array<i32>} : memref<128x128xf32, #tpu.memory_space<vmem>>, vector<1x16xf32>,
          %get3A_273 = vector.shape_cast %get3A_272 : vector<1x16xf32> to vector<16xf32>
          %mul3A_274 = arith.mulf %get3A_273, %gather3A_269 : vector<16xf32>
          %swap3A_275 = arith.index_cast %add3A_226 : i32 to index
          %swap3A_276 = arith.constant 16 : index
          %swap3A_277 = tpu.vector_load %arg19[%swap3A_275, %swap3A_276] {strides = array<i32>} : memref<128x128xf32, #tpu.memory_space<vmem>>, vector<1x16xf32>,
          %swap3A_278 = vector.shape_cast %swap3A_277 : vector<1x16xf32> to vector<16xf32>
          %swap3A_279 = vector.shape_cast %mul3A_274 : vector<16xf32> to vector<1x16xf32>
          tpu.vector_store %arg19[%swap3A_275, %swap3A_276], %swap3A_279 {strides = array<i32>} : memref<128x128xf32, #tpu.memory_space<vmem>>, vector<1x16xf32>,
          %broadcast_in_dim3A_280 = arith.constant 2 : i32
          %broadcast_in_dim3A_281 = vector.broadcast %broadcast_in_dim3A_280 : i32 to vector<16x1xi32>
          %gather3A_282 = vector.shape_cast %broadcast_in_dim3A_281 : vector<16x1xi32> to vector<16xi32>
          %gather3A_283 = tpu.dynamic_gather %select_n3A_251[%gather3A_282] in [0] : vector<16xf32>, vector<16xi32> -> vector<16xf32>
          %get3A_284 = arith.index_cast %add3A_226 : i32 to index
          %get3A_285 = arith.constant 32 : index
          %get3A_286 = tpu.vector_load %arg19[%get3A_284, %get3A_285] {strides = array<i32>} : memref<128x128xf32, #tpu.memory_space<vmem>>, vector<1x16xf32>,
          %get3A_287 = vector.shape_cast %get3A_286 : vector<1x16xf32> to vector<16xf32>
          %mul3A_288 = arith.mulf %get3A_287, %gather3A_283 : vector<16xf32>
          %swap3A_289 = arith.index_cast %add3A_226 : i32 to index
          %swap3A_290 = arith.constant 32 : index
          %swap3A_291 = tpu.vector_load %arg19[%swap3A_289, %swap3A_290] {strides = array<i32>} : memref<128x128xf32, #tpu.memory_space<vmem>>, vector<1x16xf32>,
          %swap3A_292 = vector.shape_cast %swap3A_291 : vector<1x16xf32> to vector<16xf32>
          %swap3A_293 = vector.shape_cast %mul3A_288 : vector<16xf32> to vector<1x16xf32>
          tpu.vector_store %arg19[%swap3A_289, %swap3A_290], %swap3A_293 {strides = array<i32>} : memref<128x128xf32, #tpu.memory_space<vmem>>, vector<1x16xf32>,
          %broadcast_in_dim3A_294 = arith.constant 3 : i32
          %broadcast_in_dim3A_295 = vector.broadcast %broadcast_in_dim3A_294 : i32 to vector<16x1xi32>
          %gather3A_296 = vector.shape_cast %broadcast_in_dim3A_295 : vector<16x1xi32> to vector<16xi32>
          %gather3A_297 = tpu.dynamic_gather %select_n3A_251[%gather3A_296] in [0] : vector<16xf32>, vector<16xi32> -> vector<16xf32>
          %get3A_298 = arith.index_cast %add3A_226 : i32 to index
          %get3A_299 = arith.constant 48 : index
          %get3A_300 = tpu.vector_load %arg19[%get3A_298, %get3A_299] {strides = array<i32>} : memref<128x128xf32, #tpu.memory_space<vmem>>, vector<1x16xf32>,
          %get3A_301 = vector.shape_cast %get3A_300 : vector<1x16xf32> to vector<16xf32>
          %mul3A_302 = arith.mulf %get3A_301, %gather3A_297 : vector<16xf32>
          %swap3A_303 = arith.index_cast %add3A_226 : i32 to index
          %swap3A_304 = arith.constant 48 : index
          %swap3A_305 = tpu.vector_load %arg19[%swap3A_303, %swap3A_304] {strides = array<i32>} : memref<128x128xf32, #tpu.memory_space<vmem>>, vector<1x16xf32>,
          %swap3A_306 = vector.shape_cast %swap3A_305 : vector<1x16xf32> to vector<16xf32>
          %swap3A_307 = vector.shape_cast %mul3A_302 : vector<16xf32> to vector<1x16xf32>
          tpu.vector_store %arg19[%swap3A_303, %swap3A_304], %swap3A_307 {strides = array<i32>} : memref<128x128xf32, #tpu.memory_space<vmem>>, vector<1x16xf32>,
          %broadcast_in_dim3A_308 = arith.constant 4 : i32
          %broadcast_in_dim3A_309 = vector.broadcast %broadcast_in_dim3A_308 : i32 to vector<16x1xi32>
          %gather3A_310 = vector.shape_cast %broadcast_in_dim3A_309 : vector<16x1xi32> to vector<16xi32>
          %gather3A_311 = tpu.dynamic_gather %select_n3A_251[%gather3A_310] in [0] : vector<16xf32>, vector<16xi32> -> vector<16xf32>
          %get3A_312 = arith.index_cast %add3A_226 : i32 to index
          %get3A_313 = arith.constant 64 : index
          %get3A_314 = tpu.vector_load %arg19[%get3A_312, %get3A_313] {strides = array<i32>} : memref<128x128xf32, #tpu.memory_space<vmem>>, vector<1x16xf32>,
          %get3A_315 = vector.shape_cast %get3A_314 : vector<1x16xf32> to vector<16xf32>
          %mul3A_316 = arith.mulf %get3A_315, %gather3A_311 : vector<16xf32>
          %swap3A_317 = arith.index_cast %add3A_226 : i32 to index
          %swap3A_318 = arith.constant 64 : index
          %swap3A_319 = tpu.vector_load %arg19[%swap3A_317, %swap3A_318] {strides = array<i32>} : memref<128x128xf32, #tpu.memory_space<vmem>>, vector<1x16xf32>,
          %swap3A_320 = vector.shape_cast %swap3A_319 : vector<1x16xf32> to vector<16xf32>
          %swap3A_321 = vector.shape_cast %mul3A_316 : vector<16xf32> to vector<1x16xf32>
          tpu.vector_store %arg19[%swap3A_317, %swap3A_318], %swap3A_321 {strides = array<i32>} : memref<128x128xf32, #tpu.memory_space<vmem>>, vector<1x16xf32>,
          %broadcast_in_dim3A_322 = arith.constant 5 : i32
          %broadcast_in_dim3A_323 = vector.broadcast %broadcast_in_dim3A_322 : i32 to vector<16x1xi32>
          %gather3A_324 = vector.shape_cast %broadcast_in_dim3A_323 : vector<16x1xi32> to vector<16xi32>
          %gather3A_325 = tpu.dynamic_gather %select_n3A_251[%gather3A_324] in [0] : vector<16xf32>, vector<16xi32> -> vector<16xf32>
          %get3A_326 = arith.index_cast %add3A_226 : i32 to index
          %get3A_327 = arith.constant 80 : index
          %get3A_328 = tpu.vector_load %arg19[%get3A_326, %get3A_327] {strides = array<i32>} : memref<128x128xf32, #tpu.memory_space<vmem>>, vector<1x16xf32>,
          %get3A_329 = vector.shape_cast %get3A_328 : vector<1x16xf32> to vector<16xf32>
          %mul3A_330 = arith.mulf %get3A_329, %gather3A_325 : vector<16xf32>
          %swap3A_331 = arith.index_cast %add3A_226 : i32 to index
          %swap3A_332 = arith.constant 80 : index
          %swap3A_333 = tpu.vector_load %arg19[%swap3A_331, %swap3A_332] {strides = array<i32>} : memref<128x128xf32, #tpu.memory_space<vmem>>, vector<1x16xf32>,
          %swap3A_334 = vector.shape_cast %swap3A_333 : vector<1x16xf32> to vector<16xf32>
          %swap3A_335 = vector.shape_cast %mul3A_330 : vector<16xf32> to vector<1x16xf32>
          tpu.vector_store %arg19[%swap3A_331, %swap3A_332], %swap3A_335 {strides = array<i32>} : memref<128x128xf32, #tpu.memory_space<vmem>>, vector<1x16xf32>,
          %broadcast_in_dim3A_336 = arith.constant 6 : i32
          %broadcast_in_dim3A_337 = vector.broadcast %broadcast_in_dim3A_336 : i32 to vector<16x1xi32>
          %gather3A_338 = vector.shape_cast %broadcast_in_dim3A_337 : vector<16x1xi32> to vector<16xi32>
          %gather3A_339 = tpu.dynamic_gather %select_n3A_251[%gather3A_338] in [0] : vector<16xf32>, vector<16xi32> -> vector<16xf32>
          %get3A_340 = arith.index_cast %add3A_226 : i32 to index
          %get3A_341 = arith.constant 96 : index
          %get3A_342 = tpu.vector_load %arg19[%get3A_340, %get3A_341] {strides = array<i32>} : memref<128x128xf32, #tpu.memory_space<vmem>>, vector<1x16xf32>,
          %get3A_343 = vector.shape_cast %get3A_342 : vector<1x16xf32> to vector<16xf32>
          %mul3A_344 = arith.mulf %get3A_343, %gather3A_339 : vector<16xf32>
          %swap3A_345 = arith.index_cast %add3A_226 : i32 to index
          %swap3A_346 = arith.constant 96 : index
          %swap3A_347 = tpu.vector_load %arg19[%swap3A_345, %swap3A_346] {strides = array<i32>} : memref<128x128xf32, #tpu.memory_space<vmem>>, vector<1x16xf32>,
          %swap3A_348 = vector.shape_cast %swap3A_347 : vector<1x16xf32> to vector<16xf32>
          %swap3A_349 = vector.shape_cast %mul3A_344 : vector<16xf32> to vector<1x16xf32>
          tpu.vector_store %arg19[%swap3A_345, %swap3A_346], %swap3A_349 {strides = array<i32>} : memref<128x128xf32, #tpu.memory_space<vmem>>, vector<1x16xf32>,
          %broadcast_in_dim3A_350 = arith.constant 7 : i32
          %broadcast_in_dim3A_351 = vector.broadcast %broadcast_in_dim3A_350 : i32 to vector<16x1xi32>
          %gather3A_352 = vector.shape_cast %broadcast_in_dim3A_351 : vector<16x1xi32> to vector<16xi32>
          %gather3A_353 = tpu.dynamic_gather %select_n3A_251[%gather3A_352] in [0] : vector<16xf32>, vector<16xi32> -> vector<16xf32>
          %get3A_354 = arith.index_cast %add3A_226 : i32 to index
          %get3A_355 = arith.constant 112 : index
          %get3A_356 = tpu.vector_load %arg19[%get3A_354, %get3A_355] {strides = array<i32>} : memref<128x128xf32, #tpu.memory_space<vmem>>, vector<1x16xf32>,
          %get3A_357 = vector.shape_cast %get3A_356 : vector<1x16xf32> to vector<16xf32>
          %mul3A_358 = arith.mulf %get3A_357, %gather3A_353 : vector<16xf32>
          %swap3A_359 = arith.index_cast %add3A_226 : i32 to index
          %swap3A_360 = arith.constant 112 : index
          %swap3A_361 = tpu.vector_load %arg19[%swap3A_359, %swap3A_360] {strides = array<i32>} : memref<128x128xf32, #tpu.memory_space<vmem>>, vector<1x16xf32>,
          %swap3A_362 = vector.shape_cast %swap3A_361 : vector<1x16xf32> to vector<16xf32>
          %swap3A_363 = vector.shape_cast %mul3A_358 : vector<16xf32> to vector<1x16xf32>
          tpu.vector_store %arg19[%swap3A_359, %swap3A_360], %swap3A_363 {strides = array<i32>} : memref<128x128xf32, #tpu.memory_space<vmem>>, vector<1x16xf32>,
          %scan3A_364 = arith.constant 0 : i32
          scf.yield %scan3A_364 : i32
        }
        %scan3A_86 = arith.constant 64 : i32
        "tpu.region"() ({
          %run_scoped3A_88 = tpu.sem_alloc : memref<!tpu.dma_semaphore, #tpu.memory_space<semaphore_mem>>
          %dma_start3A = arith.constant 0 : i32
          %dma_start3A_89 = arith.constant 0 : i32
          %dma_start3A_90 = tpu.memref_slice %arg13[%dma_start3A, %dma_start3A_89] : memref<10000x128xf32, #tpu.memory_space<vmem_shared>> -> memref<10000x128xf32, #tpu.memory_space<vmem_shared>>
          tpu.enqueue_indirect_dma source(%arg19 : memref<128x128xf32, #tpu.memory_space<vmem>>) target(%dma_start3A_90 : memref<10000x128xf32, #tpu.memory_space<vmem_shared>>) offsets(%arg15 : memref<128xi32, #tpu.memory_space<vmem>>) semaphore(%run_scoped3A_88 : memref<!tpu.dma_semaphore, #tpu.memory_space<semaphore_mem>>) {add = true}
          %dma_wait3A = arith.constant 0 : i32
          %dma_wait3A_91 = arith.constant 0 : i32
          %dma_wait3A_92 = tpu.memref_slice %arg13[%dma_wait3A, %dma_wait3A_91] : memref<10000x128xf32, #tpu.memory_space<vmem_shared>> -> memref<10000x128xf32, #tpu.memory_space<vmem_shared>>
          tpu.wait_indirect_dma semaphore(%run_scoped3A_88 : memref<!tpu.dma_semaphore, #tpu.memory_space<semaphore_mem>>) src(%arg19 : memref<128x128xf32, #tpu.memory_space<vmem>>) dst(%dma_wait3A_92 : memref<10000x128xf32, #tpu.memory_space<vmem_shared>>)
          tpu.yield
        }) : () -> ()
        %scan3A_87 = arith.constant 0 : i32
        scf.yield %scan3A_87 : i32
      }
      %scan3A_55 = arith.constant 78 : i32
      %lt3A_56 = arith.constant 2 : i32
      %lt3A_57 = arith.cmpi slt, %arg1, %lt3A_56 : i32
      %convert_element_type3A_58 = arith.extui %lt3A_57 : i1 to i32
      %cond3A_59 = arith.constant 0 : i32
      %cond3A_60 = arith.cmpi ne, %convert_element_type3A_58, %cond3A_59 : i32
      scf.if %cond3A_60 {
        %add3A_73 = arith.constant 1248 : i32
        %add3A_74 = arith.addi %add3A_73, %arg1 : i32
        %mul3A_75 = arith.constant 128 : i32
        %mul3A_76 = arith.muli %add3A_74, %mul3A_75 : i32
        "tpu.region"() ({
          %run_scoped3A_84 = tpu.sem_alloc : memref<!tpu.dma_semaphore, #tpu.memory_space<semaphore_mem>>
          %dma_start3A = tpu.memref_slice %arg7[%mul3A_76] : memref<160000xi32, #tpu.memory_space<hbm>> -> memref<128xi32, #tpu.memory_space<hbm>>
          %dma_start3A_85 = tpu.memref_slice %arg7[%mul3A_76] : memref<160000xi32, #tpu.memory_space<hbm>> -> memref<128xi32, #tpu.memory_space<hbm>>
          tpu.enqueue_dma source(%dma_start3A_85 : memref<128xi32, #tpu.memory_space<hbm>>) target(%arg14 : memref<128xi32, #tpu.memory_space<vmem>>) target_semaphore(%run_scoped3A_84 : memref<!tpu.dma_semaphore, #tpu.memory_space<semaphore_mem>>)
          %dma_wait3A = tpu.memref_slice %arg7[%mul3A_76] : memref<160000xi32, #tpu.memory_space<hbm>> -> memref<128xi32, #tpu.memory_space<hbm>>
          %dma_wait3A_86 = tpu.memref_slice %arg7[%mul3A_76] : memref<160000xi32, #tpu.memory_space<hbm>> -> memref<128xi32, #tpu.memory_space<hbm>>
          tpu.wait_dma2 semaphore(%run_scoped3A_84 : memref<!tpu.dma_semaphore, #tpu.memory_space<semaphore_mem>>) src(%dma_wait3A_86 : memref<128xi32, #tpu.memory_space<hbm>>) dst(%arg14 : memref<128xi32, #tpu.memory_space<vmem>>)
          tpu.yield
        }) : () -> ()
        "tpu.region"() ({
          %run_scoped3A_84 = tpu.sem_alloc : memref<!tpu.dma_semaphore, #tpu.memory_space<semaphore_mem>>
          %dma_start3A = tpu.memref_slice %arg8[%mul3A_76] : memref<160000xi32, #tpu.memory_space<hbm>> -> memref<128xi32, #tpu.memory_space<hbm>>
          %dma_start3A_85 = tpu.memref_slice %arg8[%mul3A_76] : memref<160000xi32, #tpu.memory_space<hbm>> -> memref<128xi32, #tpu.memory_space<hbm>>
          tpu.enqueue_dma source(%dma_start3A_85 : memref<128xi32, #tpu.memory_space<hbm>>) target(%arg15 : memref<128xi32, #tpu.memory_space<vmem>>) target_semaphore(%run_scoped3A_84 : memref<!tpu.dma_semaphore, #tpu.memory_space<semaphore_mem>>)
          %dma_wait3A = tpu.memref_slice %arg8[%mul3A_76] : memref<160000xi32, #tpu.memory_space<hbm>> -> memref<128xi32, #tpu.memory_space<hbm>>
          %dma_wait3A_86 = tpu.memref_slice %arg8[%mul3A_76] : memref<160000xi32, #tpu.memory_space<hbm>> -> memref<128xi32, #tpu.memory_space<hbm>>
          tpu.wait_dma2 semaphore(%run_scoped3A_84 : memref<!tpu.dma_semaphore, #tpu.memory_space<semaphore_mem>>) src(%dma_wait3A_86 : memref<128xi32, #tpu.memory_space<hbm>>) dst(%arg15 : memref<128xi32, #tpu.memory_space<vmem>>)
          tpu.yield
        }) : () -> ()
        "tpu.region"() ({
          %run_scoped3A_84 = tpu.sem_alloc : memref<!tpu.dma_semaphore, #tpu.memory_space<semaphore_mem>>
          %dma_start3A = arith.constant 0 : i32
          %dma_start3A_85 = arith.constant 0 : i32
          %dma_start3A_86 = tpu.memref_slice %arg3[%dma_start3A, %dma_start3A_85] : memref<10000x16xf32, #tpu.memory_space<hbm>> -> memref<10000x16xf32, #tpu.memory_space<hbm>>
          tpu.enqueue_indirect_dma source(%dma_start3A_86 : memref<10000x16xf32, #tpu.memory_space<hbm>>) target(%arg16 : memref<128x16xf32, #tpu.memory_space<vmem>>) offsets(%arg14 : memref<128xi32, #tpu.memory_space<vmem>>) semaphore(%run_scoped3A_84 : memref<!tpu.dma_semaphore, #tpu.memory_space<semaphore_mem>>)
          %dma_wait3A = arith.constant 0 : i32
          %dma_wait3A_87 = arith.constant 0 : i32
          %dma_wait3A_88 = tpu.memref_slice %arg3[%dma_wait3A, %dma_wait3A_87] : memref<10000x16xf32, #tpu.memory_space<hbm>> -> memref<10000x16xf32, #tpu.memory_space<hbm>>
          tpu.wait_indirect_dma semaphore(%run_scoped3A_84 : memref<!tpu.dma_semaphore, #tpu.memory_space<semaphore_mem>>) src(%dma_wait3A_88 : memref<10000x16xf32, #tpu.memory_space<hbm>>) dst(%arg16 : memref<128x16xf32, #tpu.memory_space<vmem>>)
          tpu.yield
        }) : () -> ()
        "tpu.region"() ({
          %run_scoped3A_84 = tpu.sem_alloc : memref<!tpu.dma_semaphore, #tpu.memory_space<semaphore_mem>>
          %dma_start3A = arith.constant 0 : i32
          %dma_start3A_85 = arith.constant 0 : i32
          %dma_start3A_86 = tpu.memref_slice %arg4[%dma_start3A, %dma_start3A_85] : memref<10000x16xf32, #tpu.memory_space<hbm>> -> memref<10000x16xf32, #tpu.memory_space<hbm>>
          tpu.enqueue_indirect_dma source(%dma_start3A_86 : memref<10000x16xf32, #tpu.memory_space<hbm>>) target(%arg17 : memref<128x16xf32, #tpu.memory_space<vmem>>) offsets(%arg15 : memref<128xi32, #tpu.memory_space<vmem>>) semaphore(%run_scoped3A_84 : memref<!tpu.dma_semaphore, #tpu.memory_space<semaphore_mem>>)
          %dma_wait3A = arith.constant 0 : i32
          %dma_wait3A_87 = arith.constant 0 : i32
          %dma_wait3A_88 = tpu.memref_slice %arg4[%dma_wait3A, %dma_wait3A_87] : memref<10000x16xf32, #tpu.memory_space<hbm>> -> memref<10000x16xf32, #tpu.memory_space<hbm>>
          tpu.wait_indirect_dma semaphore(%run_scoped3A_84 : memref<!tpu.dma_semaphore, #tpu.memory_space<semaphore_mem>>) src(%dma_wait3A_88 : memref<10000x16xf32, #tpu.memory_space<hbm>>) dst(%arg17 : memref<128x16xf32, #tpu.memory_space<vmem>>)
          tpu.yield
        }) : () -> ()
        "tpu.region"() ({
          %run_scoped3A_84 = tpu.sem_alloc : memref<!tpu.dma_semaphore, #tpu.memory_space<semaphore_mem>>
          %dma_start3A = arith.constant 0 : i32
          %dma_start3A_85 = arith.constant 0 : i32
          %dma_start3A_86 = tpu.memref_slice %arg12[%dma_start3A, %dma_start3A_85] : memref<10000x16xf32, #tpu.memory_space<vmem_shared>> -> memref<10000x16xf32, #tpu.memory_space<vmem_shared>>
          tpu.enqueue_indirect_dma source(%dma_start3A_86 : memref<10000x16xf32, #tpu.memory_space<vmem_shared>>) target(%arg18 : memref<128x16xf32, #tpu.memory_space<vmem>>) offsets(%arg15 : memref<128xi32, #tpu.memory_space<vmem>>) semaphore(%run_scoped3A_84 : memref<!tpu.dma_semaphore, #tpu.memory_space<semaphore_mem>>)
          %dma_wait3A = arith.constant 0 : i32
          %dma_wait3A_87 = arith.constant 0 : i32
          %dma_wait3A_88 = tpu.memref_slice %arg12[%dma_wait3A, %dma_wait3A_87] : memref<10000x16xf32, #tpu.memory_space<vmem_shared>> -> memref<10000x16xf32, #tpu.memory_space<vmem_shared>>
          tpu.wait_indirect_dma semaphore(%run_scoped3A_84 : memref<!tpu.dma_semaphore, #tpu.memory_space<semaphore_mem>>) src(%dma_wait3A_88 : memref<10000x16xf32, #tpu.memory_space<vmem_shared>>) dst(%arg18 : memref<128x16xf32, #tpu.memory_space<vmem>>)
          tpu.yield
        }) : () -> ()
        "tpu.region"() ({
          %run_scoped3A_84 = tpu.sem_alloc : memref<!tpu.dma_semaphore, #tpu.memory_space<semaphore_mem>>
          %dma_start3A = arith.constant 0 : i32
          %dma_start3A_85 = arith.constant 0 : i32
          %dma_start3A_86 = tpu.memref_slice %arg2[%dma_start3A, %dma_start3A_85] : memref<10000x128xf32, #tpu.memory_space<hbm>> -> memref<10000x128xf32, #tpu.memory_space<hbm>>
          tpu.enqueue_indirect_dma source(%dma_start3A_86 : memref<10000x128xf32, #tpu.memory_space<hbm>>) target(%arg19 : memref<128x128xf32, #tpu.memory_space<vmem>>) offsets(%arg14 : memref<128xi32, #tpu.memory_space<vmem>>) semaphore(%run_scoped3A_84 : memref<!tpu.dma_semaphore, #tpu.memory_space<semaphore_mem>>)
          %dma_wait3A = arith.constant 0 : i32
          %dma_wait3A_87 = arith.constant 0 : i32
          %dma_wait3A_88 = tpu.memref_slice %arg2[%dma_wait3A, %dma_wait3A_87] : memref<10000x128xf32, #tpu.memory_space<hbm>> -> memref<10000x128xf32, #tpu.memory_space<hbm>>
          tpu.wait_indirect_dma semaphore(%run_scoped3A_84 : memref<!tpu.dma_semaphore, #tpu.memory_space<semaphore_mem>>) src(%dma_wait3A_88 : memref<10000x128xf32, #tpu.memory_space<hbm>>) dst(%arg19 : memref<128x128xf32, #tpu.memory_space<vmem>>)
          tpu.yield
        }) : () -> ()
        %scan3A_77 = arith.constant 0 : i32
        %scan3A_78 = arith.constant 0 : i32
        %scan3A_79 = arith.constant 64 : i32
        %scan3A_80 = arith.addi %scan3A_78, %scan3A_79 : i32
        %scan3A_81 = arith.constant 1 : i32
        %scan3A_82 = scf.for %scan3A_84 = %scan3A_78 to %scan3A_80 step %scan3A_81 iter_args(%scan3A_85 = %scan3A_77) -> (i32)  : i32 {
          %mul3A_86 = arith.constant 2 : i32
          %mul3A_87 = arith.muli %mul3A_86, %scan3A_84 : i32
          %add3A_88 = arith.constant 0 : i32
          %add3A_89 = arith.addi %mul3A_87, %add3A_88 : i32
          %get3A = arith.index_cast %add3A_89 : i32 to index
          %get3A_90 = arith.constant 0 : index
          %get3A_91 = tpu.vector_load %arg16[%get3A, %get3A_90] {strides = array<i32>} : memref<128x16xf32, #tpu.memory_space<vmem>>, vector<1x16xf32>,
          %get3A_92 = vector.shape_cast %get3A_91 : vector<1x16xf32> to vector<16xf32>
          %get3A_93 = arith.index_cast %add3A_89 : i32 to index
          %get3A_94 = arith.constant 0 : index
          %get3A_95 = tpu.vector_load %arg17[%get3A_93, %get3A_94] {strides = array<i32>} : memref<128x16xf32, #tpu.memory_space<vmem>>, vector<1x16xf32>,
          %get3A_96 = vector.shape_cast %get3A_95 : vector<1x16xf32> to vector<16xf32>
          %add3A_97 = arith.addf %get3A_92, %get3A_96 : vector<16xf32>
          %gt3A = arith.constant 0.000000e+00 : f32
          %gt3A_98 = vector.broadcast %gt3A : f32 to vector<16xf32>
          %gt3A_99 = arith.cmpf ogt, %add3A_97, %gt3A_98 : vector<16xf32>
          %mul3A_100 = arith.constant 2.000000e-01 : f32
          %mul3A_101 = vector.broadcast %mul3A_100 : f32 to vector<16xf32>
          %mul3A_102 = arith.mulf %mul3A_101, %add3A_97 : vector<16xf32>
          %select_n3A = arith.select %gt3A_99, %add3A_97, %mul3A_102 : vector<16xi1>, vector<16xf32>
          %exp3A = math.exp %select_n3A : vector<16xf32>
          %get3A_103 = arith.index_cast %add3A_89 : i32 to index
          %get3A_104 = arith.constant 0 : index
          %get3A_105 = tpu.vector_load %arg18[%get3A_103, %get3A_104] {strides = array<i32>} : memref<128x16xf32, #tpu.memory_space<vmem>>, vector<1x16xf32>,
          %get3A_106 = vector.shape_cast %get3A_105 : vector<1x16xf32> to vector<16xf32>
          %div3A = arith.divf %exp3A, %get3A_106 : vector<16xf32>
          %jit3A = arith.constant 0.000000e+00 : f32
          %broadcast_in_dim3A_107 = vector.broadcast %jit3A : f32 to vector<16xf32>
          %select_n3A_108 = arith.select %lt3A_1, %div3A, %broadcast_in_dim3A_107 : vector<16xi1>, vector<16xf32>
          %broadcast_in_dim3A_109 = arith.constant 0 : i32
          %broadcast_in_dim3A_110 = vector.broadcast %broadcast_in_dim3A_109 : i32 to vector<16x1xi32>
          %gather3A = vector.shape_cast %broadcast_in_dim3A_110 : vector<16x1xi32> to vector<16xi32>
          %gather3A_111 = tpu.dynamic_gather %select_n3A_108[%gather3A] in [0] : vector<16xf32>, vector<16xi32> -> vector<16xf32>
          %get3A_112 = arith.index_cast %add3A_89 : i32 to index
          %get3A_113 = arith.constant 0 : index
          %get3A_114 = tpu.vector_load %arg19[%get3A_112, %get3A_113] {strides = array<i32>} : memref<128x128xf32, #tpu.memory_space<vmem>>, vector<1x16xf32>,
          %get3A_115 = vector.shape_cast %get3A_114 : vector<1x16xf32> to vector<16xf32>
          %mul3A_116 = arith.mulf %get3A_115, %gather3A_111 : vector<16xf32>
          %swap3A = arith.index_cast %add3A_89 : i32 to index
          %swap3A_117 = arith.constant 0 : index
          %swap3A_118 = tpu.vector_load %arg19[%swap3A, %swap3A_117] {strides = array<i32>} : memref<128x128xf32, #tpu.memory_space<vmem>>, vector<1x16xf32>,
          %swap3A_119 = vector.shape_cast %swap3A_118 : vector<1x16xf32> to vector<16xf32>
          %swap3A_120 = vector.shape_cast %mul3A_116 : vector<16xf32> to vector<1x16xf32>
          tpu.vector_store %arg19[%swap3A, %swap3A_117], %swap3A_120 {strides = array<i32>} : memref<128x128xf32, #tpu.memory_space<vmem>>, vector<1x16xf32>,
          %broadcast_in_dim3A_121 = arith.constant 1 : i32
          %broadcast_in_dim3A_122 = vector.broadcast %broadcast_in_dim3A_121 : i32 to vector<16x1xi32>
          %gather3A_123 = vector.shape_cast %broadcast_in_dim3A_122 : vector<16x1xi32> to vector<16xi32>
          %gather3A_124 = tpu.dynamic_gather %select_n3A_108[%gather3A_123] in [0] : vector<16xf32>, vector<16xi32> -> vector<16xf32>
          %get3A_125 = arith.index_cast %add3A_89 : i32 to index
          %get3A_126 = arith.constant 16 : index
          %get3A_127 = tpu.vector_load %arg19[%get3A_125, %get3A_126] {strides = array<i32>} : memref<128x128xf32, #tpu.memory_space<vmem>>, vector<1x16xf32>,
          %get3A_128 = vector.shape_cast %get3A_127 : vector<1x16xf32> to vector<16xf32>
          %mul3A_129 = arith.mulf %get3A_128, %gather3A_124 : vector<16xf32>
          %swap3A_130 = arith.index_cast %add3A_89 : i32 to index
          %swap3A_131 = arith.constant 16 : index
          %swap3A_132 = tpu.vector_load %arg19[%swap3A_130, %swap3A_131] {strides = array<i32>} : memref<128x128xf32, #tpu.memory_space<vmem>>, vector<1x16xf32>,
          %swap3A_133 = vector.shape_cast %swap3A_132 : vector<1x16xf32> to vector<16xf32>
          %swap3A_134 = vector.shape_cast %mul3A_129 : vector<16xf32> to vector<1x16xf32>
          tpu.vector_store %arg19[%swap3A_130, %swap3A_131], %swap3A_134 {strides = array<i32>} : memref<128x128xf32, #tpu.memory_space<vmem>>, vector<1x16xf32>,
          %broadcast_in_dim3A_135 = arith.constant 2 : i32
          %broadcast_in_dim3A_136 = vector.broadcast %broadcast_in_dim3A_135 : i32 to vector<16x1xi32>
          %gather3A_137 = vector.shape_cast %broadcast_in_dim3A_136 : vector<16x1xi32> to vector<16xi32>
          %gather3A_138 = tpu.dynamic_gather %select_n3A_108[%gather3A_137] in [0] : vector<16xf32>, vector<16xi32> -> vector<16xf32>
          %get3A_139 = arith.index_cast %add3A_89 : i32 to index
          %get3A_140 = arith.constant 32 : index
          %get3A_141 = tpu.vector_load %arg19[%get3A_139, %get3A_140] {strides = array<i32>} : memref<128x128xf32, #tpu.memory_space<vmem>>, vector<1x16xf32>,
          %get3A_142 = vector.shape_cast %get3A_141 : vector<1x16xf32> to vector<16xf32>
          %mul3A_143 = arith.mulf %get3A_142, %gather3A_138 : vector<16xf32>
          %swap3A_144 = arith.index_cast %add3A_89 : i32 to index
          %swap3A_145 = arith.constant 32 : index
          %swap3A_146 = tpu.vector_load %arg19[%swap3A_144, %swap3A_145] {strides = array<i32>} : memref<128x128xf32, #tpu.memory_space<vmem>>, vector<1x16xf32>,
          %swap3A_147 = vector.shape_cast %swap3A_146 : vector<1x16xf32> to vector<16xf32>
          %swap3A_148 = vector.shape_cast %mul3A_143 : vector<16xf32> to vector<1x16xf32>
          tpu.vector_store %arg19[%swap3A_144, %swap3A_145], %swap3A_148 {strides = array<i32>} : memref<128x128xf32, #tpu.memory_space<vmem>>, vector<1x16xf32>,
          %broadcast_in_dim3A_149 = arith.constant 3 : i32
          %broadcast_in_dim3A_150 = vector.broadcast %broadcast_in_dim3A_149 : i32 to vector<16x1xi32>
          %gather3A_151 = vector.shape_cast %broadcast_in_dim3A_150 : vector<16x1xi32> to vector<16xi32>
          %gather3A_152 = tpu.dynamic_gather %select_n3A_108[%gather3A_151] in [0] : vector<16xf32>, vector<16xi32> -> vector<16xf32>
          %get3A_153 = arith.index_cast %add3A_89 : i32 to index
          %get3A_154 = arith.constant 48 : index
          %get3A_155 = tpu.vector_load %arg19[%get3A_153, %get3A_154] {strides = array<i32>} : memref<128x128xf32, #tpu.memory_space<vmem>>, vector<1x16xf32>,
          %get3A_156 = vector.shape_cast %get3A_155 : vector<1x16xf32> to vector<16xf32>
          %mul3A_157 = arith.mulf %get3A_156, %gather3A_152 : vector<16xf32>
          %swap3A_158 = arith.index_cast %add3A_89 : i32 to index
          %swap3A_159 = arith.constant 48 : index
          %swap3A_160 = tpu.vector_load %arg19[%swap3A_158, %swap3A_159] {strides = array<i32>} : memref<128x128xf32, #tpu.memory_space<vmem>>, vector<1x16xf32>,
          %swap3A_161 = vector.shape_cast %swap3A_160 : vector<1x16xf32> to vector<16xf32>
          %swap3A_162 = vector.shape_cast %mul3A_157 : vector<16xf32> to vector<1x16xf32>
          tpu.vector_store %arg19[%swap3A_158, %swap3A_159], %swap3A_162 {strides = array<i32>} : memref<128x128xf32, #tpu.memory_space<vmem>>, vector<1x16xf32>,
          %broadcast_in_dim3A_163 = arith.constant 4 : i32
          %broadcast_in_dim3A_164 = vector.broadcast %broadcast_in_dim3A_163 : i32 to vector<16x1xi32>
          %gather3A_165 = vector.shape_cast %broadcast_in_dim3A_164 : vector<16x1xi32> to vector<16xi32>
          %gather3A_166 = tpu.dynamic_gather %select_n3A_108[%gather3A_165] in [0] : vector<16xf32>, vector<16xi32> -> vector<16xf32>
          %get3A_167 = arith.index_cast %add3A_89 : i32 to index
          %get3A_168 = arith.constant 64 : index
          %get3A_169 = tpu.vector_load %arg19[%get3A_167, %get3A_168] {strides = array<i32>} : memref<128x128xf32, #tpu.memory_space<vmem>>, vector<1x16xf32>,
          %get3A_170 = vector.shape_cast %get3A_169 : vector<1x16xf32> to vector<16xf32>
          %mul3A_171 = arith.mulf %get3A_170, %gather3A_166 : vector<16xf32>
          %swap3A_172 = arith.index_cast %add3A_89 : i32 to index
          %swap3A_173 = arith.constant 64 : index
          %swap3A_174 = tpu.vector_load %arg19[%swap3A_172, %swap3A_173] {strides = array<i32>} : memref<128x128xf32, #tpu.memory_space<vmem>>, vector<1x16xf32>,
          %swap3A_175 = vector.shape_cast %swap3A_174 : vector<1x16xf32> to vector<16xf32>
          %swap3A_176 = vector.shape_cast %mul3A_171 : vector<16xf32> to vector<1x16xf32>
          tpu.vector_store %arg19[%swap3A_172, %swap3A_173], %swap3A_176 {strides = array<i32>} : memref<128x128xf32, #tpu.memory_space<vmem>>, vector<1x16xf32>,
          %broadcast_in_dim3A_177 = arith.constant 5 : i32
          %broadcast_in_dim3A_178 = vector.broadcast %broadcast_in_dim3A_177 : i32 to vector<16x1xi32>
          %gather3A_179 = vector.shape_cast %broadcast_in_dim3A_178 : vector<16x1xi32> to vector<16xi32>
          %gather3A_180 = tpu.dynamic_gather %select_n3A_108[%gather3A_179] in [0] : vector<16xf32>, vector<16xi32> -> vector<16xf32>
          %get3A_181 = arith.index_cast %add3A_89 : i32 to index
          %get3A_182 = arith.constant 80 : index
          %get3A_183 = tpu.vector_load %arg19[%get3A_181, %get3A_182] {strides = array<i32>} : memref<128x128xf32, #tpu.memory_space<vmem>>, vector<1x16xf32>,
          %get3A_184 = vector.shape_cast %get3A_183 : vector<1x16xf32> to vector<16xf32>
          %mul3A_185 = arith.mulf %get3A_184, %gather3A_180 : vector<16xf32>
          %swap3A_186 = arith.index_cast %add3A_89 : i32 to index
          %swap3A_187 = arith.constant 80 : index
          %swap3A_188 = tpu.vector_load %arg19[%swap3A_186, %swap3A_187] {strides = array<i32>} : memref<128x128xf32, #tpu.memory_space<vmem>>, vector<1x16xf32>,
          %swap3A_189 = vector.shape_cast %swap3A_188 : vector<1x16xf32> to vector<16xf32>
          %swap3A_190 = vector.shape_cast %mul3A_185 : vector<16xf32> to vector<1x16xf32>
          tpu.vector_store %arg19[%swap3A_186, %swap3A_187], %swap3A_190 {strides = array<i32>} : memref<128x128xf32, #tpu.memory_space<vmem>>, vector<1x16xf32>,
          %broadcast_in_dim3A_191 = arith.constant 6 : i32
          %broadcast_in_dim3A_192 = vector.broadcast %broadcast_in_dim3A_191 : i32 to vector<16x1xi32>
          %gather3A_193 = vector.shape_cast %broadcast_in_dim3A_192 : vector<16x1xi32> to vector<16xi32>
          %gather3A_194 = tpu.dynamic_gather %select_n3A_108[%gather3A_193] in [0] : vector<16xf32>, vector<16xi32> -> vector<16xf32>
          %get3A_195 = arith.index_cast %add3A_89 : i32 to index
          %get3A_196 = arith.constant 96 : index
          %get3A_197 = tpu.vector_load %arg19[%get3A_195, %get3A_196] {strides = array<i32>} : memref<128x128xf32, #tpu.memory_space<vmem>>, vector<1x16xf32>,
          %get3A_198 = vector.shape_cast %get3A_197 : vector<1x16xf32> to vector<16xf32>
          %mul3A_199 = arith.mulf %get3A_198, %gather3A_194 : vector<16xf32>
          %swap3A_200 = arith.index_cast %add3A_89 : i32 to index
          %swap3A_201 = arith.constant 96 : index
          %swap3A_202 = tpu.vector_load %arg19[%swap3A_200, %swap3A_201] {strides = array<i32>} : memref<128x128xf32, #tpu.memory_space<vmem>>, vector<1x16xf32>,
          %swap3A_203 = vector.shape_cast %swap3A_202 : vector<1x16xf32> to vector<16xf32>
          %swap3A_204 = vector.shape_cast %mul3A_199 : vector<16xf32> to vector<1x16xf32>
          tpu.vector_store %arg19[%swap3A_200, %swap3A_201], %swap3A_204 {strides = array<i32>} : memref<128x128xf32, #tpu.memory_space<vmem>>, vector<1x16xf32>,
          %broadcast_in_dim3A_205 = arith.constant 7 : i32
          %broadcast_in_dim3A_206 = vector.broadcast %broadcast_in_dim3A_205 : i32 to vector<16x1xi32>
          %gather3A_207 = vector.shape_cast %broadcast_in_dim3A_206 : vector<16x1xi32> to vector<16xi32>
          %gather3A_208 = tpu.dynamic_gather %select_n3A_108[%gather3A_207] in [0] : vector<16xf32>, vector<16xi32> -> vector<16xf32>
          %get3A_209 = arith.index_cast %add3A_89 : i32 to index
          %get3A_210 = arith.constant 112 : index
          %get3A_211 = tpu.vector_load %arg19[%get3A_209, %get3A_210] {strides = array<i32>} : memref<128x128xf32, #tpu.memory_space<vmem>>, vector<1x16xf32>,
          %get3A_212 = vector.shape_cast %get3A_211 : vector<1x16xf32> to vector<16xf32>
          %mul3A_213 = arith.mulf %get3A_212, %gather3A_208 : vector<16xf32>
          %swap3A_214 = arith.index_cast %add3A_89 : i32 to index
          %swap3A_215 = arith.constant 112 : index
          %swap3A_216 = tpu.vector_load %arg19[%swap3A_214, %swap3A_215] {strides = array<i32>} : memref<128x128xf32, #tpu.memory_space<vmem>>, vector<1x16xf32>,
          %swap3A_217 = vector.shape_cast %swap3A_216 : vector<1x16xf32> to vector<16xf32>
          %swap3A_218 = vector.shape_cast %mul3A_213 : vector<16xf32> to vector<1x16xf32>
          tpu.vector_store %arg19[%swap3A_214, %swap3A_215], %swap3A_218 {strides = array<i32>} : memref<128x128xf32, #tpu.memory_space<vmem>>, vector<1x16xf32>,
          %mul3A_219 = arith.constant 2 : i32
          %mul3A_220 = arith.muli %mul3A_219, %scan3A_84 : i32
          %add3A_221 = arith.constant 1 : i32
          %add3A_222 = arith.addi %mul3A_220, %add3A_221 : i32
          %get3A_223 = arith.index_cast %add3A_222 : i32 to index
          %get3A_224 = arith.constant 0 : index
          %get3A_225 = tpu.vector_load %arg16[%get3A_223, %get3A_224] {strides = array<i32>} : memref<128x16xf32, #tpu.memory_space<vmem>>, vector<1x16xf32>,
          %get3A_226 = vector.shape_cast %get3A_225 : vector<1x16xf32> to vector<16xf32>
          %get3A_227 = arith.index_cast %add3A_222 : i32 to index
          %get3A_228 = arith.constant 0 : index
          %get3A_229 = tpu.vector_load %arg17[%get3A_227, %get3A_228] {strides = array<i32>} : memref<128x16xf32, #tpu.memory_space<vmem>>, vector<1x16xf32>,
          %get3A_230 = vector.shape_cast %get3A_229 : vector<1x16xf32> to vector<16xf32>
          %add3A_231 = arith.addf %get3A_226, %get3A_230 : vector<16xf32>
          %gt3A_232 = arith.constant 0.000000e+00 : f32
          %gt3A_233 = vector.broadcast %gt3A_232 : f32 to vector<16xf32>
          %gt3A_234 = arith.cmpf ogt, %add3A_231, %gt3A_233 : vector<16xf32>
          %mul3A_235 = arith.constant 2.000000e-01 : f32
          %mul3A_236 = vector.broadcast %mul3A_235 : f32 to vector<16xf32>
          %mul3A_237 = arith.mulf %mul3A_236, %add3A_231 : vector<16xf32>
          %select_n3A_238 = arith.select %gt3A_234, %add3A_231, %mul3A_237 : vector<16xi1>, vector<16xf32>
          %exp3A_239 = math.exp %select_n3A_238 : vector<16xf32>
          %get3A_240 = arith.index_cast %add3A_222 : i32 to index
          %get3A_241 = arith.constant 0 : index
          %get3A_242 = tpu.vector_load %arg18[%get3A_240, %get3A_241] {strides = array<i32>} : memref<128x16xf32, #tpu.memory_space<vmem>>, vector<1x16xf32>,
          %get3A_243 = vector.shape_cast %get3A_242 : vector<1x16xf32> to vector<16xf32>
          %div3A_244 = arith.divf %exp3A_239, %get3A_243 : vector<16xf32>
          %jit3A_245 = arith.constant 0.000000e+00 : f32
          %broadcast_in_dim3A_246 = vector.broadcast %jit3A_245 : f32 to vector<16xf32>
          %select_n3A_247 = arith.select %lt3A_1, %div3A_244, %broadcast_in_dim3A_246 : vector<16xi1>, vector<16xf32>
          %broadcast_in_dim3A_248 = arith.constant 0 : i32
          %broadcast_in_dim3A_249 = vector.broadcast %broadcast_in_dim3A_248 : i32 to vector<16x1xi32>
          %gather3A_250 = vector.shape_cast %broadcast_in_dim3A_249 : vector<16x1xi32> to vector<16xi32>
          %gather3A_251 = tpu.dynamic_gather %select_n3A_247[%gather3A_250] in [0] : vector<16xf32>, vector<16xi32> -> vector<16xf32>
          %get3A_252 = arith.index_cast %add3A_222 : i32 to index
          %get3A_253 = arith.constant 0 : index
          %get3A_254 = tpu.vector_load %arg19[%get3A_252, %get3A_253] {strides = array<i32>} : memref<128x128xf32, #tpu.memory_space<vmem>>, vector<1x16xf32>,
          %get3A_255 = vector.shape_cast %get3A_254 : vector<1x16xf32> to vector<16xf32>
          %mul3A_256 = arith.mulf %get3A_255, %gather3A_251 : vector<16xf32>
          %swap3A_257 = arith.index_cast %add3A_222 : i32 to index
          %swap3A_258 = arith.constant 0 : index
          %swap3A_259 = tpu.vector_load %arg19[%swap3A_257, %swap3A_258] {strides = array<i32>} : memref<128x128xf32, #tpu.memory_space<vmem>>, vector<1x16xf32>,
          %swap3A_260 = vector.shape_cast %swap3A_259 : vector<1x16xf32> to vector<16xf32>
          %swap3A_261 = vector.shape_cast %mul3A_256 : vector<16xf32> to vector<1x16xf32>
          tpu.vector_store %arg19[%swap3A_257, %swap3A_258], %swap3A_261 {strides = array<i32>} : memref<128x128xf32, #tpu.memory_space<vmem>>, vector<1x16xf32>,
          %broadcast_in_dim3A_262 = arith.constant 1 : i32
          %broadcast_in_dim3A_263 = vector.broadcast %broadcast_in_dim3A_262 : i32 to vector<16x1xi32>
          %gather3A_264 = vector.shape_cast %broadcast_in_dim3A_263 : vector<16x1xi32> to vector<16xi32>
          %gather3A_265 = tpu.dynamic_gather %select_n3A_247[%gather3A_264] in [0] : vector<16xf32>, vector<16xi32> -> vector<16xf32>
          %get3A_266 = arith.index_cast %add3A_222 : i32 to index
          %get3A_267 = arith.constant 16 : index
          %get3A_268 = tpu.vector_load %arg19[%get3A_266, %get3A_267] {strides = array<i32>} : memref<128x128xf32, #tpu.memory_space<vmem>>, vector<1x16xf32>,
          %get3A_269 = vector.shape_cast %get3A_268 : vector<1x16xf32> to vector<16xf32>
          %mul3A_270 = arith.mulf %get3A_269, %gather3A_265 : vector<16xf32>
          %swap3A_271 = arith.index_cast %add3A_222 : i32 to index
          %swap3A_272 = arith.constant 16 : index
          %swap3A_273 = tpu.vector_load %arg19[%swap3A_271, %swap3A_272] {strides = array<i32>} : memref<128x128xf32, #tpu.memory_space<vmem>>, vector<1x16xf32>,
          %swap3A_274 = vector.shape_cast %swap3A_273 : vector<1x16xf32> to vector<16xf32>
          %swap3A_275 = vector.shape_cast %mul3A_270 : vector<16xf32> to vector<1x16xf32>
          tpu.vector_store %arg19[%swap3A_271, %swap3A_272], %swap3A_275 {strides = array<i32>} : memref<128x128xf32, #tpu.memory_space<vmem>>, vector<1x16xf32>,
          %broadcast_in_dim3A_276 = arith.constant 2 : i32
          %broadcast_in_dim3A_277 = vector.broadcast %broadcast_in_dim3A_276 : i32 to vector<16x1xi32>
          %gather3A_278 = vector.shape_cast %broadcast_in_dim3A_277 : vector<16x1xi32> to vector<16xi32>
          %gather3A_279 = tpu.dynamic_gather %select_n3A_247[%gather3A_278] in [0] : vector<16xf32>, vector<16xi32> -> vector<16xf32>
          %get3A_280 = arith.index_cast %add3A_222 : i32 to index
          %get3A_281 = arith.constant 32 : index
          %get3A_282 = tpu.vector_load %arg19[%get3A_280, %get3A_281] {strides = array<i32>} : memref<128x128xf32, #tpu.memory_space<vmem>>, vector<1x16xf32>,
          %get3A_283 = vector.shape_cast %get3A_282 : vector<1x16xf32> to vector<16xf32>
          %mul3A_284 = arith.mulf %get3A_283, %gather3A_279 : vector<16xf32>
          %swap3A_285 = arith.index_cast %add3A_222 : i32 to index
          %swap3A_286 = arith.constant 32 : index
          %swap3A_287 = tpu.vector_load %arg19[%swap3A_285, %swap3A_286] {strides = array<i32>} : memref<128x128xf32, #tpu.memory_space<vmem>>, vector<1x16xf32>,
          %swap3A_288 = vector.shape_cast %swap3A_287 : vector<1x16xf32> to vector<16xf32>
          %swap3A_289 = vector.shape_cast %mul3A_284 : vector<16xf32> to vector<1x16xf32>
          tpu.vector_store %arg19[%swap3A_285, %swap3A_286], %swap3A_289 {strides = array<i32>} : memref<128x128xf32, #tpu.memory_space<vmem>>, vector<1x16xf32>,
          %broadcast_in_dim3A_290 = arith.constant 3 : i32
          %broadcast_in_dim3A_291 = vector.broadcast %broadcast_in_dim3A_290 : i32 to vector<16x1xi32>
          %gather3A_292 = vector.shape_cast %broadcast_in_dim3A_291 : vector<16x1xi32> to vector<16xi32>
          %gather3A_293 = tpu.dynamic_gather %select_n3A_247[%gather3A_292] in [0] : vector<16xf32>, vector<16xi32> -> vector<16xf32>
          %get3A_294 = arith.index_cast %add3A_222 : i32 to index
          %get3A_295 = arith.constant 48 : index
          %get3A_296 = tpu.vector_load %arg19[%get3A_294, %get3A_295] {strides = array<i32>} : memref<128x128xf32, #tpu.memory_space<vmem>>, vector<1x16xf32>,
          %get3A_297 = vector.shape_cast %get3A_296 : vector<1x16xf32> to vector<16xf32>
          %mul3A_298 = arith.mulf %get3A_297, %gather3A_293 : vector<16xf32>
          %swap3A_299 = arith.index_cast %add3A_222 : i32 to index
          %swap3A_300 = arith.constant 48 : index
          %swap3A_301 = tpu.vector_load %arg19[%swap3A_299, %swap3A_300] {strides = array<i32>} : memref<128x128xf32, #tpu.memory_space<vmem>>, vector<1x16xf32>,
          %swap3A_302 = vector.shape_cast %swap3A_301 : vector<1x16xf32> to vector<16xf32>
          %swap3A_303 = vector.shape_cast %mul3A_298 : vector<16xf32> to vector<1x16xf32>
          tpu.vector_store %arg19[%swap3A_299, %swap3A_300], %swap3A_303 {strides = array<i32>} : memref<128x128xf32, #tpu.memory_space<vmem>>, vector<1x16xf32>,
          %broadcast_in_dim3A_304 = arith.constant 4 : i32
          %broadcast_in_dim3A_305 = vector.broadcast %broadcast_in_dim3A_304 : i32 to vector<16x1xi32>
          %gather3A_306 = vector.shape_cast %broadcast_in_dim3A_305 : vector<16x1xi32> to vector<16xi32>
          %gather3A_307 = tpu.dynamic_gather %select_n3A_247[%gather3A_306] in [0] : vector<16xf32>, vector<16xi32> -> vector<16xf32>
          %get3A_308 = arith.index_cast %add3A_222 : i32 to index
          %get3A_309 = arith.constant 64 : index
          %get3A_310 = tpu.vector_load %arg19[%get3A_308, %get3A_309] {strides = array<i32>} : memref<128x128xf32, #tpu.memory_space<vmem>>, vector<1x16xf32>,
          %get3A_311 = vector.shape_cast %get3A_310 : vector<1x16xf32> to vector<16xf32>
          %mul3A_312 = arith.mulf %get3A_311, %gather3A_307 : vector<16xf32>
          %swap3A_313 = arith.index_cast %add3A_222 : i32 to index
          %swap3A_314 = arith.constant 64 : index
          %swap3A_315 = tpu.vector_load %arg19[%swap3A_313, %swap3A_314] {strides = array<i32>} : memref<128x128xf32, #tpu.memory_space<vmem>>, vector<1x16xf32>,
          %swap3A_316 = vector.shape_cast %swap3A_315 : vector<1x16xf32> to vector<16xf32>
          %swap3A_317 = vector.shape_cast %mul3A_312 : vector<16xf32> to vector<1x16xf32>
          tpu.vector_store %arg19[%swap3A_313, %swap3A_314], %swap3A_317 {strides = array<i32>} : memref<128x128xf32, #tpu.memory_space<vmem>>, vector<1x16xf32>,
          %broadcast_in_dim3A_318 = arith.constant 5 : i32
          %broadcast_in_dim3A_319 = vector.broadcast %broadcast_in_dim3A_318 : i32 to vector<16x1xi32>
          %gather3A_320 = vector.shape_cast %broadcast_in_dim3A_319 : vector<16x1xi32> to vector<16xi32>
          %gather3A_321 = tpu.dynamic_gather %select_n3A_247[%gather3A_320] in [0] : vector<16xf32>, vector<16xi32> -> vector<16xf32>
          %get3A_322 = arith.index_cast %add3A_222 : i32 to index
          %get3A_323 = arith.constant 80 : index
          %get3A_324 = tpu.vector_load %arg19[%get3A_322, %get3A_323] {strides = array<i32>} : memref<128x128xf32, #tpu.memory_space<vmem>>, vector<1x16xf32>,
          %get3A_325 = vector.shape_cast %get3A_324 : vector<1x16xf32> to vector<16xf32>
          %mul3A_326 = arith.mulf %get3A_325, %gather3A_321 : vector<16xf32>
          %swap3A_327 = arith.index_cast %add3A_222 : i32 to index
          %swap3A_328 = arith.constant 80 : index
          %swap3A_329 = tpu.vector_load %arg19[%swap3A_327, %swap3A_328] {strides = array<i32>} : memref<128x128xf32, #tpu.memory_space<vmem>>, vector<1x16xf32>,
          %swap3A_330 = vector.shape_cast %swap3A_329 : vector<1x16xf32> to vector<16xf32>
          %swap3A_331 = vector.shape_cast %mul3A_326 : vector<16xf32> to vector<1x16xf32>
          tpu.vector_store %arg19[%swap3A_327, %swap3A_328], %swap3A_331 {strides = array<i32>} : memref<128x128xf32, #tpu.memory_space<vmem>>, vector<1x16xf32>,
          %broadcast_in_dim3A_332 = arith.constant 6 : i32
          %broadcast_in_dim3A_333 = vector.broadcast %broadcast_in_dim3A_332 : i32 to vector<16x1xi32>
          %gather3A_334 = vector.shape_cast %broadcast_in_dim3A_333 : vector<16x1xi32> to vector<16xi32>
          %gather3A_335 = tpu.dynamic_gather %select_n3A_247[%gather3A_334] in [0] : vector<16xf32>, vector<16xi32> -> vector<16xf32>
          %get3A_336 = arith.index_cast %add3A_222 : i32 to index
          %get3A_337 = arith.constant 96 : index
          %get3A_338 = tpu.vector_load %arg19[%get3A_336, %get3A_337] {strides = array<i32>} : memref<128x128xf32, #tpu.memory_space<vmem>>, vector<1x16xf32>,
          %get3A_339 = vector.shape_cast %get3A_338 : vector<1x16xf32> to vector<16xf32>
          %mul3A_340 = arith.mulf %get3A_339, %gather3A_335 : vector<16xf32>
          %swap3A_341 = arith.index_cast %add3A_222 : i32 to index
          %swap3A_342 = arith.constant 96 : index
          %swap3A_343 = tpu.vector_load %arg19[%swap3A_341, %swap3A_342] {strides = array<i32>} : memref<128x128xf32, #tpu.memory_space<vmem>>, vector<1x16xf32>,
          %swap3A_344 = vector.shape_cast %swap3A_343 : vector<1x16xf32> to vector<16xf32>
          %swap3A_345 = vector.shape_cast %mul3A_340 : vector<16xf32> to vector<1x16xf32>
          tpu.vector_store %arg19[%swap3A_341, %swap3A_342], %swap3A_345 {strides = array<i32>} : memref<128x128xf32, #tpu.memory_space<vmem>>, vector<1x16xf32>,
          %broadcast_in_dim3A_346 = arith.constant 7 : i32
          %broadcast_in_dim3A_347 = vector.broadcast %broadcast_in_dim3A_346 : i32 to vector<16x1xi32>
          %gather3A_348 = vector.shape_cast %broadcast_in_dim3A_347 : vector<16x1xi32> to vector<16xi32>
          %gather3A_349 = tpu.dynamic_gather %select_n3A_247[%gather3A_348] in [0] : vector<16xf32>, vector<16xi32> -> vector<16xf32>
          %get3A_350 = arith.index_cast %add3A_222 : i32 to index
          %get3A_351 = arith.constant 112 : index
          %get3A_352 = tpu.vector_load %arg19[%get3A_350, %get3A_351] {strides = array<i32>} : memref<128x128xf32, #tpu.memory_space<vmem>>, vector<1x16xf32>,
          %get3A_353 = vector.shape_cast %get3A_352 : vector<1x16xf32> to vector<16xf32>
          %mul3A_354 = arith.mulf %get3A_353, %gather3A_349 : vector<16xf32>
          %swap3A_355 = arith.index_cast %add3A_222 : i32 to index
          %swap3A_356 = arith.constant 112 : index
          %swap3A_357 = tpu.vector_load %arg19[%swap3A_355, %swap3A_356] {strides = array<i32>} : memref<128x128xf32, #tpu.memory_space<vmem>>, vector<1x16xf32>,
          %swap3A_358 = vector.shape_cast %swap3A_357 : vector<1x16xf32> to vector<16xf32>
          %swap3A_359 = vector.shape_cast %mul3A_354 : vector<16xf32> to vector<1x16xf32>
          tpu.vector_store %arg19[%swap3A_355, %swap3A_356], %swap3A_359 {strides = array<i32>} : memref<128x128xf32, #tpu.memory_space<vmem>>, vector<1x16xf32>,
          %scan3A_360 = arith.constant 0 : i32
          scf.yield %scan3A_360 : i32
        }
        %scan3A_83 = arith.constant 64 : i32
        "tpu.region"() ({
          %run_scoped3A_84 = tpu.sem_alloc : memref<!tpu.dma_semaphore, #tpu.memory_space<semaphore_mem>>
          %dma_start3A = arith.constant 0 : i32
          %dma_start3A_85 = arith.constant 0 : i32
          %dma_start3A_86 = tpu.memref_slice %arg13[%dma_start3A, %dma_start3A_85] : memref<10000x128xf32, #tpu.memory_space<vmem_shared>> -> memref<10000x128xf32, #tpu.memory_space<vmem_shared>>
          tpu.enqueue_indirect_dma source(%arg19 : memref<128x128xf32, #tpu.memory_space<vmem>>) target(%dma_start3A_86 : memref<10000x128xf32, #tpu.memory_space<vmem_shared>>) offsets(%arg15 : memref<128xi32, #tpu.memory_space<vmem>>) semaphore(%run_scoped3A_84 : memref<!tpu.dma_semaphore, #tpu.memory_space<semaphore_mem>>) {add = true}
          %dma_wait3A = arith.constant 0 : i32
          %dma_wait3A_87 = arith.constant 0 : i32
          %dma_wait3A_88 = tpu.memref_slice %arg13[%dma_wait3A, %dma_wait3A_87] : memref<10000x128xf32, #tpu.memory_space<vmem_shared>> -> memref<10000x128xf32, #tpu.memory_space<vmem_shared>>
          tpu.wait_indirect_dma semaphore(%run_scoped3A_84 : memref<!tpu.dma_semaphore, #tpu.memory_space<semaphore_mem>>) src(%arg19 : memref<128x128xf32, #tpu.memory_space<vmem>>) dst(%dma_wait3A_88 : memref<10000x128xf32, #tpu.memory_space<vmem_shared>>)
          tpu.yield
        }) : () -> ()
      } else {
      }
      %barrier3A_61 = arith.constant 0 : index
      tpu.barrier barrier_id(%barrier3A_61)
      %mul3A_62 = arith.constant 78 : i32
      %mul3A_63 = arith.muli %arg1, %mul3A_62 : i32
      %min3A = arith.constant 2 : i32
      %min3A_64 = arith.minsi %arg1, %min3A : i32
      %add3A_65 = arith.addi %mul3A_63, %min3A_64 : i32
      %mul3A_66 = arith.constant 8 : i32
      %mul3A_67 = arith.muli %mul3A_66, %add3A_65 : i32
      %run_scoped3A = arith.constant 0 : i32
      "tpu.region"() ({
        %run_scoped3A_73 = tpu.sem_alloc : memref<!tpu.dma_semaphore, #tpu.memory_space<semaphore_mem>>
        %dma_start3A = arith.constant 0 : i32
        %dma_start3A_74 = tpu.memref_slice %arg11[%run_scoped3A, %mul3A_67, %dma_start3A] : memref<2x10000x128xf32, #tpu.memory_space<hbm>> -> memref<1x624x128xf32, #tpu.memory_space<hbm>>
        %dma_start3A_75 = tpu.memref_squeeze %dma_start3A_74 : memref<1x624x128xf32, #tpu.memory_space<hbm>> -> memref<624x128xf32, #tpu.memory_space<hbm>>
        %dma_start3A_76 = arith.constant 0 : i32
        %dma_start3A_77 = tpu.memref_slice %arg13[%mul3A_67, %dma_start3A_76] : memref<10000x128xf32, #tpu.memory_space<vmem_shared>> -> memref<624x128xf32, #tpu.memory_space<vmem_shared>>
        tpu.enqueue_dma source(%dma_start3A_77 : memref<624x128xf32, #tpu.memory_space<vmem_shared>>) target(%dma_start3A_75 : memref<624x128xf32, #tpu.memory_space<hbm>>) target_semaphore(%run_scoped3A_73 : memref<!tpu.dma_semaphore, #tpu.memory_space<semaphore_mem>>)
        %dma_wait3A = arith.constant 0 : i32
        %dma_wait3A_78 = tpu.memref_slice %arg11[%run_scoped3A, %mul3A_67, %dma_wait3A] : memref<2x10000x128xf32, #tpu.memory_space<hbm>> -> memref<1x624x128xf32, #tpu.memory_space<hbm>>
        %dma_wait3A_79 = tpu.memref_squeeze %dma_wait3A_78 : memref<1x624x128xf32, #tpu.memory_space<hbm>> -> memref<624x128xf32, #tpu.memory_space<hbm>>
        %dma_wait3A_80 = arith.constant 0 : i32
        %dma_wait3A_81 = tpu.memref_slice %arg13[%mul3A_67, %dma_wait3A_80] : memref<10000x128xf32, #tpu.memory_space<vmem_shared>> -> memref<624x128xf32, #tpu.memory_space<vmem_shared>>
        tpu.wait_dma2 semaphore(%run_scoped3A_73 : memref<!tpu.dma_semaphore, #tpu.memory_space<semaphore_mem>>) src(%dma_wait3A_81 : memref<624x128xf32, #tpu.memory_space<vmem_shared>>) dst(%dma_wait3A_79 : memref<624x128xf32, #tpu.memory_space<hbm>>)
        tpu.yield
      }) : () -> ()
      %lt3A_68 = arith.constant 2 : i32
      %lt3A_69 = arith.cmpi slt, %arg1, %lt3A_68 : i32
      %convert_element_type3A_70 = arith.extui %lt3A_69 : i1 to i32
      %cond3A_71 = arith.constant 0 : i32
      %cond3A_72 = arith.cmpi ne, %convert_element_type3A_70, %cond3A_71 : i32
      scf.if %cond3A_72 {
        %add3A_73 = arith.constant 624 : i32
        %add3A_74 = arith.addi %mul3A_67, %add3A_73 : i32
        %add3A_75 = arith.constant 624 : i32
        %add3A_76 = arith.addi %mul3A_67, %add3A_75 : i32
        %run_scoped3A_77 = arith.constant 0 : i32
        "tpu.region"() ({
          %run_scoped3A_78 = tpu.sem_alloc : memref<!tpu.dma_semaphore, #tpu.memory_space<semaphore_mem>>
          %dma_start3A = arith.constant 0 : i32
          %dma_start3A_79 = tpu.memref_slice %arg11[%run_scoped3A_77, %add3A_76, %dma_start3A] : memref<2x10000x128xf32, #tpu.memory_space<hbm>> -> memref<1x8x128xf32, #tpu.memory_space<hbm>>
          %dma_start3A_80 = tpu.memref_squeeze %dma_start3A_79 : memref<1x8x128xf32, #tpu.memory_space<hbm>> -> memref<8x128xf32, #tpu.memory_space<hbm>>
          %dma_start3A_81 = arith.constant 0 : i32
          %dma_start3A_82 = tpu.memref_slice %arg13[%add3A_74, %dma_start3A_81] : memref<10000x128xf32, #tpu.memory_space<vmem_shared>> -> memref<8x128xf32, #tpu.memory_space<vmem_shared>>
          tpu.enqueue_dma source(%dma_start3A_82 : memref<8x128xf32, #tpu.memory_space<vmem_shared>>) target(%dma_start3A_80 : memref<8x128xf32, #tpu.memory_space<hbm>>) target_semaphore(%run_scoped3A_78 : memref<!tpu.dma_semaphore, #tpu.memory_space<semaphore_mem>>)
          %dma_wait3A = arith.constant 0 : i32
          %dma_wait3A_83 = tpu.memref_slice %arg11[%run_scoped3A_77, %add3A_76, %dma_wait3A] : memref<2x10000x128xf32, #tpu.memory_space<hbm>> -> memref<1x8x128xf32, #tpu.memory_space<hbm>>
          %dma_wait3A_84 = tpu.memref_squeeze %dma_wait3A_83 : memref<1x8x128xf32, #tpu.memory_space<hbm>> -> memref<8x128xf32, #tpu.memory_space<hbm>>
          %dma_wait3A_85 = arith.constant 0 : i32
          %dma_wait3A_86 = tpu.memref_slice %arg13[%add3A_74, %dma_wait3A_85] : memref<10000x128xf32, #tpu.memory_space<vmem_shared>> -> memref<8x128xf32, #tpu.memory_space<vmem_shared>>
          tpu.wait_dma2 semaphore(%run_scoped3A_78 : memref<!tpu.dma_semaphore, #tpu.memory_space<semaphore_mem>>) src(%dma_wait3A_86 : memref<8x128xf32, #tpu.memory_space<vmem_shared>>) dst(%dma_wait3A_84 : memref<8x128xf32, #tpu.memory_space<hbm>>)
          tpu.yield
        }) : () -> ()
      } else {
      }
    } else {
    }
    %eq3A_31 = arith.constant 1 : i32
    %eq3A_32 = arith.cmpi eq, %arg0, %eq3A_31 : i32
    %convert_element_type3A_33 = arith.extui %eq3A_32 : i1 to i32
    %cond3A_34 = arith.constant 0 : i32
    %cond3A_35 = arith.cmpi ne, %convert_element_type3A_33, %cond3A_34 : i32
    scf.if %cond3A_35 {
      %scan3A_36 = arith.constant 0 : i32
      %scan3A_37 = arith.constant 0 : i32
      %scan3A_38 = arith.constant 78 : i32
      %scan3A_39 = arith.addi %scan3A_37, %scan3A_38 : i32
      %scan3A_40 = arith.constant 1 : i32
      %scan3A_41 = scf.for %scan3A_73 = %scan3A_37 to %scan3A_39 step %scan3A_40 iter_args(%scan3A_74 = %scan3A_36) -> (i32)  : i32 {
        %mul3A_75 = arith.constant 78 : i32
        %mul3A_76 = arith.muli %arg1, %mul3A_75 : i32
        %add3A_77 = arith.addi %mul3A_76, %scan3A_73 : i32
        %mul3A_78 = arith.constant 128 : i32
        %mul3A_79 = arith.muli %add3A_77, %mul3A_78 : i32
        "tpu.region"() ({
          %run_scoped3A_88 = tpu.sem_alloc : memref<!tpu.dma_semaphore, #tpu.memory_space<semaphore_mem>>
          %dma_start3A = tpu.memref_slice %arg9[%mul3A_79] : memref<160000xi32, #tpu.memory_space<hbm>> -> memref<128xi32, #tpu.memory_space<hbm>>
          %dma_start3A_89 = tpu.memref_slice %arg9[%mul3A_79] : memref<160000xi32, #tpu.memory_space<hbm>> -> memref<128xi32, #tpu.memory_space<hbm>>
          tpu.enqueue_dma source(%dma_start3A_89 : memref<128xi32, #tpu.memory_space<hbm>>) target(%arg14 : memref<128xi32, #tpu.memory_space<vmem>>) target_semaphore(%run_scoped3A_88 : memref<!tpu.dma_semaphore, #tpu.memory_space<semaphore_mem>>)
          %dma_wait3A = tpu.memref_slice %arg9[%mul3A_79] : memref<160000xi32, #tpu.memory_space<hbm>> -> memref<128xi32, #tpu.memory_space<hbm>>
          %dma_wait3A_90 = tpu.memref_slice %arg9[%mul3A_79] : memref<160000xi32, #tpu.memory_space<hbm>> -> memref<128xi32, #tpu.memory_space<hbm>>
          tpu.wait_dma2 semaphore(%run_scoped3A_88 : memref<!tpu.dma_semaphore, #tpu.memory_space<semaphore_mem>>) src(%dma_wait3A_90 : memref<128xi32, #tpu.memory_space<hbm>>) dst(%arg14 : memref<128xi32, #tpu.memory_space<vmem>>)
          tpu.yield
        }) : () -> ()
        "tpu.region"() ({
          %run_scoped3A_88 = tpu.sem_alloc : memref<!tpu.dma_semaphore, #tpu.memory_space<semaphore_mem>>
          %dma_start3A = tpu.memref_slice %arg10[%mul3A_79] : memref<160000xi32, #tpu.memory_space<hbm>> -> memref<128xi32, #tpu.memory_space<hbm>>
          %dma_start3A_89 = tpu.memref_slice %arg10[%mul3A_79] : memref<160000xi32, #tpu.memory_space<hbm>> -> memref<128xi32, #tpu.memory_space<hbm>>
          tpu.enqueue_dma source(%dma_start3A_89 : memref<128xi32, #tpu.memory_space<hbm>>) target(%arg15 : memref<128xi32, #tpu.memory_space<vmem>>) target_semaphore(%run_scoped3A_88 : memref<!tpu.dma_semaphore, #tpu.memory_space<semaphore_mem>>)
          %dma_wait3A = tpu.memref_slice %arg10[%mul3A_79] : memref<160000xi32, #tpu.memory_space<hbm>> -> memref<128xi32, #tpu.memory_space<hbm>>
          %dma_wait3A_90 = tpu.memref_slice %arg10[%mul3A_79] : memref<160000xi32, #tpu.memory_space<hbm>> -> memref<128xi32, #tpu.memory_space<hbm>>
          tpu.wait_dma2 semaphore(%run_scoped3A_88 : memref<!tpu.dma_semaphore, #tpu.memory_space<semaphore_mem>>) src(%dma_wait3A_90 : memref<128xi32, #tpu.memory_space<hbm>>) dst(%arg15 : memref<128xi32, #tpu.memory_space<vmem>>)
          tpu.yield
        }) : () -> ()
        "tpu.region"() ({
          %run_scoped3A_88 = tpu.sem_alloc : memref<!tpu.dma_semaphore, #tpu.memory_space<semaphore_mem>>
          %dma_start3A = arith.constant 0 : i32
          %dma_start3A_89 = arith.constant 0 : i32
          %dma_start3A_90 = tpu.memref_slice %arg5[%dma_start3A, %dma_start3A_89] : memref<10000x16xf32, #tpu.memory_space<hbm>> -> memref<10000x16xf32, #tpu.memory_space<hbm>>
          tpu.enqueue_indirect_dma source(%dma_start3A_90 : memref<10000x16xf32, #tpu.memory_space<hbm>>) target(%arg16 : memref<128x16xf32, #tpu.memory_space<vmem>>) offsets(%arg14 : memref<128xi32, #tpu.memory_space<vmem>>) semaphore(%run_scoped3A_88 : memref<!tpu.dma_semaphore, #tpu.memory_space<semaphore_mem>>)
          %dma_wait3A = arith.constant 0 : i32
          %dma_wait3A_91 = arith.constant 0 : i32
          %dma_wait3A_92 = tpu.memref_slice %arg5[%dma_wait3A, %dma_wait3A_91] : memref<10000x16xf32, #tpu.memory_space<hbm>> -> memref<10000x16xf32, #tpu.memory_space<hbm>>
          tpu.wait_indirect_dma semaphore(%run_scoped3A_88 : memref<!tpu.dma_semaphore, #tpu.memory_space<semaphore_mem>>) src(%dma_wait3A_92 : memref<10000x16xf32, #tpu.memory_space<hbm>>) dst(%arg16 : memref<128x16xf32, #tpu.memory_space<vmem>>)
          tpu.yield
        }) : () -> ()
        "tpu.region"() ({
          %run_scoped3A_88 = tpu.sem_alloc : memref<!tpu.dma_semaphore, #tpu.memory_space<semaphore_mem>>
          %dma_start3A = arith.constant 0 : i32
          %dma_start3A_89 = arith.constant 0 : i32
          %dma_start3A_90 = tpu.memref_slice %arg6[%dma_start3A, %dma_start3A_89] : memref<10000x16xf32, #tpu.memory_space<hbm>> -> memref<10000x16xf32, #tpu.memory_space<hbm>>
          tpu.enqueue_indirect_dma source(%dma_start3A_90 : memref<10000x16xf32, #tpu.memory_space<hbm>>) target(%arg17 : memref<128x16xf32, #tpu.memory_space<vmem>>) offsets(%arg15 : memref<128xi32, #tpu.memory_space<vmem>>) semaphore(%run_scoped3A_88 : memref<!tpu.dma_semaphore, #tpu.memory_space<semaphore_mem>>)
          %dma_wait3A = arith.constant 0 : i32
          %dma_wait3A_91 = arith.constant 0 : i32
          %dma_wait3A_92 = tpu.memref_slice %arg6[%dma_wait3A, %dma_wait3A_91] : memref<10000x16xf32, #tpu.memory_space<hbm>> -> memref<10000x16xf32, #tpu.memory_space<hbm>>
          tpu.wait_indirect_dma semaphore(%run_scoped3A_88 : memref<!tpu.dma_semaphore, #tpu.memory_space<semaphore_mem>>) src(%dma_wait3A_92 : memref<10000x16xf32, #tpu.memory_space<hbm>>) dst(%arg17 : memref<128x16xf32, #tpu.memory_space<vmem>>)
          tpu.yield
        }) : () -> ()
        %scan3A_80 = arith.constant 0 : i32
        %scan3A_81 = arith.constant 0 : i32
        %scan3A_82 = arith.constant 64 : i32
        %scan3A_83 = arith.addi %scan3A_81, %scan3A_82 : i32
        %scan3A_84 = arith.constant 1 : i32
        %scan3A_85 = scf.for %scan3A_88 = %scan3A_81 to %scan3A_83 step %scan3A_84 iter_args(%scan3A_89 = %scan3A_80) -> (i32)  : i32 {
          %mul3A_90 = arith.constant 2 : i32
          %mul3A_91 = arith.muli %mul3A_90, %scan3A_88 : i32
          %add3A_92 = arith.constant 0 : i32
          %add3A_93 = arith.addi %mul3A_91, %add3A_92 : i32
          %get3A = arith.index_cast %add3A_93 : i32 to index
          %get3A_94 = arith.constant 0 : index
          %get3A_95 = tpu.vector_load %arg16[%get3A, %get3A_94] {strides = array<i32>} : memref<128x16xf32, #tpu.memory_space<vmem>>, vector<1x16xf32>,
          %get3A_96 = vector.shape_cast %get3A_95 : vector<1x16xf32> to vector<16xf32>
          %get3A_97 = arith.index_cast %add3A_93 : i32 to index
          %get3A_98 = arith.constant 0 : index
          %get3A_99 = tpu.vector_load %arg17[%get3A_97, %get3A_98] {strides = array<i32>} : memref<128x16xf32, #tpu.memory_space<vmem>>, vector<1x16xf32>,
          %get3A_100 = vector.shape_cast %get3A_99 : vector<1x16xf32> to vector<16xf32>
          %add3A_101 = arith.addf %get3A_96, %get3A_100 : vector<16xf32>
          %gt3A = arith.constant 0.000000e+00 : f32
          %gt3A_102 = vector.broadcast %gt3A : f32 to vector<16xf32>
          %gt3A_103 = arith.cmpf ogt, %add3A_101, %gt3A_102 : vector<16xf32>
          %mul3A_104 = arith.constant 2.000000e-01 : f32
          %mul3A_105 = vector.broadcast %mul3A_104 : f32 to vector<16xf32>
          %mul3A_106 = arith.mulf %mul3A_105, %add3A_101 : vector<16xf32>
          %select_n3A = arith.select %gt3A_103, %add3A_101, %mul3A_106 : vector<16xi1>, vector<16xf32>
          %exp3A = math.exp %select_n3A : vector<16xf32>
          %jit3A = arith.constant 0.000000e+00 : f32
          %broadcast_in_dim3A_107 = vector.broadcast %jit3A : f32 to vector<16xf32>
          %select_n3A_108 = arith.select %lt3A_1, %exp3A, %broadcast_in_dim3A_107 : vector<16xi1>, vector<16xf32>
          %swap3A = arith.index_cast %add3A_93 : i32 to index
          %swap3A_109 = arith.constant 0 : index
          %swap3A_110 = tpu.vector_load %arg18[%swap3A, %swap3A_109] {strides = array<i32>} : memref<128x16xf32, #tpu.memory_space<vmem>>, vector<1x16xf32>,
          %swap3A_111 = vector.shape_cast %swap3A_110 : vector<1x16xf32> to vector<16xf32>
          %swap3A_112 = vector.shape_cast %select_n3A_108 : vector<16xf32> to vector<1x16xf32>
          tpu.vector_store %arg18[%swap3A, %swap3A_109], %swap3A_112 {strides = array<i32>} : memref<128x16xf32, #tpu.memory_space<vmem>>, vector<1x16xf32>,
          %mul3A_113 = arith.constant 2 : i32
          %mul3A_114 = arith.muli %mul3A_113, %scan3A_88 : i32
          %add3A_115 = arith.constant 1 : i32
          %add3A_116 = arith.addi %mul3A_114, %add3A_115 : i32
          %get3A_117 = arith.index_cast %add3A_116 : i32 to index
          %get3A_118 = arith.constant 0 : index
          %get3A_119 = tpu.vector_load %arg16[%get3A_117, %get3A_118] {strides = array<i32>} : memref<128x16xf32, #tpu.memory_space<vmem>>, vector<1x16xf32>,
          %get3A_120 = vector.shape_cast %get3A_119 : vector<1x16xf32> to vector<16xf32>
          %get3A_121 = arith.index_cast %add3A_116 : i32 to index
          %get3A_122 = arith.constant 0 : index
          %get3A_123 = tpu.vector_load %arg17[%get3A_121, %get3A_122] {strides = array<i32>} : memref<128x16xf32, #tpu.memory_space<vmem>>, vector<1x16xf32>,
          %get3A_124 = vector.shape_cast %get3A_123 : vector<1x16xf32> to vector<16xf32>
          %add3A_125 = arith.addf %get3A_120, %get3A_124 : vector<16xf32>
          %gt3A_126 = arith.constant 0.000000e+00 : f32
          %gt3A_127 = vector.broadcast %gt3A_126 : f32 to vector<16xf32>
          %gt3A_128 = arith.cmpf ogt, %add3A_125, %gt3A_127 : vector<16xf32>
          %mul3A_129 = arith.constant 2.000000e-01 : f32
          %mul3A_130 = vector.broadcast %mul3A_129 : f32 to vector<16xf32>
          %mul3A_131 = arith.mulf %mul3A_130, %add3A_125 : vector<16xf32>
          %select_n3A_132 = arith.select %gt3A_128, %add3A_125, %mul3A_131 : vector<16xi1>, vector<16xf32>
          %exp3A_133 = math.exp %select_n3A_132 : vector<16xf32>
          %jit3A_134 = arith.constant 0.000000e+00 : f32
          %broadcast_in_dim3A_135 = vector.broadcast %jit3A_134 : f32 to vector<16xf32>
          %select_n3A_136 = arith.select %lt3A_1, %exp3A_133, %broadcast_in_dim3A_135 : vector<16xi1>, vector<16xf32>
          %swap3A_137 = arith.index_cast %add3A_116 : i32 to index
          %swap3A_138 = arith.constant 0 : index
          %swap3A_139 = tpu.vector_load %arg18[%swap3A_137, %swap3A_138] {strides = array<i32>} : memref<128x16xf32, #tpu.memory_space<vmem>>, vector<1x16xf32>,
          %swap3A_140 = vector.shape_cast %swap3A_139 : vector<1x16xf32> to vector<16xf32>
          %swap3A_141 = vector.shape_cast %select_n3A_136 : vector<16xf32> to vector<1x16xf32>
          tpu.vector_store %arg18[%swap3A_137, %swap3A_138], %swap3A_141 {strides = array<i32>} : memref<128x16xf32, #tpu.memory_space<vmem>>, vector<1x16xf32>,
          %scan3A_142 = arith.constant 0 : i32
          scf.yield %scan3A_142 : i32
        }
        %scan3A_86 = arith.constant 64 : i32
        "tpu.region"() ({
          %run_scoped3A_88 = tpu.sem_alloc : memref<!tpu.dma_semaphore, #tpu.memory_space<semaphore_mem>>
          %dma_start3A = arith.constant 0 : i32
          %dma_start3A_89 = arith.constant 0 : i32
          %dma_start3A_90 = tpu.memref_slice %arg12[%dma_start3A, %dma_start3A_89] : memref<10000x16xf32, #tpu.memory_space<vmem_shared>> -> memref<10000x16xf32, #tpu.memory_space<vmem_shared>>
          tpu.enqueue_indirect_dma source(%arg18 : memref<128x16xf32, #tpu.memory_space<vmem>>) target(%dma_start3A_90 : memref<10000x16xf32, #tpu.memory_space<vmem_shared>>) offsets(%arg15 : memref<128xi32, #tpu.memory_space<vmem>>) semaphore(%run_scoped3A_88 : memref<!tpu.dma_semaphore, #tpu.memory_space<semaphore_mem>>) {add = true}
          %dma_wait3A = arith.constant 0 : i32
          %dma_wait3A_91 = arith.constant 0 : i32
          %dma_wait3A_92 = tpu.memref_slice %arg12[%dma_wait3A, %dma_wait3A_91] : memref<10000x16xf32, #tpu.memory_space<vmem_shared>> -> memref<10000x16xf32, #tpu.memory_space<vmem_shared>>
          tpu.wait_indirect_dma semaphore(%run_scoped3A_88 : memref<!tpu.dma_semaphore, #tpu.memory_space<semaphore_mem>>) src(%arg18 : memref<128x16xf32, #tpu.memory_space<vmem>>) dst(%dma_wait3A_92 : memref<10000x16xf32, #tpu.memory_space<vmem_shared>>)
          tpu.yield
        }) : () -> ()
        %scan3A_87 = arith.constant 0 : i32
        scf.yield %scan3A_87 : i32
      }
      %scan3A_42 = arith.constant 78 : i32
      %lt3A_43 = arith.constant 2 : i32
      %lt3A_44 = arith.cmpi slt, %arg1, %lt3A_43 : i32
      %convert_element_type3A_45 = arith.extui %lt3A_44 : i1 to i32
      %cond3A_46 = arith.constant 0 : i32
      %cond3A_47 = arith.cmpi ne, %convert_element_type3A_45, %cond3A_46 : i32
      scf.if %cond3A_47 {
        %add3A_73 = arith.constant 1248 : i32
        %add3A_74 = arith.addi %add3A_73, %arg1 : i32
        %mul3A_75 = arith.constant 128 : i32
        %mul3A_76 = arith.muli %add3A_74, %mul3A_75 : i32
        "tpu.region"() ({
          %run_scoped3A_84 = tpu.sem_alloc : memref<!tpu.dma_semaphore, #tpu.memory_space<semaphore_mem>>
          %dma_start3A = tpu.memref_slice %arg9[%mul3A_76] : memref<160000xi32, #tpu.memory_space<hbm>> -> memref<128xi32, #tpu.memory_space<hbm>>
          %dma_start3A_85 = tpu.memref_slice %arg9[%mul3A_76] : memref<160000xi32, #tpu.memory_space<hbm>> -> memref<128xi32, #tpu.memory_space<hbm>>
          tpu.enqueue_dma source(%dma_start3A_85 : memref<128xi32, #tpu.memory_space<hbm>>) target(%arg14 : memref<128xi32, #tpu.memory_space<vmem>>) target_semaphore(%run_scoped3A_84 : memref<!tpu.dma_semaphore, #tpu.memory_space<semaphore_mem>>)
          %dma_wait3A = tpu.memref_slice %arg9[%mul3A_76] : memref<160000xi32, #tpu.memory_space<hbm>> -> memref<128xi32, #tpu.memory_space<hbm>>
          %dma_wait3A_86 = tpu.memref_slice %arg9[%mul3A_76] : memref<160000xi32, #tpu.memory_space<hbm>> -> memref<128xi32, #tpu.memory_space<hbm>>
          tpu.wait_dma2 semaphore(%run_scoped3A_84 : memref<!tpu.dma_semaphore, #tpu.memory_space<semaphore_mem>>) src(%dma_wait3A_86 : memref<128xi32, #tpu.memory_space<hbm>>) dst(%arg14 : memref<128xi32, #tpu.memory_space<vmem>>)
          tpu.yield
        }) : () -> ()
        "tpu.region"() ({
          %run_scoped3A_84 = tpu.sem_alloc : memref<!tpu.dma_semaphore, #tpu.memory_space<semaphore_mem>>
          %dma_start3A = tpu.memref_slice %arg10[%mul3A_76] : memref<160000xi32, #tpu.memory_space<hbm>> -> memref<128xi32, #tpu.memory_space<hbm>>
          %dma_start3A_85 = tpu.memref_slice %arg10[%mul3A_76] : memref<160000xi32, #tpu.memory_space<hbm>> -> memref<128xi32, #tpu.memory_space<hbm>>
          tpu.enqueue_dma source(%dma_start3A_85 : memref<128xi32, #tpu.memory_space<hbm>>) target(%arg15 : memref<128xi32, #tpu.memory_space<vmem>>) target_semaphore(%run_scoped3A_84 : memref<!tpu.dma_semaphore, #tpu.memory_space<semaphore_mem>>)
          %dma_wait3A = tpu.memref_slice %arg10[%mul3A_76] : memref<160000xi32, #tpu.memory_space<hbm>> -> memref<128xi32, #tpu.memory_space<hbm>>
          %dma_wait3A_86 = tpu.memref_slice %arg10[%mul3A_76] : memref<160000xi32, #tpu.memory_space<hbm>> -> memref<128xi32, #tpu.memory_space<hbm>>
          tpu.wait_dma2 semaphore(%run_scoped3A_84 : memref<!tpu.dma_semaphore, #tpu.memory_space<semaphore_mem>>) src(%dma_wait3A_86 : memref<128xi32, #tpu.memory_space<hbm>>) dst(%arg15 : memref<128xi32, #tpu.memory_space<vmem>>)
          tpu.yield
        }) : () -> ()
        "tpu.region"() ({
          %run_scoped3A_84 = tpu.sem_alloc : memref<!tpu.dma_semaphore, #tpu.memory_space<semaphore_mem>>
          %dma_start3A = arith.constant 0 : i32
          %dma_start3A_85 = arith.constant 0 : i32
          %dma_start3A_86 = tpu.memref_slice %arg5[%dma_start3A, %dma_start3A_85] : memref<10000x16xf32, #tpu.memory_space<hbm>> -> memref<10000x16xf32, #tpu.memory_space<hbm>>
          tpu.enqueue_indirect_dma source(%dma_start3A_86 : memref<10000x16xf32, #tpu.memory_space<hbm>>) target(%arg16 : memref<128x16xf32, #tpu.memory_space<vmem>>) offsets(%arg14 : memref<128xi32, #tpu.memory_space<vmem>>) semaphore(%run_scoped3A_84 : memref<!tpu.dma_semaphore, #tpu.memory_space<semaphore_mem>>)
          %dma_wait3A = arith.constant 0 : i32
          %dma_wait3A_87 = arith.constant 0 : i32
          %dma_wait3A_88 = tpu.memref_slice %arg5[%dma_wait3A, %dma_wait3A_87] : memref<10000x16xf32, #tpu.memory_space<hbm>> -> memref<10000x16xf32, #tpu.memory_space<hbm>>
          tpu.wait_indirect_dma semaphore(%run_scoped3A_84 : memref<!tpu.dma_semaphore, #tpu.memory_space<semaphore_mem>>) src(%dma_wait3A_88 : memref<10000x16xf32, #tpu.memory_space<hbm>>) dst(%arg16 : memref<128x16xf32, #tpu.memory_space<vmem>>)
          tpu.yield
        }) : () -> ()
        "tpu.region"() ({
          %run_scoped3A_84 = tpu.sem_alloc : memref<!tpu.dma_semaphore, #tpu.memory_space<semaphore_mem>>
          %dma_start3A = arith.constant 0 : i32
          %dma_start3A_85 = arith.constant 0 : i32
          %dma_start3A_86 = tpu.memref_slice %arg6[%dma_start3A, %dma_start3A_85] : memref<10000x16xf32, #tpu.memory_space<hbm>> -> memref<10000x16xf32, #tpu.memory_space<hbm>>
          tpu.enqueue_indirect_dma source(%dma_start3A_86 : memref<10000x16xf32, #tpu.memory_space<hbm>>) target(%arg17 : memref<128x16xf32, #tpu.memory_space<vmem>>) offsets(%arg15 : memref<128xi32, #tpu.memory_space<vmem>>) semaphore(%run_scoped3A_84 : memref<!tpu.dma_semaphore, #tpu.memory_space<semaphore_mem>>)
          %dma_wait3A = arith.constant 0 : i32
          %dma_wait3A_87 = arith.constant 0 : i32
          %dma_wait3A_88 = tpu.memref_slice %arg6[%dma_wait3A, %dma_wait3A_87] : memref<10000x16xf32, #tpu.memory_space<hbm>> -> memref<10000x16xf32, #tpu.memory_space<hbm>>
          tpu.wait_indirect_dma semaphore(%run_scoped3A_84 : memref<!tpu.dma_semaphore, #tpu.memory_space<semaphore_mem>>) src(%dma_wait3A_88 : memref<10000x16xf32, #tpu.memory_space<hbm>>) dst(%arg17 : memref<128x16xf32, #tpu.memory_space<vmem>>)
          tpu.yield
        }) : () -> ()
        %scan3A_77 = arith.constant 0 : i32
        %scan3A_78 = arith.constant 0 : i32
        %scan3A_79 = arith.constant 64 : i32
        %scan3A_80 = arith.addi %scan3A_78, %scan3A_79 : i32
        %scan3A_81 = arith.constant 1 : i32
        %scan3A_82 = scf.for %scan3A_84 = %scan3A_78 to %scan3A_80 step %scan3A_81 iter_args(%scan3A_85 = %scan3A_77) -> (i32)  : i32 {
          %mul3A_86 = arith.constant 2 : i32
          %mul3A_87 = arith.muli %mul3A_86, %scan3A_84 : i32
          %add3A_88 = arith.constant 0 : i32
          %add3A_89 = arith.addi %mul3A_87, %add3A_88 : i32
          %get3A = arith.index_cast %add3A_89 : i32 to index
          %get3A_90 = arith.constant 0 : index
          %get3A_91 = tpu.vector_load %arg16[%get3A, %get3A_90] {strides = array<i32>} : memref<128x16xf32, #tpu.memory_space<vmem>>, vector<1x16xf32>,
          %get3A_92 = vector.shape_cast %get3A_91 : vector<1x16xf32> to vector<16xf32>
          %get3A_93 = arith.index_cast %add3A_89 : i32 to index
          %get3A_94 = arith.constant 0 : index
          %get3A_95 = tpu.vector_load %arg17[%get3A_93, %get3A_94] {strides = array<i32>} : memref<128x16xf32, #tpu.memory_space<vmem>>, vector<1x16xf32>,
          %get3A_96 = vector.shape_cast %get3A_95 : vector<1x16xf32> to vector<16xf32>
          %add3A_97 = arith.addf %get3A_92, %get3A_96 : vector<16xf32>
          %gt3A = arith.constant 0.000000e+00 : f32
          %gt3A_98 = vector.broadcast %gt3A : f32 to vector<16xf32>
          %gt3A_99 = arith.cmpf ogt, %add3A_97, %gt3A_98 : vector<16xf32>
          %mul3A_100 = arith.constant 2.000000e-01 : f32
          %mul3A_101 = vector.broadcast %mul3A_100 : f32 to vector<16xf32>
          %mul3A_102 = arith.mulf %mul3A_101, %add3A_97 : vector<16xf32>
          %select_n3A = arith.select %gt3A_99, %add3A_97, %mul3A_102 : vector<16xi1>, vector<16xf32>
          %exp3A = math.exp %select_n3A : vector<16xf32>
          %jit3A = arith.constant 0.000000e+00 : f32
          %broadcast_in_dim3A_103 = vector.broadcast %jit3A : f32 to vector<16xf32>
          %select_n3A_104 = arith.select %lt3A_1, %exp3A, %broadcast_in_dim3A_103 : vector<16xi1>, vector<16xf32>
          %swap3A = arith.index_cast %add3A_89 : i32 to index
          %swap3A_105 = arith.constant 0 : index
          %swap3A_106 = tpu.vector_load %arg18[%swap3A, %swap3A_105] {strides = array<i32>} : memref<128x16xf32, #tpu.memory_space<vmem>>, vector<1x16xf32>,
          %swap3A_107 = vector.shape_cast %swap3A_106 : vector<1x16xf32> to vector<16xf32>
          %swap3A_108 = vector.shape_cast %select_n3A_104 : vector<16xf32> to vector<1x16xf32>
          tpu.vector_store %arg18[%swap3A, %swap3A_105], %swap3A_108 {strides = array<i32>} : memref<128x16xf32, #tpu.memory_space<vmem>>, vector<1x16xf32>,
          %mul3A_109 = arith.constant 2 : i32
          %mul3A_110 = arith.muli %mul3A_109, %scan3A_84 : i32
          %add3A_111 = arith.constant 1 : i32
          %add3A_112 = arith.addi %mul3A_110, %add3A_111 : i32
          %get3A_113 = arith.index_cast %add3A_112 : i32 to index
          %get3A_114 = arith.constant 0 : index
          %get3A_115 = tpu.vector_load %arg16[%get3A_113, %get3A_114] {strides = array<i32>} : memref<128x16xf32, #tpu.memory_space<vmem>>, vector<1x16xf32>,
          %get3A_116 = vector.shape_cast %get3A_115 : vector<1x16xf32> to vector<16xf32>
          %get3A_117 = arith.index_cast %add3A_112 : i32 to index
          %get3A_118 = arith.constant 0 : index
          %get3A_119 = tpu.vector_load %arg17[%get3A_117, %get3A_118] {strides = array<i32>} : memref<128x16xf32, #tpu.memory_space<vmem>>, vector<1x16xf32>,
          %get3A_120 = vector.shape_cast %get3A_119 : vector<1x16xf32> to vector<16xf32>
          %add3A_121 = arith.addf %get3A_116, %get3A_120 : vector<16xf32>
          %gt3A_122 = arith.constant 0.000000e+00 : f32
          %gt3A_123 = vector.broadcast %gt3A_122 : f32 to vector<16xf32>
          %gt3A_124 = arith.cmpf ogt, %add3A_121, %gt3A_123 : vector<16xf32>
          %mul3A_125 = arith.constant 2.000000e-01 : f32
          %mul3A_126 = vector.broadcast %mul3A_125 : f32 to vector<16xf32>
          %mul3A_127 = arith.mulf %mul3A_126, %add3A_121 : vector<16xf32>
          %select_n3A_128 = arith.select %gt3A_124, %add3A_121, %mul3A_127 : vector<16xi1>, vector<16xf32>
          %exp3A_129 = math.exp %select_n3A_128 : vector<16xf32>
          %jit3A_130 = arith.constant 0.000000e+00 : f32
          %broadcast_in_dim3A_131 = vector.broadcast %jit3A_130 : f32 to vector<16xf32>
          %select_n3A_132 = arith.select %lt3A_1, %exp3A_129, %broadcast_in_dim3A_131 : vector<16xi1>, vector<16xf32>
          %swap3A_133 = arith.index_cast %add3A_112 : i32 to index
          %swap3A_134 = arith.constant 0 : index
          %swap3A_135 = tpu.vector_load %arg18[%swap3A_133, %swap3A_134] {strides = array<i32>} : memref<128x16xf32, #tpu.memory_space<vmem>>, vector<1x16xf32>,
          %swap3A_136 = vector.shape_cast %swap3A_135 : vector<1x16xf32> to vector<16xf32>
          %swap3A_137 = vector.shape_cast %select_n3A_132 : vector<16xf32> to vector<1x16xf32>
          tpu.vector_store %arg18[%swap3A_133, %swap3A_134], %swap3A_137 {strides = array<i32>} : memref<128x16xf32, #tpu.memory_space<vmem>>, vector<1x16xf32>,
          %scan3A_138 = arith.constant 0 : i32
          scf.yield %scan3A_138 : i32
        }
        %scan3A_83 = arith.constant 64 : i32
        "tpu.region"() ({
          %run_scoped3A_84 = tpu.sem_alloc : memref<!tpu.dma_semaphore, #tpu.memory_space<semaphore_mem>>
          %dma_start3A = arith.constant 0 : i32
          %dma_start3A_85 = arith.constant 0 : i32
          %dma_start3A_86 = tpu.memref_slice %arg12[%dma_start3A, %dma_start3A_85] : memref<10000x16xf32, #tpu.memory_space<vmem_shared>> -> memref<10000x16xf32, #tpu.memory_space<vmem_shared>>
          tpu.enqueue_indirect_dma source(%arg18 : memref<128x16xf32, #tpu.memory_space<vmem>>) target(%dma_start3A_86 : memref<10000x16xf32, #tpu.memory_space<vmem_shared>>) offsets(%arg15 : memref<128xi32, #tpu.memory_space<vmem>>) semaphore(%run_scoped3A_84 : memref<!tpu.dma_semaphore, #tpu.memory_space<semaphore_mem>>) {add = true}
          %dma_wait3A = arith.constant 0 : i32
          %dma_wait3A_87 = arith.constant 0 : i32
          %dma_wait3A_88 = tpu.memref_slice %arg12[%dma_wait3A, %dma_wait3A_87] : memref<10000x16xf32, #tpu.memory_space<vmem_shared>> -> memref<10000x16xf32, #tpu.memory_space<vmem_shared>>
          tpu.wait_indirect_dma semaphore(%run_scoped3A_84 : memref<!tpu.dma_semaphore, #tpu.memory_space<semaphore_mem>>) src(%arg18 : memref<128x16xf32, #tpu.memory_space<vmem>>) dst(%dma_wait3A_88 : memref<10000x16xf32, #tpu.memory_space<vmem_shared>>)
          tpu.yield
        }) : () -> ()
      } else {
      }
      %barrier3A_48 = arith.constant 0 : index
      tpu.barrier barrier_id(%barrier3A_48)
      %scan3A_49 = arith.constant 0 : i32
      %scan3A_50 = arith.constant 0 : i32
      %scan3A_51 = arith.constant 78 : i32
      %scan3A_52 = arith.addi %scan3A_50, %scan3A_51 : i32
      %scan3A_53 = arith.constant 1 : i32
      %scan3A_54 = scf.for %scan3A_73 = %scan3A_50 to %scan3A_52 step %scan3A_53 iter_args(%scan3A_74 = %scan3A_49) -> (i32)  : i32 {
        %mul3A_75 = arith.constant 78 : i32
        %mul3A_76 = arith.muli %arg1, %mul3A_75 : i32
        %add3A_77 = arith.addi %mul3A_76, %scan3A_73 : i32
        %mul3A_78 = arith.constant 128 : i32
        %mul3A_79 = arith.muli %add3A_77, %mul3A_78 : i32
        "tpu.region"() ({
          %run_scoped3A_88 = tpu.sem_alloc : memref<!tpu.dma_semaphore, #tpu.memory_space<semaphore_mem>>
          %dma_start3A = tpu.memref_slice %arg9[%mul3A_79] : memref<160000xi32, #tpu.memory_space<hbm>> -> memref<128xi32, #tpu.memory_space<hbm>>
          %dma_start3A_89 = tpu.memref_slice %arg9[%mul3A_79] : memref<160000xi32, #tpu.memory_space<hbm>> -> memref<128xi32, #tpu.memory_space<hbm>>
          tpu.enqueue_dma source(%dma_start3A_89 : memref<128xi32, #tpu.memory_space<hbm>>) target(%arg14 : memref<128xi32, #tpu.memory_space<vmem>>) target_semaphore(%run_scoped3A_88 : memref<!tpu.dma_semaphore, #tpu.memory_space<semaphore_mem>>)
          %dma_wait3A = tpu.memref_slice %arg9[%mul3A_79] : memref<160000xi32, #tpu.memory_space<hbm>> -> memref<128xi32, #tpu.memory_space<hbm>>
          %dma_wait3A_90 = tpu.memref_slice %arg9[%mul3A_79] : memref<160000xi32, #tpu.memory_space<hbm>> -> memref<128xi32, #tpu.memory_space<hbm>>
          tpu.wait_dma2 semaphore(%run_scoped3A_88 : memref<!tpu.dma_semaphore, #tpu.memory_space<semaphore_mem>>) src(%dma_wait3A_90 : memref<128xi32, #tpu.memory_space<hbm>>) dst(%arg14 : memref<128xi32, #tpu.memory_space<vmem>>)
          tpu.yield
        }) : () -> ()
        "tpu.region"() ({
          %run_scoped3A_88 = tpu.sem_alloc : memref<!tpu.dma_semaphore, #tpu.memory_space<semaphore_mem>>
          %dma_start3A = tpu.memref_slice %arg10[%mul3A_79] : memref<160000xi32, #tpu.memory_space<hbm>> -> memref<128xi32, #tpu.memory_space<hbm>>
          %dma_start3A_89 = tpu.memref_slice %arg10[%mul3A_79] : memref<160000xi32, #tpu.memory_space<hbm>> -> memref<128xi32, #tpu.memory_space<hbm>>
          tpu.enqueue_dma source(%dma_start3A_89 : memref<128xi32, #tpu.memory_space<hbm>>) target(%arg15 : memref<128xi32, #tpu.memory_space<vmem>>) target_semaphore(%run_scoped3A_88 : memref<!tpu.dma_semaphore, #tpu.memory_space<semaphore_mem>>)
          %dma_wait3A = tpu.memref_slice %arg10[%mul3A_79] : memref<160000xi32, #tpu.memory_space<hbm>> -> memref<128xi32, #tpu.memory_space<hbm>>
          %dma_wait3A_90 = tpu.memref_slice %arg10[%mul3A_79] : memref<160000xi32, #tpu.memory_space<hbm>> -> memref<128xi32, #tpu.memory_space<hbm>>
          tpu.wait_dma2 semaphore(%run_scoped3A_88 : memref<!tpu.dma_semaphore, #tpu.memory_space<semaphore_mem>>) src(%dma_wait3A_90 : memref<128xi32, #tpu.memory_space<hbm>>) dst(%arg15 : memref<128xi32, #tpu.memory_space<vmem>>)
          tpu.yield
        }) : () -> ()
        "tpu.region"() ({
          %run_scoped3A_88 = tpu.sem_alloc : memref<!tpu.dma_semaphore, #tpu.memory_space<semaphore_mem>>
          %dma_start3A = arith.constant 0 : i32
          %dma_start3A_89 = arith.constant 0 : i32
          %dma_start3A_90 = tpu.memref_slice %arg5[%dma_start3A, %dma_start3A_89] : memref<10000x16xf32, #tpu.memory_space<hbm>> -> memref<10000x16xf32, #tpu.memory_space<hbm>>
          tpu.enqueue_indirect_dma source(%dma_start3A_90 : memref<10000x16xf32, #tpu.memory_space<hbm>>) target(%arg16 : memref<128x16xf32, #tpu.memory_space<vmem>>) offsets(%arg14 : memref<128xi32, #tpu.memory_space<vmem>>) semaphore(%run_scoped3A_88 : memref<!tpu.dma_semaphore, #tpu.memory_space<semaphore_mem>>)
          %dma_wait3A = arith.constant 0 : i32
          %dma_wait3A_91 = arith.constant 0 : i32
          %dma_wait3A_92 = tpu.memref_slice %arg5[%dma_wait3A, %dma_wait3A_91] : memref<10000x16xf32, #tpu.memory_space<hbm>> -> memref<10000x16xf32, #tpu.memory_space<hbm>>
          tpu.wait_indirect_dma semaphore(%run_scoped3A_88 : memref<!tpu.dma_semaphore, #tpu.memory_space<semaphore_mem>>) src(%dma_wait3A_92 : memref<10000x16xf32, #tpu.memory_space<hbm>>) dst(%arg16 : memref<128x16xf32, #tpu.memory_space<vmem>>)
          tpu.yield
        }) : () -> ()
        "tpu.region"() ({
          %run_scoped3A_88 = tpu.sem_alloc : memref<!tpu.dma_semaphore, #tpu.memory_space<semaphore_mem>>
          %dma_start3A = arith.constant 0 : i32
          %dma_start3A_89 = arith.constant 0 : i32
          %dma_start3A_90 = tpu.memref_slice %arg6[%dma_start3A, %dma_start3A_89] : memref<10000x16xf32, #tpu.memory_space<hbm>> -> memref<10000x16xf32, #tpu.memory_space<hbm>>
          tpu.enqueue_indirect_dma source(%dma_start3A_90 : memref<10000x16xf32, #tpu.memory_space<hbm>>) target(%arg17 : memref<128x16xf32, #tpu.memory_space<vmem>>) offsets(%arg15 : memref<128xi32, #tpu.memory_space<vmem>>) semaphore(%run_scoped3A_88 : memref<!tpu.dma_semaphore, #tpu.memory_space<semaphore_mem>>)
          %dma_wait3A = arith.constant 0 : i32
          %dma_wait3A_91 = arith.constant 0 : i32
          %dma_wait3A_92 = tpu.memref_slice %arg6[%dma_wait3A, %dma_wait3A_91] : memref<10000x16xf32, #tpu.memory_space<hbm>> -> memref<10000x16xf32, #tpu.memory_space<hbm>>
          tpu.wait_indirect_dma semaphore(%run_scoped3A_88 : memref<!tpu.dma_semaphore, #tpu.memory_space<semaphore_mem>>) src(%dma_wait3A_92 : memref<10000x16xf32, #tpu.memory_space<hbm>>) dst(%arg17 : memref<128x16xf32, #tpu.memory_space<vmem>>)
          tpu.yield
        }) : () -> ()
        "tpu.region"() ({
          %run_scoped3A_88 = tpu.sem_alloc : memref<!tpu.dma_semaphore, #tpu.memory_space<semaphore_mem>>
          %dma_start3A = arith.constant 0 : i32
          %dma_start3A_89 = arith.constant 0 : i32
          %dma_start3A_90 = tpu.memref_slice %arg12[%dma_start3A, %dma_start3A_89] : memref<10000x16xf32, #tpu.memory_space<vmem_shared>> -> memref<10000x16xf32, #tpu.memory_space<vmem_shared>>
          tpu.enqueue_indirect_dma source(%dma_start3A_90 : memref<10000x16xf32, #tpu.memory_space<vmem_shared>>) target(%arg18 : memref<128x16xf32, #tpu.memory_space<vmem>>) offsets(%arg15 : memref<128xi32, #tpu.memory_space<vmem>>) semaphore(%run_scoped3A_88 : memref<!tpu.dma_semaphore, #tpu.memory_space<semaphore_mem>>)
          %dma_wait3A = arith.constant 0 : i32
          %dma_wait3A_91 = arith.constant 0 : i32
          %dma_wait3A_92 = tpu.memref_slice %arg12[%dma_wait3A, %dma_wait3A_91] : memref<10000x16xf32, #tpu.memory_space<vmem_shared>> -> memref<10000x16xf32, #tpu.memory_space<vmem_shared>>
          tpu.wait_indirect_dma semaphore(%run_scoped3A_88 : memref<!tpu.dma_semaphore, #tpu.memory_space<semaphore_mem>>) src(%dma_wait3A_92 : memref<10000x16xf32, #tpu.memory_space<vmem_shared>>) dst(%arg18 : memref<128x16xf32, #tpu.memory_space<vmem>>)
          tpu.yield
        }) : () -> ()
        "tpu.region"() ({
          %run_scoped3A_88 = tpu.sem_alloc : memref<!tpu.dma_semaphore, #tpu.memory_space<semaphore_mem>>
          %dma_start3A = arith.constant 0 : i32
          %dma_start3A_89 = arith.constant 0 : i32
          %dma_start3A_90 = tpu.memref_slice %arg2[%dma_start3A, %dma_start3A_89] : memref<10000x128xf32, #tpu.memory_space<hbm>> -> memref<10000x128xf32, #tpu.memory_space<hbm>>
          tpu.enqueue_indirect_dma source(%dma_start3A_90 : memref<10000x128xf32, #tpu.memory_space<hbm>>) target(%arg19 : memref<128x128xf32, #tpu.memory_space<vmem>>) offsets(%arg14 : memref<128xi32, #tpu.memory_space<vmem>>) semaphore(%run_scoped3A_88 : memref<!tpu.dma_semaphore, #tpu.memory_space<semaphore_mem>>)
          %dma_wait3A = arith.constant 0 : i32
          %dma_wait3A_91 = arith.constant 0 : i32
          %dma_wait3A_92 = tpu.memref_slice %arg2[%dma_wait3A, %dma_wait3A_91] : memref<10000x128xf32, #tpu.memory_space<hbm>> -> memref<10000x128xf32, #tpu.memory_space<hbm>>
          tpu.wait_indirect_dma semaphore(%run_scoped3A_88 : memref<!tpu.dma_semaphore, #tpu.memory_space<semaphore_mem>>) src(%dma_wait3A_92 : memref<10000x128xf32, #tpu.memory_space<hbm>>) dst(%arg19 : memref<128x128xf32, #tpu.memory_space<vmem>>)
          tpu.yield
        }) : () -> ()
        %scan3A_80 = arith.constant 0 : i32
        %scan3A_81 = arith.constant 0 : i32
        %scan3A_82 = arith.constant 64 : i32
        %scan3A_83 = arith.addi %scan3A_81, %scan3A_82 : i32
        %scan3A_84 = arith.constant 1 : i32
        %scan3A_85 = scf.for %scan3A_88 = %scan3A_81 to %scan3A_83 step %scan3A_84 iter_args(%scan3A_89 = %scan3A_80) -> (i32)  : i32 {
          %mul3A_90 = arith.constant 2 : i32
          %mul3A_91 = arith.muli %mul3A_90, %scan3A_88 : i32
          %add3A_92 = arith.constant 0 : i32
          %add3A_93 = arith.addi %mul3A_91, %add3A_92 : i32
          %get3A = arith.index_cast %add3A_93 : i32 to index
          %get3A_94 = arith.constant 0 : index
          %get3A_95 = tpu.vector_load %arg16[%get3A, %get3A_94] {strides = array<i32>} : memref<128x16xf32, #tpu.memory_space<vmem>>, vector<1x16xf32>,
          %get3A_96 = vector.shape_cast %get3A_95 : vector<1x16xf32> to vector<16xf32>
          %get3A_97 = arith.index_cast %add3A_93 : i32 to index
          %get3A_98 = arith.constant 0 : index
          %get3A_99 = tpu.vector_load %arg17[%get3A_97, %get3A_98] {strides = array<i32>} : memref<128x16xf32, #tpu.memory_space<vmem>>, vector<1x16xf32>,
          %get3A_100 = vector.shape_cast %get3A_99 : vector<1x16xf32> to vector<16xf32>
          %add3A_101 = arith.addf %get3A_96, %get3A_100 : vector<16xf32>
          %gt3A = arith.constant 0.000000e+00 : f32
          %gt3A_102 = vector.broadcast %gt3A : f32 to vector<16xf32>
          %gt3A_103 = arith.cmpf ogt, %add3A_101, %gt3A_102 : vector<16xf32>
          %mul3A_104 = arith.constant 2.000000e-01 : f32
          %mul3A_105 = vector.broadcast %mul3A_104 : f32 to vector<16xf32>
          %mul3A_106 = arith.mulf %mul3A_105, %add3A_101 : vector<16xf32>
          %select_n3A = arith.select %gt3A_103, %add3A_101, %mul3A_106 : vector<16xi1>, vector<16xf32>
          %exp3A = math.exp %select_n3A : vector<16xf32>
          %get3A_107 = arith.index_cast %add3A_93 : i32 to index
          %get3A_108 = arith.constant 0 : index
          %get3A_109 = tpu.vector_load %arg18[%get3A_107, %get3A_108] {strides = array<i32>} : memref<128x16xf32, #tpu.memory_space<vmem>>, vector<1x16xf32>,
          %get3A_110 = vector.shape_cast %get3A_109 : vector<1x16xf32> to vector<16xf32>
          %div3A = arith.divf %exp3A, %get3A_110 : vector<16xf32>
          %jit3A = arith.constant 0.000000e+00 : f32
          %broadcast_in_dim3A_111 = vector.broadcast %jit3A : f32 to vector<16xf32>
          %select_n3A_112 = arith.select %lt3A_1, %div3A, %broadcast_in_dim3A_111 : vector<16xi1>, vector<16xf32>
          %broadcast_in_dim3A_113 = arith.constant 0 : i32
          %broadcast_in_dim3A_114 = vector.broadcast %broadcast_in_dim3A_113 : i32 to vector<16x1xi32>
          %gather3A = vector.shape_cast %broadcast_in_dim3A_114 : vector<16x1xi32> to vector<16xi32>
          %gather3A_115 = tpu.dynamic_gather %select_n3A_112[%gather3A] in [0] : vector<16xf32>, vector<16xi32> -> vector<16xf32>
          %get3A_116 = arith.index_cast %add3A_93 : i32 to index
          %get3A_117 = arith.constant 0 : index
          %get3A_118 = tpu.vector_load %arg19[%get3A_116, %get3A_117] {strides = array<i32>} : memref<128x128xf32, #tpu.memory_space<vmem>>, vector<1x16xf32>,
          %get3A_119 = vector.shape_cast %get3A_118 : vector<1x16xf32> to vector<16xf32>
          %mul3A_120 = arith.mulf %get3A_119, %gather3A_115 : vector<16xf32>
          %swap3A = arith.index_cast %add3A_93 : i32 to index
          %swap3A_121 = arith.constant 0 : index
          %swap3A_122 = tpu.vector_load %arg19[%swap3A, %swap3A_121] {strides = array<i32>} : memref<128x128xf32, #tpu.memory_space<vmem>>, vector<1x16xf32>,
          %swap3A_123 = vector.shape_cast %swap3A_122 : vector<1x16xf32> to vector<16xf32>
          %swap3A_124 = vector.shape_cast %mul3A_120 : vector<16xf32> to vector<1x16xf32>
          tpu.vector_store %arg19[%swap3A, %swap3A_121], %swap3A_124 {strides = array<i32>} : memref<128x128xf32, #tpu.memory_space<vmem>>, vector<1x16xf32>,
          %broadcast_in_dim3A_125 = arith.constant 1 : i32
          %broadcast_in_dim3A_126 = vector.broadcast %broadcast_in_dim3A_125 : i32 to vector<16x1xi32>
          %gather3A_127 = vector.shape_cast %broadcast_in_dim3A_126 : vector<16x1xi32> to vector<16xi32>
          %gather3A_128 = tpu.dynamic_gather %select_n3A_112[%gather3A_127] in [0] : vector<16xf32>, vector<16xi32> -> vector<16xf32>
          %get3A_129 = arith.index_cast %add3A_93 : i32 to index
          %get3A_130 = arith.constant 16 : index
          %get3A_131 = tpu.vector_load %arg19[%get3A_129, %get3A_130] {strides = array<i32>} : memref<128x128xf32, #tpu.memory_space<vmem>>, vector<1x16xf32>,
          %get3A_132 = vector.shape_cast %get3A_131 : vector<1x16xf32> to vector<16xf32>
          %mul3A_133 = arith.mulf %get3A_132, %gather3A_128 : vector<16xf32>
          %swap3A_134 = arith.index_cast %add3A_93 : i32 to index
          %swap3A_135 = arith.constant 16 : index
          %swap3A_136 = tpu.vector_load %arg19[%swap3A_134, %swap3A_135] {strides = array<i32>} : memref<128x128xf32, #tpu.memory_space<vmem>>, vector<1x16xf32>,
          %swap3A_137 = vector.shape_cast %swap3A_136 : vector<1x16xf32> to vector<16xf32>
          %swap3A_138 = vector.shape_cast %mul3A_133 : vector<16xf32> to vector<1x16xf32>
          tpu.vector_store %arg19[%swap3A_134, %swap3A_135], %swap3A_138 {strides = array<i32>} : memref<128x128xf32, #tpu.memory_space<vmem>>, vector<1x16xf32>,
          %broadcast_in_dim3A_139 = arith.constant 2 : i32
          %broadcast_in_dim3A_140 = vector.broadcast %broadcast_in_dim3A_139 : i32 to vector<16x1xi32>
          %gather3A_141 = vector.shape_cast %broadcast_in_dim3A_140 : vector<16x1xi32> to vector<16xi32>
          %gather3A_142 = tpu.dynamic_gather %select_n3A_112[%gather3A_141] in [0] : vector<16xf32>, vector<16xi32> -> vector<16xf32>
          %get3A_143 = arith.index_cast %add3A_93 : i32 to index
          %get3A_144 = arith.constant 32 : index
          %get3A_145 = tpu.vector_load %arg19[%get3A_143, %get3A_144] {strides = array<i32>} : memref<128x128xf32, #tpu.memory_space<vmem>>, vector<1x16xf32>,
          %get3A_146 = vector.shape_cast %get3A_145 : vector<1x16xf32> to vector<16xf32>
          %mul3A_147 = arith.mulf %get3A_146, %gather3A_142 : vector<16xf32>
          %swap3A_148 = arith.index_cast %add3A_93 : i32 to index
          %swap3A_149 = arith.constant 32 : index
          %swap3A_150 = tpu.vector_load %arg19[%swap3A_148, %swap3A_149] {strides = array<i32>} : memref<128x128xf32, #tpu.memory_space<vmem>>, vector<1x16xf32>,
          %swap3A_151 = vector.shape_cast %swap3A_150 : vector<1x16xf32> to vector<16xf32>
          %swap3A_152 = vector.shape_cast %mul3A_147 : vector<16xf32> to vector<1x16xf32>
          tpu.vector_store %arg19[%swap3A_148, %swap3A_149], %swap3A_152 {strides = array<i32>} : memref<128x128xf32, #tpu.memory_space<vmem>>, vector<1x16xf32>,
          %broadcast_in_dim3A_153 = arith.constant 3 : i32
          %broadcast_in_dim3A_154 = vector.broadcast %broadcast_in_dim3A_153 : i32 to vector<16x1xi32>
          %gather3A_155 = vector.shape_cast %broadcast_in_dim3A_154 : vector<16x1xi32> to vector<16xi32>
          %gather3A_156 = tpu.dynamic_gather %select_n3A_112[%gather3A_155] in [0] : vector<16xf32>, vector<16xi32> -> vector<16xf32>
          %get3A_157 = arith.index_cast %add3A_93 : i32 to index
          %get3A_158 = arith.constant 48 : index
          %get3A_159 = tpu.vector_load %arg19[%get3A_157, %get3A_158] {strides = array<i32>} : memref<128x128xf32, #tpu.memory_space<vmem>>, vector<1x16xf32>,
          %get3A_160 = vector.shape_cast %get3A_159 : vector<1x16xf32> to vector<16xf32>
          %mul3A_161 = arith.mulf %get3A_160, %gather3A_156 : vector<16xf32>
          %swap3A_162 = arith.index_cast %add3A_93 : i32 to index
          %swap3A_163 = arith.constant 48 : index
          %swap3A_164 = tpu.vector_load %arg19[%swap3A_162, %swap3A_163] {strides = array<i32>} : memref<128x128xf32, #tpu.memory_space<vmem>>, vector<1x16xf32>,
          %swap3A_165 = vector.shape_cast %swap3A_164 : vector<1x16xf32> to vector<16xf32>
          %swap3A_166 = vector.shape_cast %mul3A_161 : vector<16xf32> to vector<1x16xf32>
          tpu.vector_store %arg19[%swap3A_162, %swap3A_163], %swap3A_166 {strides = array<i32>} : memref<128x128xf32, #tpu.memory_space<vmem>>, vector<1x16xf32>,
          %broadcast_in_dim3A_167 = arith.constant 4 : i32
          %broadcast_in_dim3A_168 = vector.broadcast %broadcast_in_dim3A_167 : i32 to vector<16x1xi32>
          %gather3A_169 = vector.shape_cast %broadcast_in_dim3A_168 : vector<16x1xi32> to vector<16xi32>
          %gather3A_170 = tpu.dynamic_gather %select_n3A_112[%gather3A_169] in [0] : vector<16xf32>, vector<16xi32> -> vector<16xf32>
          %get3A_171 = arith.index_cast %add3A_93 : i32 to index
          %get3A_172 = arith.constant 64 : index
          %get3A_173 = tpu.vector_load %arg19[%get3A_171, %get3A_172] {strides = array<i32>} : memref<128x128xf32, #tpu.memory_space<vmem>>, vector<1x16xf32>,
          %get3A_174 = vector.shape_cast %get3A_173 : vector<1x16xf32> to vector<16xf32>
          %mul3A_175 = arith.mulf %get3A_174, %gather3A_170 : vector<16xf32>
          %swap3A_176 = arith.index_cast %add3A_93 : i32 to index
          %swap3A_177 = arith.constant 64 : index
          %swap3A_178 = tpu.vector_load %arg19[%swap3A_176, %swap3A_177] {strides = array<i32>} : memref<128x128xf32, #tpu.memory_space<vmem>>, vector<1x16xf32>,
          %swap3A_179 = vector.shape_cast %swap3A_178 : vector<1x16xf32> to vector<16xf32>
          %swap3A_180 = vector.shape_cast %mul3A_175 : vector<16xf32> to vector<1x16xf32>
          tpu.vector_store %arg19[%swap3A_176, %swap3A_177], %swap3A_180 {strides = array<i32>} : memref<128x128xf32, #tpu.memory_space<vmem>>, vector<1x16xf32>,
          %broadcast_in_dim3A_181 = arith.constant 5 : i32
          %broadcast_in_dim3A_182 = vector.broadcast %broadcast_in_dim3A_181 : i32 to vector<16x1xi32>
          %gather3A_183 = vector.shape_cast %broadcast_in_dim3A_182 : vector<16x1xi32> to vector<16xi32>
          %gather3A_184 = tpu.dynamic_gather %select_n3A_112[%gather3A_183] in [0] : vector<16xf32>, vector<16xi32> -> vector<16xf32>
          %get3A_185 = arith.index_cast %add3A_93 : i32 to index
          %get3A_186 = arith.constant 80 : index
          %get3A_187 = tpu.vector_load %arg19[%get3A_185, %get3A_186] {strides = array<i32>} : memref<128x128xf32, #tpu.memory_space<vmem>>, vector<1x16xf32>,
          %get3A_188 = vector.shape_cast %get3A_187 : vector<1x16xf32> to vector<16xf32>
          %mul3A_189 = arith.mulf %get3A_188, %gather3A_184 : vector<16xf32>
          %swap3A_190 = arith.index_cast %add3A_93 : i32 to index
          %swap3A_191 = arith.constant 80 : index
          %swap3A_192 = tpu.vector_load %arg19[%swap3A_190, %swap3A_191] {strides = array<i32>} : memref<128x128xf32, #tpu.memory_space<vmem>>, vector<1x16xf32>,
          %swap3A_193 = vector.shape_cast %swap3A_192 : vector<1x16xf32> to vector<16xf32>
          %swap3A_194 = vector.shape_cast %mul3A_189 : vector<16xf32> to vector<1x16xf32>
          tpu.vector_store %arg19[%swap3A_190, %swap3A_191], %swap3A_194 {strides = array<i32>} : memref<128x128xf32, #tpu.memory_space<vmem>>, vector<1x16xf32>,
          %broadcast_in_dim3A_195 = arith.constant 6 : i32
          %broadcast_in_dim3A_196 = vector.broadcast %broadcast_in_dim3A_195 : i32 to vector<16x1xi32>
          %gather3A_197 = vector.shape_cast %broadcast_in_dim3A_196 : vector<16x1xi32> to vector<16xi32>
          %gather3A_198 = tpu.dynamic_gather %select_n3A_112[%gather3A_197] in [0] : vector<16xf32>, vector<16xi32> -> vector<16xf32>
          %get3A_199 = arith.index_cast %add3A_93 : i32 to index
          %get3A_200 = arith.constant 96 : index
          %get3A_201 = tpu.vector_load %arg19[%get3A_199, %get3A_200] {strides = array<i32>} : memref<128x128xf32, #tpu.memory_space<vmem>>, vector<1x16xf32>,
          %get3A_202 = vector.shape_cast %get3A_201 : vector<1x16xf32> to vector<16xf32>
          %mul3A_203 = arith.mulf %get3A_202, %gather3A_198 : vector<16xf32>
          %swap3A_204 = arith.index_cast %add3A_93 : i32 to index
          %swap3A_205 = arith.constant 96 : index
          %swap3A_206 = tpu.vector_load %arg19[%swap3A_204, %swap3A_205] {strides = array<i32>} : memref<128x128xf32, #tpu.memory_space<vmem>>, vector<1x16xf32>,
          %swap3A_207 = vector.shape_cast %swap3A_206 : vector<1x16xf32> to vector<16xf32>
          %swap3A_208 = vector.shape_cast %mul3A_203 : vector<16xf32> to vector<1x16xf32>
          tpu.vector_store %arg19[%swap3A_204, %swap3A_205], %swap3A_208 {strides = array<i32>} : memref<128x128xf32, #tpu.memory_space<vmem>>, vector<1x16xf32>,
          %broadcast_in_dim3A_209 = arith.constant 7 : i32
          %broadcast_in_dim3A_210 = vector.broadcast %broadcast_in_dim3A_209 : i32 to vector<16x1xi32>
          %gather3A_211 = vector.shape_cast %broadcast_in_dim3A_210 : vector<16x1xi32> to vector<16xi32>
          %gather3A_212 = tpu.dynamic_gather %select_n3A_112[%gather3A_211] in [0] : vector<16xf32>, vector<16xi32> -> vector<16xf32>
          %get3A_213 = arith.index_cast %add3A_93 : i32 to index
          %get3A_214 = arith.constant 112 : index
          %get3A_215 = tpu.vector_load %arg19[%get3A_213, %get3A_214] {strides = array<i32>} : memref<128x128xf32, #tpu.memory_space<vmem>>, vector<1x16xf32>,
          %get3A_216 = vector.shape_cast %get3A_215 : vector<1x16xf32> to vector<16xf32>
          %mul3A_217 = arith.mulf %get3A_216, %gather3A_212 : vector<16xf32>
          %swap3A_218 = arith.index_cast %add3A_93 : i32 to index
          %swap3A_219 = arith.constant 112 : index
          %swap3A_220 = tpu.vector_load %arg19[%swap3A_218, %swap3A_219] {strides = array<i32>} : memref<128x128xf32, #tpu.memory_space<vmem>>, vector<1x16xf32>,
          %swap3A_221 = vector.shape_cast %swap3A_220 : vector<1x16xf32> to vector<16xf32>
          %swap3A_222 = vector.shape_cast %mul3A_217 : vector<16xf32> to vector<1x16xf32>
          tpu.vector_store %arg19[%swap3A_218, %swap3A_219], %swap3A_222 {strides = array<i32>} : memref<128x128xf32, #tpu.memory_space<vmem>>, vector<1x16xf32>,
          %mul3A_223 = arith.constant 2 : i32
          %mul3A_224 = arith.muli %mul3A_223, %scan3A_88 : i32
          %add3A_225 = arith.constant 1 : i32
          %add3A_226 = arith.addi %mul3A_224, %add3A_225 : i32
          %get3A_227 = arith.index_cast %add3A_226 : i32 to index
          %get3A_228 = arith.constant 0 : index
          %get3A_229 = tpu.vector_load %arg16[%get3A_227, %get3A_228] {strides = array<i32>} : memref<128x16xf32, #tpu.memory_space<vmem>>, vector<1x16xf32>,
          %get3A_230 = vector.shape_cast %get3A_229 : vector<1x16xf32> to vector<16xf32>
          %get3A_231 = arith.index_cast %add3A_226 : i32 to index
          %get3A_232 = arith.constant 0 : index
          %get3A_233 = tpu.vector_load %arg17[%get3A_231, %get3A_232] {strides = array<i32>} : memref<128x16xf32, #tpu.memory_space<vmem>>, vector<1x16xf32>,
          %get3A_234 = vector.shape_cast %get3A_233 : vector<1x16xf32> to vector<16xf32>
          %add3A_235 = arith.addf %get3A_230, %get3A_234 : vector<16xf32>
          %gt3A_236 = arith.constant 0.000000e+00 : f32
          %gt3A_237 = vector.broadcast %gt3A_236 : f32 to vector<16xf32>
          %gt3A_238 = arith.cmpf ogt, %add3A_235, %gt3A_237 : vector<16xf32>
          %mul3A_239 = arith.constant 2.000000e-01 : f32
          %mul3A_240 = vector.broadcast %mul3A_239 : f32 to vector<16xf32>
          %mul3A_241 = arith.mulf %mul3A_240, %add3A_235 : vector<16xf32>
          %select_n3A_242 = arith.select %gt3A_238, %add3A_235, %mul3A_241 : vector<16xi1>, vector<16xf32>
          %exp3A_243 = math.exp %select_n3A_242 : vector<16xf32>
          %get3A_244 = arith.index_cast %add3A_226 : i32 to index
          %get3A_245 = arith.constant 0 : index
          %get3A_246 = tpu.vector_load %arg18[%get3A_244, %get3A_245] {strides = array<i32>} : memref<128x16xf32, #tpu.memory_space<vmem>>, vector<1x16xf32>,
          %get3A_247 = vector.shape_cast %get3A_246 : vector<1x16xf32> to vector<16xf32>
          %div3A_248 = arith.divf %exp3A_243, %get3A_247 : vector<16xf32>
          %jit3A_249 = arith.constant 0.000000e+00 : f32
          %broadcast_in_dim3A_250 = vector.broadcast %jit3A_249 : f32 to vector<16xf32>
          %select_n3A_251 = arith.select %lt3A_1, %div3A_248, %broadcast_in_dim3A_250 : vector<16xi1>, vector<16xf32>
          %broadcast_in_dim3A_252 = arith.constant 0 : i32
          %broadcast_in_dim3A_253 = vector.broadcast %broadcast_in_dim3A_252 : i32 to vector<16x1xi32>
          %gather3A_254 = vector.shape_cast %broadcast_in_dim3A_253 : vector<16x1xi32> to vector<16xi32>
          %gather3A_255 = tpu.dynamic_gather %select_n3A_251[%gather3A_254] in [0] : vector<16xf32>, vector<16xi32> -> vector<16xf32>
          %get3A_256 = arith.index_cast %add3A_226 : i32 to index
          %get3A_257 = arith.constant 0 : index
          %get3A_258 = tpu.vector_load %arg19[%get3A_256, %get3A_257] {strides = array<i32>} : memref<128x128xf32, #tpu.memory_space<vmem>>, vector<1x16xf32>,
          %get3A_259 = vector.shape_cast %get3A_258 : vector<1x16xf32> to vector<16xf32>
          %mul3A_260 = arith.mulf %get3A_259, %gather3A_255 : vector<16xf32>
          %swap3A_261 = arith.index_cast %add3A_226 : i32 to index
          %swap3A_262 = arith.constant 0 : index
          %swap3A_263 = tpu.vector_load %arg19[%swap3A_261, %swap3A_262] {strides = array<i32>} : memref<128x128xf32, #tpu.memory_space<vmem>>, vector<1x16xf32>,
          %swap3A_264 = vector.shape_cast %swap3A_263 : vector<1x16xf32> to vector<16xf32>
          %swap3A_265 = vector.shape_cast %mul3A_260 : vector<16xf32> to vector<1x16xf32>
          tpu.vector_store %arg19[%swap3A_261, %swap3A_262], %swap3A_265 {strides = array<i32>} : memref<128x128xf32, #tpu.memory_space<vmem>>, vector<1x16xf32>,
          %broadcast_in_dim3A_266 = arith.constant 1 : i32
          %broadcast_in_dim3A_267 = vector.broadcast %broadcast_in_dim3A_266 : i32 to vector<16x1xi32>
          %gather3A_268 = vector.shape_cast %broadcast_in_dim3A_267 : vector<16x1xi32> to vector<16xi32>
          %gather3A_269 = tpu.dynamic_gather %select_n3A_251[%gather3A_268] in [0] : vector<16xf32>, vector<16xi32> -> vector<16xf32>
          %get3A_270 = arith.index_cast %add3A_226 : i32 to index
          %get3A_271 = arith.constant 16 : index
          %get3A_272 = tpu.vector_load %arg19[%get3A_270, %get3A_271] {strides = array<i32>} : memref<128x128xf32, #tpu.memory_space<vmem>>, vector<1x16xf32>,
          %get3A_273 = vector.shape_cast %get3A_272 : vector<1x16xf32> to vector<16xf32>
          %mul3A_274 = arith.mulf %get3A_273, %gather3A_269 : vector<16xf32>
          %swap3A_275 = arith.index_cast %add3A_226 : i32 to index
          %swap3A_276 = arith.constant 16 : index
          %swap3A_277 = tpu.vector_load %arg19[%swap3A_275, %swap3A_276] {strides = array<i32>} : memref<128x128xf32, #tpu.memory_space<vmem>>, vector<1x16xf32>,
          %swap3A_278 = vector.shape_cast %swap3A_277 : vector<1x16xf32> to vector<16xf32>
          %swap3A_279 = vector.shape_cast %mul3A_274 : vector<16xf32> to vector<1x16xf32>
          tpu.vector_store %arg19[%swap3A_275, %swap3A_276], %swap3A_279 {strides = array<i32>} : memref<128x128xf32, #tpu.memory_space<vmem>>, vector<1x16xf32>,
          %broadcast_in_dim3A_280 = arith.constant 2 : i32
          %broadcast_in_dim3A_281 = vector.broadcast %broadcast_in_dim3A_280 : i32 to vector<16x1xi32>
          %gather3A_282 = vector.shape_cast %broadcast_in_dim3A_281 : vector<16x1xi32> to vector<16xi32>
          %gather3A_283 = tpu.dynamic_gather %select_n3A_251[%gather3A_282] in [0] : vector<16xf32>, vector<16xi32> -> vector<16xf32>
          %get3A_284 = arith.index_cast %add3A_226 : i32 to index
          %get3A_285 = arith.constant 32 : index
          %get3A_286 = tpu.vector_load %arg19[%get3A_284, %get3A_285] {strides = array<i32>} : memref<128x128xf32, #tpu.memory_space<vmem>>, vector<1x16xf32>,
          %get3A_287 = vector.shape_cast %get3A_286 : vector<1x16xf32> to vector<16xf32>
          %mul3A_288 = arith.mulf %get3A_287, %gather3A_283 : vector<16xf32>
          %swap3A_289 = arith.index_cast %add3A_226 : i32 to index
          %swap3A_290 = arith.constant 32 : index
          %swap3A_291 = tpu.vector_load %arg19[%swap3A_289, %swap3A_290] {strides = array<i32>} : memref<128x128xf32, #tpu.memory_space<vmem>>, vector<1x16xf32>,
          %swap3A_292 = vector.shape_cast %swap3A_291 : vector<1x16xf32> to vector<16xf32>
          %swap3A_293 = vector.shape_cast %mul3A_288 : vector<16xf32> to vector<1x16xf32>
          tpu.vector_store %arg19[%swap3A_289, %swap3A_290], %swap3A_293 {strides = array<i32>} : memref<128x128xf32, #tpu.memory_space<vmem>>, vector<1x16xf32>,
          %broadcast_in_dim3A_294 = arith.constant 3 : i32
          %broadcast_in_dim3A_295 = vector.broadcast %broadcast_in_dim3A_294 : i32 to vector<16x1xi32>
          %gather3A_296 = vector.shape_cast %broadcast_in_dim3A_295 : vector<16x1xi32> to vector<16xi32>
          %gather3A_297 = tpu.dynamic_gather %select_n3A_251[%gather3A_296] in [0] : vector<16xf32>, vector<16xi32> -> vector<16xf32>
          %get3A_298 = arith.index_cast %add3A_226 : i32 to index
          %get3A_299 = arith.constant 48 : index
          %get3A_300 = tpu.vector_load %arg19[%get3A_298, %get3A_299] {strides = array<i32>} : memref<128x128xf32, #tpu.memory_space<vmem>>, vector<1x16xf32>,
          %get3A_301 = vector.shape_cast %get3A_300 : vector<1x16xf32> to vector<16xf32>
          %mul3A_302 = arith.mulf %get3A_301, %gather3A_297 : vector<16xf32>
          %swap3A_303 = arith.index_cast %add3A_226 : i32 to index
          %swap3A_304 = arith.constant 48 : index
          %swap3A_305 = tpu.vector_load %arg19[%swap3A_303, %swap3A_304] {strides = array<i32>} : memref<128x128xf32, #tpu.memory_space<vmem>>, vector<1x16xf32>,
          %swap3A_306 = vector.shape_cast %swap3A_305 : vector<1x16xf32> to vector<16xf32>
          %swap3A_307 = vector.shape_cast %mul3A_302 : vector<16xf32> to vector<1x16xf32>
          tpu.vector_store %arg19[%swap3A_303, %swap3A_304], %swap3A_307 {strides = array<i32>} : memref<128x128xf32, #tpu.memory_space<vmem>>, vector<1x16xf32>,
          %broadcast_in_dim3A_308 = arith.constant 4 : i32
          %broadcast_in_dim3A_309 = vector.broadcast %broadcast_in_dim3A_308 : i32 to vector<16x1xi32>
          %gather3A_310 = vector.shape_cast %broadcast_in_dim3A_309 : vector<16x1xi32> to vector<16xi32>
          %gather3A_311 = tpu.dynamic_gather %select_n3A_251[%gather3A_310] in [0] : vector<16xf32>, vector<16xi32> -> vector<16xf32>
          %get3A_312 = arith.index_cast %add3A_226 : i32 to index
          %get3A_313 = arith.constant 64 : index
          %get3A_314 = tpu.vector_load %arg19[%get3A_312, %get3A_313] {strides = array<i32>} : memref<128x128xf32, #tpu.memory_space<vmem>>, vector<1x16xf32>,
          %get3A_315 = vector.shape_cast %get3A_314 : vector<1x16xf32> to vector<16xf32>
          %mul3A_316 = arith.mulf %get3A_315, %gather3A_311 : vector<16xf32>
          %swap3A_317 = arith.index_cast %add3A_226 : i32 to index
          %swap3A_318 = arith.constant 64 : index
          %swap3A_319 = tpu.vector_load %arg19[%swap3A_317, %swap3A_318] {strides = array<i32>} : memref<128x128xf32, #tpu.memory_space<vmem>>, vector<1x16xf32>,
          %swap3A_320 = vector.shape_cast %swap3A_319 : vector<1x16xf32> to vector<16xf32>
          %swap3A_321 = vector.shape_cast %mul3A_316 : vector<16xf32> to vector<1x16xf32>
          tpu.vector_store %arg19[%swap3A_317, %swap3A_318], %swap3A_321 {strides = array<i32>} : memref<128x128xf32, #tpu.memory_space<vmem>>, vector<1x16xf32>,
          %broadcast_in_dim3A_322 = arith.constant 5 : i32
          %broadcast_in_dim3A_323 = vector.broadcast %broadcast_in_dim3A_322 : i32 to vector<16x1xi32>
          %gather3A_324 = vector.shape_cast %broadcast_in_dim3A_323 : vector<16x1xi32> to vector<16xi32>
          %gather3A_325 = tpu.dynamic_gather %select_n3A_251[%gather3A_324] in [0] : vector<16xf32>, vector<16xi32> -> vector<16xf32>
          %get3A_326 = arith.index_cast %add3A_226 : i32 to index
          %get3A_327 = arith.constant 80 : index
          %get3A_328 = tpu.vector_load %arg19[%get3A_326, %get3A_327] {strides = array<i32>} : memref<128x128xf32, #tpu.memory_space<vmem>>, vector<1x16xf32>,
          %get3A_329 = vector.shape_cast %get3A_328 : vector<1x16xf32> to vector<16xf32>
          %mul3A_330 = arith.mulf %get3A_329, %gather3A_325 : vector<16xf32>
          %swap3A_331 = arith.index_cast %add3A_226 : i32 to index
          %swap3A_332 = arith.constant 80 : index
          %swap3A_333 = tpu.vector_load %arg19[%swap3A_331, %swap3A_332] {strides = array<i32>} : memref<128x128xf32, #tpu.memory_space<vmem>>, vector<1x16xf32>,
          %swap3A_334 = vector.shape_cast %swap3A_333 : vector<1x16xf32> to vector<16xf32>
          %swap3A_335 = vector.shape_cast %mul3A_330 : vector<16xf32> to vector<1x16xf32>
          tpu.vector_store %arg19[%swap3A_331, %swap3A_332], %swap3A_335 {strides = array<i32>} : memref<128x128xf32, #tpu.memory_space<vmem>>, vector<1x16xf32>,
          %broadcast_in_dim3A_336 = arith.constant 6 : i32
          %broadcast_in_dim3A_337 = vector.broadcast %broadcast_in_dim3A_336 : i32 to vector<16x1xi32>
          %gather3A_338 = vector.shape_cast %broadcast_in_dim3A_337 : vector<16x1xi32> to vector<16xi32>
          %gather3A_339 = tpu.dynamic_gather %select_n3A_251[%gather3A_338] in [0] : vector<16xf32>, vector<16xi32> -> vector<16xf32>
          %get3A_340 = arith.index_cast %add3A_226 : i32 to index
          %get3A_341 = arith.constant 96 : index
          %get3A_342 = tpu.vector_load %arg19[%get3A_340, %get3A_341] {strides = array<i32>} : memref<128x128xf32, #tpu.memory_space<vmem>>, vector<1x16xf32>,
          %get3A_343 = vector.shape_cast %get3A_342 : vector<1x16xf32> to vector<16xf32>
          %mul3A_344 = arith.mulf %get3A_343, %gather3A_339 : vector<16xf32>
          %swap3A_345 = arith.index_cast %add3A_226 : i32 to index
          %swap3A_346 = arith.constant 96 : index
          %swap3A_347 = tpu.vector_load %arg19[%swap3A_345, %swap3A_346] {strides = array<i32>} : memref<128x128xf32, #tpu.memory_space<vmem>>, vector<1x16xf32>,
          %swap3A_348 = vector.shape_cast %swap3A_347 : vector<1x16xf32> to vector<16xf32>
          %swap3A_349 = vector.shape_cast %mul3A_344 : vector<16xf32> to vector<1x16xf32>
          tpu.vector_store %arg19[%swap3A_345, %swap3A_346], %swap3A_349 {strides = array<i32>} : memref<128x128xf32, #tpu.memory_space<vmem>>, vector<1x16xf32>,
          %broadcast_in_dim3A_350 = arith.constant 7 : i32
          %broadcast_in_dim3A_351 = vector.broadcast %broadcast_in_dim3A_350 : i32 to vector<16x1xi32>
          %gather3A_352 = vector.shape_cast %broadcast_in_dim3A_351 : vector<16x1xi32> to vector<16xi32>
          %gather3A_353 = tpu.dynamic_gather %select_n3A_251[%gather3A_352] in [0] : vector<16xf32>, vector<16xi32> -> vector<16xf32>
          %get3A_354 = arith.index_cast %add3A_226 : i32 to index
          %get3A_355 = arith.constant 112 : index
          %get3A_356 = tpu.vector_load %arg19[%get3A_354, %get3A_355] {strides = array<i32>} : memref<128x128xf32, #tpu.memory_space<vmem>>, vector<1x16xf32>,
          %get3A_357 = vector.shape_cast %get3A_356 : vector<1x16xf32> to vector<16xf32>
          %mul3A_358 = arith.mulf %get3A_357, %gather3A_353 : vector<16xf32>
          %swap3A_359 = arith.index_cast %add3A_226 : i32 to index
          %swap3A_360 = arith.constant 112 : index
          %swap3A_361 = tpu.vector_load %arg19[%swap3A_359, %swap3A_360] {strides = array<i32>} : memref<128x128xf32, #tpu.memory_space<vmem>>, vector<1x16xf32>,
          %swap3A_362 = vector.shape_cast %swap3A_361 : vector<1x16xf32> to vector<16xf32>
          %swap3A_363 = vector.shape_cast %mul3A_358 : vector<16xf32> to vector<1x16xf32>
          tpu.vector_store %arg19[%swap3A_359, %swap3A_360], %swap3A_363 {strides = array<i32>} : memref<128x128xf32, #tpu.memory_space<vmem>>, vector<1x16xf32>,
          %scan3A_364 = arith.constant 0 : i32
          scf.yield %scan3A_364 : i32
        }
        %scan3A_86 = arith.constant 64 : i32
        "tpu.region"() ({
          %run_scoped3A_88 = tpu.sem_alloc : memref<!tpu.dma_semaphore, #tpu.memory_space<semaphore_mem>>
          %dma_start3A = arith.constant 0 : i32
          %dma_start3A_89 = arith.constant 0 : i32
          %dma_start3A_90 = tpu.memref_slice %arg13[%dma_start3A, %dma_start3A_89] : memref<10000x128xf32, #tpu.memory_space<vmem_shared>> -> memref<10000x128xf32, #tpu.memory_space<vmem_shared>>
          tpu.enqueue_indirect_dma source(%arg19 : memref<128x128xf32, #tpu.memory_space<vmem>>) target(%dma_start3A_90 : memref<10000x128xf32, #tpu.memory_space<vmem_shared>>) offsets(%arg15 : memref<128xi32, #tpu.memory_space<vmem>>) semaphore(%run_scoped3A_88 : memref<!tpu.dma_semaphore, #tpu.memory_space<semaphore_mem>>) {add = true}
          %dma_wait3A = arith.constant 0 : i32
          %dma_wait3A_91 = arith.constant 0 : i32
          %dma_wait3A_92 = tpu.memref_slice %arg13[%dma_wait3A, %dma_wait3A_91] : memref<10000x128xf32, #tpu.memory_space<vmem_shared>> -> memref<10000x128xf32, #tpu.memory_space<vmem_shared>>
          tpu.wait_indirect_dma semaphore(%run_scoped3A_88 : memref<!tpu.dma_semaphore, #tpu.memory_space<semaphore_mem>>) src(%arg19 : memref<128x128xf32, #tpu.memory_space<vmem>>) dst(%dma_wait3A_92 : memref<10000x128xf32, #tpu.memory_space<vmem_shared>>)
          tpu.yield
        }) : () -> ()
        %scan3A_87 = arith.constant 0 : i32
        scf.yield %scan3A_87 : i32
      }
      %scan3A_55 = arith.constant 78 : i32
      %lt3A_56 = arith.constant 2 : i32
      %lt3A_57 = arith.cmpi slt, %arg1, %lt3A_56 : i32
      %convert_element_type3A_58 = arith.extui %lt3A_57 : i1 to i32
      %cond3A_59 = arith.constant 0 : i32
      %cond3A_60 = arith.cmpi ne, %convert_element_type3A_58, %cond3A_59 : i32
      scf.if %cond3A_60 {
        %add3A_73 = arith.constant 1248 : i32
        %add3A_74 = arith.addi %add3A_73, %arg1 : i32
        %mul3A_75 = arith.constant 128 : i32
        %mul3A_76 = arith.muli %add3A_74, %mul3A_75 : i32
        "tpu.region"() ({
          %run_scoped3A_84 = tpu.sem_alloc : memref<!tpu.dma_semaphore, #tpu.memory_space<semaphore_mem>>
          %dma_start3A = tpu.memref_slice %arg9[%mul3A_76] : memref<160000xi32, #tpu.memory_space<hbm>> -> memref<128xi32, #tpu.memory_space<hbm>>
          %dma_start3A_85 = tpu.memref_slice %arg9[%mul3A_76] : memref<160000xi32, #tpu.memory_space<hbm>> -> memref<128xi32, #tpu.memory_space<hbm>>
          tpu.enqueue_dma source(%dma_start3A_85 : memref<128xi32, #tpu.memory_space<hbm>>) target(%arg14 : memref<128xi32, #tpu.memory_space<vmem>>) target_semaphore(%run_scoped3A_84 : memref<!tpu.dma_semaphore, #tpu.memory_space<semaphore_mem>>)
          %dma_wait3A = tpu.memref_slice %arg9[%mul3A_76] : memref<160000xi32, #tpu.memory_space<hbm>> -> memref<128xi32, #tpu.memory_space<hbm>>
          %dma_wait3A_86 = tpu.memref_slice %arg9[%mul3A_76] : memref<160000xi32, #tpu.memory_space<hbm>> -> memref<128xi32, #tpu.memory_space<hbm>>
          tpu.wait_dma2 semaphore(%run_scoped3A_84 : memref<!tpu.dma_semaphore, #tpu.memory_space<semaphore_mem>>) src(%dma_wait3A_86 : memref<128xi32, #tpu.memory_space<hbm>>) dst(%arg14 : memref<128xi32, #tpu.memory_space<vmem>>)
          tpu.yield
        }) : () -> ()
        "tpu.region"() ({
          %run_scoped3A_84 = tpu.sem_alloc : memref<!tpu.dma_semaphore, #tpu.memory_space<semaphore_mem>>
          %dma_start3A = tpu.memref_slice %arg10[%mul3A_76] : memref<160000xi32, #tpu.memory_space<hbm>> -> memref<128xi32, #tpu.memory_space<hbm>>
          %dma_start3A_85 = tpu.memref_slice %arg10[%mul3A_76] : memref<160000xi32, #tpu.memory_space<hbm>> -> memref<128xi32, #tpu.memory_space<hbm>>
          tpu.enqueue_dma source(%dma_start3A_85 : memref<128xi32, #tpu.memory_space<hbm>>) target(%arg15 : memref<128xi32, #tpu.memory_space<vmem>>) target_semaphore(%run_scoped3A_84 : memref<!tpu.dma_semaphore, #tpu.memory_space<semaphore_mem>>)
          %dma_wait3A = tpu.memref_slice %arg10[%mul3A_76] : memref<160000xi32, #tpu.memory_space<hbm>> -> memref<128xi32, #tpu.memory_space<hbm>>
          %dma_wait3A_86 = tpu.memref_slice %arg10[%mul3A_76] : memref<160000xi32, #tpu.memory_space<hbm>> -> memref<128xi32, #tpu.memory_space<hbm>>
          tpu.wait_dma2 semaphore(%run_scoped3A_84 : memref<!tpu.dma_semaphore, #tpu.memory_space<semaphore_mem>>) src(%dma_wait3A_86 : memref<128xi32, #tpu.memory_space<hbm>>) dst(%arg15 : memref<128xi32, #tpu.memory_space<vmem>>)
          tpu.yield
        }) : () -> ()
        "tpu.region"() ({
          %run_scoped3A_84 = tpu.sem_alloc : memref<!tpu.dma_semaphore, #tpu.memory_space<semaphore_mem>>
          %dma_start3A = arith.constant 0 : i32
          %dma_start3A_85 = arith.constant 0 : i32
          %dma_start3A_86 = tpu.memref_slice %arg5[%dma_start3A, %dma_start3A_85] : memref<10000x16xf32, #tpu.memory_space<hbm>> -> memref<10000x16xf32, #tpu.memory_space<hbm>>
          tpu.enqueue_indirect_dma source(%dma_start3A_86 : memref<10000x16xf32, #tpu.memory_space<hbm>>) target(%arg16 : memref<128x16xf32, #tpu.memory_space<vmem>>) offsets(%arg14 : memref<128xi32, #tpu.memory_space<vmem>>) semaphore(%run_scoped3A_84 : memref<!tpu.dma_semaphore, #tpu.memory_space<semaphore_mem>>)
          %dma_wait3A = arith.constant 0 : i32
          %dma_wait3A_87 = arith.constant 0 : i32
          %dma_wait3A_88 = tpu.memref_slice %arg5[%dma_wait3A, %dma_wait3A_87] : memref<10000x16xf32, #tpu.memory_space<hbm>> -> memref<10000x16xf32, #tpu.memory_space<hbm>>
          tpu.wait_indirect_dma semaphore(%run_scoped3A_84 : memref<!tpu.dma_semaphore, #tpu.memory_space<semaphore_mem>>) src(%dma_wait3A_88 : memref<10000x16xf32, #tpu.memory_space<hbm>>) dst(%arg16 : memref<128x16xf32, #tpu.memory_space<vmem>>)
          tpu.yield
        }) : () -> ()
        "tpu.region"() ({
          %run_scoped3A_84 = tpu.sem_alloc : memref<!tpu.dma_semaphore, #tpu.memory_space<semaphore_mem>>
          %dma_start3A = arith.constant 0 : i32
          %dma_start3A_85 = arith.constant 0 : i32
          %dma_start3A_86 = tpu.memref_slice %arg6[%dma_start3A, %dma_start3A_85] : memref<10000x16xf32, #tpu.memory_space<hbm>> -> memref<10000x16xf32, #tpu.memory_space<hbm>>
          tpu.enqueue_indirect_dma source(%dma_start3A_86 : memref<10000x16xf32, #tpu.memory_space<hbm>>) target(%arg17 : memref<128x16xf32, #tpu.memory_space<vmem>>) offsets(%arg15 : memref<128xi32, #tpu.memory_space<vmem>>) semaphore(%run_scoped3A_84 : memref<!tpu.dma_semaphore, #tpu.memory_space<semaphore_mem>>)
          %dma_wait3A = arith.constant 0 : i32
          %dma_wait3A_87 = arith.constant 0 : i32
          %dma_wait3A_88 = tpu.memref_slice %arg6[%dma_wait3A, %dma_wait3A_87] : memref<10000x16xf32, #tpu.memory_space<hbm>> -> memref<10000x16xf32, #tpu.memory_space<hbm>>
          tpu.wait_indirect_dma semaphore(%run_scoped3A_84 : memref<!tpu.dma_semaphore, #tpu.memory_space<semaphore_mem>>) src(%dma_wait3A_88 : memref<10000x16xf32, #tpu.memory_space<hbm>>) dst(%arg17 : memref<128x16xf32, #tpu.memory_space<vmem>>)
          tpu.yield
        }) : () -> ()
        "tpu.region"() ({
          %run_scoped3A_84 = tpu.sem_alloc : memref<!tpu.dma_semaphore, #tpu.memory_space<semaphore_mem>>
          %dma_start3A = arith.constant 0 : i32
          %dma_start3A_85 = arith.constant 0 : i32
          %dma_start3A_86 = tpu.memref_slice %arg12[%dma_start3A, %dma_start3A_85] : memref<10000x16xf32, #tpu.memory_space<vmem_shared>> -> memref<10000x16xf32, #tpu.memory_space<vmem_shared>>
          tpu.enqueue_indirect_dma source(%dma_start3A_86 : memref<10000x16xf32, #tpu.memory_space<vmem_shared>>) target(%arg18 : memref<128x16xf32, #tpu.memory_space<vmem>>) offsets(%arg15 : memref<128xi32, #tpu.memory_space<vmem>>) semaphore(%run_scoped3A_84 : memref<!tpu.dma_semaphore, #tpu.memory_space<semaphore_mem>>)
          %dma_wait3A = arith.constant 0 : i32
          %dma_wait3A_87 = arith.constant 0 : i32
          %dma_wait3A_88 = tpu.memref_slice %arg12[%dma_wait3A, %dma_wait3A_87] : memref<10000x16xf32, #tpu.memory_space<vmem_shared>> -> memref<10000x16xf32, #tpu.memory_space<vmem_shared>>
          tpu.wait_indirect_dma semaphore(%run_scoped3A_84 : memref<!tpu.dma_semaphore, #tpu.memory_space<semaphore_mem>>) src(%dma_wait3A_88 : memref<10000x16xf32, #tpu.memory_space<vmem_shared>>) dst(%arg18 : memref<128x16xf32, #tpu.memory_space<vmem>>)
          tpu.yield
        }) : () -> ()
        "tpu.region"() ({
          %run_scoped3A_84 = tpu.sem_alloc : memref<!tpu.dma_semaphore, #tpu.memory_space<semaphore_mem>>
          %dma_start3A = arith.constant 0 : i32
          %dma_start3A_85 = arith.constant 0 : i32
          %dma_start3A_86 = tpu.memref_slice %arg2[%dma_start3A, %dma_start3A_85] : memref<10000x128xf32, #tpu.memory_space<hbm>> -> memref<10000x128xf32, #tpu.memory_space<hbm>>
          tpu.enqueue_indirect_dma source(%dma_start3A_86 : memref<10000x128xf32, #tpu.memory_space<hbm>>) target(%arg19 : memref<128x128xf32, #tpu.memory_space<vmem>>) offsets(%arg14 : memref<128xi32, #tpu.memory_space<vmem>>) semaphore(%run_scoped3A_84 : memref<!tpu.dma_semaphore, #tpu.memory_space<semaphore_mem>>)
          %dma_wait3A = arith.constant 0 : i32
          %dma_wait3A_87 = arith.constant 0 : i32
          %dma_wait3A_88 = tpu.memref_slice %arg2[%dma_wait3A, %dma_wait3A_87] : memref<10000x128xf32, #tpu.memory_space<hbm>> -> memref<10000x128xf32, #tpu.memory_space<hbm>>
          tpu.wait_indirect_dma semaphore(%run_scoped3A_84 : memref<!tpu.dma_semaphore, #tpu.memory_space<semaphore_mem>>) src(%dma_wait3A_88 : memref<10000x128xf32, #tpu.memory_space<hbm>>) dst(%arg19 : memref<128x128xf32, #tpu.memory_space<vmem>>)
          tpu.yield
        }) : () -> ()
        %scan3A_77 = arith.constant 0 : i32
        %scan3A_78 = arith.constant 0 : i32
        %scan3A_79 = arith.constant 64 : i32
        %scan3A_80 = arith.addi %scan3A_78, %scan3A_79 : i32
        %scan3A_81 = arith.constant 1 : i32
        %scan3A_82 = scf.for %scan3A_84 = %scan3A_78 to %scan3A_80 step %scan3A_81 iter_args(%scan3A_85 = %scan3A_77) -> (i32)  : i32 {
          %mul3A_86 = arith.constant 2 : i32
          %mul3A_87 = arith.muli %mul3A_86, %scan3A_84 : i32
          %add3A_88 = arith.constant 0 : i32
          %add3A_89 = arith.addi %mul3A_87, %add3A_88 : i32
          %get3A = arith.index_cast %add3A_89 : i32 to index
          %get3A_90 = arith.constant 0 : index
          %get3A_91 = tpu.vector_load %arg16[%get3A, %get3A_90] {strides = array<i32>} : memref<128x16xf32, #tpu.memory_space<vmem>>, vector<1x16xf32>,
          %get3A_92 = vector.shape_cast %get3A_91 : vector<1x16xf32> to vector<16xf32>
          %get3A_93 = arith.index_cast %add3A_89 : i32 to index
          %get3A_94 = arith.constant 0 : index
          %get3A_95 = tpu.vector_load %arg17[%get3A_93, %get3A_94] {strides = array<i32>} : memref<128x16xf32, #tpu.memory_space<vmem>>, vector<1x16xf32>,
          %get3A_96 = vector.shape_cast %get3A_95 : vector<1x16xf32> to vector<16xf32>
          %add3A_97 = arith.addf %get3A_92, %get3A_96 : vector<16xf32>
          %gt3A = arith.constant 0.000000e+00 : f32
          %gt3A_98 = vector.broadcast %gt3A : f32 to vector<16xf32>
          %gt3A_99 = arith.cmpf ogt, %add3A_97, %gt3A_98 : vector<16xf32>
          %mul3A_100 = arith.constant 2.000000e-01 : f32
          %mul3A_101 = vector.broadcast %mul3A_100 : f32 to vector<16xf32>
          %mul3A_102 = arith.mulf %mul3A_101, %add3A_97 : vector<16xf32>
          %select_n3A = arith.select %gt3A_99, %add3A_97, %mul3A_102 : vector<16xi1>, vector<16xf32>
          %exp3A = math.exp %select_n3A : vector<16xf32>
          %get3A_103 = arith.index_cast %add3A_89 : i32 to index
          %get3A_104 = arith.constant 0 : index
          %get3A_105 = tpu.vector_load %arg18[%get3A_103, %get3A_104] {strides = array<i32>} : memref<128x16xf32, #tpu.memory_space<vmem>>, vector<1x16xf32>,
          %get3A_106 = vector.shape_cast %get3A_105 : vector<1x16xf32> to vector<16xf32>
          %div3A = arith.divf %exp3A, %get3A_106 : vector<16xf32>
          %jit3A = arith.constant 0.000000e+00 : f32
          %broadcast_in_dim3A_107 = vector.broadcast %jit3A : f32 to vector<16xf32>
          %select_n3A_108 = arith.select %lt3A_1, %div3A, %broadcast_in_dim3A_107 : vector<16xi1>, vector<16xf32>
          %broadcast_in_dim3A_109 = arith.constant 0 : i32
          %broadcast_in_dim3A_110 = vector.broadcast %broadcast_in_dim3A_109 : i32 to vector<16x1xi32>
          %gather3A = vector.shape_cast %broadcast_in_dim3A_110 : vector<16x1xi32> to vector<16xi32>
          %gather3A_111 = tpu.dynamic_gather %select_n3A_108[%gather3A] in [0] : vector<16xf32>, vector<16xi32> -> vector<16xf32>
          %get3A_112 = arith.index_cast %add3A_89 : i32 to index
          %get3A_113 = arith.constant 0 : index
          %get3A_114 = tpu.vector_load %arg19[%get3A_112, %get3A_113] {strides = array<i32>} : memref<128x128xf32, #tpu.memory_space<vmem>>, vector<1x16xf32>,
          %get3A_115 = vector.shape_cast %get3A_114 : vector<1x16xf32> to vector<16xf32>
          %mul3A_116 = arith.mulf %get3A_115, %gather3A_111 : vector<16xf32>
          %swap3A = arith.index_cast %add3A_89 : i32 to index
          %swap3A_117 = arith.constant 0 : index
          %swap3A_118 = tpu.vector_load %arg19[%swap3A, %swap3A_117] {strides = array<i32>} : memref<128x128xf32, #tpu.memory_space<vmem>>, vector<1x16xf32>,
          %swap3A_119 = vector.shape_cast %swap3A_118 : vector<1x16xf32> to vector<16xf32>
          %swap3A_120 = vector.shape_cast %mul3A_116 : vector<16xf32> to vector<1x16xf32>
          tpu.vector_store %arg19[%swap3A, %swap3A_117], %swap3A_120 {strides = array<i32>} : memref<128x128xf32, #tpu.memory_space<vmem>>, vector<1x16xf32>,
          %broadcast_in_dim3A_121 = arith.constant 1 : i32
          %broadcast_in_dim3A_122 = vector.broadcast %broadcast_in_dim3A_121 : i32 to vector<16x1xi32>
          %gather3A_123 = vector.shape_cast %broadcast_in_dim3A_122 : vector<16x1xi32> to vector<16xi32>
          %gather3A_124 = tpu.dynamic_gather %select_n3A_108[%gather3A_123] in [0] : vector<16xf32>, vector<16xi32> -> vector<16xf32>
          %get3A_125 = arith.index_cast %add3A_89 : i32 to index
          %get3A_126 = arith.constant 16 : index
          %get3A_127 = tpu.vector_load %arg19[%get3A_125, %get3A_126] {strides = array<i32>} : memref<128x128xf32, #tpu.memory_space<vmem>>, vector<1x16xf32>,
          %get3A_128 = vector.shape_cast %get3A_127 : vector<1x16xf32> to vector<16xf32>
          %mul3A_129 = arith.mulf %get3A_128, %gather3A_124 : vector<16xf32>
          %swap3A_130 = arith.index_cast %add3A_89 : i32 to index
          %swap3A_131 = arith.constant 16 : index
          %swap3A_132 = tpu.vector_load %arg19[%swap3A_130, %swap3A_131] {strides = array<i32>} : memref<128x128xf32, #tpu.memory_space<vmem>>, vector<1x16xf32>,
          %swap3A_133 = vector.shape_cast %swap3A_132 : vector<1x16xf32> to vector<16xf32>
          %swap3A_134 = vector.shape_cast %mul3A_129 : vector<16xf32> to vector<1x16xf32>
          tpu.vector_store %arg19[%swap3A_130, %swap3A_131], %swap3A_134 {strides = array<i32>} : memref<128x128xf32, #tpu.memory_space<vmem>>, vector<1x16xf32>,
          %broadcast_in_dim3A_135 = arith.constant 2 : i32
          %broadcast_in_dim3A_136 = vector.broadcast %broadcast_in_dim3A_135 : i32 to vector<16x1xi32>
          %gather3A_137 = vector.shape_cast %broadcast_in_dim3A_136 : vector<16x1xi32> to vector<16xi32>
          %gather3A_138 = tpu.dynamic_gather %select_n3A_108[%gather3A_137] in [0] : vector<16xf32>, vector<16xi32> -> vector<16xf32>
          %get3A_139 = arith.index_cast %add3A_89 : i32 to index
          %get3A_140 = arith.constant 32 : index
          %get3A_141 = tpu.vector_load %arg19[%get3A_139, %get3A_140] {strides = array<i32>} : memref<128x128xf32, #tpu.memory_space<vmem>>, vector<1x16xf32>,
          %get3A_142 = vector.shape_cast %get3A_141 : vector<1x16xf32> to vector<16xf32>
          %mul3A_143 = arith.mulf %get3A_142, %gather3A_138 : vector<16xf32>
          %swap3A_144 = arith.index_cast %add3A_89 : i32 to index
          %swap3A_145 = arith.constant 32 : index
          %swap3A_146 = tpu.vector_load %arg19[%swap3A_144, %swap3A_145] {strides = array<i32>} : memref<128x128xf32, #tpu.memory_space<vmem>>, vector<1x16xf32>,
          %swap3A_147 = vector.shape_cast %swap3A_146 : vector<1x16xf32> to vector<16xf32>
          %swap3A_148 = vector.shape_cast %mul3A_143 : vector<16xf32> to vector<1x16xf32>
          tpu.vector_store %arg19[%swap3A_144, %swap3A_145], %swap3A_148 {strides = array<i32>} : memref<128x128xf32, #tpu.memory_space<vmem>>, vector<1x16xf32>,
          %broadcast_in_dim3A_149 = arith.constant 3 : i32
          %broadcast_in_dim3A_150 = vector.broadcast %broadcast_in_dim3A_149 : i32 to vector<16x1xi32>
          %gather3A_151 = vector.shape_cast %broadcast_in_dim3A_150 : vector<16x1xi32> to vector<16xi32>
          %gather3A_152 = tpu.dynamic_gather %select_n3A_108[%gather3A_151] in [0] : vector<16xf32>, vector<16xi32> -> vector<16xf32>
          %get3A_153 = arith.index_cast %add3A_89 : i32 to index
          %get3A_154 = arith.constant 48 : index
          %get3A_155 = tpu.vector_load %arg19[%get3A_153, %get3A_154] {strides = array<i32>} : memref<128x128xf32, #tpu.memory_space<vmem>>, vector<1x16xf32>,
          %get3A_156 = vector.shape_cast %get3A_155 : vector<1x16xf32> to vector<16xf32>
          %mul3A_157 = arith.mulf %get3A_156, %gather3A_152 : vector<16xf32>
          %swap3A_158 = arith.index_cast %add3A_89 : i32 to index
          %swap3A_159 = arith.constant 48 : index
          %swap3A_160 = tpu.vector_load %arg19[%swap3A_158, %swap3A_159] {strides = array<i32>} : memref<128x128xf32, #tpu.memory_space<vmem>>, vector<1x16xf32>,
          %swap3A_161 = vector.shape_cast %swap3A_160 : vector<1x16xf32> to vector<16xf32>
          %swap3A_162 = vector.shape_cast %mul3A_157 : vector<16xf32> to vector<1x16xf32>
          tpu.vector_store %arg19[%swap3A_158, %swap3A_159], %swap3A_162 {strides = array<i32>} : memref<128x128xf32, #tpu.memory_space<vmem>>, vector<1x16xf32>,
          %broadcast_in_dim3A_163 = arith.constant 4 : i32
          %broadcast_in_dim3A_164 = vector.broadcast %broadcast_in_dim3A_163 : i32 to vector<16x1xi32>
          %gather3A_165 = vector.shape_cast %broadcast_in_dim3A_164 : vector<16x1xi32> to vector<16xi32>
          %gather3A_166 = tpu.dynamic_gather %select_n3A_108[%gather3A_165] in [0] : vector<16xf32>, vector<16xi32> -> vector<16xf32>
          %get3A_167 = arith.index_cast %add3A_89 : i32 to index
          %get3A_168 = arith.constant 64 : index
          %get3A_169 = tpu.vector_load %arg19[%get3A_167, %get3A_168] {strides = array<i32>} : memref<128x128xf32, #tpu.memory_space<vmem>>, vector<1x16xf32>,
          %get3A_170 = vector.shape_cast %get3A_169 : vector<1x16xf32> to vector<16xf32>
          %mul3A_171 = arith.mulf %get3A_170, %gather3A_166 : vector<16xf32>
          %swap3A_172 = arith.index_cast %add3A_89 : i32 to index
          %swap3A_173 = arith.constant 64 : index
          %swap3A_174 = tpu.vector_load %arg19[%swap3A_172, %swap3A_173] {strides = array<i32>} : memref<128x128xf32, #tpu.memory_space<vmem>>, vector<1x16xf32>,
          %swap3A_175 = vector.shape_cast %swap3A_174 : vector<1x16xf32> to vector<16xf32>
          %swap3A_176 = vector.shape_cast %mul3A_171 : vector<16xf32> to vector<1x16xf32>
          tpu.vector_store %arg19[%swap3A_172, %swap3A_173], %swap3A_176 {strides = array<i32>} : memref<128x128xf32, #tpu.memory_space<vmem>>, vector<1x16xf32>,
          %broadcast_in_dim3A_177 = arith.constant 5 : i32
          %broadcast_in_dim3A_178 = vector.broadcast %broadcast_in_dim3A_177 : i32 to vector<16x1xi32>
          %gather3A_179 = vector.shape_cast %broadcast_in_dim3A_178 : vector<16x1xi32> to vector<16xi32>
          %gather3A_180 = tpu.dynamic_gather %select_n3A_108[%gather3A_179] in [0] : vector<16xf32>, vector<16xi32> -> vector<16xf32>
          %get3A_181 = arith.index_cast %add3A_89 : i32 to index
          %get3A_182 = arith.constant 80 : index
          %get3A_183 = tpu.vector_load %arg19[%get3A_181, %get3A_182] {strides = array<i32>} : memref<128x128xf32, #tpu.memory_space<vmem>>, vector<1x16xf32>,
          %get3A_184 = vector.shape_cast %get3A_183 : vector<1x16xf32> to vector<16xf32>
          %mul3A_185 = arith.mulf %get3A_184, %gather3A_180 : vector<16xf32>
          %swap3A_186 = arith.index_cast %add3A_89 : i32 to index
          %swap3A_187 = arith.constant 80 : index
          %swap3A_188 = tpu.vector_load %arg19[%swap3A_186, %swap3A_187] {strides = array<i32>} : memref<128x128xf32, #tpu.memory_space<vmem>>, vector<1x16xf32>,
          %swap3A_189 = vector.shape_cast %swap3A_188 : vector<1x16xf32> to vector<16xf32>
          %swap3A_190 = vector.shape_cast %mul3A_185 : vector<16xf32> to vector<1x16xf32>
          tpu.vector_store %arg19[%swap3A_186, %swap3A_187], %swap3A_190 {strides = array<i32>} : memref<128x128xf32, #tpu.memory_space<vmem>>, vector<1x16xf32>,
          %broadcast_in_dim3A_191 = arith.constant 6 : i32
          %broadcast_in_dim3A_192 = vector.broadcast %broadcast_in_dim3A_191 : i32 to vector<16x1xi32>
          %gather3A_193 = vector.shape_cast %broadcast_in_dim3A_192 : vector<16x1xi32> to vector<16xi32>
          %gather3A_194 = tpu.dynamic_gather %select_n3A_108[%gather3A_193] in [0] : vector<16xf32>, vector<16xi32> -> vector<16xf32>
          %get3A_195 = arith.index_cast %add3A_89 : i32 to index
          %get3A_196 = arith.constant 96 : index
          %get3A_197 = tpu.vector_load %arg19[%get3A_195, %get3A_196] {strides = array<i32>} : memref<128x128xf32, #tpu.memory_space<vmem>>, vector<1x16xf32>,
          %get3A_198 = vector.shape_cast %get3A_197 : vector<1x16xf32> to vector<16xf32>
          %mul3A_199 = arith.mulf %get3A_198, %gather3A_194 : vector<16xf32>
          %swap3A_200 = arith.index_cast %add3A_89 : i32 to index
          %swap3A_201 = arith.constant 96 : index
          %swap3A_202 = tpu.vector_load %arg19[%swap3A_200, %swap3A_201] {strides = array<i32>} : memref<128x128xf32, #tpu.memory_space<vmem>>, vector<1x16xf32>,
          %swap3A_203 = vector.shape_cast %swap3A_202 : vector<1x16xf32> to vector<16xf32>
          %swap3A_204 = vector.shape_cast %mul3A_199 : vector<16xf32> to vector<1x16xf32>
          tpu.vector_store %arg19[%swap3A_200, %swap3A_201], %swap3A_204 {strides = array<i32>} : memref<128x128xf32, #tpu.memory_space<vmem>>, vector<1x16xf32>,
          %broadcast_in_dim3A_205 = arith.constant 7 : i32
          %broadcast_in_dim3A_206 = vector.broadcast %broadcast_in_dim3A_205 : i32 to vector<16x1xi32>
          %gather3A_207 = vector.shape_cast %broadcast_in_dim3A_206 : vector<16x1xi32> to vector<16xi32>
          %gather3A_208 = tpu.dynamic_gather %select_n3A_108[%gather3A_207] in [0] : vector<16xf32>, vector<16xi32> -> vector<16xf32>
          %get3A_209 = arith.index_cast %add3A_89 : i32 to index
          %get3A_210 = arith.constant 112 : index
          %get3A_211 = tpu.vector_load %arg19[%get3A_209, %get3A_210] {strides = array<i32>} : memref<128x128xf32, #tpu.memory_space<vmem>>, vector<1x16xf32>,
          %get3A_212 = vector.shape_cast %get3A_211 : vector<1x16xf32> to vector<16xf32>
          %mul3A_213 = arith.mulf %get3A_212, %gather3A_208 : vector<16xf32>
          %swap3A_214 = arith.index_cast %add3A_89 : i32 to index
          %swap3A_215 = arith.constant 112 : index
          %swap3A_216 = tpu.vector_load %arg19[%swap3A_214, %swap3A_215] {strides = array<i32>} : memref<128x128xf32, #tpu.memory_space<vmem>>, vector<1x16xf32>,
          %swap3A_217 = vector.shape_cast %swap3A_216 : vector<1x16xf32> to vector<16xf32>
          %swap3A_218 = vector.shape_cast %mul3A_213 : vector<16xf32> to vector<1x16xf32>
          tpu.vector_store %arg19[%swap3A_214, %swap3A_215], %swap3A_218 {strides = array<i32>} : memref<128x128xf32, #tpu.memory_space<vmem>>, vector<1x16xf32>,
          %mul3A_219 = arith.constant 2 : i32
          %mul3A_220 = arith.muli %mul3A_219, %scan3A_84 : i32
          %add3A_221 = arith.constant 1 : i32
          %add3A_222 = arith.addi %mul3A_220, %add3A_221 : i32
          %get3A_223 = arith.index_cast %add3A_222 : i32 to index
          %get3A_224 = arith.constant 0 : index
          %get3A_225 = tpu.vector_load %arg16[%get3A_223, %get3A_224] {strides = array<i32>} : memref<128x16xf32, #tpu.memory_space<vmem>>, vector<1x16xf32>,
          %get3A_226 = vector.shape_cast %get3A_225 : vector<1x16xf32> to vector<16xf32>
          %get3A_227 = arith.index_cast %add3A_222 : i32 to index
          %get3A_228 = arith.constant 0 : index
          %get3A_229 = tpu.vector_load %arg17[%get3A_227, %get3A_228] {strides = array<i32>} : memref<128x16xf32, #tpu.memory_space<vmem>>, vector<1x16xf32>,
          %get3A_230 = vector.shape_cast %get3A_229 : vector<1x16xf32> to vector<16xf32>
          %add3A_231 = arith.addf %get3A_226, %get3A_230 : vector<16xf32>
          %gt3A_232 = arith.constant 0.000000e+00 : f32
          %gt3A_233 = vector.broadcast %gt3A_232 : f32 to vector<16xf32>
          %gt3A_234 = arith.cmpf ogt, %add3A_231, %gt3A_233 : vector<16xf32>
          %mul3A_235 = arith.constant 2.000000e-01 : f32
          %mul3A_236 = vector.broadcast %mul3A_235 : f32 to vector<16xf32>
          %mul3A_237 = arith.mulf %mul3A_236, %add3A_231 : vector<16xf32>
          %select_n3A_238 = arith.select %gt3A_234, %add3A_231, %mul3A_237 : vector<16xi1>, vector<16xf32>
          %exp3A_239 = math.exp %select_n3A_238 : vector<16xf32>
          %get3A_240 = arith.index_cast %add3A_222 : i32 to index
          %get3A_241 = arith.constant 0 : index
          %get3A_242 = tpu.vector_load %arg18[%get3A_240, %get3A_241] {strides = array<i32>} : memref<128x16xf32, #tpu.memory_space<vmem>>, vector<1x16xf32>,
          %get3A_243 = vector.shape_cast %get3A_242 : vector<1x16xf32> to vector<16xf32>
          %div3A_244 = arith.divf %exp3A_239, %get3A_243 : vector<16xf32>
          %jit3A_245 = arith.constant 0.000000e+00 : f32
          %broadcast_in_dim3A_246 = vector.broadcast %jit3A_245 : f32 to vector<16xf32>
          %select_n3A_247 = arith.select %lt3A_1, %div3A_244, %broadcast_in_dim3A_246 : vector<16xi1>, vector<16xf32>
          %broadcast_in_dim3A_248 = arith.constant 0 : i32
          %broadcast_in_dim3A_249 = vector.broadcast %broadcast_in_dim3A_248 : i32 to vector<16x1xi32>
          %gather3A_250 = vector.shape_cast %broadcast_in_dim3A_249 : vector<16x1xi32> to vector<16xi32>
          %gather3A_251 = tpu.dynamic_gather %select_n3A_247[%gather3A_250] in [0] : vector<16xf32>, vector<16xi32> -> vector<16xf32>
          %get3A_252 = arith.index_cast %add3A_222 : i32 to index
          %get3A_253 = arith.constant 0 : index
          %get3A_254 = tpu.vector_load %arg19[%get3A_252, %get3A_253] {strides = array<i32>} : memref<128x128xf32, #tpu.memory_space<vmem>>, vector<1x16xf32>,
          %get3A_255 = vector.shape_cast %get3A_254 : vector<1x16xf32> to vector<16xf32>
          %mul3A_256 = arith.mulf %get3A_255, %gather3A_251 : vector<16xf32>
          %swap3A_257 = arith.index_cast %add3A_222 : i32 to index
          %swap3A_258 = arith.constant 0 : index
          %swap3A_259 = tpu.vector_load %arg19[%swap3A_257, %swap3A_258] {strides = array<i32>} : memref<128x128xf32, #tpu.memory_space<vmem>>, vector<1x16xf32>,
          %swap3A_260 = vector.shape_cast %swap3A_259 : vector<1x16xf32> to vector<16xf32>
          %swap3A_261 = vector.shape_cast %mul3A_256 : vector<16xf32> to vector<1x16xf32>
          tpu.vector_store %arg19[%swap3A_257, %swap3A_258], %swap3A_261 {strides = array<i32>} : memref<128x128xf32, #tpu.memory_space<vmem>>, vector<1x16xf32>,
          %broadcast_in_dim3A_262 = arith.constant 1 : i32
          %broadcast_in_dim3A_263 = vector.broadcast %broadcast_in_dim3A_262 : i32 to vector<16x1xi32>
          %gather3A_264 = vector.shape_cast %broadcast_in_dim3A_263 : vector<16x1xi32> to vector<16xi32>
          %gather3A_265 = tpu.dynamic_gather %select_n3A_247[%gather3A_264] in [0] : vector<16xf32>, vector<16xi32> -> vector<16xf32>
          %get3A_266 = arith.index_cast %add3A_222 : i32 to index
          %get3A_267 = arith.constant 16 : index
          %get3A_268 = tpu.vector_load %arg19[%get3A_266, %get3A_267] {strides = array<i32>} : memref<128x128xf32, #tpu.memory_space<vmem>>, vector<1x16xf32>,
          %get3A_269 = vector.shape_cast %get3A_268 : vector<1x16xf32> to vector<16xf32>
          %mul3A_270 = arith.mulf %get3A_269, %gather3A_265 : vector<16xf32>
          %swap3A_271 = arith.index_cast %add3A_222 : i32 to index
          %swap3A_272 = arith.constant 16 : index
          %swap3A_273 = tpu.vector_load %arg19[%swap3A_271, %swap3A_272] {strides = array<i32>} : memref<128x128xf32, #tpu.memory_space<vmem>>, vector<1x16xf32>,
          %swap3A_274 = vector.shape_cast %swap3A_273 : vector<1x16xf32> to vector<16xf32>
          %swap3A_275 = vector.shape_cast %mul3A_270 : vector<16xf32> to vector<1x16xf32>
          tpu.vector_store %arg19[%swap3A_271, %swap3A_272], %swap3A_275 {strides = array<i32>} : memref<128x128xf32, #tpu.memory_space<vmem>>, vector<1x16xf32>,
          %broadcast_in_dim3A_276 = arith.constant 2 : i32
          %broadcast_in_dim3A_277 = vector.broadcast %broadcast_in_dim3A_276 : i32 to vector<16x1xi32>
          %gather3A_278 = vector.shape_cast %broadcast_in_dim3A_277 : vector<16x1xi32> to vector<16xi32>
          %gather3A_279 = tpu.dynamic_gather %select_n3A_247[%gather3A_278] in [0] : vector<16xf32>, vector<16xi32> -> vector<16xf32>
          %get3A_280 = arith.index_cast %add3A_222 : i32 to index
          %get3A_281 = arith.constant 32 : index
          %get3A_282 = tpu.vector_load %arg19[%get3A_280, %get3A_281] {strides = array<i32>} : memref<128x128xf32, #tpu.memory_space<vmem>>, vector<1x16xf32>,
          %get3A_283 = vector.shape_cast %get3A_282 : vector<1x16xf32> to vector<16xf32>
          %mul3A_284 = arith.mulf %get3A_283, %gather3A_279 : vector<16xf32>
          %swap3A_285 = arith.index_cast %add3A_222 : i32 to index
          %swap3A_286 = arith.constant 32 : index
          %swap3A_287 = tpu.vector_load %arg19[%swap3A_285, %swap3A_286] {strides = array<i32>} : memref<128x128xf32, #tpu.memory_space<vmem>>, vector<1x16xf32>,
          %swap3A_288 = vector.shape_cast %swap3A_287 : vector<1x16xf32> to vector<16xf32>
          %swap3A_289 = vector.shape_cast %mul3A_284 : vector<16xf32> to vector<1x16xf32>
          tpu.vector_store %arg19[%swap3A_285, %swap3A_286], %swap3A_289 {strides = array<i32>} : memref<128x128xf32, #tpu.memory_space<vmem>>, vector<1x16xf32>,
          %broadcast_in_dim3A_290 = arith.constant 3 : i32
          %broadcast_in_dim3A_291 = vector.broadcast %broadcast_in_dim3A_290 : i32 to vector<16x1xi32>
          %gather3A_292 = vector.shape_cast %broadcast_in_dim3A_291 : vector<16x1xi32> to vector<16xi32>
          %gather3A_293 = tpu.dynamic_gather %select_n3A_247[%gather3A_292] in [0] : vector<16xf32>, vector<16xi32> -> vector<16xf32>
          %get3A_294 = arith.index_cast %add3A_222 : i32 to index
          %get3A_295 = arith.constant 48 : index
          %get3A_296 = tpu.vector_load %arg19[%get3A_294, %get3A_295] {strides = array<i32>} : memref<128x128xf32, #tpu.memory_space<vmem>>, vector<1x16xf32>,
          %get3A_297 = vector.shape_cast %get3A_296 : vector<1x16xf32> to vector<16xf32>
          %mul3A_298 = arith.mulf %get3A_297, %gather3A_293 : vector<16xf32>
          %swap3A_299 = arith.index_cast %add3A_222 : i32 to index
          %swap3A_300 = arith.constant 48 : index
          %swap3A_301 = tpu.vector_load %arg19[%swap3A_299, %swap3A_300] {strides = array<i32>} : memref<128x128xf32, #tpu.memory_space<vmem>>, vector<1x16xf32>,
          %swap3A_302 = vector.shape_cast %swap3A_301 : vector<1x16xf32> to vector<16xf32>
          %swap3A_303 = vector.shape_cast %mul3A_298 : vector<16xf32> to vector<1x16xf32>
          tpu.vector_store %arg19[%swap3A_299, %swap3A_300], %swap3A_303 {strides = array<i32>} : memref<128x128xf32, #tpu.memory_space<vmem>>, vector<1x16xf32>,
          %broadcast_in_dim3A_304 = arith.constant 4 : i32
          %broadcast_in_dim3A_305 = vector.broadcast %broadcast_in_dim3A_304 : i32 to vector<16x1xi32>
          %gather3A_306 = vector.shape_cast %broadcast_in_dim3A_305 : vector<16x1xi32> to vector<16xi32>
          %gather3A_307 = tpu.dynamic_gather %select_n3A_247[%gather3A_306] in [0] : vector<16xf32>, vector<16xi32> -> vector<16xf32>
          %get3A_308 = arith.index_cast %add3A_222 : i32 to index
          %get3A_309 = arith.constant 64 : index
          %get3A_310 = tpu.vector_load %arg19[%get3A_308, %get3A_309] {strides = array<i32>} : memref<128x128xf32, #tpu.memory_space<vmem>>, vector<1x16xf32>,
          %get3A_311 = vector.shape_cast %get3A_310 : vector<1x16xf32> to vector<16xf32>
          %mul3A_312 = arith.mulf %get3A_311, %gather3A_307 : vector<16xf32>
          %swap3A_313 = arith.index_cast %add3A_222 : i32 to index
          %swap3A_314 = arith.constant 64 : index
          %swap3A_315 = tpu.vector_load %arg19[%swap3A_313, %swap3A_314] {strides = array<i32>} : memref<128x128xf32, #tpu.memory_space<vmem>>, vector<1x16xf32>,
          %swap3A_316 = vector.shape_cast %swap3A_315 : vector<1x16xf32> to vector<16xf32>
          %swap3A_317 = vector.shape_cast %mul3A_312 : vector<16xf32> to vector<1x16xf32>
          tpu.vector_store %arg19[%swap3A_313, %swap3A_314], %swap3A_317 {strides = array<i32>} : memref<128x128xf32, #tpu.memory_space<vmem>>, vector<1x16xf32>,
          %broadcast_in_dim3A_318 = arith.constant 5 : i32
          %broadcast_in_dim3A_319 = vector.broadcast %broadcast_in_dim3A_318 : i32 to vector<16x1xi32>
          %gather3A_320 = vector.shape_cast %broadcast_in_dim3A_319 : vector<16x1xi32> to vector<16xi32>
          %gather3A_321 = tpu.dynamic_gather %select_n3A_247[%gather3A_320] in [0] : vector<16xf32>, vector<16xi32> -> vector<16xf32>
          %get3A_322 = arith.index_cast %add3A_222 : i32 to index
          %get3A_323 = arith.constant 80 : index
          %get3A_324 = tpu.vector_load %arg19[%get3A_322, %get3A_323] {strides = array<i32>} : memref<128x128xf32, #tpu.memory_space<vmem>>, vector<1x16xf32>,
          %get3A_325 = vector.shape_cast %get3A_324 : vector<1x16xf32> to vector<16xf32>
          %mul3A_326 = arith.mulf %get3A_325, %gather3A_321 : vector<16xf32>
          %swap3A_327 = arith.index_cast %add3A_222 : i32 to index
          %swap3A_328 = arith.constant 80 : index
          %swap3A_329 = tpu.vector_load %arg19[%swap3A_327, %swap3A_328] {strides = array<i32>} : memref<128x128xf32, #tpu.memory_space<vmem>>, vector<1x16xf32>,
          %swap3A_330 = vector.shape_cast %swap3A_329 : vector<1x16xf32> to vector<16xf32>
          %swap3A_331 = vector.shape_cast %mul3A_326 : vector<16xf32> to vector<1x16xf32>
          tpu.vector_store %arg19[%swap3A_327, %swap3A_328], %swap3A_331 {strides = array<i32>} : memref<128x128xf32, #tpu.memory_space<vmem>>, vector<1x16xf32>,
          %broadcast_in_dim3A_332 = arith.constant 6 : i32
          %broadcast_in_dim3A_333 = vector.broadcast %broadcast_in_dim3A_332 : i32 to vector<16x1xi32>
          %gather3A_334 = vector.shape_cast %broadcast_in_dim3A_333 : vector<16x1xi32> to vector<16xi32>
          %gather3A_335 = tpu.dynamic_gather %select_n3A_247[%gather3A_334] in [0] : vector<16xf32>, vector<16xi32> -> vector<16xf32>
          %get3A_336 = arith.index_cast %add3A_222 : i32 to index
          %get3A_337 = arith.constant 96 : index
          %get3A_338 = tpu.vector_load %arg19[%get3A_336, %get3A_337] {strides = array<i32>} : memref<128x128xf32, #tpu.memory_space<vmem>>, vector<1x16xf32>,
          %get3A_339 = vector.shape_cast %get3A_338 : vector<1x16xf32> to vector<16xf32>
          %mul3A_340 = arith.mulf %get3A_339, %gather3A_335 : vector<16xf32>
          %swap3A_341 = arith.index_cast %add3A_222 : i32 to index
          %swap3A_342 = arith.constant 96 : index
          %swap3A_343 = tpu.vector_load %arg19[%swap3A_341, %swap3A_342] {strides = array<i32>} : memref<128x128xf32, #tpu.memory_space<vmem>>, vector<1x16xf32>,
          %swap3A_344 = vector.shape_cast %swap3A_343 : vector<1x16xf32> to vector<16xf32>
          %swap3A_345 = vector.shape_cast %mul3A_340 : vector<16xf32> to vector<1x16xf32>
          tpu.vector_store %arg19[%swap3A_341, %swap3A_342], %swap3A_345 {strides = array<i32>} : memref<128x128xf32, #tpu.memory_space<vmem>>, vector<1x16xf32>,
          %broadcast_in_dim3A_346 = arith.constant 7 : i32
          %broadcast_in_dim3A_347 = vector.broadcast %broadcast_in_dim3A_346 : i32 to vector<16x1xi32>
          %gather3A_348 = vector.shape_cast %broadcast_in_dim3A_347 : vector<16x1xi32> to vector<16xi32>
          %gather3A_349 = tpu.dynamic_gather %select_n3A_247[%gather3A_348] in [0] : vector<16xf32>, vector<16xi32> -> vector<16xf32>
          %get3A_350 = arith.index_cast %add3A_222 : i32 to index
          %get3A_351 = arith.constant 112 : index
          %get3A_352 = tpu.vector_load %arg19[%get3A_350, %get3A_351] {strides = array<i32>} : memref<128x128xf32, #tpu.memory_space<vmem>>, vector<1x16xf32>,
          %get3A_353 = vector.shape_cast %get3A_352 : vector<1x16xf32> to vector<16xf32>
          %mul3A_354 = arith.mulf %get3A_353, %gather3A_349 : vector<16xf32>
          %swap3A_355 = arith.index_cast %add3A_222 : i32 to index
          %swap3A_356 = arith.constant 112 : index
          %swap3A_357 = tpu.vector_load %arg19[%swap3A_355, %swap3A_356] {strides = array<i32>} : memref<128x128xf32, #tpu.memory_space<vmem>>, vector<1x16xf32>,
          %swap3A_358 = vector.shape_cast %swap3A_357 : vector<1x16xf32> to vector<16xf32>
          %swap3A_359 = vector.shape_cast %mul3A_354 : vector<16xf32> to vector<1x16xf32>
          tpu.vector_store %arg19[%swap3A_355, %swap3A_356], %swap3A_359 {strides = array<i32>} : memref<128x128xf32, #tpu.memory_space<vmem>>, vector<1x16xf32>,
          %scan3A_360 = arith.constant 0 : i32
          scf.yield %scan3A_360 : i32
        }
        %scan3A_83 = arith.constant 64 : i32
        "tpu.region"() ({
          %run_scoped3A_84 = tpu.sem_alloc : memref<!tpu.dma_semaphore, #tpu.memory_space<semaphore_mem>>
          %dma_start3A = arith.constant 0 : i32
          %dma_start3A_85 = arith.constant 0 : i32
          %dma_start3A_86 = tpu.memref_slice %arg13[%dma_start3A, %dma_start3A_85] : memref<10000x128xf32, #tpu.memory_space<vmem_shared>> -> memref<10000x128xf32, #tpu.memory_space<vmem_shared>>
          tpu.enqueue_indirect_dma source(%arg19 : memref<128x128xf32, #tpu.memory_space<vmem>>) target(%dma_start3A_86 : memref<10000x128xf32, #tpu.memory_space<vmem_shared>>) offsets(%arg15 : memref<128xi32, #tpu.memory_space<vmem>>) semaphore(%run_scoped3A_84 : memref<!tpu.dma_semaphore, #tpu.memory_space<semaphore_mem>>) {add = true}
          %dma_wait3A = arith.constant 0 : i32
          %dma_wait3A_87 = arith.constant 0 : i32
          %dma_wait3A_88 = tpu.memref_slice %arg13[%dma_wait3A, %dma_wait3A_87] : memref<10000x128xf32, #tpu.memory_space<vmem_shared>> -> memref<10000x128xf32, #tpu.memory_space<vmem_shared>>
          tpu.wait_indirect_dma semaphore(%run_scoped3A_84 : memref<!tpu.dma_semaphore, #tpu.memory_space<semaphore_mem>>) src(%arg19 : memref<128x128xf32, #tpu.memory_space<vmem>>) dst(%dma_wait3A_88 : memref<10000x128xf32, #tpu.memory_space<vmem_shared>>)
          tpu.yield
        }) : () -> ()
      } else {
      }
      %barrier3A_61 = arith.constant 0 : index
      tpu.barrier barrier_id(%barrier3A_61)
      %mul3A_62 = arith.constant 78 : i32
      %mul3A_63 = arith.muli %arg1, %mul3A_62 : i32
      %min3A = arith.constant 2 : i32
      %min3A_64 = arith.minsi %arg1, %min3A : i32
      %add3A_65 = arith.addi %mul3A_63, %min3A_64 : i32
      %mul3A_66 = arith.constant 8 : i32
      %mul3A_67 = arith.muli %mul3A_66, %add3A_65 : i32
      %run_scoped3A = arith.constant 1 : i32
      "tpu.region"() ({
        %run_scoped3A_73 = tpu.sem_alloc : memref<!tpu.dma_semaphore, #tpu.memory_space<semaphore_mem>>
        %dma_start3A = arith.constant 0 : i32
        %dma_start3A_74 = tpu.memref_slice %arg11[%run_scoped3A, %mul3A_67, %dma_start3A] : memref<2x10000x128xf32, #tpu.memory_space<hbm>> -> memref<1x624x128xf32, #tpu.memory_space<hbm>>
        %dma_start3A_75 = tpu.memref_squeeze %dma_start3A_74 : memref<1x624x128xf32, #tpu.memory_space<hbm>> -> memref<624x128xf32, #tpu.memory_space<hbm>>
        %dma_start3A_76 = arith.constant 0 : i32
        %dma_start3A_77 = tpu.memref_slice %arg13[%mul3A_67, %dma_start3A_76] : memref<10000x128xf32, #tpu.memory_space<vmem_shared>> -> memref<624x128xf32, #tpu.memory_space<vmem_shared>>
        tpu.enqueue_dma source(%dma_start3A_77 : memref<624x128xf32, #tpu.memory_space<vmem_shared>>) target(%dma_start3A_75 : memref<624x128xf32, #tpu.memory_space<hbm>>) target_semaphore(%run_scoped3A_73 : memref<!tpu.dma_semaphore, #tpu.memory_space<semaphore_mem>>)
        %dma_wait3A = arith.constant 0 : i32
        %dma_wait3A_78 = tpu.memref_slice %arg11[%run_scoped3A, %mul3A_67, %dma_wait3A] : memref<2x10000x128xf32, #tpu.memory_space<hbm>> -> memref<1x624x128xf32, #tpu.memory_space<hbm>>
        %dma_wait3A_79 = tpu.memref_squeeze %dma_wait3A_78 : memref<1x624x128xf32, #tpu.memory_space<hbm>> -> memref<624x128xf32, #tpu.memory_space<hbm>>
        %dma_wait3A_80 = arith.constant 0 : i32
        %dma_wait3A_81 = tpu.memref_slice %arg13[%mul3A_67, %dma_wait3A_80] : memref<10000x128xf32, #tpu.memory_space<vmem_shared>> -> memref<624x128xf32, #tpu.memory_space<vmem_shared>>
        tpu.wait_dma2 semaphore(%run_scoped3A_73 : memref<!tpu.dma_semaphore, #tpu.memory_space<semaphore_mem>>) src(%dma_wait3A_81 : memref<624x128xf32, #tpu.memory_space<vmem_shared>>) dst(%dma_wait3A_79 : memref<624x128xf32, #tpu.memory_space<hbm>>)
        tpu.yield
      }) : () -> ()
      %lt3A_68 = arith.constant 2 : i32
      %lt3A_69 = arith.cmpi slt, %arg1, %lt3A_68 : i32
      %convert_element_type3A_70 = arith.extui %lt3A_69 : i1 to i32
      %cond3A_71 = arith.constant 0 : i32
      %cond3A_72 = arith.cmpi ne, %convert_element_type3A_70, %cond3A_71 : i32
      scf.if %cond3A_72 {
        %add3A_73 = arith.constant 624 : i32
        %add3A_74 = arith.addi %mul3A_67, %add3A_73 : i32
        %add3A_75 = arith.constant 624 : i32
        %add3A_76 = arith.addi %mul3A_67, %add3A_75 : i32
        %run_scoped3A_77 = arith.constant 1 : i32
        "tpu.region"() ({
          %run_scoped3A_78 = tpu.sem_alloc : memref<!tpu.dma_semaphore, #tpu.memory_space<semaphore_mem>>
          %dma_start3A = arith.constant 0 : i32
          %dma_start3A_79 = tpu.memref_slice %arg11[%run_scoped3A_77, %add3A_76, %dma_start3A] : memref<2x10000x128xf32, #tpu.memory_space<hbm>> -> memref<1x8x128xf32, #tpu.memory_space<hbm>>
          %dma_start3A_80 = tpu.memref_squeeze %dma_start3A_79 : memref<1x8x128xf32, #tpu.memory_space<hbm>> -> memref<8x128xf32, #tpu.memory_space<hbm>>
          %dma_start3A_81 = arith.constant 0 : i32
          %dma_start3A_82 = tpu.memref_slice %arg13[%add3A_74, %dma_start3A_81] : memref<10000x128xf32, #tpu.memory_space<vmem_shared>> -> memref<8x128xf32, #tpu.memory_space<vmem_shared>>
          tpu.enqueue_dma source(%dma_start3A_82 : memref<8x128xf32, #tpu.memory_space<vmem_shared>>) target(%dma_start3A_80 : memref<8x128xf32, #tpu.memory_space<hbm>>) target_semaphore(%run_scoped3A_78 : memref<!tpu.dma_semaphore, #tpu.memory_space<semaphore_mem>>)
          %dma_wait3A = arith.constant 0 : i32
          %dma_wait3A_83 = tpu.memref_slice %arg11[%run_scoped3A_77, %add3A_76, %dma_wait3A] : memref<2x10000x128xf32, #tpu.memory_space<hbm>> -> memref<1x8x128xf32, #tpu.memory_space<hbm>>
          %dma_wait3A_84 = tpu.memref_squeeze %dma_wait3A_83 : memref<1x8x128xf32, #tpu.memory_space<hbm>> -> memref<8x128xf32, #tpu.memory_space<hbm>>
          %dma_wait3A_85 = arith.constant 0 : i32
          %dma_wait3A_86 = tpu.memref_slice %arg13[%add3A_74, %dma_wait3A_85] : memref<10000x128xf32, #tpu.memory_space<vmem_shared>> -> memref<8x128xf32, #tpu.memory_space<vmem_shared>>
          tpu.wait_dma2 semaphore(%run_scoped3A_78 : memref<!tpu.dma_semaphore, #tpu.memory_space<semaphore_mem>>) src(%dma_wait3A_86 : memref<8x128xf32, #tpu.memory_space<vmem_shared>>) dst(%dma_wait3A_84 : memref<8x128xf32, #tpu.memory_space<hbm>>)
          tpu.yield
        }) : () -> ()
      } else {
      }
    } else {
    }
    return
  }
}

module attributes {stable_mosaic.version = 14 : i64} {
  func.func @_pre_body(%arg0: i32, %arg1: memref<2000x256xf32, #tpu.memory_space<vmem>>, %arg2: memref<256x128xf32, #tpu.memory_space<vmem>>, %arg3: memref<1x128xf32, #tpu.memory_space<vmem>>, %arg4: memref<128x64xf32, #tpu.memory_space<vmem>>, %arg5: memref<2000x128xf32, #tpu.memory_space<vmem>>, %arg6: memref<2000x64xf32, #tpu.memory_space<vmem>>) attributes {dimension_semantics = [#tpu.dimension_semantics<arbitrary>], iteration_bounds = array<i64: 5>, scalar_prefetch = 0 : i64, scratch_operands = 0 : i64, tpu.core_type = #tpu.core_type<tc>, window_params = [{transform_indices = @transform_0, window_bounds = array<i64: 2000, 256>}, {pipeline_mode = #tpu.pipeline_mode<synchronous>, transform_indices = @transform_1, window_bounds = array<i64: 256, 128>}, {pipeline_mode = #tpu.pipeline_mode<synchronous>, transform_indices = @transform_2, window_bounds = array<i64: 1, 128>}, {pipeline_mode = #tpu.pipeline_mode<synchronous>, transform_indices = @transform_3, window_bounds = array<i64: 128, 64>}, {transform_indices = @transform_4, window_bounds = array<i64: 2000, 128>}, {transform_indices = @transform_5, window_bounds = array<i64: 2000, 64>}]} {
    %get3A = arith.constant 0 : index
    %get3A_0 = arith.constant 0 : index
    %get3A_1 = vector.load %arg1[%get3A, %get3A_0] : memref<2000x256xf32, #tpu.memory_space<vmem>>, vector<2000x256xf32>
    %get3A_2 = arith.constant 0 : index
    %get3A_3 = arith.constant 0 : index
    %get3A_4 = vector.load %arg2[%get3A_2, %get3A_3] : memref<256x128xf32, #tpu.memory_space<vmem>>, vector<256x128xf32>
    %dot_general3A = arith.constant dense<0.000000e+00> : vector<2000x128xf32>
    %dot_general3A_5 = tpu.matmul %get3A_1, %get3A_4, %dot_general3A {dimension_numbers = #tpu.dot_dimension_numbers<[1], [0], [0], [1], [0, 0, 1, 1], [], []>, transpose_lhs_hint = false} : vector<2000x256xf32>, vector<256x128xf32>, vector<2000x128xf32> -> vector<2000x128xf32>
    %get3A_6 = arith.constant 0 : index
    %get3A_7 = arith.constant 0 : index
    %get3A_8 = vector.load %arg3[%get3A_6, %get3A_7] : memref<1x128xf32, #tpu.memory_space<vmem>>, vector<1x128xf32>
    %add3A = vector.broadcast %get3A_8 : vector<1x128xf32> to vector<2000x128xf32>
    %add3A_9 = arith.addf %dot_general3A_5, %add3A : vector<2000x128xf32>
    %swap3A = arith.constant 0 : index
    %swap3A_10 = arith.constant 0 : index
    %swap3A_11 = vector.load %arg5[%swap3A, %swap3A_10] : memref<2000x128xf32, #tpu.memory_space<vmem>>, vector<2000x128xf32>
    tpu.vector_store %arg5[%swap3A, %swap3A_10], %add3A_9 {strides = array<i32>} : memref<2000x128xf32, #tpu.memory_space<vmem>>, vector<2000x128xf32>,
    %get3A_12 = arith.constant 0 : index
    %get3A_13 = arith.constant 0 : index
    %get3A_14 = vector.load %arg4[%get3A_12, %get3A_13] : memref<128x64xf32, #tpu.memory_space<vmem>>, vector<128x64xf32>
    %dot_general3A_15 = arith.constant dense<0.000000e+00> : vector<2000x64xf32>
    %dot_general3A_16 = tpu.matmul %add3A_9, %get3A_14, %dot_general3A_15 {dimension_numbers = #tpu.dot_dimension_numbers<[1], [0], [0], [1], [0, 0, 1, 1], [], []>, transpose_lhs_hint = false} : vector<2000x128xf32>, vector<128x64xf32>, vector<2000x64xf32> -> vector<2000x64xf32>
    %swap3A_17 = arith.constant 0 : index
    %swap3A_18 = arith.constant 0 : index
    %swap3A_19 = vector.load %arg6[%swap3A_17, %swap3A_18] : memref<2000x64xf32, #tpu.memory_space<vmem>>, vector<2000x64xf32>
    tpu.vector_store %arg6[%swap3A_17, %swap3A_18], %dot_general3A_16 {strides = array<i32>} : memref<2000x64xf32, #tpu.memory_space<vmem>>, vector<2000x64xf32>,
    return
  }
  func.func @transform_0(%arg0: i32) -> (i32, i32) {
    %c0_i32 = arith.constant 0 : i32
    %c0_i32_0 = arith.constant 0 : i32
    return %arg0, %c0_i32 : i32, i32
  }
  func.func @transform_1(%arg0: i32) -> (i32, i32) {
    %c0_i32 = arith.constant 0 : i32
    %c0_i32_0 = arith.constant 0 : i32
    %c0_i32_1 = arith.constant 0 : i32
    return %c0_i32, %c0_i32_0 : i32, i32
  }
  func.func @transform_2(%arg0: i32) -> (i32, i32) {
    %c0_i32 = arith.constant 0 : i32
    %c0_i32_0 = arith.constant 0 : i32
    %c0_i32_1 = arith.constant 0 : i32
    return %c0_i32, %c0_i32_0 : i32, i32
  }
  func.func @transform_3(%arg0: i32) -> (i32, i32) {
    %c0_i32 = arith.constant 0 : i32
    %c0_i32_0 = arith.constant 0 : i32
    %c0_i32_1 = arith.constant 0 : i32
    return %c0_i32, %c0_i32_0 : i32, i32
  }
  func.func @transform_4(%arg0: i32) -> (i32, i32) {
    %c0_i32 = arith.constant 0 : i32
    %c0_i32_0 = arith.constant 0 : i32
    return %arg0, %c0_i32 : i32, i32
  }
  func.func @transform_5(%arg0: i32) -> (i32, i32) {
    %c0_i32 = arith.constant 0 : i32
    %c0_i32_0 = arith.constant 0 : i32
    return %arg0, %c0_i32 : i32, i32
  }
}

module attributes {stable_mosaic.version = 14 : i64} {
  func.func @_score_body(%arg0: i32, %arg1: i32, %arg2: memref<1x2000x128xf32, #tpu.memory_space<vmem>>, %arg3: memref<128x128xf32, #tpu.memory_space<vmem>>, %arg4: memref<1x128xf32, #tpu.memory_space<vmem>>, %arg5: memref<1x128xf32, #tpu.memory_space<vmem>>, %arg6: memref<2x1xf32, #tpu.memory_space<smem>>) attributes {dimension_semantics = [#tpu.dimension_semantics<arbitrary>, #tpu.dimension_semantics<arbitrary>], iteration_bounds = array<i64: 2, 5>, scalar_prefetch = 0 : i64, scratch_operands = 0 : i64, tpu.core_type = #tpu.core_type<tc>, window_params = [{transform_indices = @transform_0, window_bounds = array<i64: 1, 2000, 128>}, {pipeline_mode = #tpu.pipeline_mode<synchronous>, transform_indices = @transform_1, window_bounds = array<i64: 128, 128>}, {pipeline_mode = #tpu.pipeline_mode<synchronous>, transform_indices = @transform_2, window_bounds = array<i64: 1, 128>}, {pipeline_mode = #tpu.pipeline_mode<synchronous>, transform_indices = @transform_3, window_bounds = array<i64: 1, 128>}, {transform_indices = @transform_4, window_bounds = array<i64: 2, 1>}]} {
    %get3A = arith.constant 0 : index
    %get3A_0 = arith.constant 0 : index
    %get3A_1 = arith.constant 0 : index
    %get3A_2 = vector.load %arg2[%get3A, %get3A_0, %get3A_1] : memref<1x2000x128xf32, #tpu.memory_space<vmem>>, vector<1x2000x128xf32>
    %get3A_3 = vector.shape_cast %get3A_2 : vector<1x2000x128xf32> to vector<2000x128xf32>
    %max3A = arith.constant 0.000000e+00 : f32
    %max3A_4 = vector.broadcast %max3A : f32 to vector<2000x128xf32>
    %max3A_5 = arith.maximumf %get3A_3, %max3A_4 : vector<2000x128xf32>
    %get3A_6 = arith.constant 0 : index
    %get3A_7 = arith.constant 0 : index
    %get3A_8 = vector.load %arg3[%get3A_6, %get3A_7] : memref<128x128xf32, #tpu.memory_space<vmem>>, vector<128x128xf32>
    %dot_general3A = arith.constant dense<0.000000e+00> : vector<2000x128xf32>
    %dot_general3A_9 = tpu.matmul %max3A_5, %get3A_8, %dot_general3A {dimension_numbers = #tpu.dot_dimension_numbers<[1], [0], [0], [1], [0, 0, 1, 1], [], []>, transpose_lhs_hint = false} : vector<2000x128xf32>, vector<128x128xf32>, vector<2000x128xf32> -> vector<2000x128xf32>
    %get3A_10 = arith.constant 0 : index
    %get3A_11 = arith.constant 0 : index
    %get3A_12 = vector.load %arg4[%get3A_10, %get3A_11] : memref<1x128xf32, #tpu.memory_space<vmem>>, vector<1x128xf32>
    %add3A = vector.broadcast %get3A_12 : vector<1x128xf32> to vector<2000x128xf32>
    %add3A_13 = arith.addf %dot_general3A_9, %add3A : vector<2000x128xf32>
    %tanh3A = math.tanh %add3A_13 : vector<2000x128xf32>
    %get3A_14 = arith.constant 0 : index
    %get3A_15 = arith.constant 0 : index
    %get3A_16 = vector.load %arg5[%get3A_14, %get3A_15] : memref<1x128xf32, #tpu.memory_space<vmem>>, vector<1x128xf32>
    %mul3A = vector.broadcast %get3A_16 : vector<1x128xf32> to vector<2000x128xf32>
    %mul3A_17 = arith.mulf %tanh3A, %mul3A : vector<2000x128xf32>
    %reduce_sum3A = vector.shape_cast %mul3A_17 : vector<2000x128xf32> to vector<1x2000x128xf32>
    %reduce_sum3A_18 = arith.constant dense<0.000000e+00> : vector<1xf32>
    %reduce_sum3A_19 = vector.multi_reduction <add>, %reduce_sum3A, %reduce_sum3A_18 [1, 2] : vector<1x2000x128xf32> to vector<1xf32>
    %reduce_sum3A_20 = vector.shape_cast %reduce_sum3A_19 : vector<1xf32> to vector<1x1x1xf32>
    %reduce_sum3A_21 = vector.extract %reduce_sum3A_20[0, 0, 0] : f32 from vector<1x1x1xf32>
    %eq3A = arith.constant 0 : i32
    %eq3A_22 = arith.cmpi eq, %arg1, %eq3A : i32
    %convert_element_type3A = arith.extui %eq3A_22 : i1 to i32
    %cond3A = arith.constant 0 : i32
    %cond3A_23 = arith.cmpi ne, %convert_element_type3A, %cond3A : i32
    scf.if %cond3A_23 {
      %swap3A_30 = arith.constant 0.000000e+00 : f32
      %swap3A_31 = arith.index_cast %arg0 : i32 to index
      %swap3A_32 = arith.constant 0 : index
      %swap3A_33 = memref.load %arg6[%swap3A_31, %swap3A_32] : memref<2x1xf32, #tpu.memory_space<smem>>
      memref.store %swap3A_30, %arg6[%swap3A_31, %swap3A_32] : memref<2x1xf32, #tpu.memory_space<smem>>
    } else {
    }
    %get3A_24 = arith.index_cast %arg0 : i32 to index
    %get3A_25 = arith.constant 0 : index
    %get3A_26 = memref.load %arg6[%get3A_24, %get3A_25] : memref<2x1xf32, #tpu.memory_space<smem>>
    %add3A_27 = arith.addf %get3A_26, %reduce_sum3A_21 : f32
    %swap3A = arith.index_cast %arg0 : i32 to index
    %swap3A_28 = arith.constant 0 : index
    %swap3A_29 = memref.load %arg6[%swap3A, %swap3A_28] : memref<2x1xf32, #tpu.memory_space<smem>>
    memref.store %add3A_27, %arg6[%swap3A, %swap3A_28] : memref<2x1xf32, #tpu.memory_space<smem>>
    return
  }
  func.func @transform_0(%arg0: i32, %arg1: i32) -> (i32, i32, i32) {
    %c0_i32 = arith.constant 0 : i32
    %c0_i32_0 = arith.constant 0 : i32
    return %arg0, %arg1, %c0_i32 : i32, i32, i32
  }
  func.func @transform_1(%arg0: i32, %arg1: i32) -> (i32, i32) {
    %c0_i32 = arith.constant 0 : i32
    %c0_i32_0 = arith.constant 0 : i32
    %c0_i32_1 = arith.constant 0 : i32
    return %c0_i32, %c0_i32_0 : i32, i32
  }
  func.func @transform_2(%arg0: i32, %arg1: i32) -> (i32, i32) {
    %c0_i32 = arith.constant 0 : i32
    %c0_i32_0 = arith.constant 0 : i32
    %c0_i32_1 = arith.constant 0 : i32
    return %c0_i32, %c0_i32_0 : i32, i32
  }
  func.func @transform_3(%arg0: i32, %arg1: i32) -> (i32, i32) {
    %c0_i32 = arith.constant 0 : i32
    %c0_i32_0 = arith.constant 0 : i32
    %c0_i32_1 = arith.constant 0 : i32
    return %c0_i32, %c0_i32_0 : i32, i32
  }
  func.func @transform_4(%arg0: i32, %arg1: i32) -> (i32, i32) {
    %c0_i32 = arith.constant 0 : i32
    %c0_i32_0 = arith.constant 0 : i32
    %c0_i32_1 = arith.constant 0 : i32
    return %c0_i32, %c0_i32_0 : i32, i32
  }
}

module attributes {stable_mosaic.version = 14 : i64} {
  func.func @_fin_body(%arg0: i32, %arg1: memref<2x2000x128xf32, #tpu.memory_space<vmem>>, %arg2: memref<2xf32, #tpu.memory_space<smem>>, %arg3: memref<128x128xf32, #tpu.memory_space<vmem>>, %arg4: memref<1x128xf32, #tpu.memory_space<vmem>>, %arg5: memref<2000x128xf32, #tpu.memory_space<vmem>>) attributes {dimension_semantics = [#tpu.dimension_semantics<arbitrary>], iteration_bounds = array<i64: 5>, scalar_prefetch = 0 : i64, scratch_operands = 0 : i64, tpu.core_type = #tpu.core_type<tc>, window_params = [{transform_indices = @transform_0, window_bounds = array<i64: 2, 2000, 128>}, {transform_indices = @transform_1, window_bounds = array<i64: 2>}, {pipeline_mode = #tpu.pipeline_mode<synchronous>, transform_indices = @transform_2, window_bounds = array<i64: 128, 128>}, {pipeline_mode = #tpu.pipeline_mode<synchronous>, transform_indices = @transform_3, window_bounds = array<i64: 1, 128>}, {transform_indices = @transform_4, window_bounds = array<i64: 2000, 128>}]} {
    %get3A = arith.constant 0 : index
    %get3A_0 = memref.load %arg2[%get3A] : memref<2xf32, #tpu.memory_space<smem>>
    %get3A_1 = arith.constant 1 : index
    %get3A_2 = memref.load %arg2[%get3A_1] : memref<2xf32, #tpu.memory_space<smem>>
    %get3A_3 = arith.constant 0 : index
    %get3A_4 = arith.constant 0 : index
    %get3A_5 = arith.constant 0 : index
    %get3A_6 = vector.load %arg1[%get3A_3, %get3A_4, %get3A_5] : memref<2x2000x128xf32, #tpu.memory_space<vmem>>, vector<1x2000x128xf32>
    %get3A_7 = vector.shape_cast %get3A_6 : vector<1x2000x128xf32> to vector<2000x128xf32>
    %max3A = arith.constant 0.000000e+00 : f32
    %max3A_8 = vector.broadcast %max3A : f32 to vector<2000x128xf32>
    %max3A_9 = arith.maximumf %get3A_7, %max3A_8 : vector<2000x128xf32>
    %get3A_10 = arith.constant 1 : index
    %get3A_11 = arith.constant 0 : index
    %get3A_12 = arith.constant 0 : index
    %get3A_13 = vector.load %arg1[%get3A_10, %get3A_11, %get3A_12] : memref<2x2000x128xf32, #tpu.memory_space<vmem>>, vector<1x2000x128xf32>
    %get3A_14 = vector.shape_cast %get3A_13 : vector<1x2000x128xf32> to vector<2000x128xf32>
    %max3A_15 = arith.constant 0.000000e+00 : f32
    %max3A_16 = vector.broadcast %max3A_15 : f32 to vector<2000x128xf32>
    %max3A_17 = arith.maximumf %get3A_14, %max3A_16 : vector<2000x128xf32>
    %mul3A = vector.broadcast %get3A_0 : f32 to vector<2000x128xf32>
    %mul3A_18 = arith.mulf %mul3A, %max3A_9 : vector<2000x128xf32>
    %mul3A_19 = vector.broadcast %get3A_2 : f32 to vector<2000x128xf32>
    %mul3A_20 = arith.mulf %mul3A_19, %max3A_17 : vector<2000x128xf32>
    %add3A = arith.addf %mul3A_18, %mul3A_20 : vector<2000x128xf32>
    %get3A_21 = arith.constant 0 : index
    %get3A_22 = arith.constant 0 : index
    %get3A_23 = vector.load %arg3[%get3A_21, %get3A_22] : memref<128x128xf32, #tpu.memory_space<vmem>>, vector<128x128xf32>
    %dot_general3A = arith.constant dense<0.000000e+00> : vector<2000x128xf32>
    %dot_general3A_24 = tpu.matmul %add3A, %get3A_23, %dot_general3A {dimension_numbers = #tpu.dot_dimension_numbers<[1], [0], [0], [1], [0, 0, 1, 1], [], []>, transpose_lhs_hint = false} : vector<2000x128xf32>, vector<128x128xf32>, vector<2000x128xf32> -> vector<2000x128xf32>
    %get3A_25 = arith.constant 0 : index
    %get3A_26 = arith.constant 0 : index
    %get3A_27 = vector.load %arg4[%get3A_25, %get3A_26] : memref<1x128xf32, #tpu.memory_space<vmem>>, vector<1x128xf32>
    %add3A_28 = vector.broadcast %get3A_27 : vector<1x128xf32> to vector<2000x128xf32>
    %add3A_29 = arith.addf %dot_general3A_24, %add3A_28 : vector<2000x128xf32>
    %swap3A = arith.constant 0 : index
    %swap3A_30 = arith.constant 0 : index
    %swap3A_31 = vector.load %arg5[%swap3A, %swap3A_30] : memref<2000x128xf32, #tpu.memory_space<vmem>>, vector<2000x128xf32>
    tpu.vector_store %arg5[%swap3A, %swap3A_30], %add3A_29 {strides = array<i32>} : memref<2000x128xf32, #tpu.memory_space<vmem>>, vector<2000x128xf32>,
    return
  }
  func.func @transform_0(%arg0: i32) -> (i32, i32, i32) {
    %c0_i32 = arith.constant 0 : i32
    %c0_i32_0 = arith.constant 0 : i32
    %c0_i32_1 = arith.constant 0 : i32
    return %c0_i32, %arg0, %c0_i32_0 : i32, i32, i32
  }
  func.func @transform_1(%arg0: i32) -> i32 {
    %c0_i32 = arith.constant 0 : i32
    %c0_i32_0 = arith.constant 0 : i32
    return %c0_i32 : i32
  }
  func.func @transform_2(%arg0: i32) -> (i32, i32) {
    %c0_i32 = arith.constant 0 : i32
    %c0_i32_0 = arith.constant 0 : i32
    %c0_i32_1 = arith.constant 0 : i32
    return %c0_i32, %c0_i32_0 : i32, i32
  }
  func.func @transform_3(%arg0: i32) -> (i32, i32) {
    %c0_i32 = arith.constant 0 : i32
    %c0_i32_0 = arith.constant 0 : i32
    %c0_i32_1 = arith.constant 0 : i32
    return %c0_i32, %c0_i32_0 : i32, i32
  }
  func.func @transform_4(%arg0: i32) -> (i32, i32) {
    %c0_i32 = arith.constant 0 : i32
    %c0_i32_0 = arith.constant 0 : i32
    return %arg0, %c0_i32 : i32, i32
  }
}

</mosaic_0001>

<sc_bundles>
// kernel: kernel.6.cloned.1.call-start
scs
__scs_entry_jumppad:
0x0: {  	(pc) =	sbr.rel $0x88, $3  }
0x1: {  	(tag) =	ssettag $0x0;
	lr =	simm.s32 $0x1  }
0x2: {  	[smem:$0x3F93] =	sst lr;
	_ =	strace $0xD0000000  }
0x3: {  	_ = 	snop  }
0x4: {  	_ = 	snop  }
0x5: {  	_ = 	snop  }
0x6: {  	_ = 	snop  }
0x7: {  	_ = 	snop  }
__scs_overlays_trampoline_lowered:
0x8: {  	[smem:$0x3FA2] =	sst s0  }
0x9: {  	[smem:$0x3FA3] =	sst s1  }
0xa: {  	[smem:$0x3FA4] =	sst s2  }
0xb: {  	[smem:$0x3FA5] =	sst s3  }
0xc: {  	[smem:$0x3FA6] =	sst s4  }
0xd: {  	[smem:$0x3FA7] =	sst s5  }
0xe: {  	[smem:$0x3FA8] =	sst s6  }
0xf: {  	[smem:$0x3FA9] =	sst s7  }
0x10: {  	[smem:$0x3FAA] =	sst s8  }
0x11: {  	[smem:$0x3FAB] =	sst s9;
	s0 =	simm.s32 @!p0 $0x0  }
0x12: {  	s1 =	sld [smem:$0x3F91];
	s0 =	simm.s32 @p0 $0x1  }
0x13: {  	[smem:$0x3FAC] =	sst s0;
	s0 =	simm.s32 @!p1 $0x0  }
0x14: {  	s2 =	sld [smem:$0x3F90];
	s0 =	simm.s32 @p1 $0x1  }
0x15: {  	[smem:$0x3FAD] =	sst s0;
	s0 =	simm.s32 @!p2 $0x0  }
0x16: {  	s3 =	sld [smem:$0x3FDB];
	s0 =	simm.s32 @p2 $0x1  }
0x17: {  	s4 =	simm.s32 $0x1BF5;
	[smem:$0x3FAF] =	sst s0  }
0x18: {  	s0 =	sld [smem:$0x3F92];
	_ =	swait.ge [sflag:s4], $0x0  }
0x19: {  	s7 =	sld [smem:$0x3F93]  }
0x1a: {  	s8 =	sadd.s32 $0xFFFFE003, lr  }
0x1b: {  	s9 =	sadd.s32 $0xFFFFFEF7, lr;
	s5 =	simm.s32 $0xFFFFFFFF;
	p2 =	slt.u32 s8, $0xFFFFF086  }
0x1c: {  	p1 =	slt.u32 s9, $0xF7A;
	s5 =	simm.s32 @!p2 $0x0  }
0x1d: {  	s5 =	simm.s32 @p1 $0x1;
	p0 =	seq.s32 s7, s2  }
0x1e: {  	s7 =	smul.u32 @!p0 $0xF7A, s2;
	p2 =	seq.s32 @!p0 s5, $0x0  }
0x1f: {  	s9 =	smul.u32 $0xF7A, s1;
	s8 =	simm.s32 @!p0 $0x1BF5;
	p2 =	por !p2, p0  }
0x20: {  	[sflag:s8] =	ssyncset.s32 @!p0 $0xFFFFF086;
	s6 =	sadd.s32 @!p0 s3, s7;
	s7 =	simm.s32 @!p0 $0x108  }
0x21: {  	s3 =	sadd.s32 s3, s9;
	s6 =	sadd.s32 @!p0 $0x88, s6;
	s7 =	simm.s32 @p2 $0x1082  }
0x22: {  	[simem:s7], [sflag:s8] =	dma.local @!p0 [hbm:s6], $0xF7A  }
0x23: {  	s9 =	sor.u32 $0xD0000000, s2;
	s6 =	simm.s32 $0x108;
	_ =	swait.ge @!p0 [sflag:s8], $0x0  }
0x24: {  	s3 =	sadd.s32 $0x88, s3;
	s6 =	simm.s32 @!p1 $0x1082;
	[sflag:s4] =	ssyncset.s32 $0xFFFFF086  }
0x25: {  	[simem:s6], [sflag:s4] =	dma.local [hbm:s3], $0xF7A  }
0x26: {  	[smem:$0x3F93] =	sst s1;
	(tag) =	ssettag s2;
	_ =	strace s9  }
0x27: {  	s1 =	sld [smem:$0x3FA3]  }
0x28: {  	s2 =	sld [smem:$0x3FA4]  }
0x29: {  	s4 =	sld [smem:$0x3FA6]  }
0x2a: {  	p0 =	seq.s32 s5, $0x0;
	s5 =	sld [smem:$0x3FA7]  }
0x2b: {  	s6 =	sld [smem:$0x3FA8]  }
0x2c: {  	s7 =	sld [smem:$0x3FA9]  }
0x2d: {  	s3 =	simm.s32 $0x108;
	s8 =	sld [smem:$0x3FAA]  }
0x2e: {  	s3 =	simm.s32 @!p0 $0x1082;
	s9 =	sld [smem:$0x3FAB]  }
0x2f: {  	lr =	sadd.s32 s0, s3;
	s0 =	sld [smem:$0x3FA2]  }
0x30: {  	s3 =	sld [smem:$0x3FA5]  }
0x31: {  	[smem:$0x3FAE] =	sst s10  }
0x32: {  	s10 =	sld [smem:$0x3FAC];
	_ =	sdelay $0x3  }
0x33: {  	p0 =	seq.s32 s10, $0x1;
	s10 =	sld [smem:$0x3FAE];
	_ =	sdelay $0x3  }
0x34: {  	[smem:$0x3FAE] =	sst s10  }
0x35: {  	s10 =	sld [smem:$0x3FAD];
	_ =	sdelay $0x3  }
0x36: {  	p1 =	seq.s32 s10, $0x1;
	s10 =	sld [smem:$0x3FAE];
	_ =	sdelay $0x3  }
0x37: {  	[smem:$0x3FAE] =	sst s10  }
0x38: {  	s10 =	sld [smem:$0x3FAF]  }
0x39: {  	_ = 	snop;
	(pc) =	sbr.ind lr, $3  }
0x3a: {  	_ = 	snop  }
0x3b: {  	_ = 	snop  }
0x3c: {  	p2 =	seq.s32 s10, $0x1;
	s10 =	sld [smem:$0x3FAE]  }
0x3d: {  	_ =	shalt  }
0x3e: {  	_ =	shalt  }
0x3f: {  	_ =	shalt  }
0x40: {  	_ =	shalt  }
0x41: {  	_ =	shalt  }
0x42: {  	_ =	shalt  }
0x43: {  	_ =	shalt  }
0x44: {  	_ =	shalt  }
0x45: {  	_ =	shalt  }
0x46: {  	_ =	shalt  }
0x47: {  	_ =	shalt  }
0x48: {  	_ =	shalt  }
0x49: {  	_ =	shalt  }
0x4a: {  	_ =	shalt  }
0x4b: {  	_ =	shalt  }
0x4c: {  	_ =	shalt  }
0x4d: {  	_ =	shalt  }
0x4e: {  	_ =	shalt  }
0x4f: {  	_ =	shalt  }
0x50: {  	_ =	shalt  }
0x51: {  	_ =	shalt  }
0x52: {  	_ =	shalt  }
0x53: {  	_ =	shalt  }
0x54: {  	_ =	shalt  }
0x55: {  	_ =	shalt  }
0x56: {  	_ =	shalt  }
0x57: {  	_ =	shalt  }
0x58: {  	_ =	shalt  }
0x59: {  	_ =	shalt  }
0x5a: {  	_ =	shalt  }
0x5b: {  	_ =	shalt  }
0x5c: {  	_ =	shalt  }
0x5d: {  	_ =	shalt  }
0x5e: {  	_ =	shalt  }
0x5f: {  	_ =	shalt  }
0x60: {  	_ =	shalt  }
0x61: {  	_ =	shalt  }
0x62: {  	_ =	shalt  }
0x63: {  	_ =	shalt  }
0x64: {  	_ =	shalt  }
0x65: {  	_ =	shalt  }
0x66: {  	_ =	shalt  }
0x67: {  	_ =	shalt  }
0x68: {  	_ =	shalt  }
0x69: {  	_ =	shalt  }
0x6a: {  	_ =	shalt  }
0x6b: {  	_ =	shalt  }
0x6c: {  	_ =	shalt  }
0x6d: {  	_ =	shalt  }
0x6e: {  	_ =	shalt  }
0x6f: {  	_ =	shalt  }
0x70: {  	_ =	shalt  }
0x71: {  	_ =	shalt  }
0x72: {  	_ =	shalt  }
0x73: {  	_ =	shalt  }
0x74: {  	_ =	shalt  }
0x75: {  	_ =	shalt  }
0x76: {  	_ =	shalt  }
0x77: {  	_ =	shalt  }
0x78: {  	_ =	shalt  }
0x79: {  	_ =	shalt  }
0x7a: {  	_ =	shalt  }
0x7b: {  	_ =	shalt  }
0x7c: {  	_ =	shalt  }
0x7d: {  	_ =	shalt  }
0x7e: {  	_ =	shalt  }
0x7f: {  	_ =	shalt  }
0x80: {  	_ =	shalt  }
0x81: {  	_ =	shalt  }
0x82: {  	_ =	shalt  }
0x83: {  	_ =	shalt  }
0x84: {  	_ =	shalt  }
0x85: {  	_ =	shalt  }
0x86: {  	_ =	shalt  }
0x87: {  	_ =	shalt  }
.Lfunc_end0:
.L_simem_size_0:
called_computation_lowered:
.L_overlay_start_0:
0x88: {  	s2 =	sld [smem:$0x3FD9]  }
0x89: {  	s3 =	sld [smem:$0x3FFE];
	_ =	sdelay $0x1  }
0x8a: {  	s1 =	srdreg.scid  }
0x8b: {  	s0 =	sand.u32 $0x1, s1  }
0x8c: {  	s16 =	sshll.u32 s0, $0xA;
	s2 =	sadd.s32 s3, s2  }
0x8d: {  	s2 =	sadd.s32 s2, s16  }
0x8e: {  	[smem:$0x3FBA] =	sst s2  }
0x8f: {  	_ = 	snop  }
0x90: {  	(tm) =	ssettm $0x1  }
0x91: {  	s17 =	sld [smem:$0x3FFB];
	_ =	sdelay $0x3  }
0x92: {  	_ =	strace s17  }
0x93: {  	s2 =	sld [smem:$0x3FFC];
	_ =	sdelay $0x3  }
0x94: {  	_ =	strace s2  }
0x95: {  	s2 =	sld [smem:$0x3FFD];
	_ =	sdelay $0x3  }
0x96: {  	_ =	strace s2  }
0x97: {  	_ =	strace $0x8FFFFFFF  }
0x98: {  	s18 =	sld [smem:$0x3FDB];
	_ =	sdelay $0x1  }
0x99: {  	s19 =	simm.s32 $_scs_section_size  }
0x9a: {  	s4 =	simm.s32 $_size__tile_overlayer_lowered;
	s5 =	simm.s32 $_tile_overlayer_lowered  }
0x9b: {  	s22 =	simm.s32 $0x1BFF;
	s21 =	sshll.u32 s5, $0x1;
	s2 =	sadd.s32 s19, s18  }
0x9c: {  	s6 =	simm.s32 $0x0;
	s20 =	sshll.u32 s4, $0x1;
	s4 =	sadd.s32 s21, s2  }
0x9d: {  	[timem:s6], [sflag:s22] =	dma.local [hbm:s4], s20  }
0x9e: {  	_ =	swait.ge [sflag:s22], s20  }
0x9f: {  	s3 =	ssub.s32 $0x0, s20;
	[sflag:s22] =	ssyncset.done $0x0  }
0xa0: {  	[sflag:s22] =	ssyncadd.s32 s3;
	_ =	sdelay $0x1  }
0xa1: {  	s23 =	simm.s32 $0x1B8B  }
0xa2: {  	_ =	swait.ge [sflag:s23], $0x1  }
0xa3: {  	[sflag:s23] =	ssyncset.done $0x0  }
0xa4: {  	s25 =	simm.s32 $0x1B8E;
	s24 =	sld [smem:$0x3FFE];
	[sflag:s23] =	ssyncadd.s32 $0xFFFFFFFF  }
0xa5: {  	s26 =	simm.s32 $execute0_lowered;
	[smem:$0x3FD2] =	sst s25  }
0xa6: {  	s4 =	sshll.u32 s26, $0x1;
	_ =	strace $0x80000046;
	[dreg:$0x1] =	wrdreg $0xFFFFFFFF  }
0xa7: {  	s28 =	simm.s32 $_size_execute0_lowered;
	s2 =	sadd.s32 s2, s4;
	[dreg:$0x0] =	wrdreg $0x0  }
0xa8: {  	s4 =	sshll.u32 s28, $0x1;
	[dreg:$0x2] =	wrdreg s2  }
0xa9: {  	[dreg:$0x3] =	wrdreg s4  }
0xaa: {  	[dreg:$0x4] =	wrdreg $0xC0  }
0xab: {  	_ =	task [dreg:s6], $0x5FFFF  }
0xac: {  	[dreg:$0x1] =	wrdreg $0xFFFFFFFF  }
0xad: {  	[dreg:$0x0] =	wrdreg $0x60  }
0xae: {  	[dreg:$0x2] =	wrdreg s24  }
0xaf: {  	[dreg:$0x3] =	wrdreg $0x27100  }
0xb0: {  	[dreg:$0x4] =	wrdreg $0x0  }
0xb1: {  	[dreg:$0x5] =	wrdreg $0x9  }
0xb2: {  	_ =	task.clear_ibuf [dreg:s6], $0x6FFFF;
	_ =	strace $0x90000046  }
0xb3: {  	s29 =	simm.s32 $0x9;
	_ =	strace $0x80000048  }
0xb4: {  	_ =	swait.ge [sflag:s29], $0x1  }
0xb5: {  	[sflag:s29] =	ssyncadd.s32 $0xFFFFFFFF  }
0xb6: {  	_ =	strace $0x90000048  }
0xb7: {  	_ =	sfence  }
0xb8: {  	s30 =	sld [smem:$0x0];
	_ =	sdelay $0x2  }
0xb9: {  	s31 =	sshll.u32 s1, $0xD;
	s1 =	sshrl.u32 s1, $0x2  }
0xba: {  	s3 =	sand.u32 $0x4000, s31;
	s1 =	sadd.s32 s1, s30  }
0xbb: {  	s0 =	sor.u32 s3, s0;
	s1 =	sshll.u32 s1, $0x11  }
0xbc: {  	s0 =	sor.u32 s1, s0  }
0xbd: {  	s0 =	sadd.s32 $0x8F2B, s0  }
0xbe: {  	[sflag:s0] =	ssyncadd.remote.s32 $0x1  }
0xbf: {  	_ =	sfence.sel $0xFFFF  }
0xc0: {  	[dreg:$0x0] =	wrdreg $0xFFFFFFFF;
	(pc) =	sbr.abs _section_cstart, $3  }
0xc1: {  	[dreg:$0x1] =	wrdreg $0xFFFFFFFF  }
0xc2: {  	_ =	task.clear_ibuf [dreg:s6], $0x2FFFF;
	_ =	strace $0x9FFFFFFF  }
0xc3: {  	(tm) =	ssettm $0x7FFFFFFF  }
tec
execute0_lowered:
.L_overlay_start_1:
0x0: {  	(tag) =	ssettag $0x1  }
0x1: {  	s1 =	rddreg [dreg:$0x0]  }
0x2: {  	s2 =	rddreg [dreg:$0x1]  }
0x3: {  	s3 =	rddreg [dreg:$0x2];
	s5 =	simm.s32 $0x0;
	s0 =	srdreg.scid  }
0x4: {  	s15 =	stileid.u32;
	s28 =	simm.s32 $0x15F90;
	s29 =	simm.s32 $0x16010  }
0x5: {  	[smem:$0x7FF] =	sst s5;
	s6 =	sadd.s32 $0x40200, s1;
	s4 =	smul.u32 $0x4E200, s15  }
0x6: {  	s0 =	sand.u32 $0x1, s0;
	s7 =	sadd.s32 $0x3B200, s1;
	s9 =	smul.u32 $0x9C40, s15  }
0x7: {  	s10 =	sadd.s32 $0x4F200, s1;
	s12 =	smul.u32 $0x271, s15;
	s20 =	smin.u32 s15, $0x2  }
0x8: {  	p1 =	sgt.u32 s15, $0x1;
	s30 =	sadd.s32 $0x27200, s1;
	s8 =	ssub.s32 $0x2, s0  }
0x9: {  	_ =	strace $0x80000047;
	p0 =	seq.s32 s0, $0x1;
	s11 =	sshrl.u32 s8, $0x1  }
0xa: {  	s4 =	sshrl.u32 s4, $0x2;
	s9 =	sshrl.u32 s9, $0x2;
	s13 =	sadd.s32 $0x100, s12  }
0xb: {  	s17 =	sadd.s32 $0x180, s12;
	s21 =	sadd.s32 $0x200, s12;
	s8 =	ssub.s32 s8, s11  }
0xc: {  	s4 =	sadd.s32 s4, s2;
	s26 =	sadd.s32 s9, s3;
	s9 =	sadd.s32 $0x80, s12  }
0xd: {  	s14 =	sshll.u32 s13, $0x7;
	s16 =	sshll.u32 s13, $0x4;
	s18 =	sshll.u32 s17, $0x7  }
0xe: {  	s19 =	sshll.u32 s17, $0x4;
	[dreg:$0x4] =	wrdreg s4;
	s11 =	sshll.u32 s9, $0x7  }
0xf: {  	[dreg:$0x5] =	wrdreg s26;
	s4 =	sshll.u32 s9, $0x4;
	s9 =	sadd.s32 s11, s2  }
0x10: {  	s22 =	sshll.u32 s21, $0x7;
	s4 =	sadd.s32 s4, s3;
	[dreg:$0x6] =	wrdreg s9  }
0x11: {  	s17 =	sshll.u32 s15, $0x4;
	s11 =	sadd.s32 s22, s2;
	[dreg:$0x7] =	wrdreg s4  }
0x12: {  	s31 =	smax.u32 s8, $0x1;
	s4 =	sadd.s32 s14, s2;
	[dreg:$0xe] =	wrdreg s11  }
0x13: {  	s14 =	smul.u32 $0x4E, s15;
	[dreg:$0x8] =	wrdreg s4;
	s4 =	sadd.s32 s16, s3  }
0x14: {  	s8 =	simm.s32 $0x16090;
	s22 =	sadd.s32 $0x4A200, s1;
	[dreg:$0x9] =	wrdreg s4  }
0x15: {  	s4 =	sadd.s32 s18, s2;
	s9 =	sadd.s32 s20, s14;
	s18 =	sor.u32 $0x4E00, s17  }
0x16: {  	s17 =	sadd.s32 $0x36200, s1;
	[dreg:$0xa] =	wrdreg s4;
	s4 =	sadd.s32 s19, s3  }
0x17: {  	s23 =	sshll.u32 s9, $0xA;
	s24 =	sshll.u32 s9, $0x7;
	s19 =	sadd.s32 s7, s18  }
0x18: {  	s20 =	sadd.s32 s22, s18;
	[dreg:$0xb] =	wrdreg s4;
	s4 =	sshll.u32 s21, $0x4  }
0x19: {  	s25 =	sadd.s32 $0x13800, s23;
	s0 =	sadd.s32 s10, s24;
	[dreg:$0x11] =	wrdreg s19  }
0x1a: {  	s13 =	sshrl.u32 s23, $0x3;
	s21 =	sadd.s32 s23, s2;
	[dreg:$0x12] =	wrdreg s20  }
0x1b: {  	s23 =	sadd.s32 $0x45200, s1;
	[dreg:$0xc] =	wrdreg s0;
	s26 =	sshrl.u32 s25, $0x3  }
0x1c: {  	s16 =	sadd.s32 s10, s13;
	s4 =	sadd.s32 s4, s3;
	s9 =	sadd.s32 s25, s2  }
0x1d: {  	s25 =	sadd.s32 $0x13800, s21;
	s0 =	sadd.s32 s10, s26;
	[dreg:$0xf] =	wrdreg s4  }
0x1e: {  	s10 =	sadd.s32 s6, s18;
	s4 =	sadd.s32 s23, s18;
	[dreg:$0xd] =	wrdreg s0  }
0x1f: {  	s24 =	sadd.s32 $0x27100, s16;
	s26 =	sshrl.u32 s9, $0x3;
	[dreg:$0x10] =	wrdreg s10  }
.Ltmp0:
0x20: {  	s18 =	sadd.s32 $0x31200, s1;
	[dreg:$0x13] =	wrdreg s4;
	(pc) =	sbr.rel .LBB2_1-.Ltmp0, $4  }
0x21: {  	v0 =	vimm.f32 $0.0e+00;
	s9 =	simm.s32 $0x16890;
	[dreg:$0x14] =	wrdreg s24;
	s0 =	sadd.s32 $0x29800, s16  }
0x22: {  	vm0 =	vmmov $0xff;
	v1 =	vimm.s32 $0x0;
	v2 =	vimm.s32 $0x1;
	[dreg:$0x17] =	wrdreg s26;
	s24 =	simm.s32 $0x17890;
	s26 =	simm.s32 $0x17090  }
0x23: {  	v3 =	vimm.s32 $0x2;
	v4 =	vimm.s32 $0x3;
	v5 =	vimm.s32 $0x4;
	s4 =	simm.s32 $0x80;
	[dreg:$0x15] =	wrdreg s0;
	s0 =	sshrl.u32 s25, $0x3  }
0x24: {  	v6 =	vimm.s32 $0x5;
	v7 =	vimm.s32 $0x6;
	v8 =	vimm.s32 $0x7;
	s25 =	simm.s32 $0x1;
	[dreg:$0x16] =	wrdreg s0;
	s0 =	sadd.s32 $0x2C200, s1  }
.LBB2_35:
0x25: {  	s10 =	stileid.u32  }
0x26: {  	[bflag:$0x0] =	sbarrier.arrive $0xFFFF;
	s10 =	sshll.u32 s10, $0x6  }
0x27: {  	s11 =	sshrl.u32 s21, $0x3;
	s12 =	rddreg [dreg:$0x14];
	s10 =	sor.u32 $0x1C01, s10  }
0x28: {  	[hbm:s12], [sflag:s10] =	dma.local [spmem:s11], $0x2700  }
0x29: {  	_ =	swait.ge [sflag:s25], $0x2700  }
0x2a: {  	[sflag:s25] =	ssyncset.done $0x0  }
0x2b: {  	[sflag:s25] =	ssyncadd.s32 $0xFFFFD900  }
.LBB2_36:
0x2c: {  	s5 =	sadd.s32 $0x1, s5  }
0x2d: {  	p2 =	sne.s32 s5, s31  }
.Ltmp1:
0x2e: {  	_ = 	snop;
	(pc) =	sbr.rel @!p2 .LBB2_37-.Ltmp1, $1  }
0x2f: {  	_ =	sdelay $0x3  }
.LBB2_1:
0x30: {  	s11 =	simm.s32 $0x0  }
0x31: {  	s10 =	simm.s32 $0x178D0;
	[tilespmem:s11+$0x17090] =	vst v0;
	s11 =	simm.s32 $0x40  }
.LBB2_2:
0x32: {  	p2 =	sne.s32 s11, $0x1FC0;
	[tilespmem:s10+$0xFFFFFFC0] =	vst v0  }
0x33: {  	[tilespmem:s10+$0xFFFFFFD0] =	vst v0  }
0x34: {  	[tilespmem:s10+$0xFFFFFFE0] =	vst v0  }
0x35: {  	[tilespmem:s10+$0xFFFFFFF0] =	vst v0  }
.Ltmp2:
0x36: {  	[tilespmem:s10+$0x0] =	vst v0;
	(pc) =	sbr.rel @p2 .LBB2_2-.Ltmp2, $4  }
0x37: {  	[tilespmem:s10+$0x10] =	vst v0  }
0x38: {  	[tilespmem:s10+$0x20] =	vst v0  }
0x39: {  	s12 =	sshra.s32 s11, $0x2;
	[tilespmem:s10+$0x30] =	vst v0  }
0x3a: {  	s11 =	sadd.s32 $0x40, s11;
	s10 =	sadd.s32 $0x80, s10;
	[tilespmem:s12+$0x17090] =	vst v0  }
0x3b: {  	[tilespmem:s10+$0xFFFFFFC0] =	vst v0  }
0x3c: {  	[tilespmem:s10+$0xFFFFFFD0] =	vst v0  }
0x3d: {  	[tilespmem:s10+$0xFFFFFFE0] =	vst v0  }
0x3e: {  	[tilespmem:s10+$0xFFFFFFF0] =	vst v0  }
0x3f: {  	[tilespmem:s10+$0x0] =	vst v0  }
0x40: {  	[tilespmem:s10+$0x10] =	vst v0  }
0x41: {  	[tilespmem:s10+$0x20] =	vst v0  }
0x42: {  	[tilespmem:s10+$0x30] =	vst v0;
	s16 =	rddreg [dreg:$0x4]  }
0x43: {  	[spmem:s16] =	stream.linear.scatter [tilespmem:s24], [sflag:$0x1], $0x4000, $0x38;
	[tilespmem:$0x1B890] =	vst v63  }
0x44: {  	_ =	swait.ge [sflag:s25], $0x4000  }
0x45: {  	[sflag:s25] =	ssyncset.done $0x0  }
0x46: {  	s19 =	rddreg [dreg:$0x5];
	[sflag:s25] =	ssyncadd.s32 $0xFFFFC000  }
0x47: {  	[spmem:s19] =	stream.linear.scatter [tilespmem:s26], [sflag:$0x1], $0x800, $0x38;
	[tilespmem:$0x1B890] =	vst v63  }
0x48: {  	_ =	swait.ge [sflag:s25], $0x800  }
0x49: {  	[sflag:s25] =	ssyncset.done $0x0  }
0x4a: {  	s20 =	rddreg [dreg:$0x6];
	[sflag:s25] =	ssyncadd.s32 $0xFFFFF800  }
0x4b: {  	[spmem:s20] =	stream.linear.scatter [tilespmem:s24], [sflag:$0x1], $0x4000, $0x38;
	[tilespmem:$0x1B890] =	vst v63  }
0x4c: {  	_ =	swait.ge [sflag:s25], $0x4000  }
0x4d: {  	[sflag:s25] =	ssyncset.done $0x0  }
0x4e: {  	s11 =	rddreg [dreg:$0x7];
	[sflag:s25] =	ssyncadd.s32 $0xFFFFC000  }
0x4f: {  	[spmem:s11] =	stream.linear.scatter [tilespmem:s26], [sflag:$0x1], $0x800, $0x38;
	[tilespmem:$0x1B890] =	vst v63  }
0x50: {  	_ =	swait.ge [sflag:s25], $0x800  }
0x51: {  	[sflag:s25] =	ssyncset.done $0x0  }
0x52: {  	s12 =	rddreg [dreg:$0x8];
	[sflag:s25] =	ssyncadd.s32 $0xFFFFF800  }
0x53: {  	[spmem:s12] =	stream.linear.scatter [tilespmem:s24], [sflag:$0x1], $0x4000, $0x38;
	[tilespmem:$0x1B890] =	vst v63  }
0x54: {  	_ =	swait.ge [sflag:s25], $0x4000  }
0x55: {  	[sflag:s25] =	ssyncset.done $0x0  }
0x56: {  	s13 =	rddreg [dreg:$0x9];
	[sflag:s25] =	ssyncadd.s32 $0xFFFFC000  }
0x57: {  	[spmem:s13] =	stream.linear.scatter [tilespmem:s26], [sflag:$0x1], $0x800, $0x38;
	[tilespmem:$0x1B890] =	vst v63  }
0x58: {  	_ =	swait.ge [sflag:s25], $0x800  }
0x59: {  	[sflag:s25] =	ssyncset.done $0x0  }
0x5a: {  	s15 =	rddreg [dreg:$0xa];
	[sflag:s25] =	ssyncadd.s32 $0xFFFFF800  }
0x5b: {  	[spmem:s15] =	stream.linear.scatter [tilespmem:s24], [sflag:$0x1], $0x4000, $0x38;
	[tilespmem:$0x1B890] =	vst v63  }
0x5c: {  	_ =	swait.ge [sflag:s25], $0x4000  }
0x5d: {  	[sflag:s25] =	ssyncset.done $0x0  }
0x5e: {  	s16 =	rddreg [dreg:$0xb];
	[sflag:s25] =	ssyncadd.s32 $0xFFFFC000  }
0x5f: {  	[spmem:s16] =	stream.linear.scatter [tilespmem:s26], [sflag:$0x1], $0x800, $0x38;
	[tilespmem:$0x1B890] =	vst v63  }
0x60: {  	_ =	swait.ge [sflag:s25], $0x800  }
0x61: {  	[sflag:s25] =	ssyncset.done $0x0  }
0x62: {  	s19 =	rddreg [dreg:$0xe];
	[sflag:s25] =	ssyncadd.s32 $0xFFFFF800  }
0x63: {  	[spmem:s19] =	stream.linear.scatter [tilespmem:s24], [sflag:$0x1], $0x3880, $0x38;
	[tilespmem:$0x1B890] =	vst v63  }
0x64: {  	_ =	swait.ge [sflag:s25], $0x3880  }
0x65: {  	[sflag:s25] =	ssyncset.done $0x0  }
0x66: {  	s20 =	rddreg [dreg:$0xf];
	[sflag:s25] =	ssyncadd.s32 $0xFFFFC780  }
0x67: {  	[spmem:s20] =	stream.linear.scatter [tilespmem:s26], [sflag:$0x1], $0x710, $0x38;
	[tilespmem:$0x1B890] =	vst v63  }
.Ltmp3:
0x68: {  	_ =	swait.ge [sflag:s25], $0x710;
	(pc) =	sbr.rel @!p0 .LBB2_4-.Ltmp3, $4  }
0x69: {  	[sflag:s25] =	ssyncset.done $0x0  }
0x6a: {  	[sflag:s25] =	ssyncadd.s32 $0xFFFFF8F0  }
0x6b: {  	[bflag:$0x0] =	sbarrier.arrive $0xFFFF  }
0x6c: {  	s10 =	simm.s32 $0x0;
	s11 =	simm.s32 $0x0;
	s12 =	simm.s32 $0x0  }
.LBB2_19:
0x6d: {  	s11 =	sadd.s32 s14, s12  }
0x6e: {  	s11 =	sshll.u32 s11, $0x4  }
0x6f: {  	s13 =	sadd.s32 s22, s11  }
0x70: {  	[tilespmem:s28], [sflag:$0x1] =	stream.linear.gather [hbm4b:s13+s10], $0x80, $0x38;
	[tilespmem:$0x1B890] =	vst v63  }
0x71: {  	_ =	swait.ge [sflag:s25], $0x80  }
0x72: {  	[sflag:s25] =	ssyncset.done $0x0  }
0x73: {  	s11 =	sadd.s32 s23, s11;
	[sflag:s25] =	ssyncadd.s32 $0xFFFFFF80  }
0x74: {  	[tilespmem:s29], [sflag:$0x1] =	stream.linear.gather [hbm4b:s11+s10], $0x80, $0x38;
	[tilespmem:$0x1B890] =	vst v63  }
0x75: {  	_ =	swait.ge [sflag:s25], $0x80  }
0x76: {  	[sflag:s25] =	ssyncset.done $0x0  }
0x77: {  	[sflag:s25] =	ssyncadd.s32 $0xFFFFFF80  }
0x78: {  	[tilespmem:s8], [sflag:$0x1] =	stream.indirect.gather [hbm4b:s18+s4], $0x10, s28, s4, $0xb8;
	[tilespmem:$0x1B890] =	vst v63  }
0x79: {  	_ =	swait.ge [sflag:s25], $0x800  }
0x7a: {  	[sflag:s25] =	ssyncset.done $0x0  }
0x7b: {  	[sflag:s25] =	ssyncadd.s32 $0xFFFFF800  }
0x7c: {  	[tilespmem:s9], [sflag:$0x1] =	stream.indirect.gather [hbm4b:s17+s4], $0x10, s29, s4, $0xb8;
	[tilespmem:$0x1B890] =	vst v63  }
0x7d: {  	_ =	swait.ge [sflag:s25], $0x800  }
0x7e: {  	[sflag:s25] =	ssyncset.done $0x0  }
0x7f: {  	s11 =	simm.s32 $0x0;
	[sflag:s25] =	ssyncadd.s32 $0xFFFFF800  }
0x80: {  	v9 =	vld [tilespmem:s11+$0x160A0]  }
0x81: {  	v10 =	vld [tilespmem:s11+$0x168A0];
	_ =	sdelay $0x3  }
0x82: {  	v11 =	vld [tilespmem:s11+$0x16090]  }
0x83: {  	s13 =	simm.s32 $0x20;
	v12 =	vld [tilespmem:s11+$0x16890];
	v9 =	vadd.f32 v10, v9  }
0x84: {  	v13 =	vld [tilespmem:s13+$0x160A0]  }
0x85: {  	v14 =	vld [tilespmem:s13+$0x16090];
	v15 =	vmul.f32 $2.000000030e-01, v9  }
0x86: {  	v10 =	vld [tilespmem:s13+$0x168A0];
	vm1 =	vgt.f32 v9, $0.0e+00  }
0x87: {  	v16 =	vld [tilespmem:s13+$0x16890];
	v9 =	vsel vm1, v9, v15  }
0x88: {  	v11 =	vadd.f32 v12, v11;
	v9 =	vmul.f32 $1.442695020e+00, v9  }
0x89: {  	s15 =	simm.s32 $0x40  }
0x8a: {  	v12 =	vld [tilespmem:s15+$0x160A0];
	(erf) = vpow2.f32 v9;
	v9 =	vmul.f32 $2.000000030e-01, v11  }
0x8b: {  	vm1 =	vgt.f32 v11, $0.0e+00;
	v10 =	vadd.f32 v10, v13;
	v13 =	vld [tilespmem:s15+$0x168A0]  }
0x8c: {  	v14 =	vadd.f32 v16, v14;
	v9 =	vsel vm1, v11, v9  }
0x8d: {  	v16 =	vmul.f32 $2.000000030e-01, v10;
	v9 =	vmul.f32 $1.442695020e+00, v9  }
0x8e: {  	v17 =	vld [tilespmem:s15+$0x16890];
	vm1 =	vgt.f32 v10, $0.0e+00;
	v11 =	vmul.f32 $2.000000030e-01, v14  }
0x8f: {  	v15 =	vld [tilespmem:s15+$0x16090];
	v10 =	vsel vm1, v10, v16;
	vm1 =	vgt.f32 v14, $0.0e+00;
	(erf) = vpow2.f32 v9  }
0x90: {  	v16 =	vadd.f32 v13, v12;
	v10 =	vmul.f32 $1.442695020e+00, v10;
	v11 =	vsel vm1, v14, v11  }
0x91: {  	s16 =	simm.s32 $0x60;
	v13 =	vmul.f32 $1.442695020e+00, v11  }
0x92: {  	v9 =	vld [tilespmem:s16+$0x160A0];
	v14 =	vmul.f32 $2.000000030e-01, v16;
	(erf) = vpow2.f32 v10  }
0x93: {  	v11 =	vld [tilespmem:s16+$0x168A0];
	(erf) = vpow2.f32 v13  }
0x94: {  	v12 =	vadd.f32 v17, v15;
	v10 =	vld [tilespmem:s16+$0x16090]  }
0x95: {  	vm2 =	vgt.f32 v16, $0.0e+00;
	v13 =	vld [tilespmem:s16+$0x16890]  }
0x96: {  	s19 =	simm.s32 $0x200;
	vm1 =	vgt.f32 v12, $0.0e+00;
	v15 =	vmul.f32 $2.000000030e-01, v12;
	v16 =	vsel vm2, v16, v14;
	v14 =	vpop (erf)  }
.LBB2_20:
0x97: {  	s20 =	sshra.s32 s19, $0x2;
	v16 =	vmul.f32 $1.442695020e+00, v16;
	v18 =	vnsel vm0, $0x0, v14;
	p2 =	sne.s32 s19, $0x1F80  }
.Ltmp4:
0x98: {  	s19 =	sadd.s32 $0x80, s19;
	v17 =	vadd.f32 v11, v9;
	v9 =	vld [tilespmem:s20+$0x160A0];
	v12 =	vsel vm1, v12, v15;
	[tilespmem:s11+$0x170A0] =	vst v18;
	v14 =	vpop (erf);
	(pc) =	sbr.rel @p2 .LBB2_20-.Ltmp4, $4  }
0x99: {  	v11 =	vld [tilespmem:s20+$0x168A0];
	v15 =	vmul.f32 $1.442695020e+00, v12;
	(erf) = vpow2.f32 v16;
	v14 =	vnsel vm0, $0x0, v14  }
0x9a: {  	v12 =	vadd.f32 v13, v10;
	v10 =	vld [tilespmem:s20+$0x16090];
	v16 =	vmul.f32 $2.000000030e-01, v17;
	[tilespmem:s11+$0x17090] =	vst v14;
	s11 =	smov.u32 s13;
	s13 =	smov.u32 s15;
	s15 =	smov.u32 s16  }
0x9b: {  	vm2 =	vgt.f32 v17, $0.0e+00;
	s16 =	smov.u32 s20;
	v13 =	vld [tilespmem:s20+$0x16890];
	(erf) = vpow2.f32 v15  }
0x9c: {  	vm1 =	vgt.f32 v12, $0.0e+00;
	v15 =	vmul.f32 $2.000000030e-01, v12;
	v16 =	vsel vm2, v17, v16;
	v14 =	vpop (erf)  }
0x9d: {  	_ =	sdelay $0x1  }
0x9e: {  	v9 =	vadd.f32 v11, v9  }
0x9f: {  	v10 =	vadd.f32 v13, v10  }
0xa0: {  	v11 =	vmul.f32 $1.442695020e+00, v16;
	v62 =	vmul.f32 $2.000000030e-01, v9  }
0xa1: {  	v12 =	vsel vm1, v12, v15;
	vm1 =	vgt.f32 v9, $0.0e+00;
	v63 =	vmul.f32 $2.000000030e-01, v10  }
0xa2: {  	v12 =	vmul.f32 $1.442695020e+00, v12;
	vm2 =	vgt.f32 v10, $0.0e+00;
	v9 =	vsel vm1, v9, v62  }
0xa3: {  	(erf) = vpow2.f32 v11;
	v9 =	vmul.f32 $1.442695020e+00, v9;
	v10 =	vsel vm2, v10, v63  }
0xa4: {  	(erf) = vpow2.f32 v12;
	v10 =	vmul.f32 $1.442695020e+00, v10  }
0xa5: {  	(erf) = vpow2.f32 v9  }
0xa6: {  	(erf) = vpow2.f32 v10;
	_ =	sdelay $0x1  }
0xa7: {  	v10 =	vnsel vm0, $0x0, v14  }
0xa8: {  	v9 =	vpop (erf)  }
0xa9: {  	v11 =	vpop (erf);
	[tilespmem:s11+$0x170A0] =	vst v10;
	v9 =	vnsel vm0, $0x0, v9  }
0xaa: {  	[tilespmem:s11+$0x17090] =	vst v9;
	v9 =	vnsel vm0, $0x0, v11;
	v10 =	vpop (erf)  }
0xab: {  	[tilespmem:s13+$0x170A0] =	vst v9;
	v9 =	vnsel vm0, $0x0, v10;
	v10 =	vpop (erf)  }
0xac: {  	[tilespmem:s13+$0x17090] =	vst v9;
	v9 =	vnsel vm0, $0x0, v10;
	v10 =	vpop (erf)  }
0xad: {  	[tilespmem:s15+$0x170A0] =	vst v9;
	v9 =	vnsel vm0, $0x0, v10;
	v10 =	vpop (erf)  }
0xae: {  	s12 =	sadd.s32 $0x1, s12;
	[tilespmem:s15+$0x17090] =	vst v9;
	v9 =	vnsel vm0, $0x0, v10;
	v10 =	vpop (erf)  }
0xaf: {  	p2 =	sne.s32 s12, $0x4E;
	[tilespmem:s16+$0x170A0] =	vst v9;
	v9 =	vnsel vm0, $0x0, v10  }
.Ltmp5:
0xb0: {  	[tilespmem:s16+$0x17090] =	vst v9;
	(pc) =	sbr.rel @p2 .LBB2_19-.Ltmp5, $4  }
0xb1: {  	[spmem:s3] =	stream.indirect.scatter.add.f32 [tilespmem:s26], [sflag:$0x1], $0x10, s29, s4, $0xb8;
	[tilespmem:$0x1B890] =	vst v63  }
0xb2: {  	_ =	swait.ge [sflag:s25], $0x800  }
0xb3: {  	[sflag:s25] =	ssyncset.done $0x0  }
0xb4: {  	[sflag:s25] =	ssyncadd.s32 $0xFFFFF800  }
.Ltmp6:
0xb5: {  	(pc) =	sbr.rel @p1 .LBB2_26-.Ltmp6, $1  }
0xb6: {  	_ =	sdelay $0x3  }
0xb7: {  	s10 =	simm.s32 $0x0;
	s11 =	rddreg [dreg:$0x12]  }
0xb8: {  	[tilespmem:s28], [sflag:$0x1] =	stream.linear.gather [hbm4b:s11+s10], $0x80, $0x38;
	[tilespmem:$0x1B890] =	vst v63  }
0xb9: {  	_ =	swait.ge [sflag:s25], $0x80  }
0xba: {  	[sflag:s25] =	ssyncset.done $0x0  }
0xbb: {  	s20 =	rddreg [dreg:$0x13];
	[sflag:s25] =	ssyncadd.s32 $0xFFFFFF80  }
0xbc: {  	[tilespmem:s29], [sflag:$0x1] =	stream.linear.gather [hbm4b:s20+s10], $0x80, $0x38;
	[tilespmem:$0x1B890] =	vst v63  }
0xbd: {  	_ =	swait.ge [sflag:s25], $0x80  }
0xbe: {  	[sflag:s25] =	ssyncset.done $0x0  }
0xbf: {  	[sflag:s25] =	ssyncadd.s32 $0xFFFFFF80  }
0xc0: {  	[tilespmem:s8], [sflag:$0x1] =	stream.indirect.gather [hbm4b:s18+s4], $0x10, s28, s4, $0xb8;
	[tilespmem:$0x1B890] =	vst v63  }
0xc1: {  	_ =	swait.ge [sflag:s25], $0x800  }
0xc2: {  	[sflag:s25] =	ssyncset.done $0x0  }
0xc3: {  	[sflag:s25] =	ssyncadd.s32 $0xFFFFF800  }
0xc4: {  	[tilespmem:s9], [sflag:$0x1] =	stream.indirect.gather [hbm4b:s17+s4], $0x10, s29, s4, $0xb8;
	[tilespmem:$0x1B890] =	vst v63  }
0xc5: {  	_ =	swait.ge [sflag:s25], $0x800  }
0xc6: {  	[sflag:s25] =	ssyncset.done $0x0  }
0xc7: {  	s10 =	simm.s32 $0x0;
	[sflag:s25] =	ssyncadd.s32 $0xFFFFF800  }
0xc8: {  	v9 =	vld [tilespmem:s10+$0x160A0]  }
0xc9: {  	v10 =	vld [tilespmem:s10+$0x168A0];
	_ =	sdelay $0x3  }
0xca: {  	v11 =	vld [tilespmem:s10+$0x16090]  }
0xcb: {  	s11 =	simm.s32 $0x20;
	v12 =	vld [tilespmem:s10+$0x16890];
	v9 =	vadd.f32 v10, v9  }
0xcc: {  	v13 =	vld [tilespmem:s11+$0x160A0]  }
0xcd: {  	v14 =	vld [tilespmem:s11+$0x16090];
	v15 =	vmul.f32 $2.000000030e-01, v9  }
0xce: {  	v10 =	vld [tilespmem:s11+$0x168A0];
	vm1 =	vgt.f32 v9, $0.0e+00  }
0xcf: {  	v16 =	vld [tilespmem:s11+$0x16890];
	v9 =	vsel vm1, v9, v15  }
0xd0: {  	v11 =	vadd.f32 v12, v11;
	v9 =	vmul.f32 $1.442695020e+00, v9  }
0xd1: {  	s12 =	simm.s32 $0x40  }
0xd2: {  	v12 =	vld [tilespmem:s12+$0x160A0];
	(erf) = vpow2.f32 v9;
	v9 =	vmul.f32 $2.000000030e-01, v11  }
0xd3: {  	vm1 =	vgt.f32 v11, $0.0e+00;
	v10 =	vadd.f32 v10, v13;
	v13 =	vld [tilespmem:s12+$0x168A0]  }
0xd4: {  	v14 =	vadd.f32 v16, v14;
	v9 =	vsel vm1, v11, v9  }
0xd5: {  	v16 =	vmul.f32 $2.000000030e-01, v10;
	v9 =	vmul.f32 $1.442695020e+00, v9  }
0xd6: {  	v17 =	vld [tilespmem:s12+$0x16890];
	vm1 =	vgt.f32 v10, $0.0e+00;
	v11 =	vmul.f32 $2.000000030e-01, v14  }
0xd7: {  	v15 =	vld [tilespmem:s12+$0x16090];
	v10 =	vsel vm1, v10, v16;
	vm1 =	vgt.f32 v14, $0.0e+00;
	(erf) = vpow2.f32 v9  }
0xd8: {  	v16 =	vadd.f32 v13, v12;
	v10 =	vmul.f32 $1.442695020e+00, v10;
	v11 =	vsel vm1, v14, v11  }
0xd9: {  	s13 =	simm.s32 $0x60;
	v13 =	vmul.f32 $1.442695020e+00, v11  }
0xda: {  	v9 =	vld [tilespmem:s13+$0x160A0];
	v14 =	vmul.f32 $2.000000030e-01, v16;
	(erf) = vpow2.f32 v10  }
0xdb: {  	v11 =	vld [tilespmem:s13+$0x168A0];
	(erf) = vpow2.f32 v13  }
0xdc: {  	v12 =	vadd.f32 v17, v15;
	v10 =	vld [tilespmem:s13+$0x16090]  }
0xdd: {  	vm2 =	vgt.f32 v16, $0.0e+00;
	v13 =	vld [tilespmem:s13+$0x16890]  }
0xde: {  	s15 =	simm.s32 $0x200;
	vm1 =	vgt.f32 v12, $0.0e+00;
	v15 =	vmul.f32 $2.000000030e-01, v12;
	v16 =	vsel vm2, v16, v14;
	v14 =	vpop (erf)  }
.LBB2_24:
0xdf: {  	s16 =	sshra.s32 s15, $0x2;
	v16 =	vmul.f32 $1.442695020e+00, v16;
	v18 =	vnsel vm0, $0x0, v14;
	p2 =	sne.s32 s15, $0x1F80  }
.Ltmp7:
0xe0: {  	s15 =	sadd.s32 $0x80, s15;
	v17 =	vadd.f32 v11, v9;
	v9 =	vld [tilespmem:s16+$0x160A0];
	v12 =	vsel vm1, v12, v15;
	[tilespmem:s10+$0x170A0] =	vst v18;
	v14 =	vpop (erf);
	(pc) =	sbr.rel @p2 .LBB2_24-.Ltmp7, $4  }
0xe1: {  	v11 =	vld [tilespmem:s16+$0x168A0];
	v15 =	vmul.f32 $1.442695020e+00, v12;
	(erf) = vpow2.f32 v16;
	v14 =	vnsel vm0, $0x0, v14  }
0xe2: {  	v12 =	vadd.f32 v13, v10;
	v10 =	vld [tilespmem:s16+$0x16090];
	v16 =	vmul.f32 $2.000000030e-01, v17;
	[tilespmem:s10+$0x17090] =	vst v14;
	s10 =	smov.u32 s11;
	s11 =	smov.u32 s12;
	s12 =	smov.u32 s13  }
0xe3: {  	vm2 =	vgt.f32 v17, $0.0e+00;
	s13 =	smov.u32 s16;
	v13 =	vld [tilespmem:s16+$0x16890];
	(erf) = vpow2.f32 v15  }
0xe4: {  	vm1 =	vgt.f32 v12, $0.0e+00;
	v15 =	vmul.f32 $2.000000030e-01, v12;
	v16 =	vsel vm2, v17, v16;
	v14 =	vpop (erf)  }
0xe5: {  	_ =	sdelay $0x1  }
0xe6: {  	v9 =	vadd.f32 v11, v9  }
0xe7: {  	v10 =	vadd.f32 v13, v10  }
0xe8: {  	v11 =	vmul.f32 $1.442695020e+00, v16;
	v62 =	vmul.f32 $2.000000030e-01, v9  }
0xe9: {  	v12 =	vsel vm1, v12, v15;
	vm1 =	vgt.f32 v9, $0.0e+00;
	v63 =	vmul.f32 $2.000000030e-01, v10  }
0xea: {  	v12 =	vmul.f32 $1.442695020e+00, v12;
	vm2 =	vgt.f32 v10, $0.0e+00;
	v9 =	vsel vm1, v9, v62  }
0xeb: {  	(erf) = vpow2.f32 v11;
	v9 =	vmul.f32 $1.442695020e+00, v9;
	v10 =	vsel vm2, v10, v63  }
0xec: {  	(erf) = vpow2.f32 v12;
	v10 =	vmul.f32 $1.442695020e+00, v10  }
0xed: {  	(erf) = vpow2.f32 v9  }
0xee: {  	(erf) = vpow2.f32 v10;
	_ =	sdelay $0x1  }
0xef: {  	v10 =	vnsel vm0, $0x0, v14  }
0xf0: {  	v9 =	vpop (erf)  }
0xf1: {  	v11 =	vpop (erf);
	[tilespmem:s10+$0x170A0] =	vst v10;
	v9 =	vnsel vm0, $0x0, v9  }
0xf2: {  	[tilespmem:s10+$0x17090] =	vst v9;
	v9 =	vnsel vm0, $0x0, v11;
	v10 =	vpop (erf)  }
0xf3: {  	[tilespmem:s11+$0x170A0] =	vst v9;
	v9 =	vnsel vm0, $0x0, v10;
	v10 =	vpop (erf)  }
0xf4: {  	[tilespmem:s11+$0x17090] =	vst v9;
	v9 =	vnsel vm0, $0x0, v10;
	v10 =	vpop (erf)  }
0xf5: {  	[tilespmem:s12+$0x170A0] =	vst v9;
	v9 =	vnsel vm0, $0x0, v10;
	v10 =	vpop (erf)  }
0xf6: {  	[tilespmem:s12+$0x17090] =	vst v9;
	v9 =	vnsel vm0, $0x0, v10;
	v10 =	vpop (erf)  }
0xf7: {  	[tilespmem:s13+$0x170A0] =	vst v9;
	v9 =	vnsel vm0, $0x0, v10  }
0xf8: {  	[tilespmem:s13+$0x17090] =	vst v9  }
0xf9: {  	[spmem:s3] =	stream.indirect.scatter.add.f32 [tilespmem:s26], [sflag:$0x1], $0x10, s29, s4, $0xb8;
	[tilespmem:$0x1B890] =	vst v63  }
0xfa: {  	_ =	swait.ge [sflag:s25], $0x800  }
0xfb: {  	[sflag:s25] =	ssyncset.done $0x0  }
0xfc: {  	[sflag:s25] =	ssyncadd.s32 $0xFFFFF800  }
.LBB2_26:
0xfd: {  	[bflag:$0x0] =	sbarrier.arrive $0xFFFF;
	s10 =	simm.s32 $0x0;
	s11 =	simm.s32 $0x0  }
.LBB2_27:
0xfe: {  	s12 =	sadd.s32 s14, s11  }
0xff: {  	s12 =	sshll.u32 s12, $0x4  }
0x100: {  	s13 =	sadd.s32 s22, s12  }
0x101: {  	[tilespmem:s28], [sflag:$0x1] =	stream.linear.gather [hbm4b:s13+s10], $0x80, $0x38;
	[tilespmem:$0x1B890] =	vst v63  }
0x102: {  	_ =	swait.ge [sflag:s25], $0x80  }
0x103: {  	[sflag:s25] =	ssyncset.done $0x0  }
0x104: {  	s12 =	sadd.s32 s23, s12;
	[sflag:s25] =	ssyncadd.s32 $0xFFFFFF80  }
0x105: {  	[tilespmem:s29], [sflag:$0x1] =	stream.linear.gather [hbm4b:s12+s10], $0x80, $0x38;
	[tilespmem:$0x1B890] =	vst v63  }
0x106: {  	_ =	swait.ge [sflag:s25], $0x80  }
0x107: {  	[sflag:s25] =	ssyncset.done $0x0  }
0x108: {  	[sflag:s25] =	ssyncadd.s32 $0xFFFFFF80  }
0x109: {  	[tilespmem:s8], [sflag:$0x1] =	stream.indirect.gather [hbm4b:s18+s4], $0x10, s28, s4, $0xb8;
	[tilespmem:$0x1B890] =	vst v63  }
0x10a: {  	_ =	swait.ge [sflag:s25], $0x800  }
0x10b: {  	[sflag:s25] =	ssyncset.done $0x0  }
0x10c: {  	[sflag:s25] =	ssyncadd.s32 $0xFFFFF800  }
0x10d: {  	[tilespmem:s9], [sflag:$0x1] =	stream.indirect.gather [hbm4b:s17+s4], $0x10, s29, s4, $0xb8;
	[tilespmem:$0x1B890] =	vst v63  }
0x10e: {  	_ =	swait.ge [sflag:s25], $0x800  }
0x10f: {  	[sflag:s25] =	ssyncset.done $0x0  }
0x110: {  	[sflag:s25] =	ssyncadd.s32 $0xFFFFF800  }
0x111: {  	[tilespmem:s26], [sflag:$0x1] =	stream.indirect.gather [spmem:s3], $0x10, s29, s4, $0xb8;
	[tilespmem:$0x1B890] =	vst v63  }
0x112: {  	_ =	swait.ge [sflag:s25], $0x800  }
0x113: {  	[sflag:s25] =	ssyncset.done $0x0  }
0x114: {  	[sflag:s25] =	ssyncadd.s32 $0xFFFFF800  }
0x115: {  	[tilespmem:s24], [sflag:$0x1] =	stream.indirect.gather [hbm4b:s1+s4], $0x80, s28, s4, $0xb8;
	[tilespmem:$0x1B890] =	vst v63  }
0x116: {  	_ =	swait.ge [sflag:s25], $0x4000  }
0x117: {  	[sflag:s25] =	ssyncset.done $0x0  }
0x118: {  	s20 =	simm.s32 $0x0;
	[sflag:s25] =	ssyncadd.s32 $0xFFFFC000  }
0x119: {  	v9 =	vld [tilespmem:s20+$0x16090]  }
0x11a: {  	v10 =	vld [tilespmem:s20+$0x16890];
	_ =	sdelay $0x4  }
0x11b: {  	v9 =	vadd.f32 v10, v9  }
0x11c: {  	v10 =	vld [tilespmem:s20+$0x17090]  }
0x11d: {  	v11 =	vmul.f32 $2.000000030e-01, v9  }
0x11e: {  	vm1 =	vgt.f32 v9, $0.0e+00  }
0x11f: {  	v9 =	vsel vm1, v9, v11  }
0x120: {  	v9 =	vmul.f32 $1.442695020e+00, v9  }
0x121: {  	(erf) = vrcp.f32 v10  }
0x122: {  	(erf) = vpow2.f32 v9;
	_ =	sdelay $0x7  }
0x123: {  	v9 =	vpop (erf)  }
0x124: {  	s12 =	simm.s32 $0x17910;
	v10 =	vpop (erf)  }
0x125: {  	v9 =	vmul.f32 v10, v9;
	v10 =	vld [tilespmem:s12+$0xFFFFFF80]  }
0x126: {  	v11 =	vld [tilespmem:s12+$0xFFFFFFA0]  }
0x127: {  	v13 =	vld [tilespmem:s12+$0xFFFFFFF0];
	v9 =	vnsel vm0, $0x0, v9  }
0x128: {  	v12 =	vld [tilespmem:s12+$0xFFFFFFB0];
	v14 =	vperm.xlane v9, v1  }
0x129: {  	v17 =	vld [tilespmem:s12+$0xFFFFFF90];
	v16 =	vperm.xlane v9, v3  }
0x12a: {  	v15 =	vld [tilespmem:s12+$0xFFFFFFC0];
	v18 =	vperm.xlane v9, v8;
	v10 =	vmul.f32 v10, v14  }
0x12b: {  	v19 =	vld [tilespmem:s12+$0xFFFFFFD0];
	v59 =	vperm.xlane v9, v4;
	v11 =	vmul.f32 v11, v16  }
0x12c: {  	v60 =	vld [tilespmem:s12+$0xFFFFFFE0];
	v62 =	vperm.xlane v9, v2;
	v13 =	vmul.f32 v13, v18;
	[tilespmem:s12+$0xFFFFFF80] =	vst v10  }
0x12d: {  	v61 =	vperm.xlane v9, v5;
	v10 =	vmul.f32 v12, v59;
	[tilespmem:s12+$0xFFFFFFA0] =	vst v11  }
0x12e: {  	v63 =	vmul.f32 v17, v62;
	v11 =	vperm.xlane v9, v6;
	[tilespmem:s12+$0xFFFFFFF0] =	vst v13  }
0x12f: {  	v9 =	vperm.xlane v9, v7;
	[tilespmem:s12+$0xFFFFFFB0] =	vst v10;
	v10 =	vmul.f32 v15, v61  }
0x130: {  	[tilespmem:s12+$0xFFFFFF90] =	vst v63;
	v11 =	vmul.f32 v19, v11  }
0x131: {  	v9 =	vmul.f32 v60, v9;
	[tilespmem:s12+$0xFFFFFFC0] =	vst v10  }
0x132: {  	[tilespmem:s12+$0xFFFFFFD0] =	vst v11  }
0x133: {  	[tilespmem:s12+$0xFFFFFFE0] =	vst v9  }
0x134: {  	v9 =	vld [tilespmem:s20+$0x160A0]  }
0x135: {  	v10 =	vld [tilespmem:s20+$0x168A0];
	_ =	sdelay $0x4  }
0x136: {  	v10 =	vadd.f32 v10, v9  }
0x137: {  	v9 =	vld [tilespmem:s20+$0x170A0]  }
0x138: {  	s15 =	simm.s32 $0x80;
	s13 =	simm.s32 $0x17910;
	v11 =	vmul.f32 $2.000000030e-01, v10;
	vm1 =	vgt.f32 v10, $0.0e+00  }
.LBB2_28:
0x139: {  	p2 =	sne.s32 s15, $0x1F80  }
0x13a: {  	v10 =	vsel vm1, v10, v11;
	s12 =	sadd.s32 $0x100, s12;
	s16 =	smov.u32 s15;
	s15 =	sadd.s32 $0x80, s15  }
0x13b: {  	v10 =	vmul.f32 $1.442695020e+00, v10  }
0x13c: {  	(erf) = vrcp.f32 v9  }
0x13d: {  	(erf) = vpow2.f32 v10;
	_ =	sdelay $0x7  }
0x13e: {  	v9 =	vpop (erf)  }
0x13f: {  	v10 =	vld [tilespmem:s13+$0x50];
	v11 =	vpop (erf)  }
0x140: {  	v9 =	vmul.f32 v11, v9;
	v11 =	vld [tilespmem:s13+$0x10]  }
0x141: {  	v12 =	vld [tilespmem:s13+$0x40]  }
0x142: {  	v9 =	vnsel vm0, $0x0, v9;
	v13 =	vld [tilespmem:s13+$0x0]  }
0x143: {  	v14 =	vperm.xlane v9, v2;
	v15 =	vperm.xlane v9, v5;
	v16 =	vld [tilespmem:s13+$0x60]  }
0x144: {  	s16 =	sshra.s32 s16, $0x2;
	v17 =	vperm.xlane v9, v1;
	v18 =	vperm.xlane v9, v8;
	v19 =	vld [tilespmem:s13+$0x70]  }
0x145: {  	v20 =	vperm.xlane v9, v6;
	v11 =	vmul.f32 v11, v14;
	v14 =	vld [tilespmem:s13+$0x20]  }
0x146: {  	v21 =	vld [tilespmem:s13+$0x30];
	v12 =	vmul.f32 v12, v15;
	v15 =	vperm.xlane v9, v7  }
0x147: {  	v10 =	vmul.f32 v10, v20;
	v13 =	vmul.f32 v13, v17;
	[tilespmem:s13+$0x10] =	vst v11  }
0x148: {  	v11 =	vperm.xlane v9, v3;
	[tilespmem:s13+$0x40] =	vst v12;
	v12 =	vmul.f32 v16, v15  }
0x149: {  	v9 =	vperm.xlane v9, v4;
	[tilespmem:s13+$0x50] =	vst v10;
	v10 =	vmul.f32 v19, v18  }
0x14a: {  	v11 =	vmul.f32 v14, v11;
	[tilespmem:s13+$0x60] =	vst v12  }
0x14b: {  	v9 =	vmul.f32 v21, v9;
	[tilespmem:s13+$0x70] =	vst v10  }
0x14c: {  	[tilespmem:s13+$0x0] =	vst v13  }
0x14d: {  	[tilespmem:s13+$0x20] =	vst v11  }
0x14e: {  	[tilespmem:s13+$0x30] =	vst v9;
	s13 =	smov.u32 s12;
	_ =	sdelay $0x1  }
0x14f: {  	v9 =	vld [tilespmem:s16+$0x16090]  }
0x150: {  	v10 =	vld [tilespmem:s16+$0x16890];
	_ =	sdelay $0x3  }
0x151: {  	v11 =	vld [tilespmem:s16+$0x17090]  }
0x152: {  	v9 =	vadd.f32 v10, v9;
	_ =	sdelay $0x1  }
0x153: {  	v10 =	vmul.f32 $2.000000030e-01, v9  }
0x154: {  	vm1 =	vgt.f32 v9, $0.0e+00  }
0x155: {  	v9 =	vsel vm1, v9, v10  }
0x156: {  	v9 =	vmul.f32 $1.442695020e+00, v9;
	(erf) = vrcp.f32 v11;
	_ =	sdelay $0x1  }
0x157: {  	(erf) = vpow2.f32 v9;
	_ =	sdelay $0x6  }
0x158: {  	v9 =	vpop (erf)  }
0x159: {  	v10 =	vld [tilespmem:s12+$0xFFFFFFE0]  }
0x15a: {  	v11 =	vld [tilespmem:s12+$0xFFFFFFF0];
	v12 =	vpop (erf)  }
0x15b: {  	v9 =	vmul.f32 v12, v9;
	v12 =	vld [tilespmem:s12+$0xFFFFFF80]  }
0x15c: {  	v13 =	vld [tilespmem:s12+$0xFFFFFFA0]  }
0x15d: {  	v9 =	vnsel vm0, $0x0, v9;
	v14 =	vld [tilespmem:s12+$0xFFFFFFB0]  }
0x15e: {  	v15 =	vperm.xlane v9, v1;
	v16 =	vperm.xlane v9, v2;
	v17 =	vld [tilespmem:s12+$0xFFFFFFC0]  }
0x15f: {  	v19 =	vperm.xlane v9, v3;
	v20 =	vperm.xlane v9, v8;
	v18 =	vld [tilespmem:s12+$0xFFFFFF90]  }
0x160: {  	v12 =	vmul.f32 v12, v15;
	v15 =	vperm.xlane v9, v4;
	v21 =	vld [tilespmem:s12+$0xFFFFFFD0]  }
0x161: {  	v11 =	vmul.f32 v11, v20;
	v13 =	vmul.f32 v13, v19  }
0x162: {  	[tilespmem:s12+$0xFFFFFF80] =	vst v12;
	v12 =	vmul.f32 v14, v15;
	v14 =	vperm.xlane v9, v5  }
0x163: {  	[tilespmem:s12+$0xFFFFFFA0] =	vst v13;
	v13 =	vperm.xlane v9, v6;
	v9 =	vperm.xlane v9, v7  }
0x164: {  	v15 =	vmul.f32 v18, v16;
	[tilespmem:s12+$0xFFFFFFB0] =	vst v12;
	v12 =	vmul.f32 v17, v14  }
0x165: {  	v13 =	vmul.f32 v21, v13;
	v9 =	vmul.f32 v10, v9;
	[tilespmem:s12+$0xFFFFFFF0] =	vst v11  }
0x166: {  	[tilespmem:s12+$0xFFFFFFC0] =	vst v12  }
0x167: {  	[tilespmem:s12+$0xFFFFFF90] =	vst v15  }
0x168: {  	[tilespmem:s12+$0xFFFFFFD0] =	vst v13  }
0x169: {  	[tilespmem:s12+$0xFFFFFFE0] =	vst v9  }
0x16a: {  	v10 =	vld [tilespmem:s16+$0x160A0]  }
0x16b: {  	v11 =	vld [tilespmem:s16+$0x168A0]  }
0x16c: {  	v9 =	vld [tilespmem:s16+$0x170A0];
	_ =	sdelay $0x2  }
.Ltmp8:
0x16d: {  	(pc) =	sbr.rel @p2 .LBB2_28-.Ltmp8, $3  }
0x16e: {  	v10 =	vadd.f32 v11, v10;
	_ =	sdelay $0x1  }
0x16f: {  	v11 =	vmul.f32 $2.000000030e-01, v10  }
0x170: {  	vm1 =	vgt.f32 v10, $0.0e+00  }
0x171: {  	v10 =	vsel vm1, v10, v11  }
0x172: {  	v10 =	vmul.f32 $1.442695020e+00, v10  }
0x173: {  	(erf) = vrcp.f32 v9  }
0x174: {  	(erf) = vpow2.f32 v10;
	_ =	sdelay $0x7  }
0x175: {  	v9 =	vpop (erf)  }
0x176: {  	v11 =	vpop (erf)  }
0x177: {  	v9 =	vmul.f32 v11, v9;
	v11 =	vld [tilespmem:s13+$0x10]  }
0x178: {  	v12 =	vld [tilespmem:s13+$0x40]  }
0x179: {  	v10 =	vld [tilespmem:s13+$0x50];
	v9 =	vnsel vm0, $0x0, v9  }
0x17a: {  	v15 =	vld [tilespmem:s13+$0x60];
	v14 =	vperm.xlane v9, v2  }
0x17b: {  	v59 =	vld [tilespmem:s13+$0x20];
	v16 =	vperm.xlane v9, v5  }
0x17c: {  	v17 =	vld [tilespmem:s13+$0x70];
	v18 =	vperm.xlane v9, v6;
	v11 =	vmul.f32 v11, v14  }
0x17d: {  	v13 =	vld [tilespmem:s13+$0x0];
	v60 =	vperm.xlane v9, v7;
	v12 =	vmul.f32 v12, v16  }
0x17e: {  	v19 =	vld [tilespmem:s13+$0x30];
	v62 =	vperm.xlane v9, v3;
	v10 =	vmul.f32 v10, v18;
	[tilespmem:s13+$0x10] =	vst v11  }
0x17f: {  	v20 =	vperm.xlane v9, v8;
	v61 =	vmul.f32 v15, v60;
	[tilespmem:s13+$0x40] =	vst v12  }
0x180: {  	v63 =	vmul.f32 v59, v62;
	v11 =	vperm.xlane v9, v1;
	[tilespmem:s13+$0x50] =	vst v10  }
0x181: {  	v10 =	vmul.f32 v17, v20;
	v9 =	vperm.xlane v9, v4;
	[tilespmem:s13+$0x60] =	vst v61  }
0x182: {  	[tilespmem:s13+$0x20] =	vst v63;
	v11 =	vmul.f32 v13, v11  }
0x183: {  	s11 =	sadd.s32 $0x1, s11;
	[tilespmem:s13+$0x70] =	vst v10;
	v9 =	vmul.f32 v19, v9  }
0x184: {  	p2 =	sne.s32 s11, $0x4E;
	[tilespmem:s13+$0x0] =	vst v11  }
.Ltmp9:
0x185: {  	[tilespmem:s13+$0x30] =	vst v9;
	(pc) =	sbr.rel @p2 .LBB2_27-.Ltmp9, $4  }
0x186: {  	[spmem:s2] =	stream.indirect.scatter.add.f32 [tilespmem:s24], [sflag:$0x1], $0x80, s29, s4, $0xb8;
	[tilespmem:$0x1B890] =	vst v63  }
0x187: {  	_ =	swait.ge [sflag:s25], $0x4000  }
0x188: {  	[sflag:s25] =	ssyncset.done $0x0  }
0x189: {  	[sflag:s25] =	ssyncadd.s32 $0xFFFFC000  }
.Ltmp10:
0x18a: {  	(pc) =	sbr.rel @p1 .LBB2_35-.Ltmp10, $1  }
0x18b: {  	_ =	sdelay $0x3  }
0x18c: {  	s10 =	simm.s32 $0x0;
	s11 =	rddreg [dreg:$0x12]  }
0x18d: {  	[tilespmem:s28], [sflag:$0x1] =	stream.linear.gather [hbm4b:s11+s10], $0x80, $0x38;
	[tilespmem:$0x1B890] =	vst v63  }
0x18e: {  	_ =	swait.ge [sflag:s25], $0x80  }
0x18f: {  	[sflag:s25] =	ssyncset.done $0x0  }
0x190: {  	s19 =	rddreg [dreg:$0x13];
	[sflag:s25] =	ssyncadd.s32 $0xFFFFFF80  }
0x191: {  	[tilespmem:s29], [sflag:$0x1] =	stream.linear.gather [hbm4b:s19+s10], $0x80, $0x38;
	[tilespmem:$0x1B890] =	vst v63  }
0x192: {  	_ =	swait.ge [sflag:s25], $0x80  }
0x193: {  	[sflag:s25] =	ssyncset.done $0x0  }
0x194: {  	[sflag:s25] =	ssyncadd.s32 $0xFFFFFF80  }
0x195: {  	[tilespmem:s8], [sflag:$0x1] =	stream.indirect.gather [hbm4b:s18+s4], $0x10, s28, s4, $0xb8;
	[tilespmem:$0x1B890] =	vst v63  }
0x196: {  	_ =	swait.ge [sflag:s25], $0x800  }
0x197: {  	[sflag:s25] =	ssyncset.done $0x0  }
0x198: {  	[sflag:s25] =	ssyncadd.s32 $0xFFFFF800  }
0x199: {  	[tilespmem:s9], [sflag:$0x1] =	stream.indirect.gather [hbm4b:s17+s4], $0x10, s29, s4, $0xb8;
	[tilespmem:$0x1B890] =	vst v63  }
0x19a: {  	_ =	swait.ge [sflag:s25], $0x800  }
0x19b: {  	[sflag:s25] =	ssyncset.done $0x0  }
0x19c: {  	[sflag:s25] =	ssyncadd.s32 $0xFFFFF800  }
0x19d: {  	[tilespmem:s26], [sflag:$0x1] =	stream.indirect.gather [spmem:s3], $0x10, s29, s4, $0xb8;
	[tilespmem:$0x1B890] =	vst v63  }
0x19e: {  	_ =	swait.ge [sflag:s25], $0x800  }
0x19f: {  	[sflag:s25] =	ssyncset.done $0x0  }
0x1a0: {  	[sflag:s25] =	ssyncadd.s32 $0xFFFFF800  }
0x1a1: {  	[tilespmem:s24], [sflag:$0x1] =	stream.indirect.gather [hbm4b:s1+s4], $0x80, s28, s4, $0xb8;
	[tilespmem:$0x1B890] =	vst v63  }
0x1a2: {  	_ =	swait.ge [sflag:s25], $0x4000  }
0x1a3: {  	[sflag:s25] =	ssyncset.done $0x0  }
0x1a4: {  	s20 =	simm.s32 $0x0;
	[sflag:s25] =	ssyncadd.s32 $0xFFFFC000  }
0x1a5: {  	v9 =	vld [tilespmem:s20+$0x16090]  }
0x1a6: {  	v10 =	vld [tilespmem:s20+$0x16890];
	_ =	sdelay $0x4  }
0x1a7: {  	v9 =	vadd.f32 v10, v9  }
0x1a8: {  	v10 =	vld [tilespmem:s20+$0x17090]  }
0x1a9: {  	v11 =	vmul.f32 $2.000000030e-01, v9  }
0x1aa: {  	vm1 =	vgt.f32 v9, $0.0e+00  }
0x1ab: {  	v9 =	vsel vm1, v9, v11  }
0x1ac: {  	v9 =	vmul.f32 $1.442695020e+00, v9  }
0x1ad: {  	(erf) = vrcp.f32 v10  }
0x1ae: {  	(erf) = vpow2.f32 v9;
	_ =	sdelay $0x7  }
0x1af: {  	v9 =	vpop (erf)  }
0x1b0: {  	s10 =	simm.s32 $0x17910;
	v10 =	vpop (erf)  }
0x1b1: {  	v9 =	vmul.f32 v10, v9;
	v10 =	vld [tilespmem:s10+$0xFFFFFF80]  }
0x1b2: {  	v11 =	vld [tilespmem:s10+$0xFFFFFFA0]  }
0x1b3: {  	v13 =	vld [tilespmem:s10+$0xFFFFFFF0];
	v9 =	vnsel vm0, $0x0, v9  }
0x1b4: {  	v12 =	vld [tilespmem:s10+$0xFFFFFFB0];
	v14 =	vperm.xlane v9, v1  }
0x1b5: {  	v17 =	vld [tilespmem:s10+$0xFFFFFF90];
	v16 =	vperm.xlane v9, v3  }
0x1b6: {  	v15 =	vld [tilespmem:s10+$0xFFFFFFC0];
	v18 =	vperm.xlane v9, v8;
	v10 =	vmul.f32 v10, v14  }
0x1b7: {  	v19 =	vld [tilespmem:s10+$0xFFFFFFD0];
	v59 =	vperm.xlane v9, v4;
	v11 =	vmul.f32 v11, v16  }
0x1b8: {  	v60 =	vld [tilespmem:s10+$0xFFFFFFE0];
	v62 =	vperm.xlane v9, v2;
	v13 =	vmul.f32 v13, v18;
	[tilespmem:s10+$0xFFFFFF80] =	vst v10  }
0x1b9: {  	v61 =	vperm.xlane v9, v5;
	v10 =	vmul.f32 v12, v59;
	[tilespmem:s10+$0xFFFFFFA0] =	vst v11  }
0x1ba: {  	v63 =	vmul.f32 v17, v62;
	v11 =	vperm.xlane v9, v6;
	[tilespmem:s10+$0xFFFFFFF0] =	vst v13  }
0x1bb: {  	v9 =	vperm.xlane v9, v7;
	[tilespmem:s10+$0xFFFFFFB0] =	vst v10;
	v10 =	vmul.f32 v15, v61  }
0x1bc: {  	[tilespmem:s10+$0xFFFFFF90] =	vst v63;
	v11 =	vmul.f32 v19, v11  }
0x1bd: {  	v9 =	vmul.f32 v60, v9;
	[tilespmem:s10+$0xFFFFFFC0] =	vst v10  }
0x1be: {  	[tilespmem:s10+$0xFFFFFFD0] =	vst v11  }
0x1bf: {  	[tilespmem:s10+$0xFFFFFFE0] =	vst v9  }
0x1c0: {  	v9 =	vld [tilespmem:s20+$0x160A0]  }
0x1c1: {  	v10 =	vld [tilespmem:s20+$0x168A0];
	_ =	sdelay $0x4  }
0x1c2: {  	v10 =	vadd.f32 v10, v9  }
0x1c3: {  	v9 =	vld [tilespmem:s20+$0x170A0]  }
0x1c4: {  	s12 =	simm.s32 $0x80;
	s11 =	simm.s32 $0x17910;
	v11 =	vmul.f32 $2.000000030e-01, v10;
	vm1 =	vgt.f32 v10, $0.0e+00  }
.LBB2_32:
0x1c5: {  	p2 =	sne.s32 s12, $0x1F80  }
0x1c6: {  	v10 =	vsel vm1, v10, v11;
	s10 =	sadd.s32 $0x100, s10;
	s13 =	smov.u32 s12;
	s12 =	sadd.s32 $0x80, s12  }
0x1c7: {  	v10 =	vmul.f32 $1.442695020e+00, v10  }
0x1c8: {  	(erf) = vrcp.f32 v9  }
0x1c9: {  	(erf) = vpow2.f32 v10;
	_ =	sdelay $0x7  }
0x1ca: {  	v9 =	vpop (erf)  }
0x1cb: {  	v10 =	vld [tilespmem:s11+$0x50];
	v11 =	vpop (erf)  }
0x1cc: {  	v9 =	vmul.f32 v11, v9;
	v11 =	vld [tilespmem:s11+$0x10]  }
0x1cd: {  	v12 =	vld [tilespmem:s11+$0x40]  }
0x1ce: {  	v9 =	vnsel vm0, $0x0, v9;
	v13 =	vld [tilespmem:s11+$0x0]  }
0x1cf: {  	v14 =	vperm.xlane v9, v2;
	v15 =	vperm.xlane v9, v5;
	v16 =	vld [tilespmem:s11+$0x60]  }
0x1d0: {  	s13 =	sshra.s32 s13, $0x2;
	v17 =	vperm.xlane v9, v1;
	v18 =	vperm.xlane v9, v8;
	v19 =	vld [tilespmem:s11+$0x70]  }
0x1d1: {  	v20 =	vperm.xlane v9, v6;
	v11 =	vmul.f32 v11, v14;
	v14 =	vld [tilespmem:s11+$0x20]  }
0x1d2: {  	v21 =	vld [tilespmem:s11+$0x30];
	v12 =	vmul.f32 v12, v15;
	v15 =	vperm.xlane v9, v7  }
0x1d3: {  	v10 =	vmul.f32 v10, v20;
	v13 =	vmul.f32 v13, v17;
	[tilespmem:s11+$0x10] =	vst v11  }
0x1d4: {  	v11 =	vperm.xlane v9, v3;
	[tilespmem:s11+$0x40] =	vst v12;
	v12 =	vmul.f32 v16, v15  }
0x1d5: {  	v9 =	vperm.xlane v9, v4;
	[tilespmem:s11+$0x50] =	vst v10;
	v10 =	vmul.f32 v19, v18  }
0x1d6: {  	v11 =	vmul.f32 v14, v11;
	[tilespmem:s11+$0x60] =	vst v12  }
0x1d7: {  	v9 =	vmul.f32 v21, v9;
	[tilespmem:s11+$0x70] =	vst v10  }
0x1d8: {  	[tilespmem:s11+$0x0] =	vst v13  }
0x1d9: {  	[tilespmem:s11+$0x20] =	vst v11  }
0x1da: {  	[tilespmem:s11+$0x30] =	vst v9;
	s11 =	smov.u32 s10;
	_ =	sdelay $0x1  }
0x1db: {  	v9 =	vld [tilespmem:s13+$0x16090]  }
0x1dc: {  	v10 =	vld [tilespmem:s13+$0x16890];
	_ =	sdelay $0x3  }
0x1dd: {  	v11 =	vld [tilespmem:s13+$0x17090]  }
0x1de: {  	v9 =	vadd.f32 v10, v9;
	_ =	sdelay $0x1  }
0x1df: {  	v10 =	vmul.f32 $2.000000030e-01, v9  }
0x1e0: {  	vm1 =	vgt.f32 v9, $0.0e+00  }
0x1e1: {  	v9 =	vsel vm1, v9, v10  }
0x1e2: {  	v9 =	vmul.f32 $1.442695020e+00, v9;
	(erf) = vrcp.f32 v11;
	_ =	sdelay $0x1  }
0x1e3: {  	(erf) = vpow2.f32 v9;
	_ =	sdelay $0x6  }
0x1e4: {  	v9 =	vpop (erf)  }
0x1e5: {  	v10 =	vld [tilespmem:s10+$0xFFFFFFE0]  }
0x1e6: {  	v11 =	vld [tilespmem:s10+$0xFFFFFFF0];
	v12 =	vpop (erf)  }
0x1e7: {  	v9 =	vmul.f32 v12, v9;
	v12 =	vld [tilespmem:s10+$0xFFFFFF80]  }
0x1e8: {  	v13 =	vld [tilespmem:s10+$0xFFFFFFA0]  }
0x1e9: {  	v9 =	vnsel vm0, $0x0, v9;
	v14 =	vld [tilespmem:s10+$0xFFFFFFB0]  }
0x1ea: {  	v15 =	vperm.xlane v9, v1;
	v16 =	vperm.xlane v9, v2;
	v17 =	vld [tilespmem:s10+$0xFFFFFFC0]  }
0x1eb: {  	v19 =	vperm.xlane v9, v3;
	v20 =	vperm.xlane v9, v8;
	v18 =	vld [tilespmem:s10+$0xFFFFFF90]  }
0x1ec: {  	v12 =	vmul.f32 v12, v15;
	v15 =	vperm.xlane v9, v4;
	v21 =	vld [tilespmem:s10+$0xFFFFFFD0]  }
0x1ed: {  	v11 =	vmul.f32 v11, v20;
	v13 =	vmul.f32 v13, v19  }
0x1ee: {  	[tilespmem:s10+$0xFFFFFF80] =	vst v12;
	v12 =	vmul.f32 v14, v15;
	v14 =	vperm.xlane v9, v5  }
0x1ef: {  	[tilespmem:s10+$0xFFFFFFA0] =	vst v13;
	v13 =	vperm.xlane v9, v6;
	v9 =	vperm.xlane v9, v7  }
0x1f0: {  	v15 =	vmul.f32 v18, v16;
	[tilespmem:s10+$0xFFFFFFB0] =	vst v12;
	v12 =	vmul.f32 v17, v14  }
0x1f1: {  	v13 =	vmul.f32 v21, v13;
	v9 =	vmul.f32 v10, v9;
	[tilespmem:s10+$0xFFFFFFF0] =	vst v11  }
0x1f2: {  	[tilespmem:s10+$0xFFFFFFC0] =	vst v12  }
0x1f3: {  	[tilespmem:s10+$0xFFFFFF90] =	vst v15  }
0x1f4: {  	[tilespmem:s10+$0xFFFFFFD0] =	vst v13  }
0x1f5: {  	[tilespmem:s10+$0xFFFFFFE0] =	vst v9  }
0x1f6: {  	v10 =	vld [tilespmem:s13+$0x160A0]  }
0x1f7: {  	v11 =	vld [tilespmem:s13+$0x168A0]  }
0x1f8: {  	v9 =	vld [tilespmem:s13+$0x170A0];
	_ =	sdelay $0x2  }
.Ltmp11:
0x1f9: {  	(pc) =	sbr.rel @p2 .LBB2_32-.Ltmp11, $3  }
0x1fa: {  	v10 =	vadd.f32 v11, v10;
	_ =	sdelay $0x1  }
0x1fb: {  	v11 =	vmul.f32 $2.000000030e-01, v10  }
0x1fc: {  	vm1 =	vgt.f32 v10, $0.0e+00  }
0x1fd: {  	v10 =	vsel vm1, v10, v11  }
0x1fe: {  	v10 =	vmul.f32 $1.442695020e+00, v10  }
0x1ff: {  	(erf) = vrcp.f32 v9  }
0x200: {  	(erf) = vpow2.f32 v10;
	_ =	sdelay $0x7  }
0x201: {  	v9 =	vpop (erf)  }
0x202: {  	v11 =	vpop (erf)  }
0x203: {  	v9 =	vmul.f32 v11, v9;
	v11 =	vld [tilespmem:s11+$0x10]  }
0x204: {  	v12 =	vld [tilespmem:s11+$0x40]  }
0x205: {  	v10 =	vld [tilespmem:s11+$0x50];
	v9 =	vnsel vm0, $0x0, v9  }
0x206: {  	v15 =	vld [tilespmem:s11+$0x60];
	v14 =	vperm.xlane v9, v2  }
0x207: {  	v59 =	vld [tilespmem:s11+$0x20];
	v16 =	vperm.xlane v9, v5  }
0x208: {  	v17 =	vld [tilespmem:s11+$0x70];
	v18 =	vperm.xlane v9, v6;
	v11 =	vmul.f32 v11, v14  }
0x209: {  	v13 =	vld [tilespmem:s11+$0x0];
	v60 =	vperm.xlane v9, v7;
	v12 =	vmul.f32 v12, v16  }
0x20a: {  	v19 =	vld [tilespmem:s11+$0x30];
	v62 =	vperm.xlane v9, v3;
	v10 =	vmul.f32 v10, v18;
	[tilespmem:s11+$0x10] =	vst v11  }
0x20b: {  	v20 =	vperm.xlane v9, v8;
	v61 =	vmul.f32 v15, v60;
	[tilespmem:s11+$0x40] =	vst v12  }
0x20c: {  	v63 =	vmul.f32 v59, v62;
	v11 =	vperm.xlane v9, v1;
	[tilespmem:s11+$0x50] =	vst v10  }
0x20d: {  	v10 =	vmul.f32 v17, v20;
	v9 =	vperm.xlane v9, v4;
	[tilespmem:s11+$0x60] =	vst v61  }
0x20e: {  	[tilespmem:s11+$0x20] =	vst v63;
	v11 =	vmul.f32 v13, v11  }
0x20f: {  	[tilespmem:s11+$0x70] =	vst v10;
	v9 =	vmul.f32 v19, v9  }
0x210: {  	[tilespmem:s11+$0x0] =	vst v11  }
0x211: {  	[tilespmem:s11+$0x30] =	vst v9  }
0x212: {  	[spmem:s2] =	stream.indirect.scatter.add.f32 [tilespmem:s24], [sflag:$0x1], $0x80, s29, s4, $0xb8;
	[tilespmem:$0x1B890] =	vst v63  }
0x213: {  	_ =	swait.ge [sflag:s25], $0x4000  }
0x214: {  	[sflag:s25] =	ssyncset.done $0x0  }
0x215: {  	s10 =	stileid.u32;
	[sflag:s25] =	ssyncadd.s32 $0xFFFFC000  }
0x216: {  	s10 =	sshll.u32 s10, $0x6;
	[bflag:$0x0] =	sbarrier.arrive $0xFFFF  }
0x217: {  	s16 =	sshrl.u32 s21, $0x3;
	s10 =	sor.u32 $0x1C01, s10;
	s12 =	rddreg [dreg:$0x14]  }
0x218: {  	[hbm:s12], [sflag:s10] =	dma.local [spmem:s16], $0x2700  }
0x219: {  	_ =	swait.ge [sflag:s25], $0x2700  }
0x21a: {  	[sflag:s25] =	ssyncset.done $0x0;
	s19 =	rddreg [dreg:$0x15]  }
.Ltmp12:
0x21b: {  	s20 =	rddreg [dreg:$0x16];
	[sflag:s25] =	ssyncadd.s32 $0xFFFFD900;
	(pc) =	sbr.rel .LBB2_36-.Ltmp12, $4  }
0x21c: {  	[hbm:s19], [sflag:s10] =	dma.local [spmem:s20], $0x80  }
0x21d: {  	_ =	swait.ge [sflag:s25], $0x80  }
0x21e: {  	[sflag:s25] =	ssyncset.done $0x0  }
0x21f: {  	[sflag:s25] =	ssyncadd.s32 $0xFFFFFF80  }
.LBB2_4:
0x220: {  	s12 =	sadd.s32 s14, s11  }
0x221: {  	s12 =	sshll.u32 s12, $0x4  }
0x222: {  	s13 =	sadd.s32 s6, s12  }
0x223: {  	[tilespmem:s28], [sflag:$0x1] =	stream.linear.gather [hbm4b:s13+s10], $0x80, $0x38;
	[tilespmem:$0x1B890] =	vst v63  }
0x224: {  	_ =	swait.ge [sflag:s25], $0x80  }
0x225: {  	[sflag:s25] =	ssyncset.done $0x0  }
0x226: {  	s12 =	sadd.s32 s7, s12;
	[sflag:s25] =	ssyncadd.s32 $0xFFFFFF80  }
0x227: {  	[tilespmem:s29], [sflag:$0x1] =	stream.linear.gather [hbm4b:s12+s10], $0x80, $0x38;
	[tilespmem:$0x1B890] =	vst v63  }
0x228: {  	_ =	swait.ge [sflag:s25], $0x80  }
0x229: {  	[sflag:s25] =	ssyncset.done $0x0  }
0x22a: {  	[sflag:s25] =	ssyncadd.s32 $0xFFFFFF80  }
0x22b: {  	[tilespmem:s8], [sflag:$0x1] =	stream.indirect.gather [hbm4b:s30+s4], $0x10, s28, s4, $0xb8;
	[tilespmem:$0x1B890] =	vst v63  }
0x22c: {  	_ =	swait.ge [sflag:s25], $0x800  }
0x22d: {  	[sflag:s25] =	ssyncset.done $0x0  }
0x22e: {  	[sflag:s25] =	ssyncadd.s32 $0xFFFFF800  }
0x22f: {  	[tilespmem:s9], [sflag:$0x1] =	stream.indirect.gather [hbm4b:s0+s4], $0x10, s29, s4, $0xb8;
	[tilespmem:$0x1B890] =	vst v63  }
0x230: {  	_ =	swait.ge [sflag:s25], $0x800  }
0x231: {  	[sflag:s25] =	ssyncset.done $0x0  }
0x232: {  	s12 =	simm.s32 $0x0;
	[sflag:s25] =	ssyncadd.s32 $0xFFFFF800  }
0x233: {  	v9 =	vld [tilespmem:s12+$0x160A0]  }
0x234: {  	v10 =	vld [tilespmem:s12+$0x168A0];
	_ =	sdelay $0x3  }
0x235: {  	v11 =	vld [tilespmem:s12+$0x16090]  }
0x236: {  	s13 =	simm.s32 $0x20;
	v12 =	vld [tilespmem:s12+$0x16890];
	v9 =	vadd.f32 v10, v9  }
0x237: {  	v13 =	vld [tilespmem:s13+$0x160A0]  }
0x238: {  	v14 =	vld [tilespmem:s13+$0x16090];
	v15 =	vmul.f32 $2.000000030e-01, v9  }
0x239: {  	v10 =	vld [tilespmem:s13+$0x168A0];
	vm1 =	vgt.f32 v9, $0.0e+00  }
0x23a: {  	v16 =	vld [tilespmem:s13+$0x16890];
	v9 =	vsel vm1, v9, v15  }
0x23b: {  	v11 =	vadd.f32 v12, v11;
	v9 =	vmul.f32 $1.442695020e+00, v9  }
0x23c: {  	s15 =	simm.s32 $0x40  }
0x23d: {  	v12 =	vld [tilespmem:s15+$0x160A0];
	(erf) = vpow2.f32 v9;
	v9 =	vmul.f32 $2.000000030e-01, v11  }
0x23e: {  	vm1 =	vgt.f32 v11, $0.0e+00;
	v10 =	vadd.f32 v10, v13;
	v13 =	vld [tilespmem:s15+$0x168A0]  }
0x23f: {  	v14 =	vadd.f32 v16, v14;
	v9 =	vsel vm1, v11, v9  }
0x240: {  	v16 =	vmul.f32 $2.000000030e-01, v10;
	v9 =	vmul.f32 $1.442695020e+00, v9  }
0x241: {  	v17 =	vld [tilespmem:s15+$0x16890];
	vm1 =	vgt.f32 v10, $0.0e+00;
	v11 =	vmul.f32 $2.000000030e-01, v14  }
0x242: {  	v15 =	vld [tilespmem:s15+$0x16090];
	v10 =	vsel vm1, v10, v16;
	vm1 =	vgt.f32 v14, $0.0e+00;
	(erf) = vpow2.f32 v9  }
0x243: {  	v16 =	vadd.f32 v13, v12;
	v10 =	vmul.f32 $1.442695020e+00, v10;
	v11 =	vsel vm1, v14, v11  }
0x244: {  	s16 =	simm.s32 $0x60;
	v13 =	vmul.f32 $1.442695020e+00, v11  }
0x245: {  	v9 =	vld [tilespmem:s16+$0x160A0];
	v14 =	vmul.f32 $2.000000030e-01, v16;
	(erf) = vpow2.f32 v10  }
0x246: {  	v11 =	vld [tilespmem:s16+$0x168A0];
	(erf) = vpow2.f32 v13  }
0x247: {  	v12 =	vadd.f32 v17, v15;
	v10 =	vld [tilespmem:s16+$0x16090]  }
0x248: {  	vm2 =	vgt.f32 v16, $0.0e+00;
	v13 =	vld [tilespmem:s16+$0x16890]  }
0x249: {  	s19 =	simm.s32 $0x200;
	vm1 =	vgt.f32 v12, $0.0e+00;
	v15 =	vmul.f32 $2.000000030e-01, v12;
	v16 =	vsel vm2, v16, v14;
	v14 =	vpop (erf)  }
.LBB2_5:
0x24a: {  	s20 =	sshra.s32 s19, $0x2;
	v16 =	vmul.f32 $1.442695020e+00, v16;
	v18 =	vnsel vm0, $0x0, v14;
	p2 =	sne.s32 s19, $0x1F80  }
.Ltmp13:
0x24b: {  	s19 =	sadd.s32 $0x80, s19;
	v17 =	vadd.f32 v11, v9;
	v9 =	vld [tilespmem:s20+$0x160A0];
	v12 =	vsel vm1, v12, v15;
	[tilespmem:s12+$0x170A0] =	vst v18;
	v14 =	vpop (erf);
	(pc) =	sbr.rel @p2 .LBB2_5-.Ltmp13, $4  }
0x24c: {  	v11 =	vld [tilespmem:s20+$0x168A0];
	v15 =	vmul.f32 $1.442695020e+00, v12;
	(erf) = vpow2.f32 v16;
	v14 =	vnsel vm0, $0x0, v14  }
0x24d: {  	v12 =	vadd.f32 v13, v10;
	v10 =	vld [tilespmem:s20+$0x16090];
	v16 =	vmul.f32 $2.000000030e-01, v17;
	[tilespmem:s12+$0x17090] =	vst v14;
	s12 =	smov.u32 s13;
	s13 =	smov.u32 s15;
	s15 =	smov.u32 s16  }
0x24e: {  	vm2 =	vgt.f32 v17, $0.0e+00;
	s16 =	smov.u32 s20;
	v13 =	vld [tilespmem:s20+$0x16890];
	(erf) = vpow2.f32 v15  }
0x24f: {  	vm1 =	vgt.f32 v12, $0.0e+00;
	v15 =	vmul.f32 $2.000000030e-01, v12;
	v16 =	vsel vm2, v17, v16;
	v14 =	vpop (erf)  }
0x250: {  	_ =	sdelay $0x1  }
0x251: {  	v9 =	vadd.f32 v11, v9  }
0x252: {  	v10 =	vadd.f32 v13, v10  }
0x253: {  	v11 =	vmul.f32 $1.442695020e+00, v16;
	v62 =	vmul.f32 $2.000000030e-01, v9  }
0x254: {  	v12 =	vsel vm1, v12, v15;
	vm1 =	vgt.f32 v9, $0.0e+00;
	v63 =	vmul.f32 $2.000000030e-01, v10  }
0x255: {  	v12 =	vmul.f32 $1.442695020e+00, v12;
	vm2 =	vgt.f32 v10, $0.0e+00;
	v9 =	vsel vm1, v9, v62  }
0x256: {  	(erf) = vpow2.f32 v11;
	v9 =	vmul.f32 $1.442695020e+00, v9;
	v10 =	vsel vm2, v10, v63  }
0x257: {  	(erf) = vpow2.f32 v12;
	v10 =	vmul.f32 $1.442695020e+00, v10  }
0x258: {  	(erf) = vpow2.f32 v9  }
0x259: {  	(erf) = vpow2.f32 v10;
	_ =	sdelay $0x1  }
0x25a: {  	v10 =	vnsel vm0, $0x0, v14  }
0x25b: {  	v9 =	vpop (erf)  }
0x25c: {  	v11 =	vpop (erf);
	[tilespmem:s12+$0x170A0] =	vst v10;
	v9 =	vnsel vm0, $0x0, v9  }
0x25d: {  	[tilespmem:s12+$0x17090] =	vst v9;
	v9 =	vnsel vm0, $0x0, v11;
	v10 =	vpop (erf)  }
0x25e: {  	[tilespmem:s13+$0x170A0] =	vst v9;
	v9 =	vnsel vm0, $0x0, v10;
	v10 =	vpop (erf)  }
0x25f: {  	[tilespmem:s13+$0x17090] =	vst v9;
	v9 =	vnsel vm0, $0x0, v10;
	v10 =	vpop (erf)  }
0x260: {  	[tilespmem:s15+$0x170A0] =	vst v9;
	v9 =	vnsel vm0, $0x0, v10;
	v10 =	vpop (erf)  }
0x261: {  	s11 =	sadd.s32 $0x1, s11;
	[tilespmem:s15+$0x17090] =	vst v9;
	v9 =	vnsel vm0, $0x0, v10;
	v10 =	vpop (erf)  }
0x262: {  	p2 =	sne.s32 s11, $0x4E;
	[tilespmem:s16+$0x170A0] =	vst v9;
	v9 =	vnsel vm0, $0x0, v10  }
.Ltmp14:
0x263: {  	[tilespmem:s16+$0x17090] =	vst v9;
	(pc) =	sbr.rel @p2 .LBB2_4-.Ltmp14, $4  }
0x264: {  	[spmem:s3] =	stream.indirect.scatter.add.f32 [tilespmem:s26], [sflag:$0x1], $0x10, s29, s4, $0xb8;
	[tilespmem:$0x1B890] =	vst v63  }
0x265: {  	_ =	swait.ge [sflag:s25], $0x800  }
0x266: {  	[sflag:s25] =	ssyncset.done $0x0  }
0x267: {  	[sflag:s25] =	ssyncadd.s32 $0xFFFFF800  }
.Ltmp15:
0x268: {  	(pc) =	sbr.rel @p1 .LBB2_11-.Ltmp15, $1  }
0x269: {  	_ =	sdelay $0x3  }
0x26a: {  	s10 =	simm.s32 $0x0;
	s11 =	rddreg [dreg:$0x10]  }
0x26b: {  	[tilespmem:s28], [sflag:$0x1] =	stream.linear.gather [hbm4b:s11+s10], $0x80, $0x38;
	[tilespmem:$0x1B890] =	vst v63  }
0x26c: {  	_ =	swait.ge [sflag:s25], $0x80  }
0x26d: {  	[sflag:s25] =	ssyncset.done $0x0  }
0x26e: {  	s20 =	rddreg [dreg:$0x11];
	[sflag:s25] =	ssyncadd.s32 $0xFFFFFF80  }
0x26f: {  	[tilespmem:s29], [sflag:$0x1] =	stream.linear.gather [hbm4b:s20+s10], $0x80, $0x38;
	[tilespmem:$0x1B890] =	vst v63  }
0x270: {  	_ =	swait.ge [sflag:s25], $0x80  }
0x271: {  	[sflag:s25] =	ssyncset.done $0x0  }
0x272: {  	[sflag:s25] =	ssyncadd.s32 $0xFFFFFF80  }
0x273: {  	[tilespmem:s8], [sflag:$0x1] =	stream.indirect.gather [hbm4b:s30+s4], $0x10, s28, s4, $0xb8;
	[tilespmem:$0x1B890] =	vst v63  }
0x274: {  	_ =	swait.ge [sflag:s25], $0x800  }
0x275: {  	[sflag:s25] =	ssyncset.done $0x0  }
0x276: {  	[sflag:s25] =	ssyncadd.s32 $0xFFFFF800  }
0x277: {  	[tilespmem:s9], [sflag:$0x1] =	stream.indirect.gather [hbm4b:s0+s4], $0x10, s29, s4, $0xb8;
	[tilespmem:$0x1B890] =	vst v63  }
0x278: {  	_ =	swait.ge [sflag:s25], $0x800  }
0x279: {  	[sflag:s25] =	ssyncset.done $0x0  }
0x27a: {  	s10 =	simm.s32 $0x0;
	[sflag:s25] =	ssyncadd.s32 $0xFFFFF800  }
0x27b: {  	v9 =	vld [tilespmem:s10+$0x160A0]  }
0x27c: {  	v10 =	vld [tilespmem:s10+$0x168A0];
	_ =	sdelay $0x3  }
0x27d: {  	v11 =	vld [tilespmem:s10+$0x16090]  }
0x27e: {  	s11 =	simm.s32 $0x20;
	v12 =	vld [tilespmem:s10+$0x16890];
	v9 =	vadd.f32 v10, v9  }
0x27f: {  	v13 =	vld [tilespmem:s11+$0x160A0]  }
0x280: {  	v14 =	vld [tilespmem:s11+$0x16090];
	v15 =	vmul.f32 $2.000000030e-01, v9  }
0x281: {  	v10 =	vld [tilespmem:s11+$0x168A0];
	vm1 =	vgt.f32 v9, $0.0e+00  }
0x282: {  	v16 =	vld [tilespmem:s11+$0x16890];
	v9 =	vsel vm1, v9, v15  }
0x283: {  	v11 =	vadd.f32 v12, v11;
	v9 =	vmul.f32 $1.442695020e+00, v9  }
0x284: {  	s12 =	simm.s32 $0x40  }
0x285: {  	v12 =	vld [tilespmem:s12+$0x160A0];
	(erf) = vpow2.f32 v9;
	v9 =	vmul.f32 $2.000000030e-01, v11  }
0x286: {  	vm1 =	vgt.f32 v11, $0.0e+00;
	v10 =	vadd.f32 v10, v13;
	v13 =	vld [tilespmem:s12+$0x168A0]  }
0x287: {  	v14 =	vadd.f32 v16, v14;
	v9 =	vsel vm1, v11, v9  }
0x288: {  	v16 =	vmul.f32 $2.000000030e-01, v10;
	v9 =	vmul.f32 $1.442695020e+00, v9  }
0x289: {  	v17 =	vld [tilespmem:s12+$0x16890];
	vm1 =	vgt.f32 v10, $0.0e+00;
	v11 =	vmul.f32 $2.000000030e-01, v14  }
0x28a: {  	v15 =	vld [tilespmem:s12+$0x16090];
	v10 =	vsel vm1, v10, v16;
	vm1 =	vgt.f32 v14, $0.0e+00;
	(erf) = vpow2.f32 v9  }
0x28b: {  	v16 =	vadd.f32 v13, v12;
	v10 =	vmul.f32 $1.442695020e+00, v10;
	v11 =	vsel vm1, v14, v11  }
0x28c: {  	s13 =	simm.s32 $0x60;
	v13 =	vmul.f32 $1.442695020e+00, v11  }
0x28d: {  	v9 =	vld [tilespmem:s13+$0x160A0];
	v14 =	vmul.f32 $2.000000030e-01, v16;
	(erf) = vpow2.f32 v10  }
0x28e: {  	v11 =	vld [tilespmem:s13+$0x168A0];
	(erf) = vpow2.f32 v13  }
0x28f: {  	v12 =	vadd.f32 v17, v15;
	v10 =	vld [tilespmem:s13+$0x16090]  }
0x290: {  	vm2 =	vgt.f32 v16, $0.0e+00;
	v13 =	vld [tilespmem:s13+$0x16890]  }
0x291: {  	s15 =	simm.s32 $0x200;
	vm1 =	vgt.f32 v12, $0.0e+00;
	v15 =	vmul.f32 $2.000000030e-01, v12;
	v16 =	vsel vm2, v16, v14;
	v14 =	vpop (erf)  }
.LBB2_9:
0x292: {  	s16 =	sshra.s32 s15, $0x2;
	v16 =	vmul.f32 $1.442695020e+00, v16;
	v18 =	vnsel vm0, $0x0, v14;
	p2 =	sne.s32 s15, $0x1F80  }
.Ltmp16:
0x293: {  	s15 =	sadd.s32 $0x80, s15;
	v17 =	vadd.f32 v11, v9;
	v9 =	vld [tilespmem:s16+$0x160A0];
	v12 =	vsel vm1, v12, v15;
	[tilespmem:s10+$0x170A0] =	vst v18;
	v14 =	vpop (erf);
	(pc) =	sbr.rel @p2 .LBB2_9-.Ltmp16, $4  }
0x294: {  	v11 =	vld [tilespmem:s16+$0x168A0];
	v15 =	vmul.f32 $1.442695020e+00, v12;
	(erf) = vpow2.f32 v16;
	v14 =	vnsel vm0, $0x0, v14  }
0x295: {  	v12 =	vadd.f32 v13, v10;
	v10 =	vld [tilespmem:s16+$0x16090];
	v16 =	vmul.f32 $2.000000030e-01, v17;
	[tilespmem:s10+$0x17090] =	vst v14;
	s10 =	smov.u32 s11;
	s11 =	smov.u32 s12;
	s12 =	smov.u32 s13  }
0x296: {  	vm2 =	vgt.f32 v17, $0.0e+00;
	s13 =	smov.u32 s16;
	v13 =	vld [tilespmem:s16+$0x16890];
	(erf) = vpow2.f32 v15  }
0x297: {  	vm1 =	vgt.f32 v12, $0.0e+00;
	v15 =	vmul.f32 $2.000000030e-01, v12;
	v16 =	vsel vm2, v17, v16;
	v14 =	vpop (erf)  }
0x298: {  	_ =	sdelay $0x1  }
0x299: {  	v9 =	vadd.f32 v11, v9  }
0x29a: {  	v10 =	vadd.f32 v13, v10  }
0x29b: {  	v11 =	vmul.f32 $1.442695020e+00, v16;
	v62 =	vmul.f32 $2.000000030e-01, v9  }
0x29c: {  	v12 =	vsel vm1, v12, v15;
	vm1 =	vgt.f32 v9, $0.0e+00;
	v63 =	vmul.f32 $2.000000030e-01, v10  }
0x29d: {  	v12 =	vmul.f32 $1.442695020e+00, v12;
	vm2 =	vgt.f32 v10, $0.0e+00;
	v9 =	vsel vm1, v9, v62  }
0x29e: {  	(erf) = vpow2.f32 v11;
	v9 =	vmul.f32 $1.442695020e+00, v9;
	v10 =	vsel vm2, v10, v63  }
0x29f: {  	(erf) = vpow2.f32 v12;
	v10 =	vmul.f32 $1.442695020e+00, v10  }
0x2a0: {  	(erf) = vpow2.f32 v9  }
0x2a1: {  	(erf) = vpow2.f32 v10;
	_ =	sdelay $0x1  }
0x2a2: {  	v10 =	vnsel vm0, $0x0, v14  }
0x2a3: {  	v9 =	vpop (erf)  }
0x2a4: {  	v11 =	vpop (erf);
	[tilespmem:s10+$0x170A0] =	vst v10;
	v9 =	vnsel vm0, $0x0, v9  }
0x2a5: {  	[tilespmem:s10+$0x17090] =	vst v9;
	v9 =	vnsel vm0, $0x0, v11;
	v10 =	vpop (erf)  }
0x2a6: {  	[tilespmem:s11+$0x170A0] =	vst v9;
	v9 =	vnsel vm0, $0x0, v10;
	v10 =	vpop (erf)  }
0x2a7: {  	[tilespmem:s11+$0x17090] =	vst v9;
	v9 =	vnsel vm0, $0x0, v10;
	v10 =	vpop (erf)  }
0x2a8: {  	[tilespmem:s12+$0x170A0] =	vst v9;
	v9 =	vnsel vm0, $0x0, v10;
	v10 =	vpop (erf)  }
0x2a9: {  	[tilespmem:s12+$0x17090] =	vst v9;
	v9 =	vnsel vm0, $0x0, v10;
	v10 =	vpop (erf)  }
0x2aa: {  	[tilespmem:s13+$0x170A0] =	vst v9;
	v9 =	vnsel vm0, $0x0, v10  }
0x2ab: {  	[tilespmem:s13+$0x17090] =	vst v9  }
0x2ac: {  	[spmem:s3] =	stream.indirect.scatter.add.f32 [tilespmem:s26], [sflag:$0x1], $0x10, s29, s4, $0xb8;
	[tilespmem:$0x1B890] =	vst v63  }
0x2ad: {  	_ =	swait.ge [sflag:s25], $0x800  }
0x2ae: {  	[sflag:s25] =	ssyncset.done $0x0  }
0x2af: {  	[sflag:s25] =	ssyncadd.s32 $0xFFFFF800  }
.LBB2_11:
0x2b0: {  	[bflag:$0x0] =	sbarrier.arrive $0xFFFF;
	s10 =	simm.s32 $0x0;
	s11 =	simm.s32 $0x0  }
.LBB2_12:
0x2b1: {  	s12 =	sadd.s32 s14, s11  }
0x2b2: {  	s12 =	sshll.u32 s12, $0x4  }
0x2b3: {  	s13 =	sadd.s32 s6, s12  }
0x2b4: {  	[tilespmem:s28], [sflag:$0x1] =	stream.linear.gather [hbm4b:s13+s10], $0x80, $0x38;
	[tilespmem:$0x1B890] =	vst v63  }
0x2b5: {  	_ =	swait.ge [sflag:s25], $0x80  }
0x2b6: {  	[sflag:s25] =	ssyncset.done $0x0  }
0x2b7: {  	s12 =	sadd.s32 s7, s12;
	[sflag:s25] =	ssyncadd.s32 $0xFFFFFF80  }
0x2b8: {  	[tilespmem:s29], [sflag:$0x1] =	stream.linear.gather [hbm4b:s12+s10], $0x80, $0x38;
	[tilespmem:$0x1B890] =	vst v63  }
0x2b9: {  	_ =	swait.ge [sflag:s25], $0x80  }
0x2ba: {  	[sflag:s25] =	ssyncset.done $0x0  }
0x2bb: {  	[sflag:s25] =	ssyncadd.s32 $0xFFFFFF80  }
0x2bc: {  	[tilespmem:s8], [sflag:$0x1] =	stream.indirect.gather [hbm4b:s30+s4], $0x10, s28, s4, $0xb8;
	[tilespmem:$0x1B890] =	vst v63  }
0x2bd: {  	_ =	swait.ge [sflag:s25], $0x800  }
0x2be: {  	[sflag:s25] =	ssyncset.done $0x0  }
0x2bf: {  	[sflag:s25] =	ssyncadd.s32 $0xFFFFF800  }
0x2c0: {  	[tilespmem:s9], [sflag:$0x1] =	stream.indirect.gather [hbm4b:s0+s4], $0x10, s29, s4, $0xb8;
	[tilespmem:$0x1B890] =	vst v63  }
0x2c1: {  	_ =	swait.ge [sflag:s25], $0x800  }
0x2c2: {  	[sflag:s25] =	ssyncset.done $0x0  }
0x2c3: {  	[sflag:s25] =	ssyncadd.s32 $0xFFFFF800  }
0x2c4: {  	[tilespmem:s26], [sflag:$0x1] =	stream.indirect.gather [spmem:s3], $0x10, s29, s4, $0xb8;
	[tilespmem:$0x1B890] =	vst v63  }
0x2c5: {  	_ =	swait.ge [sflag:s25], $0x800  }
0x2c6: {  	[sflag:s25] =	ssyncset.done $0x0  }
0x2c7: {  	[sflag:s25] =	ssyncadd.s32 $0xFFFFF800  }
0x2c8: {  	[tilespmem:s24], [sflag:$0x1] =	stream.indirect.gather [hbm4b:s1+s4], $0x80, s28, s4, $0xb8;
	[tilespmem:$0x1B890] =	vst v63  }
0x2c9: {  	_ =	swait.ge [sflag:s25], $0x4000  }
0x2ca: {  	[sflag:s25] =	ssyncset.done $0x0  }
0x2cb: {  	s20 =	simm.s32 $0x0;
	[sflag:s25] =	ssyncadd.s32 $0xFFFFC000  }
0x2cc: {  	v9 =	vld [tilespmem:s20+$0x16090]  }
0x2cd: {  	v10 =	vld [tilespmem:s20+$0x16890];
	_ =	sdelay $0x4  }
0x2ce: {  	v9 =	vadd.f32 v10, v9  }
0x2cf: {  	v10 =	vld [tilespmem:s20+$0x17090]  }
0x2d0: {  	v11 =	vmul.f32 $2.000000030e-01, v9  }
0x2d1: {  	vm1 =	vgt.f32 v9, $0.0e+00  }
0x2d2: {  	v9 =	vsel vm1, v9, v11  }
0x2d3: {  	v9 =	vmul.f32 $1.442695020e+00, v9  }
0x2d4: {  	(erf) = vrcp.f32 v10  }
0x2d5: {  	(erf) = vpow2.f32 v9;
	_ =	sdelay $0x7  }
0x2d6: {  	v9 =	vpop (erf)  }
0x2d7: {  	s12 =	simm.s32 $0x17910;
	v10 =	vpop (erf)  }
0x2d8: {  	v9 =	vmul.f32 v10, v9;
	v10 =	vld [tilespmem:s12+$0xFFFFFF80]  }
0x2d9: {  	v11 =	vld [tilespmem:s12+$0xFFFFFFA0]  }
0x2da: {  	v13 =	vld [tilespmem:s12+$0xFFFFFFF0];
	v9 =	vnsel vm0, $0x0, v9  }
0x2db: {  	v12 =	vld [tilespmem:s12+$0xFFFFFFB0];
	v14 =	vperm.xlane v9, v1  }
0x2dc: {  	v17 =	vld [tilespmem:s12+$0xFFFFFF90];
	v16 =	vperm.xlane v9, v3  }
0x2dd: {  	v15 =	vld [tilespmem:s12+$0xFFFFFFC0];
	v18 =	vperm.xlane v9, v8;
	v10 =	vmul.f32 v10, v14  }
0x2de: {  	v19 =	vld [tilespmem:s12+$0xFFFFFFD0];
	v59 =	vperm.xlane v9, v4;
	v11 =	vmul.f32 v11, v16  }
0x2df: {  	v60 =	vld [tilespmem:s12+$0xFFFFFFE0];
	v62 =	vperm.xlane v9, v2;
	v13 =	vmul.f32 v13, v18;
	[tilespmem:s12+$0xFFFFFF80] =	vst v10  }
0x2e0: {  	v61 =	vperm.xlane v9, v5;
	v10 =	vmul.f32 v12, v59;
	[tilespmem:s12+$0xFFFFFFA0] =	vst v11  }
0x2e1: {  	v63 =	vmul.f32 v17, v62;
	v11 =	vperm.xlane v9, v6;
	[tilespmem:s12+$0xFFFFFFF0] =	vst v13  }
0x2e2: {  	v9 =	vperm.xlane v9, v7;
	[tilespmem:s12+$0xFFFFFFB0] =	vst v10;
	v10 =	vmul.f32 v15, v61  }
0x2e3: {  	[tilespmem:s12+$0xFFFFFF90] =	vst v63;
	v11 =	vmul.f32 v19, v11  }
0x2e4: {  	v9 =	vmul.f32 v60, v9;
	[tilespmem:s12+$0xFFFFFFC0] =	vst v10  }
0x2e5: {  	[tilespmem:s12+$0xFFFFFFD0] =	vst v11  }
0x2e6: {  	[tilespmem:s12+$0xFFFFFFE0] =	vst v9  }
0x2e7: {  	v9 =	vld [tilespmem:s20+$0x160A0]  }
0x2e8: {  	v10 =	vld [tilespmem:s20+$0x168A0];
	_ =	sdelay $0x4  }
0x2e9: {  	v10 =	vadd.f32 v10, v9  }
0x2ea: {  	v9 =	vld [tilespmem:s20+$0x170A0]  }
0x2eb: {  	s15 =	simm.s32 $0x80;
	s13 =	simm.s32 $0x17910;
	v11 =	vmul.f32 $2.000000030e-01, v10;
	vm1 =	vgt.f32 v10, $0.0e+00  }
.LBB2_13:
0x2ec: {  	p2 =	sne.s32 s15, $0x1F80  }
0x2ed: {  	v10 =	vsel vm1, v10, v11;
	s12 =	sadd.s32 $0x100, s12;
	s16 =	smov.u32 s15;
	s15 =	sadd.s32 $0x80, s15  }
0x2ee: {  	v10 =	vmul.f32 $1.442695020e+00, v10  }
0x2ef: {  	(erf) = vrcp.f32 v9  }
0x2f0: {  	(erf) = vpow2.f32 v10;
	_ =	sdelay $0x7  }
0x2f1: {  	v9 =	vpop (erf)  }
0x2f2: {  	v10 =	vld [tilespmem:s13+$0x50];
	v11 =	vpop (erf)  }
0x2f3: {  	v9 =	vmul.f32 v11, v9;
	v11 =	vld [tilespmem:s13+$0x10]  }
0x2f4: {  	v12 =	vld [tilespmem:s13+$0x40]  }
0x2f5: {  	v9 =	vnsel vm0, $0x0, v9;
	v13 =	vld [tilespmem:s13+$0x0]  }
0x2f6: {  	v14 =	vperm.xlane v9, v2;
	v15 =	vperm.xlane v9, v5;
	v16 =	vld [tilespmem:s13+$0x60]  }
0x2f7: {  	s16 =	sshra.s32 s16, $0x2;
	v17 =	vperm.xlane v9, v1;
	v18 =	vperm.xlane v9, v8;
	v19 =	vld [tilespmem:s13+$0x70]  }
0x2f8: {  	v20 =	vperm.xlane v9, v6;
	v11 =	vmul.f32 v11, v14;
	v14 =	vld [tilespmem:s13+$0x20]  }
0x2f9: {  	v21 =	vld [tilespmem:s13+$0x30];
	v12 =	vmul.f32 v12, v15;
	v15 =	vperm.xlane v9, v7  }
0x2fa: {  	v10 =	vmul.f32 v10, v20;
	v13 =	vmul.f32 v13, v17;
	[tilespmem:s13+$0x10] =	vst v11  }
0x2fb: {  	v11 =	vperm.xlane v9, v3;
	[tilespmem:s13+$0x40] =	vst v12;
	v12 =	vmul.f32 v16, v15  }
0x2fc: {  	v9 =	vperm.xlane v9, v4;
	[tilespmem:s13+$0x50] =	vst v10;
	v10 =	vmul.f32 v19, v18  }
0x2fd: {  	v11 =	vmul.f32 v14, v11;
	[tilespmem:s13+$0x60] =	vst v12  }
0x2fe: {  	v9 =	vmul.f32 v21, v9;
	[tilespmem:s13+$0x70] =	vst v10  }
0x2ff: {  	[tilespmem:s13+$0x0] =	vst v13  }
0x300: {  	[tilespmem:s13+$0x20] =	vst v11  }
0x301: {  	[tilespmem:s13+$0x30] =	vst v9;
	s13 =	smov.u32 s12;
	_ =	sdelay $0x1  }
0x302: {  	v9 =	vld [tilespmem:s16+$0x16090]  }
0x303: {  	v10 =	vld [tilespmem:s16+$0x16890];
	_ =	sdelay $0x3  }
0x304: {  	v11 =	vld [tilespmem:s16+$0x17090]  }
0x305: {  	v9 =	vadd.f32 v10, v9;
	_ =	sdelay $0x1  }
0x306: {  	v10 =	vmul.f32 $2.000000030e-01, v9  }
0x307: {  	vm1 =	vgt.f32 v9, $0.0e+00  }
0x308: {  	v9 =	vsel vm1, v9, v10  }
0x309: {  	v9 =	vmul.f32 $1.442695020e+00, v9;
	(erf) = vrcp.f32 v11;
	_ =	sdelay $0x1  }
0x30a: {  	(erf) = vpow2.f32 v9;
	_ =	sdelay $0x6  }
0x30b: {  	v9 =	vpop (erf)  }
0x30c: {  	v10 =	vld [tilespmem:s12+$0xFFFFFFE0]  }
0x30d: {  	v11 =	vld [tilespmem:s12+$0xFFFFFFF0];
	v12 =	vpop (erf)  }
0x30e: {  	v9 =	vmul.f32 v12, v9;
	v12 =	vld [tilespmem:s12+$0xFFFFFF80]  }
0x30f: {  	v13 =	vld [tilespmem:s12+$0xFFFFFFA0]  }
0x310: {  	v9 =	vnsel vm0, $0x0, v9;
	v14 =	vld [tilespmem:s12+$0xFFFFFFB0]  }
0x311: {  	v15 =	vperm.xlane v9, v1;
	v16 =	vperm.xlane v9, v2;
	v17 =	vld [tilespmem:s12+$0xFFFFFFC0]  }
0x312: {  	v19 =	vperm.xlane v9, v3;
	v20 =	vperm.xlane v9, v8;
	v18 =	vld [tilespmem:s12+$0xFFFFFF90]  }
0x313: {  	v12 =	vmul.f32 v12, v15;
	v15 =	vperm.xlane v9, v4;
	v21 =	vld [tilespmem:s12+$0xFFFFFFD0]  }
0x314: {  	v11 =	vmul.f32 v11, v20;
	v13 =	vmul.f32 v13, v19  }
0x315: {  	[tilespmem:s12+$0xFFFFFF80] =	vst v12;
	v12 =	vmul.f32 v14, v15;
	v14 =	vperm.xlane v9, v5  }
0x316: {  	[tilespmem:s12+$0xFFFFFFA0] =	vst v13;
	v13 =	vperm.xlane v9, v6;
	v9 =	vperm.xlane v9, v7  }
0x317: {  	v15 =	vmul.f32 v18, v16;
	[tilespmem:s12+$0xFFFFFFB0] =	vst v12;
	v12 =	vmul.f32 v17, v14  }
0x318: {  	v13 =	vmul.f32 v21, v13;
	v9 =	vmul.f32 v10, v9;
	[tilespmem:s12+$0xFFFFFFF0] =	vst v11  }
0x319: {  	[tilespmem:s12+$0xFFFFFFC0] =	vst v12  }
0x31a: {  	[tilespmem:s12+$0xFFFFFF90] =	vst v15  }
0x31b: {  	[tilespmem:s12+$0xFFFFFFD0] =	vst v13  }
0x31c: {  	[tilespmem:s12+$0xFFFFFFE0] =	vst v9  }
0x31d: {  	v10 =	vld [tilespmem:s16+$0x160A0]  }
0x31e: {  	v11 =	vld [tilespmem:s16+$0x168A0]  }
0x31f: {  	v9 =	vld [tilespmem:s16+$0x170A0];
	_ =	sdelay $0x2  }
.Ltmp17:
0x320: {  	(pc) =	sbr.rel @p2 .LBB2_13-.Ltmp17, $3  }
0x321: {  	v10 =	vadd.f32 v11, v10;
	_ =	sdelay $0x1  }
0x322: {  	v11 =	vmul.f32 $2.000000030e-01, v10  }
0x323: {  	vm1 =	vgt.f32 v10, $0.0e+00  }
0x324: {  	v10 =	vsel vm1, v10, v11  }
0x325: {  	v10 =	vmul.f32 $1.442695020e+00, v10  }
0x326: {  	(erf) = vrcp.f32 v9  }
0x327: {  	(erf) = vpow2.f32 v10;
	_ =	sdelay $0x7  }
0x328: {  	v9 =	vpop (erf)  }
0x329: {  	v11 =	vpop (erf)  }
0x32a: {  	v9 =	vmul.f32 v11, v9;
	v11 =	vld [tilespmem:s13+$0x10]  }
0x32b: {  	v12 =	vld [tilespmem:s13+$0x40]  }
0x32c: {  	v10 =	vld [tilespmem:s13+$0x50];
	v9 =	vnsel vm0, $0x0, v9  }
0x32d: {  	v15 =	vld [tilespmem:s13+$0x60];
	v14 =	vperm.xlane v9, v2  }
0x32e: {  	v59 =	vld [tilespmem:s13+$0x20];
	v16 =	vperm.xlane v9, v5  }
0x32f: {  	v17 =	vld [tilespmem:s13+$0x70];
	v18 =	vperm.xlane v9, v6;
	v11 =	vmul.f32 v11, v14  }
0x330: {  	v13 =	vld [tilespmem:s13+$0x0];
	v60 =	vperm.xlane v9, v7;
	v12 =	vmul.f32 v12, v16  }
0x331: {  	v19 =	vld [tilespmem:s13+$0x30];
	v62 =	vperm.xlane v9, v3;
	v10 =	vmul.f32 v10, v18;
	[tilespmem:s13+$0x10] =	vst v11  }
0x332: {  	v20 =	vperm.xlane v9, v8;
	v61 =	vmul.f32 v15, v60;
	[tilespmem:s13+$0x40] =	vst v12  }
0x333: {  	v63 =	vmul.f32 v59, v62;
	v11 =	vperm.xlane v9, v1;
	[tilespmem:s13+$0x50] =	vst v10  }
0x334: {  	v10 =	vmul.f32 v17, v20;
	v9 =	vperm.xlane v9, v4;
	[tilespmem:s13+$0x60] =	vst v61  }
0x335: {  	[tilespmem:s13+$0x20] =	vst v63;
	v11 =	vmul.f32 v13, v11  }
0x336: {  	s11 =	sadd.s32 $0x1, s11;
	[tilespmem:s13+$0x70] =	vst v10;
	v9 =	vmul.f32 v19, v9  }
0x337: {  	p2 =	sne.s32 s11, $0x4E;
	[tilespmem:s13+$0x0] =	vst v11  }
.Ltmp18:
0x338: {  	[tilespmem:s13+$0x30] =	vst v9;
	(pc) =	sbr.rel @p2 .LBB2_12-.Ltmp18, $4  }
0x339: {  	[spmem:s2] =	stream.indirect.scatter.add.f32 [tilespmem:s24], [sflag:$0x1], $0x80, s29, s4, $0xb8;
	[tilespmem:$0x1B890] =	vst v63  }
0x33a: {  	_ =	swait.ge [sflag:s25], $0x4000  }
0x33b: {  	[sflag:s25] =	ssyncset.done $0x0  }
0x33c: {  	[sflag:s25] =	ssyncadd.s32 $0xFFFFC000  }
.Ltmp19:
0x33d: {  	(pc) =	sbr.rel @p1 .LBB2_34-.Ltmp19, $1  }
0x33e: {  	_ =	sdelay $0x3  }
0x33f: {  	s10 =	simm.s32 $0x0;
	s11 =	rddreg [dreg:$0x10]  }
0x340: {  	[tilespmem:s28], [sflag:$0x1] =	stream.linear.gather [hbm4b:s11+s10], $0x80, $0x38;
	[tilespmem:$0x1B890] =	vst v63  }
0x341: {  	_ =	swait.ge [sflag:s25], $0x80  }
0x342: {  	[sflag:s25] =	ssyncset.done $0x0  }
0x343: {  	s19 =	rddreg [dreg:$0x11];
	[sflag:s25] =	ssyncadd.s32 $0xFFFFFF80  }
0x344: {  	[tilespmem:s29], [sflag:$0x1] =	stream.linear.gather [hbm4b:s19+s10], $0x80, $0x38;
	[tilespmem:$0x1B890] =	vst v63  }
0x345: {  	_ =	swait.ge [sflag:s25], $0x80  }
0x346: {  	[sflag:s25] =	ssyncset.done $0x0  }
0x347: {  	[sflag:s25] =	ssyncadd.s32 $0xFFFFFF80  }
0x348: {  	[tilespmem:s8], [sflag:$0x1] =	stream.indirect.gather [hbm4b:s30+s4], $0x10, s28, s4, $0xb8;
	[tilespmem:$0x1B890] =	vst v63  }
0x349: {  	_ =	swait.ge [sflag:s25], $0x800  }
0x34a: {  	[sflag:s25] =	ssyncset.done $0x0  }
0x34b: {  	[sflag:s25] =	ssyncadd.s32 $0xFFFFF800  }
0x34c: {  	[tilespmem:s9], [sflag:$0x1] =	stream.indirect.gather [hbm4b:s0+s4], $0x10, s29, s4, $0xb8;
	[tilespmem:$0x1B890] =	vst v63  }
0x34d: {  	_ =	swait.ge [sflag:s25], $0x800  }
0x34e: {  	[sflag:s25] =	ssyncset.done $0x0  }
0x34f: {  	[sflag:s25] =	ssyncadd.s32 $0xFFFFF800  }
0x350: {  	[tilespmem:s26], [sflag:$0x1] =	stream.indirect.gather [spmem:s3], $0x10, s29, s4, $0xb8;
	[tilespmem:$0x1B890] =	vst v63  }
0x351: {  	_ =	swait.ge [sflag:s25], $0x800  }
0x352: {  	[sflag:s25] =	ssyncset.done $0x0  }
0x353: {  	[sflag:s25] =	ssyncadd.s32 $0xFFFFF800  }
0x354: {  	[tilespmem:s24], [sflag:$0x1] =	stream.indirect.gather [hbm4b:s1+s4], $0x80, s28, s4, $0xb8;
	[tilespmem:$0x1B890] =	vst v63  }
0x355: {  	_ =	swait.ge [sflag:s25], $0x4000  }
0x356: {  	[sflag:s25] =	ssyncset.done $0x0  }
0x357: {  	s20 =	simm.s32 $0x0;
	[sflag:s25] =	ssyncadd.s32 $0xFFFFC000  }
0x358: {  	v9 =	vld [tilespmem:s20+$0x16090]  }
0x359: {  	v10 =	vld [tilespmem:s20+$0x16890];
	_ =	sdelay $0x4  }
0x35a: {  	v9 =	vadd.f32 v10, v9  }
0x35b: {  	v10 =	vld [tilespmem:s20+$0x17090]  }
0x35c: {  	v11 =	vmul.f32 $2.000000030e-01, v9  }
0x35d: {  	vm1 =	vgt.f32 v9, $0.0e+00  }
0x35e: {  	v9 =	vsel vm1, v9, v11  }
0x35f: {  	v9 =	vmul.f32 $1.442695020e+00, v9  }
0x360: {  	(erf) = vrcp.f32 v10  }
0x361: {  	(erf) = vpow2.f32 v9;
	_ =	sdelay $0x7  }
0x362: {  	v9 =	vpop (erf)  }
0x363: {  	s10 =	simm.s32 $0x17910;
	v10 =	vpop (erf)  }
0x364: {  	v9 =	vmul.f32 v10, v9;
	v10 =	vld [tilespmem:s10+$0xFFFFFF80]  }
0x365: {  	v11 =	vld [tilespmem:s10+$0xFFFFFFA0]  }
0x366: {  	v13 =	vld [tilespmem:s10+$0xFFFFFFF0];
	v9 =	vnsel vm0, $0x0, v9  }
0x367: {  	v12 =	vld [tilespmem:s10+$0xFFFFFFB0];
	v14 =	vperm.xlane v9, v1  }
0x368: {  	v17 =	vld [tilespmem:s10+$0xFFFFFF90];
	v16 =	vperm.xlane v9, v3  }
0x369: {  	v15 =	vld [tilespmem:s10+$0xFFFFFFC0];
	v18 =	vperm.xlane v9, v8;
	v10 =	vmul.f32 v10, v14  }
0x36a: {  	v19 =	vld [tilespmem:s10+$0xFFFFFFD0];
	v59 =	vperm.xlane v9, v4;
	v11 =	vmul.f32 v11, v16  }
0x36b: {  	v60 =	vld [tilespmem:s10+$0xFFFFFFE0];
	v62 =	vperm.xlane v9, v2;
	v13 =	vmul.f32 v13, v18;
	[tilespmem:s10+$0xFFFFFF80] =	vst v10  }
0x36c: {  	v61 =	vperm.xlane v9, v5;
	v10 =	vmul.f32 v12, v59;
	[tilespmem:s10+$0xFFFFFFA0] =	vst v11  }
0x36d: {  	v63 =	vmul.f32 v17, v62;
	v11 =	vperm.xlane v9, v6;
	[tilespmem:s10+$0xFFFFFFF0] =	vst v13  }
0x36e: {  	v9 =	vperm.xlane v9, v7;
	[tilespmem:s10+$0xFFFFFFB0] =	vst v10;
	v10 =	vmul.f32 v15, v61  }
0x36f: {  	[tilespmem:s10+$0xFFFFFF90] =	vst v63;
	v11 =	vmul.f32 v19, v11  }
0x370: {  	v9 =	vmul.f32 v60, v9;
	[tilespmem:s10+$0xFFFFFFC0] =	vst v10  }
0x371: {  	[tilespmem:s10+$0xFFFFFFD0] =	vst v11  }
0x372: {  	[tilespmem:s10+$0xFFFFFFE0] =	vst v9  }
0x373: {  	v9 =	vld [tilespmem:s20+$0x160A0]  }
0x374: {  	v10 =	vld [tilespmem:s20+$0x168A0];
	_ =	sdelay $0x4  }
0x375: {  	v10 =	vadd.f32 v10, v9  }
0x376: {  	v9 =	vld [tilespmem:s20+$0x170A0]  }
0x377: {  	s12 =	simm.s32 $0x80;
	s11 =	simm.s32 $0x17910;
	v11 =	vmul.f32 $2.000000030e-01, v10;
	vm1 =	vgt.f32 v10, $0.0e+00  }
.LBB2_17:
0x378: {  	p2 =	sne.s32 s12, $0x1F80  }
0x379: {  	v10 =	vsel vm1, v10, v11;
	s10 =	sadd.s32 $0x100, s10;
	s13 =	smov.u32 s12;
	s12 =	sadd.s32 $0x80, s12  }
0x37a: {  	v10 =	vmul.f32 $1.442695020e+00, v10  }
0x37b: {  	(erf) = vrcp.f32 v9  }
0x37c: {  	(erf) = vpow2.f32 v10;
	_ =	sdelay $0x7  }
0x37d: {  	v9 =	vpop (erf)  }
0x37e: {  	v10 =	vld [tilespmem:s11+$0x50];
	v11 =	vpop (erf)  }
0x37f: {  	v9 =	vmul.f32 v11, v9;
	v11 =	vld [tilespmem:s11+$0x10]  }
0x380: {  	v12 =	vld [tilespmem:s11+$0x40]  }
0x381: {  	v9 =	vnsel vm0, $0x0, v9;
	v13 =	vld [tilespmem:s11+$0x0]  }
0x382: {  	v14 =	vperm.xlane v9, v2;
	v15 =	vperm.xlane v9, v5;
	v16 =	vld [tilespmem:s11+$0x60]  }
0x383: {  	s13 =	sshra.s32 s13, $0x2;
	v17 =	vperm.xlane v9, v1;
	v18 =	vperm.xlane v9, v8;
	v19 =	vld [tilespmem:s11+$0x70]  }
0x384: {  	v20 =	vperm.xlane v9, v6;
	v11 =	vmul.f32 v11, v14;
	v14 =	vld [tilespmem:s11+$0x20]  }
0x385: {  	v21 =	vld [tilespmem:s11+$0x30];
	v12 =	vmul.f32 v12, v15;
	v15 =	vperm.xlane v9, v7  }
0x386: {  	v10 =	vmul.f32 v10, v20;
	v13 =	vmul.f32 v13, v17;
	[tilespmem:s11+$0x10] =	vst v11  }
0x387: {  	v11 =	vperm.xlane v9, v3;
	[tilespmem:s11+$0x40] =	vst v12;
	v12 =	vmul.f32 v16, v15  }
0x388: {  	v9 =	vperm.xlane v9, v4;
	[tilespmem:s11+$0x50] =	vst v10;
	v10 =	vmul.f32 v19, v18  }
0x389: {  	v11 =	vmul.f32 v14, v11;
	[tilespmem:s11+$0x60] =	vst v12  }
0x38a: {  	v9 =	vmul.f32 v21, v9;
	[tilespmem:s11+$0x70] =	vst v10  }
0x38b: {  	[tilespmem:s11+$0x0] =	vst v13  }
0x38c: {  	[tilespmem:s11+$0x20] =	vst v11  }
0x38d: {  	[tilespmem:s11+$0x30] =	vst v9;
	s11 =	smov.u32 s10;
	_ =	sdelay $0x1  }
0x38e: {  	v9 =	vld [tilespmem:s13+$0x16090]  }
0x38f: {  	v10 =	vld [tilespmem:s13+$0x16890];
	_ =	sdelay $0x3  }
0x390: {  	v11 =	vld [tilespmem:s13+$0x17090]  }
0x391: {  	v9 =	vadd.f32 v10, v9;
	_ =	sdelay $0x1  }
0x392: {  	v10 =	vmul.f32 $2.000000030e-01, v9  }
0x393: {  	vm1 =	vgt.f32 v9, $0.0e+00  }
0x394: {  	v9 =	vsel vm1, v9, v10  }
0x395: {  	v9 =	vmul.f32 $1.442695020e+00, v9;
	(erf) = vrcp.f32 v11;
	_ =	sdelay $0x1  }
0x396: {  	(erf) = vpow2.f32 v9;
	_ =	sdelay $0x6  }
0x397: {  	v9 =	vpop (erf)  }
0x398: {  	v10 =	vld [tilespmem:s10+$0xFFFFFFE0]  }
0x399: {  	v11 =	vld [tilespmem:s10+$0xFFFFFFF0];
	v12 =	vpop (erf)  }
0x39a: {  	v9 =	vmul.f32 v12, v9;
	v12 =	vld [tilespmem:s10+$0xFFFFFF80]  }
0x39b: {  	v13 =	vld [tilespmem:s10+$0xFFFFFFA0]  }
0x39c: {  	v9 =	vnsel vm0, $0x0, v9;
	v14 =	vld [tilespmem:s10+$0xFFFFFFB0]  }
0x39d: {  	v15 =	vperm.xlane v9, v1;
	v16 =	vperm.xlane v9, v2;
	v17 =	vld [tilespmem:s10+$0xFFFFFFC0]  }
0x39e: {  	v19 =	vperm.xlane v9, v3;
	v20 =	vperm.xlane v9, v8;
	v18 =	vld [tilespmem:s10+$0xFFFFFF90]  }
0x39f: {  	v12 =	vmul.f32 v12, v15;
	v15 =	vperm.xlane v9, v4;
	v21 =	vld [tilespmem:s10+$0xFFFFFFD0]  }
0x3a0: {  	v11 =	vmul.f32 v11, v20;
	v13 =	vmul.f32 v13, v19  }
0x3a1: {  	[tilespmem:s10+$0xFFFFFF80] =	vst v12;
	v12 =	vmul.f32 v14, v15;
	v14 =	vperm.xlane v9, v5  }
0x3a2: {  	[tilespmem:s10+$0xFFFFFFA0] =	vst v13;
	v13 =	vperm.xlane v9, v6;
	v9 =	vperm.xlane v9, v7  }
0x3a3: {  	v15 =	vmul.f32 v18, v16;
	[tilespmem:s10+$0xFFFFFFB0] =	vst v12;
	v12 =	vmul.f32 v17, v14  }
0x3a4: {  	v13 =	vmul.f32 v21, v13;
	v9 =	vmul.f32 v10, v9;
	[tilespmem:s10+$0xFFFFFFF0] =	vst v11  }
0x3a5: {  	[tilespmem:s10+$0xFFFFFFC0] =	vst v12  }
0x3a6: {  	[tilespmem:s10+$0xFFFFFF90] =	vst v15  }
0x3a7: {  	[tilespmem:s10+$0xFFFFFFD0] =	vst v13  }
0x3a8: {  	[tilespmem:s10+$0xFFFFFFE0] =	vst v9  }
0x3a9: {  	v10 =	vld [tilespmem:s13+$0x160A0]  }
0x3aa: {  	v11 =	vld [tilespmem:s13+$0x168A0]  }
0x3ab: {  	v9 =	vld [tilespmem:s13+$0x170A0];
	_ =	sdelay $0x2  }
.Ltmp20:
0x3ac: {  	(pc) =	sbr.rel @p2 .LBB2_17-.Ltmp20, $3  }
0x3ad: {  	v10 =	vadd.f32 v11, v10;
	_ =	sdelay $0x1  }
0x3ae: {  	v11 =	vmul.f32 $2.000000030e-01, v10  }
0x3af: {  	vm1 =	vgt.f32 v10, $0.0e+00  }
0x3b0: {  	v10 =	vsel vm1, v10, v11  }
0x3b1: {  	v10 =	vmul.f32 $1.442695020e+00, v10  }
0x3b2: {  	(erf) = vrcp.f32 v9  }
0x3b3: {  	(erf) = vpow2.f32 v10;
	_ =	sdelay $0x7  }
0x3b4: {  	v9 =	vpop (erf)  }
0x3b5: {  	v11 =	vpop (erf)  }
0x3b6: {  	v9 =	vmul.f32 v11, v9;
	v11 =	vld [tilespmem:s11+$0x10]  }
0x3b7: {  	v12 =	vld [tilespmem:s11+$0x40]  }
0x3b8: {  	v10 =	vld [tilespmem:s11+$0x50];
	v9 =	vnsel vm0, $0x0, v9  }
0x3b9: {  	v15 =	vld [tilespmem:s11+$0x60];
	v14 =	vperm.xlane v9, v2  }
0x3ba: {  	v59 =	vld [tilespmem:s11+$0x20];
	v16 =	vperm.xlane v9, v5  }
0x3bb: {  	v17 =	vld [tilespmem:s11+$0x70];
	v18 =	vperm.xlane v9, v6;
	v11 =	vmul.f32 v11, v14  }
0x3bc: {  	v13 =	vld [tilespmem:s11+$0x0];
	v60 =	vperm.xlane v9, v7;
	v12 =	vmul.f32 v12, v16  }
0x3bd: {  	v19 =	vld [tilespmem:s11+$0x30];
	v62 =	vperm.xlane v9, v3;
	v10 =	vmul.f32 v10, v18;
	[tilespmem:s11+$0x10] =	vst v11  }
0x3be: {  	v20 =	vperm.xlane v9, v8;
	v61 =	vmul.f32 v15, v60;
	[tilespmem:s11+$0x40] =	vst v12  }
0x3bf: {  	v63 =	vmul.f32 v59, v62;
	v11 =	vperm.xlane v9, v1;
	[tilespmem:s11+$0x50] =	vst v10  }
0x3c0: {  	v10 =	vmul.f32 v17, v20;
	v9 =	vperm.xlane v9, v4;
	[tilespmem:s11+$0x60] =	vst v61  }
0x3c1: {  	[tilespmem:s11+$0x20] =	vst v63;
	v11 =	vmul.f32 v13, v11  }
0x3c2: {  	[tilespmem:s11+$0x70] =	vst v10;
	v9 =	vmul.f32 v19, v9  }
0x3c3: {  	[tilespmem:s11+$0x0] =	vst v11  }
0x3c4: {  	[tilespmem:s11+$0x30] =	vst v9  }
0x3c5: {  	[spmem:s2] =	stream.indirect.scatter.add.f32 [tilespmem:s24], [sflag:$0x1], $0x80, s29, s4, $0xb8;
	[tilespmem:$0x1B890] =	vst v63  }
0x3c6: {  	_ =	swait.ge [sflag:s25], $0x4000  }
0x3c7: {  	[sflag:s25] =	ssyncset.done $0x0  }
0x3c8: {  	s10 =	stileid.u32;
	[sflag:s25] =	ssyncadd.s32 $0xFFFFC000  }
0x3c9: {  	s10 =	sshll.u32 s10, $0x6;
	[bflag:$0x0] =	sbarrier.arrive $0xFFFF  }
0x3ca: {  	s16 =	sshrl.u32 s21, $0x3;
	s10 =	sor.u32 $0x1C01, s10;
	s12 =	rddreg [dreg:$0xc]  }
0x3cb: {  	[hbm:s12], [sflag:s10] =	dma.local [spmem:s16], $0x2700  }
0x3cc: {  	_ =	swait.ge [sflag:s25], $0x2700  }
0x3cd: {  	[sflag:s25] =	ssyncset.done $0x0;
	s19 =	rddreg [dreg:$0xd]  }
.Ltmp21:
0x3ce: {  	s20 =	rddreg [dreg:$0x17];
	[sflag:s25] =	ssyncadd.s32 $0xFFFFD900;
	(pc) =	sbr.rel .LBB2_36-.Ltmp21, $4  }
0x3cf: {  	[hbm:s19], [sflag:s10] =	dma.local [spmem:s20], $0x80  }
0x3d0: {  	_ =	swait.ge [sflag:s25], $0x80  }
0x3d1: {  	[sflag:s25] =	ssyncset.done $0x0  }
0x3d2: {  	[sflag:s25] =	ssyncadd.s32 $0xFFFFFF80  }
.LBB2_34:
0x3d3: {  	s10 =	stileid.u32  }
0x3d4: {  	[bflag:$0x0] =	sbarrier.arrive $0xFFFF;
	s11 =	sshrl.u32 s21, $0x3;
	s10 =	sshll.u32 s10, $0x6  }
.Ltmp22:
0x3d5: {  	s12 =	rddreg [dreg:$0xc];
	s10 =	sor.u32 $0x1C01, s10;
	(pc) =	sbr.rel .LBB2_36-.Ltmp22, $4  }
0x3d6: {  	[hbm:s12], [sflag:s10] =	dma.local [spmem:s11], $0x2700  }
0x3d7: {  	_ =	swait.ge [sflag:s25], $0x2700  }
0x3d8: {  	[sflag:s25] =	ssyncset.done $0x0  }
0x3d9: {  	[sflag:s25] =	ssyncadd.s32 $0xFFFFD900  }
.LBB2_37:
0x3da: {  	_ =	sfence.sel $0x180000  }
0x3db: {  	[bflag:$0x0] =	sbarrier.arrive $0xFFFF  }
0x3dc: {  	_ =	strace $0x90000047  }
0x3dd: {  	s0 =	stileid.u32;
	[bflag:$0x2] =	sbarrier.arrive $0xFFFF  }
0x3de: {  	p0 =	sne.s32 s0, $0x0;
	s0 =	rddreg [dreg:$0x3]  }
0x3df: {  	s0 =	sadd.s32 @!p0 $0x100000, s0  }
0x3e0: {  	[sflag:s0] =	ssyncadd.tile.s32 @!p0 $0x1;
	_ =	shalt  }
.Lfunc_end2:
_tile_overlayer_lowered:
.L_overlay_start_2:
0x3e1: {  	(tag) =	ssettag $0x2  }
0x3e2: {  	s0 =	rddreg [dreg:$0x0];
	s2 =	stileid.u32  }
0x3e3: {  	s1 =	rddreg [dreg:$0x1];
	p0 =	sne.s32 s2, $0x0  }
0x3e4: {  	s3 =	rddreg [dreg:$0x2];
	[bflag:$0x3] =	sbarrier.arrive $0xFFFF;
	s2 =	simm.s32 @!p0 $0x1C01  }
0x3e5: {  	[timem:s3], [sflag:s2] =	dma.local @!p0 [hbm:s0], s1  }
0x3e6: {  	s0 =	simm.s32 @!p0 $0x1  }
0x3e7: {  	_ =	swait.ge @!p0 [sflag:s0], s1  }
0x3e8: {  	s1 =	ssub.s32 @!p0 $0x0, s1;
	[sflag:s0] =	ssyncset.done @!p0 $0x0  }
0x3e9: {  	[sflag:s0] =	ssyncadd.s32 @!p0 s1  }
0x3ea: {  	[bflag:$0x3] =	sbarrier.arrive $0xFFFF  }
0x3eb: {  	_ =	shalt  }

</sc_bundles>
